<compile_context>
chip_gen: v7x
topology: tpu7x:2x2x1
jax: 0.10.2.dev20260603
libtpu: 0.0.44.dev20260713+nightly
codegen_flags: <defaults>
</compile_context>

<pallas_src>
import jax
import jax.numpy as jnp
from jax import lax
from jax.experimental import pallas as pl
from jax.experimental.pallas import tpu as pltpu
from jax.experimental.pallas import tpu_sc as plsc

_B, _C, _H, _W = 16, 3, 512, 512
_N = _B * _H * _W
_NB = 8
_PB = _H * _W // _NB
_RB = _PB // 128

_NW = 32
_PPW = _N // _NW
_CH = 2048
_NCHUNK = _PPW // _CH
_KG = _CH // 128


def _stage_a_body(w_ref, i0_ref, i1_ref, sel_ref,
                  wa_ref, wb_ref, wc_ref, wd_ref):
    b = pl.program_id(0)
    hb = pl.program_id(1)
    X = w_ref[0, 0]
    Y = w_ref[0, 1]
    T = w_ref[0, 2]
    r = lax.broadcasted_iota(jnp.int32, (_RB, 128), 0)
    l = lax.broadcasted_iota(jnp.int32, (_RB, 128), 1)
    xxi = (r & 3) * 128 + l
    yyi = hb * (_PB // _W) + (r >> 2)
    xx = xxi.astype(jnp.float32)
    yy = yyi.astype(jnp.float32)
    sm = jnp.where(jnp.abs(T) >= 1e-07, jnp.float32(0.0), jnp.float32(1e-06))
    Tt = T + sm
    v1 = X / Tt
    v2 = Y / Tt
    vgx = xx + (v1 - xx)
    vgy = yy + (v2 - yy)
    x0i = jnp.floor(vgx).astype(jnp.int32)
    y0i = jnp.floor(vgy).astype(jnp.int32)
    x0 = jnp.clip(x0i, 0, _W - 1)
    x1 = jnp.clip(x0i + 1, 0, _W - 1)
    y0 = jnp.clip(y0i, 0, _H - 1)
    y1 = jnp.clip(y0i + 1, 0, _H - 1)
    x0f = x0.astype(jnp.float32)
    x1f = x1.astype(jnp.float32)
    y0f = y0.astype(jnp.float32)
    y1f = y1.astype(jnp.float32)
    Xa = x1f - vgx
    Xc = vgx - x0f
    Ya = y1f - vgy
    Yb = vgy - y0f
    wa_ref[...] = Xa * Ya
    wb_ref[...] = Xa * Yb
    wc_ref[...] = Xc * Ya
    wd_ref[...] = Xc * Yb
    base = b * (_H * _W)
    i0_ref[...] = (base + y0 * _W) + x0
    i1_ref[...] = (base + y1 * _W) + x0
    sel_ref[...] = x1 - x0


def _stage_a(warped_r):
    i_sd = jax.ShapeDtypeStruct((_N // 128, 128), jnp.int32)
    f_sd = jax.ShapeDtypeStruct((_N // 128, 128), jnp.float32)
    out_spec = pl.BlockSpec((_RB, 128), lambda b, h: (b * _NB + h, 0))
    return pl.pallas_call(
        _stage_a_body,
        grid=(_B, _NB),
        in_specs=[pl.BlockSpec((1, 3, _RB, 128), lambda b, h: (b, 0, h, 0))],
        out_specs=[out_spec] * 7,
        out_shape=[i_sd, i_sd, i_sd, f_sd, f_sd, f_sd, f_sd],
    )(warped_r)


def _stage_b_body(table, i0, i1, g0, g1,
                  i0v0, i1v0, i0v1, i1v1, gv00, gv10, gv01, gv11,
                  isem0, isem1, gsem0, gsem1, osem0, osem1):
    wid = lax.axis_index("s") * 2 + lax.axis_index("c")
    idxbufs = ((i0v0, i1v0), (i0v1, i1v1))
    gvbufs = ((gv00, gv10), (gv01, gv11))
    isems = (isem0, isem1)
    gsems = (gsem0, gsem1)
    osems = (osem0, osem1)

    def in_handles(i, s):
        row0 = wid * (_PPW // 128) + i * _KG
        return [pltpu.make_async_copy(
                    src_ref.at[pl.ds(row0, _KG), :], dst, isems[s])
                for src_ref, dst in ((i0, idxbufs[s][0]), (i1, idxbufs[s][1]))]

    def gather_handles(s):
        hs = []
        for idx_v, dst in ((idxbufs[s][0], gvbufs[s][0]),
                           (idxbufs[s][1], gvbufs[s][1])):
            for k in range(_KG):
                hs.append(pltpu.make_async_copy(
                    table.at[idx_v.at[k]],
                    dst.at[pl.ds(k * 128, 128), :], gsems[s]))
        return hs

    def out_handles(i, s):
        p0 = wid * _PPW + i * _CH
        return [pltpu.make_async_copy(
                    gv, out_ref.at[pl.ds(p0, _CH), :], osems[s])
                for gv, out_ref in ((gvbufs[s][0], g0), (gvbufs[s][1], g1))]

    for h in in_handles(0, 0):
        h.start()

    def pair_body(j, _):
        for s in range(2):
            i = 2 * j + s
            other = 1 - s
            for h in in_handles(i, s):
                h.wait()

            @pl.when(j >= 1)
            def _():
                for h in out_handles(i - 2, s):
                    h.wait()

            for h in gather_handles(s):
                h.start()

            def drain_prev():
                for h in gather_handles(other):
                    h.wait()
                for h in out_handles(i - 1, other):
                    h.start()

            if s == 1:
                drain_prev()
            else:
                @pl.when(j >= 1)
                def _():
                    drain_prev()

            def start_next_in():
                for h in in_handles(i + 1, other):
                    h.start()

            if s == 0:
                start_next_in()
            else:
                @pl.when(j < _NCHUNK // 2 - 1)
                def _():
                    start_next_in()
        return 0

    lax.fori_loop(0, _NCHUNK // 2, pair_body, 0)

    last = _NCHUNK - 1
    s_last = last % 2
    for h in gather_handles(s_last):
        h.wait()
    for h in out_handles(last, s_last):
        h.start()
    for h in out_handles(last - 1, 1 - s_last):
        h.wait()
    for h in out_handles(last, s_last):
        h.wait()


def _stage_b(im8, i02, i12):
    mesh = plsc.VectorSubcoreMesh(core_axis_name="c", subcore_axis_name="s")
    g_sd = jax.ShapeDtypeStruct((_N, 8), jnp.float32)
    kern = pl.kernel(
        _stage_b_body,
        out_type=(g_sd, g_sd),
        mesh=mesh,
        scratch_types=[
            pltpu.VMEM((_KG, 128), jnp.int32),
            pltpu.VMEM((_KG, 128), jnp.int32),
            pltpu.VMEM((_KG, 128), jnp.int32),
            pltpu.VMEM((_KG, 128), jnp.int32),
            pltpu.VMEM((_CH, 8), jnp.float32),
            pltpu.VMEM((_CH, 8), jnp.float32),
            pltpu.VMEM((_CH, 8), jnp.float32),
            pltpu.VMEM((_CH, 8), jnp.float32),
            pltpu.SemaphoreType.DMA,
            pltpu.SemaphoreType.DMA,
            pltpu.SemaphoreType.DMA,
            pltpu.SemaphoreType.DMA,
            pltpu.SemaphoreType.DMA,
            pltpu.SemaphoreType.DMA,
        ],
        compiler_params=pltpu.CompilerParams(use_tc_tiling_on_sc=False),
    )
    return kern(im8, i02, i12)


def _stage_c_body(g0_ref, g1_ref, sel_ref,
                  wa_ref, wb_ref, wc_ref, wd_ref, out_ref):
    w_a = wa_ref[...]
    w_b = wb_ref[...]
    w_c = wc_ref[...]
    w_d = wd_ref[...]
    hi = sel_ref[...] > 0
    for ch in range(_C):
        i_a = g0_ref[ch]
        i_b = g1_ref[ch]
        i_c = jnp.where(hi, g0_ref[ch + 3], i_a)
        i_d = jnp.where(hi, g1_ref[ch + 3], i_b)
        out_ref[0, ch] = ((w_a * i_a + w_b * i_b) + w_c * i_c) + w_d * i_d


def _stage_c(g0p, g1p, sel, wa, wb, wc, wd):
    g_spec = pl.BlockSpec((6, _RB, 128), lambda b, h: (0, b * _NB + h, 0))
    w_spec = pl.BlockSpec((_RB, 128), lambda b, h: (b * _NB + h, 0))
    return pl.pallas_call(
        _stage_c_body,
        grid=(_B, _NB),
        in_specs=[g_spec, g_spec] + [w_spec] * 5,
        out_specs=pl.BlockSpec((1, _C, _RB, 128), lambda b, h: (b, 0, h, 0)),
        out_shape=jax.ShapeDtypeStruct((_B, _C, _NB * _RB, 128), jnp.float32),
    )(g0p, g1p, sel, wa, wb, wc, wd)


def kernel(src, H):
    b, c, h, w = src.shape
    xx = jnp.tile(jnp.arange(w)[None, :], (h, 1))
    yy = jnp.tile(jnp.arange(h)[:, None], (1, w))
    ones = jnp.ones((h, w), dtype=jnp.int32)
    g = jnp.stack([xx, yy, ones], axis=0).astype(jnp.float32)
    grid = jnp.broadcast_to(g[None], (b, 3, h, w))
    warped = jnp.einsum('bij,bjhw->bihw', H.reshape(b, 3, 3), grid)
    warped_r = warped.reshape(b, 3, _NB * _RB, 128)
    i0, i1, sel, wa, wb, wc, wd = _stage_a(warped_r)
    im_flat = src.transpose(0, 2, 3, 1).reshape(-1, c)
    shifted = jnp.concatenate([im_flat[1:], im_flat[:1]], axis=0)
    im8 = jnp.concatenate(
        [im_flat, shifted, jnp.zeros((_N, 2), jnp.float32)], axis=1)
    g0, g1 = _stage_b(im8, i0, i1)
    g0p = g0[:, :6].T.reshape(6, _N // 128, 128)
    g1p = g1[:, :6].T.reshape(6, _N // 128, 128)
    out = _stage_c(g0p, g1p, sel, wa, wb, wc, wd)
    return out.reshape(b, c, h, w)

# --- scband reference (transcript-rebuilt; emitter-appended) ---
"""Pipeline reference for scband-warp-torch-op-7206955122765 (READ-ONLY COPY).

The authoritative reference and input builder live on the scoring server;
editing this copy changes nothing except your own understanding.
"""

import jax, jax.numpy as jnp
import numpy as np

B, C, HH, WW = 16, 3, 512, 512


def _make_grid(b, h, w):
    xx = jnp.tile(jnp.arange(w)[None, :], (h, 1))
    yy = jnp.tile(jnp.arange(h)[:, None], (1, w))
    ones = jnp.ones((h, w), dtype=jnp.int32)
    g = jnp.stack([xx, yy, ones], axis=0).astype(jnp.float32)  # (3,h,w)
    return jnp.broadcast_to(g[None], (b, 3, h, w))


def setup_inputs(seed: int = 0) -> dict:
    key = jax.random.key(seed)
    k1, k2 = jax.random.split(key)
    src = jax.random.normal(k1, (B, C, HH, WW), dtype=jnp.float32)
    H = jax.random.normal(k2, (B, 3, 3), dtype=jnp.float32)
    return {"src": src, "H": H}


def _bilinear(im, x, y, out_h, out_w):
    b, c, h, w = im.shape
    x0i = jnp.floor(x).astype(jnp.int32)
    y0i = jnp.floor(y).astype(jnp.int32)
    x0 = jnp.clip(x0i, 0, w - 1)
    x1 = jnp.clip(x0i + 1, 0, w - 1)
    y0 = jnp.clip(y0i, 0, h - 1)
    y1 = jnp.clip(y0i + 1, 0, h - 1)
    base = jnp.repeat(jnp.arange(b, dtype=jnp.int32) * (h * w), out_h * out_w)
    idx_a = base + y0 * w + x0
    idx_b = base + y1 * w + x0
    idx_c = base + y0 * w + x1
    idx_d = base + y1 * w + x1
    im_flat = im.transpose(0, 2, 3, 1).reshape(-1, c)
    Ia = jnp.take(im_flat, idx_a, axis=0)
    Ib = jnp.take(im_flat, idx_b, axis=0)
    Ic = jnp.take(im_flat, idx_c, axis=0)
    Id = jnp.take(im_flat, idx_d, axis=0)
    x0f = x0.astype(jnp.float32); x1f = x1.astype(jnp.float32)
    y0f = y0.astype(jnp.float32); y1f = y1.astype(jnp.float32)
    wa = ((x1f - x) * (y1f - y))[:, None]
    wb = ((x1f - x) * (y - y0f))[:, None]
    wc = ((x - x0f) * (y1f - y))[:, None]
    wd = ((x - x0f) * (y - y0f))[:, None]
    return wa * Ia + wb * Ib + wc * Ic + wd * Id


def reference(src, H):
    b, c, h, w = src.shape
    grid = _make_grid(b, h, w)
    # divide=1: H applied uniformly to every pixel's homogeneous coordinate
    Hm = H.reshape(b, 3, 3)
    warped = jnp.einsum('bij,bjhw->bihw', Hm, grid)
    T_t = warped[:, 2:3]
    smallers = 1e-06 * (1.0 - (jnp.abs(T_t) >= 1e-07).astype(jnp.float32))
    T_t = T_t + smallers
    v1 = warped[:, 0:1] / T_t
    v2 = warped[:, 1:2] / T_t
    pred = jnp.concatenate([v1, v2], axis=1)
    vgrid = grid[:, :2]
    flow = pred - vgrid
    vg = vgrid + flow
    x_s = vg[:, 0].reshape(-1)
    y_s = vg[:, 1].reshape(-1)
    out = _bilinear(src, x_s, y_s, h, w)
    out = out.reshape(b, h, w, c).transpose(0, 3, 1, 2)
    return out

if __name__ == "__main__":
    import jax
    _d = setup_inputs()
    print(jax.jit(kernel)(*tuple(_d.values())))

</pallas_src>

<mosaic_0001>
#map = affine_map<(d0, d1) -> (0, 0)>
module attributes {stable_mosaic.version = 14 : i64} {
  func.func @_stage_b_body(%arg0: i32, %arg1: i32, %arg2: memref<4194304x8xf32, #tpu.memory_space<hbm>>, %arg3: memref<32768x128xi32, #tpu.memory_space<hbm>>, %arg4: memref<32768x128xi32, #tpu.memory_space<hbm>>, %arg5: memref<4194304x8xf32, #tpu.memory_space<hbm>>, %arg6: memref<4194304x8xf32, #tpu.memory_space<hbm>>, %arg7: memref<16x128xi32, #tpu.memory_space<vmem>>, %arg8: memref<16x128xi32, #tpu.memory_space<vmem>>, %arg9: memref<16x128xi32, #tpu.memory_space<vmem>>, %arg10: memref<16x128xi32, #tpu.memory_space<vmem>>, %arg11: memref<2048x8xf32, #tpu.memory_space<vmem>>, %arg12: memref<2048x8xf32, #tpu.memory_space<vmem>>, %arg13: memref<2048x8xf32, #tpu.memory_space<vmem>>, %arg14: memref<2048x8xf32, #tpu.memory_space<vmem>>, %arg15: memref<!tpu.dma_semaphore, #tpu.memory_space<semaphore_mem>>, %arg16: memref<!tpu.dma_semaphore, #tpu.memory_space<semaphore_mem>>, %arg17: memref<!tpu.dma_semaphore, #tpu.memory_space<semaphore_mem>>, %arg18: memref<!tpu.dma_semaphore, #tpu.memory_space<semaphore_mem>>, %arg19: memref<!tpu.dma_semaphore, #tpu.memory_space<semaphore_mem>>, %arg20: memref<!tpu.dma_semaphore, #tpu.memory_space<semaphore_mem>>) attributes {dimension_semantics = [#tpu.dimension_semantics<core_parallel>, #tpu.dimension_semantics<subcore_parallel>], iteration_bounds = array<i64: 2, 16>, scalar_prefetch = 0 : i64, scratch_operands = 14 : i64, tpu.core_type = #tpu.core_type<sc_vector_subcore>, window_params = [{transform_indices = #map}, {transform_indices = #map}, {transform_indices = #map}, {transform_indices = #map}, {transform_indices = #map}]} {
    %mul3A = arith.constant 2 : i32
    %mul3A_0 = arith.muli %arg1, %mul3A : i32
    %add3A = arith.addi %mul3A_0, %arg0 : i32
    %mul3A_1 = arith.constant 1024 : i32
    %mul3A_2 = arith.muli %add3A, %mul3A_1 : i32
    %add3A_3 = arith.constant 0 : i32
    %add3A_4 = arith.addi %mul3A_2, %add3A_3 : i32
    %dma_start3A = arith.constant 0 : i32
    %dma_start3A_5 = tpu.memref_slice %arg3[%add3A_4, %dma_start3A] : memref<32768x128xi32, #tpu.memory_space<hbm>> -> memref<16x128xi32, #tpu.memory_space<hbm>>
    %dma_start3A_6 = arith.constant 0 : i32
    %dma_start3A_7 = tpu.memref_slice %arg3[%add3A_4, %dma_start3A_6] : memref<32768x128xi32, #tpu.memory_space<hbm>> -> memref<16x128xi32, #tpu.memory_space<hbm>>
    tpu.enqueue_dma source(%dma_start3A_7 : memref<16x128xi32, #tpu.memory_space<hbm>>) target(%arg7 : memref<16x128xi32, #tpu.memory_space<vmem>>) target_semaphore(%arg15 : memref<!tpu.dma_semaphore, #tpu.memory_space<semaphore_mem>>)
    %dma_start3A_8 = arith.constant 0 : i32
    %dma_start3A_9 = tpu.memref_slice %arg4[%add3A_4, %dma_start3A_8] : memref<32768x128xi32, #tpu.memory_space<hbm>> -> memref<16x128xi32, #tpu.memory_space<hbm>>
    %dma_start3A_10 = arith.constant 0 : i32
    %dma_start3A_11 = tpu.memref_slice %arg4[%add3A_4, %dma_start3A_10] : memref<32768x128xi32, #tpu.memory_space<hbm>> -> memref<16x128xi32, #tpu.memory_space<hbm>>
    tpu.enqueue_dma source(%dma_start3A_11 : memref<16x128xi32, #tpu.memory_space<hbm>>) target(%arg8 : memref<16x128xi32, #tpu.memory_space<vmem>>) target_semaphore(%arg15 : memref<!tpu.dma_semaphore, #tpu.memory_space<semaphore_mem>>)
    %scan3A = arith.constant 0 : i32
    %scan3A_12 = arith.constant 0 : i32
    %scan3A_13 = arith.constant 32 : i32
    %scan3A_14 = arith.addi %scan3A_12, %scan3A_13 : i32
    %scan3A_15 = arith.constant 1 : i32
    %scan3A_16 = scf.for %scan3A_373 = %scan3A_12 to %scan3A_14 step %scan3A_15 iter_args(%scan3A_374 = %scan3A) -> (i32)  : i32 {
      %mul3A_375 = arith.constant 2 : i32
      %mul3A_376 = arith.muli %mul3A_375, %scan3A_373 : i32
      %add3A_377 = arith.constant 0 : i32
      %add3A_378 = arith.addi %mul3A_376, %add3A_377 : i32
      %mul3A_379 = arith.constant 1024 : i32
      %mul3A_380 = arith.muli %add3A, %mul3A_379 : i32
      %mul3A_381 = arith.constant 16 : i32
      %mul3A_382 = arith.muli %add3A_378, %mul3A_381 : i32
      %add3A_383 = arith.addi %mul3A_380, %mul3A_382 : i32
      %dma_wait3A_384 = arith.constant 0 : i32
      %dma_wait3A_385 = tpu.memref_slice %arg3[%add3A_383, %dma_wait3A_384] : memref<32768x128xi32, #tpu.memory_space<hbm>> -> memref<16x128xi32, #tpu.memory_space<hbm>>
      %dma_wait3A_386 = arith.constant 0 : i32
      %dma_wait3A_387 = tpu.memref_slice %arg3[%add3A_383, %dma_wait3A_386] : memref<32768x128xi32, #tpu.memory_space<hbm>> -> memref<16x128xi32, #tpu.memory_space<hbm>>
      tpu.wait_dma2 semaphore(%arg15 : memref<!tpu.dma_semaphore, #tpu.memory_space<semaphore_mem>>) src(%dma_wait3A_387 : memref<16x128xi32, #tpu.memory_space<hbm>>) dst(%arg7 : memref<16x128xi32, #tpu.memory_space<vmem>>)
      %dma_wait3A_388 = arith.constant 0 : i32
      %dma_wait3A_389 = tpu.memref_slice %arg4[%add3A_383, %dma_wait3A_388] : memref<32768x128xi32, #tpu.memory_space<hbm>> -> memref<16x128xi32, #tpu.memory_space<hbm>>
      %dma_wait3A_390 = arith.constant 0 : i32
      %dma_wait3A_391 = tpu.memref_slice %arg4[%add3A_383, %dma_wait3A_390] : memref<32768x128xi32, #tpu.memory_space<hbm>> -> memref<16x128xi32, #tpu.memory_space<hbm>>
      tpu.wait_dma2 semaphore(%arg15 : memref<!tpu.dma_semaphore, #tpu.memory_space<semaphore_mem>>) src(%dma_wait3A_391 : memref<16x128xi32, #tpu.memory_space<hbm>>) dst(%arg8 : memref<16x128xi32, #tpu.memory_space<vmem>>)
      %ge3A = arith.constant 1 : i32
      %ge3A_392 = arith.cmpi sge, %scan3A_373, %ge3A : i32
      %convert_element_type3A = arith.extui %ge3A_392 : i1 to i32
      %cond3A = arith.constant 0 : i32
      %cond3A_393 = arith.cmpi ne, %convert_element_type3A, %cond3A : i32
      scf.if %cond3A_393 {
        %sub3A_1415 = arith.constant 2 : i32
        %sub3A_1416 = arith.subi %add3A_378, %sub3A_1415 : i32
        %mul3A_1417 = arith.constant 131072 : i32
        %mul3A_1418 = arith.muli %add3A, %mul3A_1417 : i32
        %mul3A_1419 = arith.constant 2048 : i32
        %mul3A_1420 = arith.muli %sub3A_1416, %mul3A_1419 : i32
        %add3A_1421 = arith.addi %mul3A_1418, %mul3A_1420 : i32
        %dma_wait3A_1422 = arith.constant 0 : i32
        %dma_wait3A_1423 = tpu.memref_slice %arg5[%add3A_1421, %dma_wait3A_1422] : memref<4194304x8xf32, #tpu.memory_space<hbm>> -> memref<2048x8xf32, #tpu.memory_space<hbm>>
        %dma_wait3A_1424 = arith.constant 0 : i32
        %dma_wait3A_1425 = tpu.memref_slice %arg5[%add3A_1421, %dma_wait3A_1424] : memref<4194304x8xf32, #tpu.memory_space<hbm>> -> memref<2048x8xf32, #tpu.memory_space<hbm>>
        tpu.wait_dma2 semaphore(%arg19 : memref<!tpu.dma_semaphore, #tpu.memory_space<semaphore_mem>>) src(%arg11 : memref<2048x8xf32, #tpu.memory_space<vmem>>) dst(%dma_wait3A_1425 : memref<2048x8xf32, #tpu.memory_space<hbm>>)
        %dma_wait3A_1426 = arith.constant 0 : i32
        %dma_wait3A_1427 = tpu.memref_slice %arg6[%add3A_1421, %dma_wait3A_1426] : memref<4194304x8xf32, #tpu.memory_space<hbm>> -> memref<2048x8xf32, #tpu.memory_space<hbm>>
        %dma_wait3A_1428 = arith.constant 0 : i32
        %dma_wait3A_1429 = tpu.memref_slice %arg6[%add3A_1421, %dma_wait3A_1428] : memref<4194304x8xf32, #tpu.memory_space<hbm>> -> memref<2048x8xf32, #tpu.memory_space<hbm>>
        tpu.wait_dma2 semaphore(%arg19 : memref<!tpu.dma_semaphore, #tpu.memory_space<semaphore_mem>>) src(%arg12 : memref<2048x8xf32, #tpu.memory_space<vmem>>) dst(%dma_wait3A_1429 : memref<2048x8xf32, #tpu.memory_space<hbm>>)
      } else {
      }
      %dma_start3A_394 = arith.constant 0 : i32
      %dma_start3A_395 = arith.constant 0 : i32
      %dma_start3A_396 = arith.constant 0 : i32
      %dma_start3A_397 = tpu.memref_slice %arg11[%dma_start3A_395, %dma_start3A_396] : memref<2048x8xf32, #tpu.memory_space<vmem>> -> memref<128x8xf32, #tpu.memory_space<vmem>>
      %dma_start3A_398 = arith.constant 0 : i32
      %dma_start3A_399 = tpu.memref_slice %arg7[%dma_start3A_394, %dma_start3A_398] : memref<16x128xi32, #tpu.memory_space<vmem>> -> memref<1x128xi32, #tpu.memory_space<vmem>>
      %dma_start3A_400 = tpu.memref_squeeze %dma_start3A_399 : memref<1x128xi32, #tpu.memory_space<vmem>> -> memref<128xi32, #tpu.memory_space<vmem>>
      %dma_start3A_401 = arith.constant 0 : i32
      %dma_start3A_402 = arith.constant 0 : i32
      %dma_start3A_403 = tpu.memref_slice %arg2[%dma_start3A_401, %dma_start3A_402] : memref<4194304x8xf32, #tpu.memory_space<hbm>> -> memref<4194304x8xf32, #tpu.memory_space<hbm>>
      tpu.enqueue_indirect_dma source(%dma_start3A_403 : memref<4194304x8xf32, #tpu.memory_space<hbm>>) target(%dma_start3A_397 : memref<128x8xf32, #tpu.memory_space<vmem>>) offsets(%dma_start3A_400 : memref<128xi32, #tpu.memory_space<vmem>>) semaphore(%arg17 : memref<!tpu.dma_semaphore, #tpu.memory_space<semaphore_mem>>)
      %dma_start3A_404 = arith.constant 1 : i32
      %dma_start3A_405 = arith.constant 128 : i32
      %dma_start3A_406 = arith.constant 0 : i32
      %dma_start3A_407 = tpu.memref_slice %arg11[%dma_start3A_405, %dma_start3A_406] : memref<2048x8xf32, #tpu.memory_space<vmem>> -> memref<128x8xf32, #tpu.memory_space<vmem>>
      %dma_start3A_408 = arith.constant 0 : i32
      %dma_start3A_409 = tpu.memref_slice %arg7[%dma_start3A_404, %dma_start3A_408] : memref<16x128xi32, #tpu.memory_space<vmem>> -> memref<1x128xi32, #tpu.memory_space<vmem>>
      %dma_start3A_410 = tpu.memref_squeeze %dma_start3A_409 : memref<1x128xi32, #tpu.memory_space<vmem>> -> memref<128xi32, #tpu.memory_space<vmem>>
      %dma_start3A_411 = arith.constant 0 : i32
      %dma_start3A_412 = arith.constant 0 : i32
      %dma_start3A_413 = tpu.memref_slice %arg2[%dma_start3A_411, %dma_start3A_412] : memref<4194304x8xf32, #tpu.memory_space<hbm>> -> memref<4194304x8xf32, #tpu.memory_space<hbm>>
      tpu.enqueue_indirect_dma source(%dma_start3A_413 : memref<4194304x8xf32, #tpu.memory_space<hbm>>) target(%dma_start3A_407 : memref<128x8xf32, #tpu.memory_space<vmem>>) offsets(%dma_start3A_410 : memref<128xi32, #tpu.memory_space<vmem>>) semaphore(%arg17 : memref<!tpu.dma_semaphore, #tpu.memory_space<semaphore_mem>>)
      %dma_start3A_414 = arith.constant 2 : i32
      %dma_start3A_415 = arith.constant 256 : i32
      %dma_start3A_416 = arith.constant 0 : i32
      %dma_start3A_417 = tpu.memref_slice %arg11[%dma_start3A_415, %dma_start3A_416] : memref<2048x8xf32, #tpu.memory_space<vmem>> -> memref<128x8xf32, #tpu.memory_space<vmem>>
      %dma_start3A_418 = arith.constant 0 : i32
      %dma_start3A_419 = tpu.memref_slice %arg7[%dma_start3A_414, %dma_start3A_418] : memref<16x128xi32, #tpu.memory_space<vmem>> -> memref<1x128xi32, #tpu.memory_space<vmem>>
      %dma_start3A_420 = tpu.memref_squeeze %dma_start3A_419 : memref<1x128xi32, #tpu.memory_space<vmem>> -> memref<128xi32, #tpu.memory_space<vmem>>
      %dma_start3A_421 = arith.constant 0 : i32
      %dma_start3A_422 = arith.constant 0 : i32
      %dma_start3A_423 = tpu.memref_slice %arg2[%dma_start3A_421, %dma_start3A_422] : memref<4194304x8xf32, #tpu.memory_space<hbm>> -> memref<4194304x8xf32, #tpu.memory_space<hbm>>
      tpu.enqueue_indirect_dma source(%dma_start3A_423 : memref<4194304x8xf32, #tpu.memory_space<hbm>>) target(%dma_start3A_417 : memref<128x8xf32, #tpu.memory_space<vmem>>) offsets(%dma_start3A_420 : memref<128xi32, #tpu.memory_space<vmem>>) semaphore(%arg17 : memref<!tpu.dma_semaphore, #tpu.memory_space<semaphore_mem>>)
      %dma_start3A_424 = arith.constant 3 : i32
      %dma_start3A_425 = arith.constant 384 : i32
      %dma_start3A_426 = arith.constant 0 : i32
      %dma_start3A_427 = tpu.memref_slice %arg11[%dma_start3A_425, %dma_start3A_426] : memref<2048x8xf32, #tpu.memory_space<vmem>> -> memref<128x8xf32, #tpu.memory_space<vmem>>
      %dma_start3A_428 = arith.constant 0 : i32
      %dma_start3A_429 = tpu.memref_slice %arg7[%dma_start3A_424, %dma_start3A_428] : memref<16x128xi32, #tpu.memory_space<vmem>> -> memref<1x128xi32, #tpu.memory_space<vmem>>
      %dma_start3A_430 = tpu.memref_squeeze %dma_start3A_429 : memref<1x128xi32, #tpu.memory_space<vmem>> -> memref<128xi32, #tpu.memory_space<vmem>>
      %dma_start3A_431 = arith.constant 0 : i32
      %dma_start3A_432 = arith.constant 0 : i32
      %dma_start3A_433 = tpu.memref_slice %arg2[%dma_start3A_431, %dma_start3A_432] : memref<4194304x8xf32, #tpu.memory_space<hbm>> -> memref<4194304x8xf32, #tpu.memory_space<hbm>>
      tpu.enqueue_indirect_dma source(%dma_start3A_433 : memref<4194304x8xf32, #tpu.memory_space<hbm>>) target(%dma_start3A_427 : memref<128x8xf32, #tpu.memory_space<vmem>>) offsets(%dma_start3A_430 : memref<128xi32, #tpu.memory_space<vmem>>) semaphore(%arg17 : memref<!tpu.dma_semaphore, #tpu.memory_space<semaphore_mem>>)
      %dma_start3A_434 = arith.constant 4 : i32
      %dma_start3A_435 = arith.constant 512 : i32
      %dma_start3A_436 = arith.constant 0 : i32
      %dma_start3A_437 = tpu.memref_slice %arg11[%dma_start3A_435, %dma_start3A_436] : memref<2048x8xf32, #tpu.memory_space<vmem>> -> memref<128x8xf32, #tpu.memory_space<vmem>>
      %dma_start3A_438 = arith.constant 0 : i32
      %dma_start3A_439 = tpu.memref_slice %arg7[%dma_start3A_434, %dma_start3A_438] : memref<16x128xi32, #tpu.memory_space<vmem>> -> memref<1x128xi32, #tpu.memory_space<vmem>>
      %dma_start3A_440 = tpu.memref_squeeze %dma_start3A_439 : memref<1x128xi32, #tpu.memory_space<vmem>> -> memref<128xi32, #tpu.memory_space<vmem>>
      %dma_start3A_441 = arith.constant 0 : i32
      %dma_start3A_442 = arith.constant 0 : i32
      %dma_start3A_443 = tpu.memref_slice %arg2[%dma_start3A_441, %dma_start3A_442] : memref<4194304x8xf32, #tpu.memory_space<hbm>> -> memref<4194304x8xf32, #tpu.memory_space<hbm>>
      tpu.enqueue_indirect_dma source(%dma_start3A_443 : memref<4194304x8xf32, #tpu.memory_space<hbm>>) target(%dma_start3A_437 : memref<128x8xf32, #tpu.memory_space<vmem>>) offsets(%dma_start3A_440 : memref<128xi32, #tpu.memory_space<vmem>>) semaphore(%arg17 : memref<!tpu.dma_semaphore, #tpu.memory_space<semaphore_mem>>)
      %dma_start3A_444 = arith.constant 5 : i32
      %dma_start3A_445 = arith.constant 640 : i32
      %dma_start3A_446 = arith.constant 0 : i32
      %dma_start3A_447 = tpu.memref_slice %arg11[%dma_start3A_445, %dma_start3A_446] : memref<2048x8xf32, #tpu.memory_space<vmem>> -> memref<128x8xf32, #tpu.memory_space<vmem>>
      %dma_start3A_448 = arith.constant 0 : i32
      %dma_start3A_449 = tpu.memref_slice %arg7[%dma_start3A_444, %dma_start3A_448] : memref<16x128xi32, #tpu.memory_space<vmem>> -> memref<1x128xi32, #tpu.memory_space<vmem>>
      %dma_start3A_450 = tpu.memref_squeeze %dma_start3A_449 : memref<1x128xi32, #tpu.memory_space<vmem>> -> memref<128xi32, #tpu.memory_space<vmem>>
      %dma_start3A_451 = arith.constant 0 : i32
      %dma_start3A_452 = arith.constant 0 : i32
      %dma_start3A_453 = tpu.memref_slice %arg2[%dma_start3A_451, %dma_start3A_452] : memref<4194304x8xf32, #tpu.memory_space<hbm>> -> memref<4194304x8xf32, #tpu.memory_space<hbm>>
      tpu.enqueue_indirect_dma source(%dma_start3A_453 : memref<4194304x8xf32, #tpu.memory_space<hbm>>) target(%dma_start3A_447 : memref<128x8xf32, #tpu.memory_space<vmem>>) offsets(%dma_start3A_450 : memref<128xi32, #tpu.memory_space<vmem>>) semaphore(%arg17 : memref<!tpu.dma_semaphore, #tpu.memory_space<semaphore_mem>>)
      %dma_start3A_454 = arith.constant 6 : i32
      %dma_start3A_455 = arith.constant 768 : i32
      %dma_start3A_456 = arith.constant 0 : i32
      %dma_start3A_457 = tpu.memref_slice %arg11[%dma_start3A_455, %dma_start3A_456] : memref<2048x8xf32, #tpu.memory_space<vmem>> -> memref<128x8xf32, #tpu.memory_space<vmem>>
      %dma_start3A_458 = arith.constant 0 : i32
      %dma_start3A_459 = tpu.memref_slice %arg7[%dma_start3A_454, %dma_start3A_458] : memref<16x128xi32, #tpu.memory_space<vmem>> -> memref<1x128xi32, #tpu.memory_space<vmem>>
      %dma_start3A_460 = tpu.memref_squeeze %dma_start3A_459 : memref<1x128xi32, #tpu.memory_space<vmem>> -> memref<128xi32, #tpu.memory_space<vmem>>
      %dma_start3A_461 = arith.constant 0 : i32
      %dma_start3A_462 = arith.constant 0 : i32
      %dma_start3A_463 = tpu.memref_slice %arg2[%dma_start3A_461, %dma_start3A_462] : memref<4194304x8xf32, #tpu.memory_space<hbm>> -> memref<4194304x8xf32, #tpu.memory_space<hbm>>
      tpu.enqueue_indirect_dma source(%dma_start3A_463 : memref<4194304x8xf32, #tpu.memory_space<hbm>>) target(%dma_start3A_457 : memref<128x8xf32, #tpu.memory_space<vmem>>) offsets(%dma_start3A_460 : memref<128xi32, #tpu.memory_space<vmem>>) semaphore(%arg17 : memref<!tpu.dma_semaphore, #tpu.memory_space<semaphore_mem>>)
      %dma_start3A_464 = arith.constant 7 : i32
      %dma_start3A_465 = arith.constant 896 : i32
      %dma_start3A_466 = arith.constant 0 : i32
      %dma_start3A_467 = tpu.memref_slice %arg11[%dma_start3A_465, %dma_start3A_466] : memref<2048x8xf32, #tpu.memory_space<vmem>> -> memref<128x8xf32, #tpu.memory_space<vmem>>
      %dma_start3A_468 = arith.constant 0 : i32
      %dma_start3A_469 = tpu.memref_slice %arg7[%dma_start3A_464, %dma_start3A_468] : memref<16x128xi32, #tpu.memory_space<vmem>> -> memref<1x128xi32, #tpu.memory_space<vmem>>
      %dma_start3A_470 = tpu.memref_squeeze %dma_start3A_469 : memref<1x128xi32, #tpu.memory_space<vmem>> -> memref<128xi32, #tpu.memory_space<vmem>>
      %dma_start3A_471 = arith.constant 0 : i32
      %dma_start3A_472 = arith.constant 0 : i32
      %dma_start3A_473 = tpu.memref_slice %arg2[%dma_start3A_471, %dma_start3A_472] : memref<4194304x8xf32, #tpu.memory_space<hbm>> -> memref<4194304x8xf32, #tpu.memory_space<hbm>>
      tpu.enqueue_indirect_dma source(%dma_start3A_473 : memref<4194304x8xf32, #tpu.memory_space<hbm>>) target(%dma_start3A_467 : memref<128x8xf32, #tpu.memory_space<vmem>>) offsets(%dma_start3A_470 : memref<128xi32, #tpu.memory_space<vmem>>) semaphore(%arg17 : memref<!tpu.dma_semaphore, #tpu.memory_space<semaphore_mem>>)
      %dma_start3A_474 = arith.constant 8 : i32
      %dma_start3A_475 = arith.constant 1024 : i32
      %dma_start3A_476 = arith.constant 0 : i32
      %dma_start3A_477 = tpu.memref_slice %arg11[%dma_start3A_475, %dma_start3A_476] : memref<2048x8xf32, #tpu.memory_space<vmem>> -> memref<128x8xf32, #tpu.memory_space<vmem>>
      %dma_start3A_478 = arith.constant 0 : i32
      %dma_start3A_479 = tpu.memref_slice %arg7[%dma_start3A_474, %dma_start3A_478] : memref<16x128xi32, #tpu.memory_space<vmem>> -> memref<1x128xi32, #tpu.memory_space<vmem>>
      %dma_start3A_480 = tpu.memref_squeeze %dma_start3A_479 : memref<1x128xi32, #tpu.memory_space<vmem>> -> memref<128xi32, #tpu.memory_space<vmem>>
      %dma_start3A_481 = arith.constant 0 : i32
      %dma_start3A_482 = arith.constant 0 : i32
      %dma_start3A_483 = tpu.memref_slice %arg2[%dma_start3A_481, %dma_start3A_482] : memref<4194304x8xf32, #tpu.memory_space<hbm>> -> memref<4194304x8xf32, #tpu.memory_space<hbm>>
      tpu.enqueue_indirect_dma source(%dma_start3A_483 : memref<4194304x8xf32, #tpu.memory_space<hbm>>) target(%dma_start3A_477 : memref<128x8xf32, #tpu.memory_space<vmem>>) offsets(%dma_start3A_480 : memref<128xi32, #tpu.memory_space<vmem>>) semaphore(%arg17 : memref<!tpu.dma_semaphore, #tpu.memory_space<semaphore_mem>>)
      %dma_start3A_484 = arith.constant 9 : i32
      %dma_start3A_485 = arith.constant 1152 : i32
      %dma_start3A_486 = arith.constant 0 : i32
      %dma_start3A_487 = tpu.memref_slice %arg11[%dma_start3A_485, %dma_start3A_486] : memref<2048x8xf32, #tpu.memory_space<vmem>> -> memref<128x8xf32, #tpu.memory_space<vmem>>
      %dma_start3A_488 = arith.constant 0 : i32
      %dma_start3A_489 = tpu.memref_slice %arg7[%dma_start3A_484, %dma_start3A_488] : memref<16x128xi32, #tpu.memory_space<vmem>> -> memref<1x128xi32, #tpu.memory_space<vmem>>
      %dma_start3A_490 = tpu.memref_squeeze %dma_start3A_489 : memref<1x128xi32, #tpu.memory_space<vmem>> -> memref<128xi32, #tpu.memory_space<vmem>>
      %dma_start3A_491 = arith.constant 0 : i32
      %dma_start3A_492 = arith.constant 0 : i32
      %dma_start3A_493 = tpu.memref_slice %arg2[%dma_start3A_491, %dma_start3A_492] : memref<4194304x8xf32, #tpu.memory_space<hbm>> -> memref<4194304x8xf32, #tpu.memory_space<hbm>>
      tpu.enqueue_indirect_dma source(%dma_start3A_493 : memref<4194304x8xf32, #tpu.memory_space<hbm>>) target(%dma_start3A_487 : memref<128x8xf32, #tpu.memory_space<vmem>>) offsets(%dma_start3A_490 : memref<128xi32, #tpu.memory_space<vmem>>) semaphore(%arg17 : memref<!tpu.dma_semaphore, #tpu.memory_space<semaphore_mem>>)
      %dma_start3A_494 = arith.constant 10 : i32
      %dma_start3A_495 = arith.constant 1280 : i32
      %dma_start3A_496 = arith.constant 0 : i32
      %dma_start3A_497 = tpu.memref_slice %arg11[%dma_start3A_495, %dma_start3A_496] : memref<2048x8xf32, #tpu.memory_space<vmem>> -> memref<128x8xf32, #tpu.memory_space<vmem>>
      %dma_start3A_498 = arith.constant 0 : i32
      %dma_start3A_499 = tpu.memref_slice %arg7[%dma_start3A_494, %dma_start3A_498] : memref<16x128xi32, #tpu.memory_space<vmem>> -> memref<1x128xi32, #tpu.memory_space<vmem>>
      %dma_start3A_500 = tpu.memref_squeeze %dma_start3A_499 : memref<1x128xi32, #tpu.memory_space<vmem>> -> memref<128xi32, #tpu.memory_space<vmem>>
      %dma_start3A_501 = arith.constant 0 : i32
      %dma_start3A_502 = arith.constant 0 : i32
      %dma_start3A_503 = tpu.memref_slice %arg2[%dma_start3A_501, %dma_start3A_502] : memref<4194304x8xf32, #tpu.memory_space<hbm>> -> memref<4194304x8xf32, #tpu.memory_space<hbm>>
      tpu.enqueue_indirect_dma source(%dma_start3A_503 : memref<4194304x8xf32, #tpu.memory_space<hbm>>) target(%dma_start3A_497 : memref<128x8xf32, #tpu.memory_space<vmem>>) offsets(%dma_start3A_500 : memref<128xi32, #tpu.memory_space<vmem>>) semaphore(%arg17 : memref<!tpu.dma_semaphore, #tpu.memory_space<semaphore_mem>>)
      %dma_start3A_504 = arith.constant 11 : i32
      %dma_start3A_505 = arith.constant 1408 : i32
      %dma_start3A_506 = arith.constant 0 : i32
      %dma_start3A_507 = tpu.memref_slice %arg11[%dma_start3A_505, %dma_start3A_506] : memref<2048x8xf32, #tpu.memory_space<vmem>> -> memref<128x8xf32, #tpu.memory_space<vmem>>
      %dma_start3A_508 = arith.constant 0 : i32
      %dma_start3A_509 = tpu.memref_slice %arg7[%dma_start3A_504, %dma_start3A_508] : memref<16x128xi32, #tpu.memory_space<vmem>> -> memref<1x128xi32, #tpu.memory_space<vmem>>
      %dma_start3A_510 = tpu.memref_squeeze %dma_start3A_509 : memref<1x128xi32, #tpu.memory_space<vmem>> -> memref<128xi32, #tpu.memory_space<vmem>>
      %dma_start3A_511 = arith.constant 0 : i32
      %dma_start3A_512 = arith.constant 0 : i32
      %dma_start3A_513 = tpu.memref_slice %arg2[%dma_start3A_511, %dma_start3A_512] : memref<4194304x8xf32, #tpu.memory_space<hbm>> -> memref<4194304x8xf32, #tpu.memory_space<hbm>>
      tpu.enqueue_indirect_dma source(%dma_start3A_513 : memref<4194304x8xf32, #tpu.memory_space<hbm>>) target(%dma_start3A_507 : memref<128x8xf32, #tpu.memory_space<vmem>>) offsets(%dma_start3A_510 : memref<128xi32, #tpu.memory_space<vmem>>) semaphore(%arg17 : memref<!tpu.dma_semaphore, #tpu.memory_space<semaphore_mem>>)
      %dma_start3A_514 = arith.constant 12 : i32
      %dma_start3A_515 = arith.constant 1536 : i32
      %dma_start3A_516 = arith.constant 0 : i32
      %dma_start3A_517 = tpu.memref_slice %arg11[%dma_start3A_515, %dma_start3A_516] : memref<2048x8xf32, #tpu.memory_space<vmem>> -> memref<128x8xf32, #tpu.memory_space<vmem>>
      %dma_start3A_518 = arith.constant 0 : i32
      %dma_start3A_519 = tpu.memref_slice %arg7[%dma_start3A_514, %dma_start3A_518] : memref<16x128xi32, #tpu.memory_space<vmem>> -> memref<1x128xi32, #tpu.memory_space<vmem>>
      %dma_start3A_520 = tpu.memref_squeeze %dma_start3A_519 : memref<1x128xi32, #tpu.memory_space<vmem>> -> memref<128xi32, #tpu.memory_space<vmem>>
      %dma_start3A_521 = arith.constant 0 : i32
      %dma_start3A_522 = arith.constant 0 : i32
      %dma_start3A_523 = tpu.memref_slice %arg2[%dma_start3A_521, %dma_start3A_522] : memref<4194304x8xf32, #tpu.memory_space<hbm>> -> memref<4194304x8xf32, #tpu.memory_space<hbm>>
      tpu.enqueue_indirect_dma source(%dma_start3A_523 : memref<4194304x8xf32, #tpu.memory_space<hbm>>) target(%dma_start3A_517 : memref<128x8xf32, #tpu.memory_space<vmem>>) offsets(%dma_start3A_520 : memref<128xi32, #tpu.memory_space<vmem>>) semaphore(%arg17 : memref<!tpu.dma_semaphore, #tpu.memory_space<semaphore_mem>>)
      %dma_start3A_524 = arith.constant 13 : i32
      %dma_start3A_525 = arith.constant 1664 : i32
      %dma_start3A_526 = arith.constant 0 : i32
      %dma_start3A_527 = tpu.memref_slice %arg11[%dma_start3A_525, %dma_start3A_526] : memref<2048x8xf32, #tpu.memory_space<vmem>> -> memref<128x8xf32, #tpu.memory_space<vmem>>
      %dma_start3A_528 = arith.constant 0 : i32
      %dma_start3A_529 = tpu.memref_slice %arg7[%dma_start3A_524, %dma_start3A_528] : memref<16x128xi32, #tpu.memory_space<vmem>> -> memref<1x128xi32, #tpu.memory_space<vmem>>
      %dma_start3A_530 = tpu.memref_squeeze %dma_start3A_529 : memref<1x128xi32, #tpu.memory_space<vmem>> -> memref<128xi32, #tpu.memory_space<vmem>>
      %dma_start3A_531 = arith.constant 0 : i32
      %dma_start3A_532 = arith.constant 0 : i32
      %dma_start3A_533 = tpu.memref_slice %arg2[%dma_start3A_531, %dma_start3A_532] : memref<4194304x8xf32, #tpu.memory_space<hbm>> -> memref<4194304x8xf32, #tpu.memory_space<hbm>>
      tpu.enqueue_indirect_dma source(%dma_start3A_533 : memref<4194304x8xf32, #tpu.memory_space<hbm>>) target(%dma_start3A_527 : memref<128x8xf32, #tpu.memory_space<vmem>>) offsets(%dma_start3A_530 : memref<128xi32, #tpu.memory_space<vmem>>) semaphore(%arg17 : memref<!tpu.dma_semaphore, #tpu.memory_space<semaphore_mem>>)
      %dma_start3A_534 = arith.constant 14 : i32
      %dma_start3A_535 = arith.constant 1792 : i32
      %dma_start3A_536 = arith.constant 0 : i32
      %dma_start3A_537 = tpu.memref_slice %arg11[%dma_start3A_535, %dma_start3A_536] : memref<2048x8xf32, #tpu.memory_space<vmem>> -> memref<128x8xf32, #tpu.memory_space<vmem>>
      %dma_start3A_538 = arith.constant 0 : i32
      %dma_start3A_539 = tpu.memref_slice %arg7[%dma_start3A_534, %dma_start3A_538] : memref<16x128xi32, #tpu.memory_space<vmem>> -> memref<1x128xi32, #tpu.memory_space<vmem>>
      %dma_start3A_540 = tpu.memref_squeeze %dma_start3A_539 : memref<1x128xi32, #tpu.memory_space<vmem>> -> memref<128xi32, #tpu.memory_space<vmem>>
      %dma_start3A_541 = arith.constant 0 : i32
      %dma_start3A_542 = arith.constant 0 : i32
      %dma_start3A_543 = tpu.memref_slice %arg2[%dma_start3A_541, %dma_start3A_542] : memref<4194304x8xf32, #tpu.memory_space<hbm>> -> memref<4194304x8xf32, #tpu.memory_space<hbm>>
      tpu.enqueue_indirect_dma source(%dma_start3A_543 : memref<4194304x8xf32, #tpu.memory_space<hbm>>) target(%dma_start3A_537 : memref<128x8xf32, #tpu.memory_space<vmem>>) offsets(%dma_start3A_540 : memref<128xi32, #tpu.memory_space<vmem>>) semaphore(%arg17 : memref<!tpu.dma_semaphore, #tpu.memory_space<semaphore_mem>>)
      %dma_start3A_544 = arith.constant 15 : i32
      %dma_start3A_545 = arith.constant 1920 : i32
      %dma_start3A_546 = arith.constant 0 : i32
      %dma_start3A_547 = tpu.memref_slice %arg11[%dma_start3A_545, %dma_start3A_546] : memref<2048x8xf32, #tpu.memory_space<vmem>> -> memref<128x8xf32, #tpu.memory_space<vmem>>
      %dma_start3A_548 = arith.constant 0 : i32
      %dma_start3A_549 = tpu.memref_slice %arg7[%dma_start3A_544, %dma_start3A_548] : memref<16x128xi32, #tpu.memory_space<vmem>> -> memref<1x128xi32, #tpu.memory_space<vmem>>
      %dma_start3A_550 = tpu.memref_squeeze %dma_start3A_549 : memref<1x128xi32, #tpu.memory_space<vmem>> -> memref<128xi32, #tpu.memory_space<vmem>>
      %dma_start3A_551 = arith.constant 0 : i32
      %dma_start3A_552 = arith.constant 0 : i32
      %dma_start3A_553 = tpu.memref_slice %arg2[%dma_start3A_551, %dma_start3A_552] : memref<4194304x8xf32, #tpu.memory_space<hbm>> -> memref<4194304x8xf32, #tpu.memory_space<hbm>>
      tpu.enqueue_indirect_dma source(%dma_start3A_553 : memref<4194304x8xf32, #tpu.memory_space<hbm>>) target(%dma_start3A_547 : memref<128x8xf32, #tpu.memory_space<vmem>>) offsets(%dma_start3A_550 : memref<128xi32, #tpu.memory_space<vmem>>) semaphore(%arg17 : memref<!tpu.dma_semaphore, #tpu.memory_space<semaphore_mem>>)
      %dma_start3A_554 = arith.constant 0 : i32
      %dma_start3A_555 = arith.constant 0 : i32
      %dma_start3A_556 = arith.constant 0 : i32
      %dma_start3A_557 = tpu.memref_slice %arg12[%dma_start3A_555, %dma_start3A_556] : memref<2048x8xf32, #tpu.memory_space<vmem>> -> memref<128x8xf32, #tpu.memory_space<vmem>>
      %dma_start3A_558 = arith.constant 0 : i32
      %dma_start3A_559 = tpu.memref_slice %arg8[%dma_start3A_554, %dma_start3A_558] : memref<16x128xi32, #tpu.memory_space<vmem>> -> memref<1x128xi32, #tpu.memory_space<vmem>>
      %dma_start3A_560 = tpu.memref_squeeze %dma_start3A_559 : memref<1x128xi32, #tpu.memory_space<vmem>> -> memref<128xi32, #tpu.memory_space<vmem>>
      %dma_start3A_561 = arith.constant 0 : i32
      %dma_start3A_562 = arith.constant 0 : i32
      %dma_start3A_563 = tpu.memref_slice %arg2[%dma_start3A_561, %dma_start3A_562] : memref<4194304x8xf32, #tpu.memory_space<hbm>> -> memref<4194304x8xf32, #tpu.memory_space<hbm>>
      tpu.enqueue_indirect_dma source(%dma_start3A_563 : memref<4194304x8xf32, #tpu.memory_space<hbm>>) target(%dma_start3A_557 : memref<128x8xf32, #tpu.memory_space<vmem>>) offsets(%dma_start3A_560 : memref<128xi32, #tpu.memory_space<vmem>>) semaphore(%arg17 : memref<!tpu.dma_semaphore, #tpu.memory_space<semaphore_mem>>)
      %dma_start3A_564 = arith.constant 1 : i32
      %dma_start3A_565 = arith.constant 128 : i32
      %dma_start3A_566 = arith.constant 0 : i32
      %dma_start3A_567 = tpu.memref_slice %arg12[%dma_start3A_565, %dma_start3A_566] : memref<2048x8xf32, #tpu.memory_space<vmem>> -> memref<128x8xf32, #tpu.memory_space<vmem>>
      %dma_start3A_568 = arith.constant 0 : i32
      %dma_start3A_569 = tpu.memref_slice %arg8[%dma_start3A_564, %dma_start3A_568] : memref<16x128xi32, #tpu.memory_space<vmem>> -> memref<1x128xi32, #tpu.memory_space<vmem>>
      %dma_start3A_570 = tpu.memref_squeeze %dma_start3A_569 : memref<1x128xi32, #tpu.memory_space<vmem>> -> memref<128xi32, #tpu.memory_space<vmem>>
      %dma_start3A_571 = arith.constant 0 : i32
      %dma_start3A_572 = arith.constant 0 : i32
      %dma_start3A_573 = tpu.memref_slice %arg2[%dma_start3A_571, %dma_start3A_572] : memref<4194304x8xf32, #tpu.memory_space<hbm>> -> memref<4194304x8xf32, #tpu.memory_space<hbm>>
      tpu.enqueue_indirect_dma source(%dma_start3A_573 : memref<4194304x8xf32, #tpu.memory_space<hbm>>) target(%dma_start3A_567 : memref<128x8xf32, #tpu.memory_space<vmem>>) offsets(%dma_start3A_570 : memref<128xi32, #tpu.memory_space<vmem>>) semaphore(%arg17 : memref<!tpu.dma_semaphore, #tpu.memory_space<semaphore_mem>>)
      %dma_start3A_574 = arith.constant 2 : i32
      %dma_start3A_575 = arith.constant 256 : i32
      %dma_start3A_576 = arith.constant 0 : i32
      %dma_start3A_577 = tpu.memref_slice %arg12[%dma_start3A_575, %dma_start3A_576] : memref<2048x8xf32, #tpu.memory_space<vmem>> -> memref<128x8xf32, #tpu.memory_space<vmem>>
      %dma_start3A_578 = arith.constant 0 : i32
      %dma_start3A_579 = tpu.memref_slice %arg8[%dma_start3A_574, %dma_start3A_578] : memref<16x128xi32, #tpu.memory_space<vmem>> -> memref<1x128xi32, #tpu.memory_space<vmem>>
      %dma_start3A_580 = tpu.memref_squeeze %dma_start3A_579 : memref<1x128xi32, #tpu.memory_space<vmem>> -> memref<128xi32, #tpu.memory_space<vmem>>
      %dma_start3A_581 = arith.constant 0 : i32
      %dma_start3A_582 = arith.constant 0 : i32
      %dma_start3A_583 = tpu.memref_slice %arg2[%dma_start3A_581, %dma_start3A_582] : memref<4194304x8xf32, #tpu.memory_space<hbm>> -> memref<4194304x8xf32, #tpu.memory_space<hbm>>
      tpu.enqueue_indirect_dma source(%dma_start3A_583 : memref<4194304x8xf32, #tpu.memory_space<hbm>>) target(%dma_start3A_577 : memref<128x8xf32, #tpu.memory_space<vmem>>) offsets(%dma_start3A_580 : memref<128xi32, #tpu.memory_space<vmem>>) semaphore(%arg17 : memref<!tpu.dma_semaphore, #tpu.memory_space<semaphore_mem>>)
      %dma_start3A_584 = arith.constant 3 : i32
      %dma_start3A_585 = arith.constant 384 : i32
      %dma_start3A_586 = arith.constant 0 : i32
      %dma_start3A_587 = tpu.memref_slice %arg12[%dma_start3A_585, %dma_start3A_586] : memref<2048x8xf32, #tpu.memory_space<vmem>> -> memref<128x8xf32, #tpu.memory_space<vmem>>
      %dma_start3A_588 = arith.constant 0 : i32
      %dma_start3A_589 = tpu.memref_slice %arg8[%dma_start3A_584, %dma_start3A_588] : memref<16x128xi32, #tpu.memory_space<vmem>> -> memref<1x128xi32, #tpu.memory_space<vmem>>
      %dma_start3A_590 = tpu.memref_squeeze %dma_start3A_589 : memref<1x128xi32, #tpu.memory_space<vmem>> -> memref<128xi32, #tpu.memory_space<vmem>>
      %dma_start3A_591 = arith.constant 0 : i32
      %dma_start3A_592 = arith.constant 0 : i32
      %dma_start3A_593 = tpu.memref_slice %arg2[%dma_start3A_591, %dma_start3A_592] : memref<4194304x8xf32, #tpu.memory_space<hbm>> -> memref<4194304x8xf32, #tpu.memory_space<hbm>>
      tpu.enqueue_indirect_dma source(%dma_start3A_593 : memref<4194304x8xf32, #tpu.memory_space<hbm>>) target(%dma_start3A_587 : memref<128x8xf32, #tpu.memory_space<vmem>>) offsets(%dma_start3A_590 : memref<128xi32, #tpu.memory_space<vmem>>) semaphore(%arg17 : memref<!tpu.dma_semaphore, #tpu.memory_space<semaphore_mem>>)
      %dma_start3A_594 = arith.constant 4 : i32
      %dma_start3A_595 = arith.constant 512 : i32
      %dma_start3A_596 = arith.constant 0 : i32
      %dma_start3A_597 = tpu.memref_slice %arg12[%dma_start3A_595, %dma_start3A_596] : memref<2048x8xf32, #tpu.memory_space<vmem>> -> memref<128x8xf32, #tpu.memory_space<vmem>>
      %dma_start3A_598 = arith.constant 0 : i32
      %dma_start3A_599 = tpu.memref_slice %arg8[%dma_start3A_594, %dma_start3A_598] : memref<16x128xi32, #tpu.memory_space<vmem>> -> memref<1x128xi32, #tpu.memory_space<vmem>>
      %dma_start3A_600 = tpu.memref_squeeze %dma_start3A_599 : memref<1x128xi32, #tpu.memory_space<vmem>> -> memref<128xi32, #tpu.memory_space<vmem>>
      %dma_start3A_601 = arith.constant 0 : i32
      %dma_start3A_602 = arith.constant 0 : i32
      %dma_start3A_603 = tpu.memref_slice %arg2[%dma_start3A_601, %dma_start3A_602] : memref<4194304x8xf32, #tpu.memory_space<hbm>> -> memref<4194304x8xf32, #tpu.memory_space<hbm>>
      tpu.enqueue_indirect_dma source(%dma_start3A_603 : memref<4194304x8xf32, #tpu.memory_space<hbm>>) target(%dma_start3A_597 : memref<128x8xf32, #tpu.memory_space<vmem>>) offsets(%dma_start3A_600 : memref<128xi32, #tpu.memory_space<vmem>>) semaphore(%arg17 : memref<!tpu.dma_semaphore, #tpu.memory_space<semaphore_mem>>)
      %dma_start3A_604 = arith.constant 5 : i32
      %dma_start3A_605 = arith.constant 640 : i32
      %dma_start3A_606 = arith.constant 0 : i32
      %dma_start3A_607 = tpu.memref_slice %arg12[%dma_start3A_605, %dma_start3A_606] : memref<2048x8xf32, #tpu.memory_space<vmem>> -> memref<128x8xf32, #tpu.memory_space<vmem>>
      %dma_start3A_608 = arith.constant 0 : i32
      %dma_start3A_609 = tpu.memref_slice %arg8[%dma_start3A_604, %dma_start3A_608] : memref<16x128xi32, #tpu.memory_space<vmem>> -> memref<1x128xi32, #tpu.memory_space<vmem>>
      %dma_start3A_610 = tpu.memref_squeeze %dma_start3A_609 : memref<1x128xi32, #tpu.memory_space<vmem>> -> memref<128xi32, #tpu.memory_space<vmem>>
      %dma_start3A_611 = arith.constant 0 : i32
      %dma_start3A_612 = arith.constant 0 : i32
      %dma_start3A_613 = tpu.memref_slice %arg2[%dma_start3A_611, %dma_start3A_612] : memref<4194304x8xf32, #tpu.memory_space<hbm>> -> memref<4194304x8xf32, #tpu.memory_space<hbm>>
      tpu.enqueue_indirect_dma source(%dma_start3A_613 : memref<4194304x8xf32, #tpu.memory_space<hbm>>) target(%dma_start3A_607 : memref<128x8xf32, #tpu.memory_space<vmem>>) offsets(%dma_start3A_610 : memref<128xi32, #tpu.memory_space<vmem>>) semaphore(%arg17 : memref<!tpu.dma_semaphore, #tpu.memory_space<semaphore_mem>>)
      %dma_start3A_614 = arith.constant 6 : i32
      %dma_start3A_615 = arith.constant 768 : i32
      %dma_start3A_616 = arith.constant 0 : i32
      %dma_start3A_617 = tpu.memref_slice %arg12[%dma_start3A_615, %dma_start3A_616] : memref<2048x8xf32, #tpu.memory_space<vmem>> -> memref<128x8xf32, #tpu.memory_space<vmem>>
      %dma_start3A_618 = arith.constant 0 : i32
      %dma_start3A_619 = tpu.memref_slice %arg8[%dma_start3A_614, %dma_start3A_618] : memref<16x128xi32, #tpu.memory_space<vmem>> -> memref<1x128xi32, #tpu.memory_space<vmem>>
      %dma_start3A_620 = tpu.memref_squeeze %dma_start3A_619 : memref<1x128xi32, #tpu.memory_space<vmem>> -> memref<128xi32, #tpu.memory_space<vmem>>
      %dma_start3A_621 = arith.constant 0 : i32
      %dma_start3A_622 = arith.constant 0 : i32
      %dma_start3A_623 = tpu.memref_slice %arg2[%dma_start3A_621, %dma_start3A_622] : memref<4194304x8xf32, #tpu.memory_space<hbm>> -> memref<4194304x8xf32, #tpu.memory_space<hbm>>
      tpu.enqueue_indirect_dma source(%dma_start3A_623 : memref<4194304x8xf32, #tpu.memory_space<hbm>>) target(%dma_start3A_617 : memref<128x8xf32, #tpu.memory_space<vmem>>) offsets(%dma_start3A_620 : memref<128xi32, #tpu.memory_space<vmem>>) semaphore(%arg17 : memref<!tpu.dma_semaphore, #tpu.memory_space<semaphore_mem>>)
      %dma_start3A_624 = arith.constant 7 : i32
      %dma_start3A_625 = arith.constant 896 : i32
      %dma_start3A_626 = arith.constant 0 : i32
      %dma_start3A_627 = tpu.memref_slice %arg12[%dma_start3A_625, %dma_start3A_626] : memref<2048x8xf32, #tpu.memory_space<vmem>> -> memref<128x8xf32, #tpu.memory_space<vmem>>
      %dma_start3A_628 = arith.constant 0 : i32
      %dma_start3A_629 = tpu.memref_slice %arg8[%dma_start3A_624, %dma_start3A_628] : memref<16x128xi32, #tpu.memory_space<vmem>> -> memref<1x128xi32, #tpu.memory_space<vmem>>
      %dma_start3A_630 = tpu.memref_squeeze %dma_start3A_629 : memref<1x128xi32, #tpu.memory_space<vmem>> -> memref<128xi32, #tpu.memory_space<vmem>>
      %dma_start3A_631 = arith.constant 0 : i32
      %dma_start3A_632 = arith.constant 0 : i32
      %dma_start3A_633 = tpu.memref_slice %arg2[%dma_start3A_631, %dma_start3A_632] : memref<4194304x8xf32, #tpu.memory_space<hbm>> -> memref<4194304x8xf32, #tpu.memory_space<hbm>>
      tpu.enqueue_indirect_dma source(%dma_start3A_633 : memref<4194304x8xf32, #tpu.memory_space<hbm>>) target(%dma_start3A_627 : memref<128x8xf32, #tpu.memory_space<vmem>>) offsets(%dma_start3A_630 : memref<128xi32, #tpu.memory_space<vmem>>) semaphore(%arg17 : memref<!tpu.dma_semaphore, #tpu.memory_space<semaphore_mem>>)
      %dma_start3A_634 = arith.constant 8 : i32
      %dma_start3A_635 = arith.constant 1024 : i32
      %dma_start3A_636 = arith.constant 0 : i32
      %dma_start3A_637 = tpu.memref_slice %arg12[%dma_start3A_635, %dma_start3A_636] : memref<2048x8xf32, #tpu.memory_space<vmem>> -> memref<128x8xf32, #tpu.memory_space<vmem>>
      %dma_start3A_638 = arith.constant 0 : i32
      %dma_start3A_639 = tpu.memref_slice %arg8[%dma_start3A_634, %dma_start3A_638] : memref<16x128xi32, #tpu.memory_space<vmem>> -> memref<1x128xi32, #tpu.memory_space<vmem>>
      %dma_start3A_640 = tpu.memref_squeeze %dma_start3A_639 : memref<1x128xi32, #tpu.memory_space<vmem>> -> memref<128xi32, #tpu.memory_space<vmem>>
      %dma_start3A_641 = arith.constant 0 : i32
      %dma_start3A_642 = arith.constant 0 : i32
      %dma_start3A_643 = tpu.memref_slice %arg2[%dma_start3A_641, %dma_start3A_642] : memref<4194304x8xf32, #tpu.memory_space<hbm>> -> memref<4194304x8xf32, #tpu.memory_space<hbm>>
      tpu.enqueue_indirect_dma source(%dma_start3A_643 : memref<4194304x8xf32, #tpu.memory_space<hbm>>) target(%dma_start3A_637 : memref<128x8xf32, #tpu.memory_space<vmem>>) offsets(%dma_start3A_640 : memref<128xi32, #tpu.memory_space<vmem>>) semaphore(%arg17 : memref<!tpu.dma_semaphore, #tpu.memory_space<semaphore_mem>>)
      %dma_start3A_644 = arith.constant 9 : i32
      %dma_start3A_645 = arith.constant 1152 : i32
      %dma_start3A_646 = arith.constant 0 : i32
      %dma_start3A_647 = tpu.memref_slice %arg12[%dma_start3A_645, %dma_start3A_646] : memref<2048x8xf32, #tpu.memory_space<vmem>> -> memref<128x8xf32, #tpu.memory_space<vmem>>
      %dma_start3A_648 = arith.constant 0 : i32
      %dma_start3A_649 = tpu.memref_slice %arg8[%dma_start3A_644, %dma_start3A_648] : memref<16x128xi32, #tpu.memory_space<vmem>> -> memref<1x128xi32, #tpu.memory_space<vmem>>
      %dma_start3A_650 = tpu.memref_squeeze %dma_start3A_649 : memref<1x128xi32, #tpu.memory_space<vmem>> -> memref<128xi32, #tpu.memory_space<vmem>>
      %dma_start3A_651 = arith.constant 0 : i32
      %dma_start3A_652 = arith.constant 0 : i32
      %dma_start3A_653 = tpu.memref_slice %arg2[%dma_start3A_651, %dma_start3A_652] : memref<4194304x8xf32, #tpu.memory_space<hbm>> -> memref<4194304x8xf32, #tpu.memory_space<hbm>>
      tpu.enqueue_indirect_dma source(%dma_start3A_653 : memref<4194304x8xf32, #tpu.memory_space<hbm>>) target(%dma_start3A_647 : memref<128x8xf32, #tpu.memory_space<vmem>>) offsets(%dma_start3A_650 : memref<128xi32, #tpu.memory_space<vmem>>) semaphore(%arg17 : memref<!tpu.dma_semaphore, #tpu.memory_space<semaphore_mem>>)
      %dma_start3A_654 = arith.constant 10 : i32
      %dma_start3A_655 = arith.constant 1280 : i32
      %dma_start3A_656 = arith.constant 0 : i32
      %dma_start3A_657 = tpu.memref_slice %arg12[%dma_start3A_655, %dma_start3A_656] : memref<2048x8xf32, #tpu.memory_space<vmem>> -> memref<128x8xf32, #tpu.memory_space<vmem>>
      %dma_start3A_658 = arith.constant 0 : i32
      %dma_start3A_659 = tpu.memref_slice %arg8[%dma_start3A_654, %dma_start3A_658] : memref<16x128xi32, #tpu.memory_space<vmem>> -> memref<1x128xi32, #tpu.memory_space<vmem>>
      %dma_start3A_660 = tpu.memref_squeeze %dma_start3A_659 : memref<1x128xi32, #tpu.memory_space<vmem>> -> memref<128xi32, #tpu.memory_space<vmem>>
      %dma_start3A_661 = arith.constant 0 : i32
      %dma_start3A_662 = arith.constant 0 : i32
      %dma_start3A_663 = tpu.memref_slice %arg2[%dma_start3A_661, %dma_start3A_662] : memref<4194304x8xf32, #tpu.memory_space<hbm>> -> memref<4194304x8xf32, #tpu.memory_space<hbm>>
      tpu.enqueue_indirect_dma source(%dma_start3A_663 : memref<4194304x8xf32, #tpu.memory_space<hbm>>) target(%dma_start3A_657 : memref<128x8xf32, #tpu.memory_space<vmem>>) offsets(%dma_start3A_660 : memref<128xi32, #tpu.memory_space<vmem>>) semaphore(%arg17 : memref<!tpu.dma_semaphore, #tpu.memory_space<semaphore_mem>>)
      %dma_start3A_664 = arith.constant 11 : i32
      %dma_start3A_665 = arith.constant 1408 : i32
      %dma_start3A_666 = arith.constant 0 : i32
      %dma_start3A_667 = tpu.memref_slice %arg12[%dma_start3A_665, %dma_start3A_666] : memref<2048x8xf32, #tpu.memory_space<vmem>> -> memref<128x8xf32, #tpu.memory_space<vmem>>
      %dma_start3A_668 = arith.constant 0 : i32
      %dma_start3A_669 = tpu.memref_slice %arg8[%dma_start3A_664, %dma_start3A_668] : memref<16x128xi32, #tpu.memory_space<vmem>> -> memref<1x128xi32, #tpu.memory_space<vmem>>
      %dma_start3A_670 = tpu.memref_squeeze %dma_start3A_669 : memref<1x128xi32, #tpu.memory_space<vmem>> -> memref<128xi32, #tpu.memory_space<vmem>>
      %dma_start3A_671 = arith.constant 0 : i32
      %dma_start3A_672 = arith.constant 0 : i32
      %dma_start3A_673 = tpu.memref_slice %arg2[%dma_start3A_671, %dma_start3A_672] : memref<4194304x8xf32, #tpu.memory_space<hbm>> -> memref<4194304x8xf32, #tpu.memory_space<hbm>>
      tpu.enqueue_indirect_dma source(%dma_start3A_673 : memref<4194304x8xf32, #tpu.memory_space<hbm>>) target(%dma_start3A_667 : memref<128x8xf32, #tpu.memory_space<vmem>>) offsets(%dma_start3A_670 : memref<128xi32, #tpu.memory_space<vmem>>) semaphore(%arg17 : memref<!tpu.dma_semaphore, #tpu.memory_space<semaphore_mem>>)
      %dma_start3A_674 = arith.constant 12 : i32
      %dma_start3A_675 = arith.constant 1536 : i32
      %dma_start3A_676 = arith.constant 0 : i32
      %dma_start3A_677 = tpu.memref_slice %arg12[%dma_start3A_675, %dma_start3A_676] : memref<2048x8xf32, #tpu.memory_space<vmem>> -> memref<128x8xf32, #tpu.memory_space<vmem>>
      %dma_start3A_678 = arith.constant 0 : i32
      %dma_start3A_679 = tpu.memref_slice %arg8[%dma_start3A_674, %dma_start3A_678] : memref<16x128xi32, #tpu.memory_space<vmem>> -> memref<1x128xi32, #tpu.memory_space<vmem>>
      %dma_start3A_680 = tpu.memref_squeeze %dma_start3A_679 : memref<1x128xi32, #tpu.memory_space<vmem>> -> memref<128xi32, #tpu.memory_space<vmem>>
      %dma_start3A_681 = arith.constant 0 : i32
      %dma_start3A_682 = arith.constant 0 : i32
      %dma_start3A_683 = tpu.memref_slice %arg2[%dma_start3A_681, %dma_start3A_682] : memref<4194304x8xf32, #tpu.memory_space<hbm>> -> memref<4194304x8xf32, #tpu.memory_space<hbm>>
      tpu.enqueue_indirect_dma source(%dma_start3A_683 : memref<4194304x8xf32, #tpu.memory_space<hbm>>) target(%dma_start3A_677 : memref<128x8xf32, #tpu.memory_space<vmem>>) offsets(%dma_start3A_680 : memref<128xi32, #tpu.memory_space<vmem>>) semaphore(%arg17 : memref<!tpu.dma_semaphore, #tpu.memory_space<semaphore_mem>>)
      %dma_start3A_684 = arith.constant 13 : i32
      %dma_start3A_685 = arith.constant 1664 : i32
      %dma_start3A_686 = arith.constant 0 : i32
      %dma_start3A_687 = tpu.memref_slice %arg12[%dma_start3A_685, %dma_start3A_686] : memref<2048x8xf32, #tpu.memory_space<vmem>> -> memref<128x8xf32, #tpu.memory_space<vmem>>
      %dma_start3A_688 = arith.constant 0 : i32
      %dma_start3A_689 = tpu.memref_slice %arg8[%dma_start3A_684, %dma_start3A_688] : memref<16x128xi32, #tpu.memory_space<vmem>> -> memref<1x128xi32, #tpu.memory_space<vmem>>
      %dma_start3A_690 = tpu.memref_squeeze %dma_start3A_689 : memref<1x128xi32, #tpu.memory_space<vmem>> -> memref<128xi32, #tpu.memory_space<vmem>>
      %dma_start3A_691 = arith.constant 0 : i32
      %dma_start3A_692 = arith.constant 0 : i32
      %dma_start3A_693 = tpu.memref_slice %arg2[%dma_start3A_691, %dma_start3A_692] : memref<4194304x8xf32, #tpu.memory_space<hbm>> -> memref<4194304x8xf32, #tpu.memory_space<hbm>>
      tpu.enqueue_indirect_dma source(%dma_start3A_693 : memref<4194304x8xf32, #tpu.memory_space<hbm>>) target(%dma_start3A_687 : memref<128x8xf32, #tpu.memory_space<vmem>>) offsets(%dma_start3A_690 : memref<128xi32, #tpu.memory_space<vmem>>) semaphore(%arg17 : memref<!tpu.dma_semaphore, #tpu.memory_space<semaphore_mem>>)
      %dma_start3A_694 = arith.constant 14 : i32
      %dma_start3A_695 = arith.constant 1792 : i32
      %dma_start3A_696 = arith.constant 0 : i32
      %dma_start3A_697 = tpu.memref_slice %arg12[%dma_start3A_695, %dma_start3A_696] : memref<2048x8xf32, #tpu.memory_space<vmem>> -> memref<128x8xf32, #tpu.memory_space<vmem>>
      %dma_start3A_698 = arith.constant 0 : i32
      %dma_start3A_699 = tpu.memref_slice %arg8[%dma_start3A_694, %dma_start3A_698] : memref<16x128xi32, #tpu.memory_space<vmem>> -> memref<1x128xi32, #tpu.memory_space<vmem>>
      %dma_start3A_700 = tpu.memref_squeeze %dma_start3A_699 : memref<1x128xi32, #tpu.memory_space<vmem>> -> memref<128xi32, #tpu.memory_space<vmem>>
      %dma_start3A_701 = arith.constant 0 : i32
      %dma_start3A_702 = arith.constant 0 : i32
      %dma_start3A_703 = tpu.memref_slice %arg2[%dma_start3A_701, %dma_start3A_702] : memref<4194304x8xf32, #tpu.memory_space<hbm>> -> memref<4194304x8xf32, #tpu.memory_space<hbm>>
      tpu.enqueue_indirect_dma source(%dma_start3A_703 : memref<4194304x8xf32, #tpu.memory_space<hbm>>) target(%dma_start3A_697 : memref<128x8xf32, #tpu.memory_space<vmem>>) offsets(%dma_start3A_700 : memref<128xi32, #tpu.memory_space<vmem>>) semaphore(%arg17 : memref<!tpu.dma_semaphore, #tpu.memory_space<semaphore_mem>>)
      %dma_start3A_704 = arith.constant 15 : i32
      %dma_start3A_705 = arith.constant 1920 : i32
      %dma_start3A_706 = arith.constant 0 : i32
      %dma_start3A_707 = tpu.memref_slice %arg12[%dma_start3A_705, %dma_start3A_706] : memref<2048x8xf32, #tpu.memory_space<vmem>> -> memref<128x8xf32, #tpu.memory_space<vmem>>
      %dma_start3A_708 = arith.constant 0 : i32
      %dma_start3A_709 = tpu.memref_slice %arg8[%dma_start3A_704, %dma_start3A_708] : memref<16x128xi32, #tpu.memory_space<vmem>> -> memref<1x128xi32, #tpu.memory_space<vmem>>
      %dma_start3A_710 = tpu.memref_squeeze %dma_start3A_709 : memref<1x128xi32, #tpu.memory_space<vmem>> -> memref<128xi32, #tpu.memory_space<vmem>>
      %dma_start3A_711 = arith.constant 0 : i32
      %dma_start3A_712 = arith.constant 0 : i32
      %dma_start3A_713 = tpu.memref_slice %arg2[%dma_start3A_711, %dma_start3A_712] : memref<4194304x8xf32, #tpu.memory_space<hbm>> -> memref<4194304x8xf32, #tpu.memory_space<hbm>>
      tpu.enqueue_indirect_dma source(%dma_start3A_713 : memref<4194304x8xf32, #tpu.memory_space<hbm>>) target(%dma_start3A_707 : memref<128x8xf32, #tpu.memory_space<vmem>>) offsets(%dma_start3A_710 : memref<128xi32, #tpu.memory_space<vmem>>) semaphore(%arg17 : memref<!tpu.dma_semaphore, #tpu.memory_space<semaphore_mem>>)
      %ge3A_714 = arith.constant 1 : i32
      %ge3A_715 = arith.cmpi sge, %scan3A_373, %ge3A_714 : i32
      %convert_element_type3A_716 = arith.extui %ge3A_715 : i1 to i32
      %cond3A_717 = arith.constant 0 : i32
      %cond3A_718 = arith.cmpi ne, %convert_element_type3A_716, %cond3A_717 : i32
      scf.if %cond3A_718 {
        %dma_wait3A_1415 = arith.constant 0 : i32
        %dma_wait3A_1416 = arith.constant 0 : i32
        %dma_wait3A_1417 = arith.constant 0 : i32
        %dma_wait3A_1418 = tpu.memref_slice %arg13[%dma_wait3A_1416, %dma_wait3A_1417] : memref<2048x8xf32, #tpu.memory_space<vmem>> -> memref<128x8xf32, #tpu.memory_space<vmem>>
        %dma_wait3A_1419 = arith.constant 0 : i32
        %dma_wait3A_1420 = tpu.memref_slice %arg9[%dma_wait3A_1415, %dma_wait3A_1419] : memref<16x128xi32, #tpu.memory_space<vmem>> -> memref<1x128xi32, #tpu.memory_space<vmem>>
        %dma_wait3A_1421 = tpu.memref_squeeze %dma_wait3A_1420 : memref<1x128xi32, #tpu.memory_space<vmem>> -> memref<128xi32, #tpu.memory_space<vmem>>
        %dma_wait3A_1422 = arith.constant 0 : i32
        %dma_wait3A_1423 = arith.constant 0 : i32
        %dma_wait3A_1424 = tpu.memref_slice %arg2[%dma_wait3A_1422, %dma_wait3A_1423] : memref<4194304x8xf32, #tpu.memory_space<hbm>> -> memref<4194304x8xf32, #tpu.memory_space<hbm>>
        tpu.wait_indirect_dma semaphore(%arg18 : memref<!tpu.dma_semaphore, #tpu.memory_space<semaphore_mem>>) src(%dma_wait3A_1424 : memref<4194304x8xf32, #tpu.memory_space<hbm>>) dst(%dma_wait3A_1418 : memref<128x8xf32, #tpu.memory_space<vmem>>)
        %dma_wait3A_1425 = arith.constant 1 : i32
        %dma_wait3A_1426 = arith.constant 128 : i32
        %dma_wait3A_1427 = arith.constant 0 : i32
        %dma_wait3A_1428 = tpu.memref_slice %arg13[%dma_wait3A_1426, %dma_wait3A_1427] : memref<2048x8xf32, #tpu.memory_space<vmem>> -> memref<128x8xf32, #tpu.memory_space<vmem>>
        %dma_wait3A_1429 = arith.constant 0 : i32
        %dma_wait3A_1430 = tpu.memref_slice %arg9[%dma_wait3A_1425, %dma_wait3A_1429] : memref<16x128xi32, #tpu.memory_space<vmem>> -> memref<1x128xi32, #tpu.memory_space<vmem>>
        %dma_wait3A_1431 = tpu.memref_squeeze %dma_wait3A_1430 : memref<1x128xi32, #tpu.memory_space<vmem>> -> memref<128xi32, #tpu.memory_space<vmem>>
        %dma_wait3A_1432 = arith.constant 0 : i32
        %dma_wait3A_1433 = arith.constant 0 : i32
        %dma_wait3A_1434 = tpu.memref_slice %arg2[%dma_wait3A_1432, %dma_wait3A_1433] : memref<4194304x8xf32, #tpu.memory_space<hbm>> -> memref<4194304x8xf32, #tpu.memory_space<hbm>>
        tpu.wait_indirect_dma semaphore(%arg18 : memref<!tpu.dma_semaphore, #tpu.memory_space<semaphore_mem>>) src(%dma_wait3A_1434 : memref<4194304x8xf32, #tpu.memory_space<hbm>>) dst(%dma_wait3A_1428 : memref<128x8xf32, #tpu.memory_space<vmem>>)
        %dma_wait3A_1435 = arith.constant 2 : i32
        %dma_wait3A_1436 = arith.constant 256 : i32
        %dma_wait3A_1437 = arith.constant 0 : i32
        %dma_wait3A_1438 = tpu.memref_slice %arg13[%dma_wait3A_1436, %dma_wait3A_1437] : memref<2048x8xf32, #tpu.memory_space<vmem>> -> memref<128x8xf32, #tpu.memory_space<vmem>>
        %dma_wait3A_1439 = arith.constant 0 : i32
        %dma_wait3A_1440 = tpu.memref_slice %arg9[%dma_wait3A_1435, %dma_wait3A_1439] : memref<16x128xi32, #tpu.memory_space<vmem>> -> memref<1x128xi32, #tpu.memory_space<vmem>>
        %dma_wait3A_1441 = tpu.memref_squeeze %dma_wait3A_1440 : memref<1x128xi32, #tpu.memory_space<vmem>> -> memref<128xi32, #tpu.memory_space<vmem>>
        %dma_wait3A_1442 = arith.constant 0 : i32
        %dma_wait3A_1443 = arith.constant 0 : i32
        %dma_wait3A_1444 = tpu.memref_slice %arg2[%dma_wait3A_1442, %dma_wait3A_1443] : memref<4194304x8xf32, #tpu.memory_space<hbm>> -> memref<4194304x8xf32, #tpu.memory_space<hbm>>
        tpu.wait_indirect_dma semaphore(%arg18 : memref<!tpu.dma_semaphore, #tpu.memory_space<semaphore_mem>>) src(%dma_wait3A_1444 : memref<4194304x8xf32, #tpu.memory_space<hbm>>) dst(%dma_wait3A_1438 : memref<128x8xf32, #tpu.memory_space<vmem>>)
        %dma_wait3A_1445 = arith.constant 3 : i32
        %dma_wait3A_1446 = arith.constant 384 : i32
        %dma_wait3A_1447 = arith.constant 0 : i32
        %dma_wait3A_1448 = tpu.memref_slice %arg13[%dma_wait3A_1446, %dma_wait3A_1447] : memref<2048x8xf32, #tpu.memory_space<vmem>> -> memref<128x8xf32, #tpu.memory_space<vmem>>
        %dma_wait3A_1449 = arith.constant 0 : i32
        %dma_wait3A_1450 = tpu.memref_slice %arg9[%dma_wait3A_1445, %dma_wait3A_1449] : memref<16x128xi32, #tpu.memory_space<vmem>> -> memref<1x128xi32, #tpu.memory_space<vmem>>
        %dma_wait3A_1451 = tpu.memref_squeeze %dma_wait3A_1450 : memref<1x128xi32, #tpu.memory_space<vmem>> -> memref<128xi32, #tpu.memory_space<vmem>>
        %dma_wait3A_1452 = arith.constant 0 : i32
        %dma_wait3A_1453 = arith.constant 0 : i32
        %dma_wait3A_1454 = tpu.memref_slice %arg2[%dma_wait3A_1452, %dma_wait3A_1453] : memref<4194304x8xf32, #tpu.memory_space<hbm>> -> memref<4194304x8xf32, #tpu.memory_space<hbm>>
        tpu.wait_indirect_dma semaphore(%arg18 : memref<!tpu.dma_semaphore, #tpu.memory_space<semaphore_mem>>) src(%dma_wait3A_1454 : memref<4194304x8xf32, #tpu.memory_space<hbm>>) dst(%dma_wait3A_1448 : memref<128x8xf32, #tpu.memory_space<vmem>>)
        %dma_wait3A_1455 = arith.constant 4 : i32
        %dma_wait3A_1456 = arith.constant 512 : i32
        %dma_wait3A_1457 = arith.constant 0 : i32
        %dma_wait3A_1458 = tpu.memref_slice %arg13[%dma_wait3A_1456, %dma_wait3A_1457] : memref<2048x8xf32, #tpu.memory_space<vmem>> -> memref<128x8xf32, #tpu.memory_space<vmem>>
        %dma_wait3A_1459 = arith.constant 0 : i32
        %dma_wait3A_1460 = tpu.memref_slice %arg9[%dma_wait3A_1455, %dma_wait3A_1459] : memref<16x128xi32, #tpu.memory_space<vmem>> -> memref<1x128xi32, #tpu.memory_space<vmem>>
        %dma_wait3A_1461 = tpu.memref_squeeze %dma_wait3A_1460 : memref<1x128xi32, #tpu.memory_space<vmem>> -> memref<128xi32, #tpu.memory_space<vmem>>
        %dma_wait3A_1462 = arith.constant 0 : i32
        %dma_wait3A_1463 = arith.constant 0 : i32
        %dma_wait3A_1464 = tpu.memref_slice %arg2[%dma_wait3A_1462, %dma_wait3A_1463] : memref<4194304x8xf32, #tpu.memory_space<hbm>> -> memref<4194304x8xf32, #tpu.memory_space<hbm>>
        tpu.wait_indirect_dma semaphore(%arg18 : memref<!tpu.dma_semaphore, #tpu.memory_space<semaphore_mem>>) src(%dma_wait3A_1464 : memref<4194304x8xf32, #tpu.memory_space<hbm>>) dst(%dma_wait3A_1458 : memref<128x8xf32, #tpu.memory_space<vmem>>)
        %dma_wait3A_1465 = arith.constant 5 : i32
        %dma_wait3A_1466 = arith.constant 640 : i32
        %dma_wait3A_1467 = arith.constant 0 : i32
        %dma_wait3A_1468 = tpu.memref_slice %arg13[%dma_wait3A_1466, %dma_wait3A_1467] : memref<2048x8xf32, #tpu.memory_space<vmem>> -> memref<128x8xf32, #tpu.memory_space<vmem>>
        %dma_wait3A_1469 = arith.constant 0 : i32
        %dma_wait3A_1470 = tpu.memref_slice %arg9[%dma_wait3A_1465, %dma_wait3A_1469] : memref<16x128xi32, #tpu.memory_space<vmem>> -> memref<1x128xi32, #tpu.memory_space<vmem>>
        %dma_wait3A_1471 = tpu.memref_squeeze %dma_wait3A_1470 : memref<1x128xi32, #tpu.memory_space<vmem>> -> memref<128xi32, #tpu.memory_space<vmem>>
        %dma_wait3A_1472 = arith.constant 0 : i32
        %dma_wait3A_1473 = arith.constant 0 : i32
        %dma_wait3A_1474 = tpu.memref_slice %arg2[%dma_wait3A_1472, %dma_wait3A_1473] : memref<4194304x8xf32, #tpu.memory_space<hbm>> -> memref<4194304x8xf32, #tpu.memory_space<hbm>>
        tpu.wait_indirect_dma semaphore(%arg18 : memref<!tpu.dma_semaphore, #tpu.memory_space<semaphore_mem>>) src(%dma_wait3A_1474 : memref<4194304x8xf32, #tpu.memory_space<hbm>>) dst(%dma_wait3A_1468 : memref<128x8xf32, #tpu.memory_space<vmem>>)
        %dma_wait3A_1475 = arith.constant 6 : i32
        %dma_wait3A_1476 = arith.constant 768 : i32
        %dma_wait3A_1477 = arith.constant 0 : i32
        %dma_wait3A_1478 = tpu.memref_slice %arg13[%dma_wait3A_1476, %dma_wait3A_1477] : memref<2048x8xf32, #tpu.memory_space<vmem>> -> memref<128x8xf32, #tpu.memory_space<vmem>>
        %dma_wait3A_1479 = arith.constant 0 : i32
        %dma_wait3A_1480 = tpu.memref_slice %arg9[%dma_wait3A_1475, %dma_wait3A_1479] : memref<16x128xi32, #tpu.memory_space<vmem>> -> memref<1x128xi32, #tpu.memory_space<vmem>>
        %dma_wait3A_1481 = tpu.memref_squeeze %dma_wait3A_1480 : memref<1x128xi32, #tpu.memory_space<vmem>> -> memref<128xi32, #tpu.memory_space<vmem>>
        %dma_wait3A_1482 = arith.constant 0 : i32
        %dma_wait3A_1483 = arith.constant 0 : i32
        %dma_wait3A_1484 = tpu.memref_slice %arg2[%dma_wait3A_1482, %dma_wait3A_1483] : memref<4194304x8xf32, #tpu.memory_space<hbm>> -> memref<4194304x8xf32, #tpu.memory_space<hbm>>
        tpu.wait_indirect_dma semaphore(%arg18 : memref<!tpu.dma_semaphore, #tpu.memory_space<semaphore_mem>>) src(%dma_wait3A_1484 : memref<4194304x8xf32, #tpu.memory_space<hbm>>) dst(%dma_wait3A_1478 : memref<128x8xf32, #tpu.memory_space<vmem>>)
        %dma_wait3A_1485 = arith.constant 7 : i32
        %dma_wait3A_1486 = arith.constant 896 : i32
        %dma_wait3A_1487 = arith.constant 0 : i32
        %dma_wait3A_1488 = tpu.memref_slice %arg13[%dma_wait3A_1486, %dma_wait3A_1487] : memref<2048x8xf32, #tpu.memory_space<vmem>> -> memref<128x8xf32, #tpu.memory_space<vmem>>
        %dma_wait3A_1489 = arith.constant 0 : i32
        %dma_wait3A_1490 = tpu.memref_slice %arg9[%dma_wait3A_1485, %dma_wait3A_1489] : memref<16x128xi32, #tpu.memory_space<vmem>> -> memref<1x128xi32, #tpu.memory_space<vmem>>
        %dma_wait3A_1491 = tpu.memref_squeeze %dma_wait3A_1490 : memref<1x128xi32, #tpu.memory_space<vmem>> -> memref<128xi32, #tpu.memory_space<vmem>>
        %dma_wait3A_1492 = arith.constant 0 : i32
        %dma_wait3A_1493 = arith.constant 0 : i32
        %dma_wait3A_1494 = tpu.memref_slice %arg2[%dma_wait3A_1492, %dma_wait3A_1493] : memref<4194304x8xf32, #tpu.memory_space<hbm>> -> memref<4194304x8xf32, #tpu.memory_space<hbm>>
        tpu.wait_indirect_dma semaphore(%arg18 : memref<!tpu.dma_semaphore, #tpu.memory_space<semaphore_mem>>) src(%dma_wait3A_1494 : memref<4194304x8xf32, #tpu.memory_space<hbm>>) dst(%dma_wait3A_1488 : memref<128x8xf32, #tpu.memory_space<vmem>>)
        %dma_wait3A_1495 = arith.constant 8 : i32
        %dma_wait3A_1496 = arith.constant 1024 : i32
        %dma_wait3A_1497 = arith.constant 0 : i32
        %dma_wait3A_1498 = tpu.memref_slice %arg13[%dma_wait3A_1496, %dma_wait3A_1497] : memref<2048x8xf32, #tpu.memory_space<vmem>> -> memref<128x8xf32, #tpu.memory_space<vmem>>
        %dma_wait3A_1499 = arith.constant 0 : i32
        %dma_wait3A_1500 = tpu.memref_slice %arg9[%dma_wait3A_1495, %dma_wait3A_1499] : memref<16x128xi32, #tpu.memory_space<vmem>> -> memref<1x128xi32, #tpu.memory_space<vmem>>
        %dma_wait3A_1501 = tpu.memref_squeeze %dma_wait3A_1500 : memref<1x128xi32, #tpu.memory_space<vmem>> -> memref<128xi32, #tpu.memory_space<vmem>>
        %dma_wait3A_1502 = arith.constant 0 : i32
        %dma_wait3A_1503 = arith.constant 0 : i32
        %dma_wait3A_1504 = tpu.memref_slice %arg2[%dma_wait3A_1502, %dma_wait3A_1503] : memref<4194304x8xf32, #tpu.memory_space<hbm>> -> memref<4194304x8xf32, #tpu.memory_space<hbm>>
        tpu.wait_indirect_dma semaphore(%arg18 : memref<!tpu.dma_semaphore, #tpu.memory_space<semaphore_mem>>) src(%dma_wait3A_1504 : memref<4194304x8xf32, #tpu.memory_space<hbm>>) dst(%dma_wait3A_1498 : memref<128x8xf32, #tpu.memory_space<vmem>>)
        %dma_wait3A_1505 = arith.constant 9 : i32
        %dma_wait3A_1506 = arith.constant 1152 : i32
        %dma_wait3A_1507 = arith.constant 0 : i32
        %dma_wait3A_1508 = tpu.memref_slice %arg13[%dma_wait3A_1506, %dma_wait3A_1507] : memref<2048x8xf32, #tpu.memory_space<vmem>> -> memref<128x8xf32, #tpu.memory_space<vmem>>
        %dma_wait3A_1509 = arith.constant 0 : i32
        %dma_wait3A_1510 = tpu.memref_slice %arg9[%dma_wait3A_1505, %dma_wait3A_1509] : memref<16x128xi32, #tpu.memory_space<vmem>> -> memref<1x128xi32, #tpu.memory_space<vmem>>
        %dma_wait3A_1511 = tpu.memref_squeeze %dma_wait3A_1510 : memref<1x128xi32, #tpu.memory_space<vmem>> -> memref<128xi32, #tpu.memory_space<vmem>>
        %dma_wait3A_1512 = arith.constant 0 : i32
        %dma_wait3A_1513 = arith.constant 0 : i32
        %dma_wait3A_1514 = tpu.memref_slice %arg2[%dma_wait3A_1512, %dma_wait3A_1513] : memref<4194304x8xf32, #tpu.memory_space<hbm>> -> memref<4194304x8xf32, #tpu.memory_space<hbm>>
        tpu.wait_indirect_dma semaphore(%arg18 : memref<!tpu.dma_semaphore, #tpu.memory_space<semaphore_mem>>) src(%dma_wait3A_1514 : memref<4194304x8xf32, #tpu.memory_space<hbm>>) dst(%dma_wait3A_1508 : memref<128x8xf32, #tpu.memory_space<vmem>>)
        %dma_wait3A_1515 = arith.constant 10 : i32
        %dma_wait3A_1516 = arith.constant 1280 : i32
        %dma_wait3A_1517 = arith.constant 0 : i32
        %dma_wait3A_1518 = tpu.memref_slice %arg13[%dma_wait3A_1516, %dma_wait3A_1517] : memref<2048x8xf32, #tpu.memory_space<vmem>> -> memref<128x8xf32, #tpu.memory_space<vmem>>
        %dma_wait3A_1519 = arith.constant 0 : i32
        %dma_wait3A_1520 = tpu.memref_slice %arg9[%dma_wait3A_1515, %dma_wait3A_1519] : memref<16x128xi32, #tpu.memory_space<vmem>> -> memref<1x128xi32, #tpu.memory_space<vmem>>
        %dma_wait3A_1521 = tpu.memref_squeeze %dma_wait3A_1520 : memref<1x128xi32, #tpu.memory_space<vmem>> -> memref<128xi32, #tpu.memory_space<vmem>>
        %dma_wait3A_1522 = arith.constant 0 : i32
        %dma_wait3A_1523 = arith.constant 0 : i32
        %dma_wait3A_1524 = tpu.memref_slice %arg2[%dma_wait3A_1522, %dma_wait3A_1523] : memref<4194304x8xf32, #tpu.memory_space<hbm>> -> memref<4194304x8xf32, #tpu.memory_space<hbm>>
        tpu.wait_indirect_dma semaphore(%arg18 : memref<!tpu.dma_semaphore, #tpu.memory_space<semaphore_mem>>) src(%dma_wait3A_1524 : memref<4194304x8xf32, #tpu.memory_space<hbm>>) dst(%dma_wait3A_1518 : memref<128x8xf32, #tpu.memory_space<vmem>>)
        %dma_wait3A_1525 = arith.constant 11 : i32
        %dma_wait3A_1526 = arith.constant 1408 : i32
        %dma_wait3A_1527 = arith.constant 0 : i32
        %dma_wait3A_1528 = tpu.memref_slice %arg13[%dma_wait3A_1526, %dma_wait3A_1527] : memref<2048x8xf32, #tpu.memory_space<vmem>> -> memref<128x8xf32, #tpu.memory_space<vmem>>
        %dma_wait3A_1529 = arith.constant 0 : i32
        %dma_wait3A_1530 = tpu.memref_slice %arg9[%dma_wait3A_1525, %dma_wait3A_1529] : memref<16x128xi32, #tpu.memory_space<vmem>> -> memref<1x128xi32, #tpu.memory_space<vmem>>
        %dma_wait3A_1531 = tpu.memref_squeeze %dma_wait3A_1530 : memref<1x128xi32, #tpu.memory_space<vmem>> -> memref<128xi32, #tpu.memory_space<vmem>>
        %dma_wait3A_1532 = arith.constant 0 : i32
        %dma_wait3A_1533 = arith.constant 0 : i32
        %dma_wait3A_1534 = tpu.memref_slice %arg2[%dma_wait3A_1532, %dma_wait3A_1533] : memref<4194304x8xf32, #tpu.memory_space<hbm>> -> memref<4194304x8xf32, #tpu.memory_space<hbm>>
        tpu.wait_indirect_dma semaphore(%arg18 : memref<!tpu.dma_semaphore, #tpu.memory_space<semaphore_mem>>) src(%dma_wait3A_1534 : memref<4194304x8xf32, #tpu.memory_space<hbm>>) dst(%dma_wait3A_1528 : memref<128x8xf32, #tpu.memory_space<vmem>>)
        %dma_wait3A_1535 = arith.constant 12 : i32
        %dma_wait3A_1536 = arith.constant 1536 : i32
        %dma_wait3A_1537 = arith.constant 0 : i32
        %dma_wait3A_1538 = tpu.memref_slice %arg13[%dma_wait3A_1536, %dma_wait3A_1537] : memref<2048x8xf32, #tpu.memory_space<vmem>> -> memref<128x8xf32, #tpu.memory_space<vmem>>
        %dma_wait3A_1539 = arith.constant 0 : i32
        %dma_wait3A_1540 = tpu.memref_slice %arg9[%dma_wait3A_1535, %dma_wait3A_1539] : memref<16x128xi32, #tpu.memory_space<vmem>> -> memref<1x128xi32, #tpu.memory_space<vmem>>
        %dma_wait3A_1541 = tpu.memref_squeeze %dma_wait3A_1540 : memref<1x128xi32, #tpu.memory_space<vmem>> -> memref<128xi32, #tpu.memory_space<vmem>>
        %dma_wait3A_1542 = arith.constant 0 : i32
        %dma_wait3A_1543 = arith.constant 0 : i32
        %dma_wait3A_1544 = tpu.memref_slice %arg2[%dma_wait3A_1542, %dma_wait3A_1543] : memref<4194304x8xf32, #tpu.memory_space<hbm>> -> memref<4194304x8xf32, #tpu.memory_space<hbm>>
        tpu.wait_indirect_dma semaphore(%arg18 : memref<!tpu.dma_semaphore, #tpu.memory_space<semaphore_mem>>) src(%dma_wait3A_1544 : memref<4194304x8xf32, #tpu.memory_space<hbm>>) dst(%dma_wait3A_1538 : memref<128x8xf32, #tpu.memory_space<vmem>>)
        %dma_wait3A_1545 = arith.constant 13 : i32
        %dma_wait3A_1546 = arith.constant 1664 : i32
        %dma_wait3A_1547 = arith.constant 0 : i32
        %dma_wait3A_1548 = tpu.memref_slice %arg13[%dma_wait3A_1546, %dma_wait3A_1547] : memref<2048x8xf32, #tpu.memory_space<vmem>> -> memref<128x8xf32, #tpu.memory_space<vmem>>
        %dma_wait3A_1549 = arith.constant 0 : i32
        %dma_wait3A_1550 = tpu.memref_slice %arg9[%dma_wait3A_1545, %dma_wait3A_1549] : memref<16x128xi32, #tpu.memory_space<vmem>> -> memref<1x128xi32, #tpu.memory_space<vmem>>
        %dma_wait3A_1551 = tpu.memref_squeeze %dma_wait3A_1550 : memref<1x128xi32, #tpu.memory_space<vmem>> -> memref<128xi32, #tpu.memory_space<vmem>>
        %dma_wait3A_1552 = arith.constant 0 : i32
        %dma_wait3A_1553 = arith.constant 0 : i32
        %dma_wait3A_1554 = tpu.memref_slice %arg2[%dma_wait3A_1552, %dma_wait3A_1553] : memref<4194304x8xf32, #tpu.memory_space<hbm>> -> memref<4194304x8xf32, #tpu.memory_space<hbm>>
        tpu.wait_indirect_dma semaphore(%arg18 : memref<!tpu.dma_semaphore, #tpu.memory_space<semaphore_mem>>) src(%dma_wait3A_1554 : memref<4194304x8xf32, #tpu.memory_space<hbm>>) dst(%dma_wait3A_1548 : memref<128x8xf32, #tpu.memory_space<vmem>>)
        %dma_wait3A_1555 = arith.constant 14 : i32
        %dma_wait3A_1556 = arith.constant 1792 : i32
        %dma_wait3A_1557 = arith.constant 0 : i32
        %dma_wait3A_1558 = tpu.memref_slice %arg13[%dma_wait3A_1556, %dma_wait3A_1557] : memref<2048x8xf32, #tpu.memory_space<vmem>> -> memref<128x8xf32, #tpu.memory_space<vmem>>
        %dma_wait3A_1559 = arith.constant 0 : i32
        %dma_wait3A_1560 = tpu.memref_slice %arg9[%dma_wait3A_1555, %dma_wait3A_1559] : memref<16x128xi32, #tpu.memory_space<vmem>> -> memref<1x128xi32, #tpu.memory_space<vmem>>
        %dma_wait3A_1561 = tpu.memref_squeeze %dma_wait3A_1560 : memref<1x128xi32, #tpu.memory_space<vmem>> -> memref<128xi32, #tpu.memory_space<vmem>>
        %dma_wait3A_1562 = arith.constant 0 : i32
        %dma_wait3A_1563 = arith.constant 0 : i32
        %dma_wait3A_1564 = tpu.memref_slice %arg2[%dma_wait3A_1562, %dma_wait3A_1563] : memref<4194304x8xf32, #tpu.memory_space<hbm>> -> memref<4194304x8xf32, #tpu.memory_space<hbm>>
        tpu.wait_indirect_dma semaphore(%arg18 : memref<!tpu.dma_semaphore, #tpu.memory_space<semaphore_mem>>) src(%dma_wait3A_1564 : memref<4194304x8xf32, #tpu.memory_space<hbm>>) dst(%dma_wait3A_1558 : memref<128x8xf32, #tpu.memory_space<vmem>>)
        %dma_wait3A_1565 = arith.constant 15 : i32
        %dma_wait3A_1566 = arith.constant 1920 : i32
        %dma_wait3A_1567 = arith.constant 0 : i32
        %dma_wait3A_1568 = tpu.memref_slice %arg13[%dma_wait3A_1566, %dma_wait3A_1567] : memref<2048x8xf32, #tpu.memory_space<vmem>> -> memref<128x8xf32, #tpu.memory_space<vmem>>
        %dma_wait3A_1569 = arith.constant 0 : i32
        %dma_wait3A_1570 = tpu.memref_slice %arg9[%dma_wait3A_1565, %dma_wait3A_1569] : memref<16x128xi32, #tpu.memory_space<vmem>> -> memref<1x128xi32, #tpu.memory_space<vmem>>
        %dma_wait3A_1571 = tpu.memref_squeeze %dma_wait3A_1570 : memref<1x128xi32, #tpu.memory_space<vmem>> -> memref<128xi32, #tpu.memory_space<vmem>>
        %dma_wait3A_1572 = arith.constant 0 : i32
        %dma_wait3A_1573 = arith.constant 0 : i32
        %dma_wait3A_1574 = tpu.memref_slice %arg2[%dma_wait3A_1572, %dma_wait3A_1573] : memref<4194304x8xf32, #tpu.memory_space<hbm>> -> memref<4194304x8xf32, #tpu.memory_space<hbm>>
        tpu.wait_indirect_dma semaphore(%arg18 : memref<!tpu.dma_semaphore, #tpu.memory_space<semaphore_mem>>) src(%dma_wait3A_1574 : memref<4194304x8xf32, #tpu.memory_space<hbm>>) dst(%dma_wait3A_1568 : memref<128x8xf32, #tpu.memory_space<vmem>>)
        %dma_wait3A_1575 = arith.constant 0 : i32
        %dma_wait3A_1576 = arith.constant 0 : i32
        %dma_wait3A_1577 = arith.constant 0 : i32
        %dma_wait3A_1578 = tpu.memref_slice %arg14[%dma_wait3A_1576, %dma_wait3A_1577] : memref<2048x8xf32, #tpu.memory_space<vmem>> -> memref<128x8xf32, #tpu.memory_space<vmem>>
        %dma_wait3A_1579 = arith.constant 0 : i32
        %dma_wait3A_1580 = tpu.memref_slice %arg10[%dma_wait3A_1575, %dma_wait3A_1579] : memref<16x128xi32, #tpu.memory_space<vmem>> -> memref<1x128xi32, #tpu.memory_space<vmem>>
        %dma_wait3A_1581 = tpu.memref_squeeze %dma_wait3A_1580 : memref<1x128xi32, #tpu.memory_space<vmem>> -> memref<128xi32, #tpu.memory_space<vmem>>
        %dma_wait3A_1582 = arith.constant 0 : i32
        %dma_wait3A_1583 = arith.constant 0 : i32
        %dma_wait3A_1584 = tpu.memref_slice %arg2[%dma_wait3A_1582, %dma_wait3A_1583] : memref<4194304x8xf32, #tpu.memory_space<hbm>> -> memref<4194304x8xf32, #tpu.memory_space<hbm>>
        tpu.wait_indirect_dma semaphore(%arg18 : memref<!tpu.dma_semaphore, #tpu.memory_space<semaphore_mem>>) src(%dma_wait3A_1584 : memref<4194304x8xf32, #tpu.memory_space<hbm>>) dst(%dma_wait3A_1578 : memref<128x8xf32, #tpu.memory_space<vmem>>)
        %dma_wait3A_1585 = arith.constant 1 : i32
        %dma_wait3A_1586 = arith.constant 128 : i32
        %dma_wait3A_1587 = arith.constant 0 : i32
        %dma_wait3A_1588 = tpu.memref_slice %arg14[%dma_wait3A_1586, %dma_wait3A_1587] : memref<2048x8xf32, #tpu.memory_space<vmem>> -> memref<128x8xf32, #tpu.memory_space<vmem>>
        %dma_wait3A_1589 = arith.constant 0 : i32
        %dma_wait3A_1590 = tpu.memref_slice %arg10[%dma_wait3A_1585, %dma_wait3A_1589] : memref<16x128xi32, #tpu.memory_space<vmem>> -> memref<1x128xi32, #tpu.memory_space<vmem>>
        %dma_wait3A_1591 = tpu.memref_squeeze %dma_wait3A_1590 : memref<1x128xi32, #tpu.memory_space<vmem>> -> memref<128xi32, #tpu.memory_space<vmem>>
        %dma_wait3A_1592 = arith.constant 0 : i32
        %dma_wait3A_1593 = arith.constant 0 : i32
        %dma_wait3A_1594 = tpu.memref_slice %arg2[%dma_wait3A_1592, %dma_wait3A_1593] : memref<4194304x8xf32, #tpu.memory_space<hbm>> -> memref<4194304x8xf32, #tpu.memory_space<hbm>>
        tpu.wait_indirect_dma semaphore(%arg18 : memref<!tpu.dma_semaphore, #tpu.memory_space<semaphore_mem>>) src(%dma_wait3A_1594 : memref<4194304x8xf32, #tpu.memory_space<hbm>>) dst(%dma_wait3A_1588 : memref<128x8xf32, #tpu.memory_space<vmem>>)
        %dma_wait3A_1595 = arith.constant 2 : i32
        %dma_wait3A_1596 = arith.constant 256 : i32
        %dma_wait3A_1597 = arith.constant 0 : i32
        %dma_wait3A_1598 = tpu.memref_slice %arg14[%dma_wait3A_1596, %dma_wait3A_1597] : memref<2048x8xf32, #tpu.memory_space<vmem>> -> memref<128x8xf32, #tpu.memory_space<vmem>>
        %dma_wait3A_1599 = arith.constant 0 : i32
        %dma_wait3A_1600 = tpu.memref_slice %arg10[%dma_wait3A_1595, %dma_wait3A_1599] : memref<16x128xi32, #tpu.memory_space<vmem>> -> memref<1x128xi32, #tpu.memory_space<vmem>>
        %dma_wait3A_1601 = tpu.memref_squeeze %dma_wait3A_1600 : memref<1x128xi32, #tpu.memory_space<vmem>> -> memref<128xi32, #tpu.memory_space<vmem>>
        %dma_wait3A_1602 = arith.constant 0 : i32
        %dma_wait3A_1603 = arith.constant 0 : i32
        %dma_wait3A_1604 = tpu.memref_slice %arg2[%dma_wait3A_1602, %dma_wait3A_1603] : memref<4194304x8xf32, #tpu.memory_space<hbm>> -> memref<4194304x8xf32, #tpu.memory_space<hbm>>
        tpu.wait_indirect_dma semaphore(%arg18 : memref<!tpu.dma_semaphore, #tpu.memory_space<semaphore_mem>>) src(%dma_wait3A_1604 : memref<4194304x8xf32, #tpu.memory_space<hbm>>) dst(%dma_wait3A_1598 : memref<128x8xf32, #tpu.memory_space<vmem>>)
        %dma_wait3A_1605 = arith.constant 3 : i32
        %dma_wait3A_1606 = arith.constant 384 : i32
        %dma_wait3A_1607 = arith.constant 0 : i32
        %dma_wait3A_1608 = tpu.memref_slice %arg14[%dma_wait3A_1606, %dma_wait3A_1607] : memref<2048x8xf32, #tpu.memory_space<vmem>> -> memref<128x8xf32, #tpu.memory_space<vmem>>
        %dma_wait3A_1609 = arith.constant 0 : i32
        %dma_wait3A_1610 = tpu.memref_slice %arg10[%dma_wait3A_1605, %dma_wait3A_1609] : memref<16x128xi32, #tpu.memory_space<vmem>> -> memref<1x128xi32, #tpu.memory_space<vmem>>
        %dma_wait3A_1611 = tpu.memref_squeeze %dma_wait3A_1610 : memref<1x128xi32, #tpu.memory_space<vmem>> -> memref<128xi32, #tpu.memory_space<vmem>>
        %dma_wait3A_1612 = arith.constant 0 : i32
        %dma_wait3A_1613 = arith.constant 0 : i32
        %dma_wait3A_1614 = tpu.memref_slice %arg2[%dma_wait3A_1612, %dma_wait3A_1613] : memref<4194304x8xf32, #tpu.memory_space<hbm>> -> memref<4194304x8xf32, #tpu.memory_space<hbm>>
        tpu.wait_indirect_dma semaphore(%arg18 : memref<!tpu.dma_semaphore, #tpu.memory_space<semaphore_mem>>) src(%dma_wait3A_1614 : memref<4194304x8xf32, #tpu.memory_space<hbm>>) dst(%dma_wait3A_1608 : memref<128x8xf32, #tpu.memory_space<vmem>>)
        %dma_wait3A_1615 = arith.constant 4 : i32
        %dma_wait3A_1616 = arith.constant 512 : i32
        %dma_wait3A_1617 = arith.constant 0 : i32
        %dma_wait3A_1618 = tpu.memref_slice %arg14[%dma_wait3A_1616, %dma_wait3A_1617] : memref<2048x8xf32, #tpu.memory_space<vmem>> -> memref<128x8xf32, #tpu.memory_space<vmem>>
        %dma_wait3A_1619 = arith.constant 0 : i32
        %dma_wait3A_1620 = tpu.memref_slice %arg10[%dma_wait3A_1615, %dma_wait3A_1619] : memref<16x128xi32, #tpu.memory_space<vmem>> -> memref<1x128xi32, #tpu.memory_space<vmem>>
        %dma_wait3A_1621 = tpu.memref_squeeze %dma_wait3A_1620 : memref<1x128xi32, #tpu.memory_space<vmem>> -> memref<128xi32, #tpu.memory_space<vmem>>
        %dma_wait3A_1622 = arith.constant 0 : i32
        %dma_wait3A_1623 = arith.constant 0 : i32
        %dma_wait3A_1624 = tpu.memref_slice %arg2[%dma_wait3A_1622, %dma_wait3A_1623] : memref<4194304x8xf32, #tpu.memory_space<hbm>> -> memref<4194304x8xf32, #tpu.memory_space<hbm>>
        tpu.wait_indirect_dma semaphore(%arg18 : memref<!tpu.dma_semaphore, #tpu.memory_space<semaphore_mem>>) src(%dma_wait3A_1624 : memref<4194304x8xf32, #tpu.memory_space<hbm>>) dst(%dma_wait3A_1618 : memref<128x8xf32, #tpu.memory_space<vmem>>)
        %dma_wait3A_1625 = arith.constant 5 : i32
        %dma_wait3A_1626 = arith.constant 640 : i32
        %dma_wait3A_1627 = arith.constant 0 : i32
        %dma_wait3A_1628 = tpu.memref_slice %arg14[%dma_wait3A_1626, %dma_wait3A_1627] : memref<2048x8xf32, #tpu.memory_space<vmem>> -> memref<128x8xf32, #tpu.memory_space<vmem>>
        %dma_wait3A_1629 = arith.constant 0 : i32
        %dma_wait3A_1630 = tpu.memref_slice %arg10[%dma_wait3A_1625, %dma_wait3A_1629] : memref<16x128xi32, #tpu.memory_space<vmem>> -> memref<1x128xi32, #tpu.memory_space<vmem>>
        %dma_wait3A_1631 = tpu.memref_squeeze %dma_wait3A_1630 : memref<1x128xi32, #tpu.memory_space<vmem>> -> memref<128xi32, #tpu.memory_space<vmem>>
        %dma_wait3A_1632 = arith.constant 0 : i32
        %dma_wait3A_1633 = arith.constant 0 : i32
        %dma_wait3A_1634 = tpu.memref_slice %arg2[%dma_wait3A_1632, %dma_wait3A_1633] : memref<4194304x8xf32, #tpu.memory_space<hbm>> -> memref<4194304x8xf32, #tpu.memory_space<hbm>>
        tpu.wait_indirect_dma semaphore(%arg18 : memref<!tpu.dma_semaphore, #tpu.memory_space<semaphore_mem>>) src(%dma_wait3A_1634 : memref<4194304x8xf32, #tpu.memory_space<hbm>>) dst(%dma_wait3A_1628 : memref<128x8xf32, #tpu.memory_space<vmem>>)
        %dma_wait3A_1635 = arith.constant 6 : i32
        %dma_wait3A_1636 = arith.constant 768 : i32
        %dma_wait3A_1637 = arith.constant 0 : i32
        %dma_wait3A_1638 = tpu.memref_slice %arg14[%dma_wait3A_1636, %dma_wait3A_1637] : memref<2048x8xf32, #tpu.memory_space<vmem>> -> memref<128x8xf32, #tpu.memory_space<vmem>>
        %dma_wait3A_1639 = arith.constant 0 : i32
        %dma_wait3A_1640 = tpu.memref_slice %arg10[%dma_wait3A_1635, %dma_wait3A_1639] : memref<16x128xi32, #tpu.memory_space<vmem>> -> memref<1x128xi32, #tpu.memory_space<vmem>>
        %dma_wait3A_1641 = tpu.memref_squeeze %dma_wait3A_1640 : memref<1x128xi32, #tpu.memory_space<vmem>> -> memref<128xi32, #tpu.memory_space<vmem>>
        %dma_wait3A_1642 = arith.constant 0 : i32
        %dma_wait3A_1643 = arith.constant 0 : i32
        %dma_wait3A_1644 = tpu.memref_slice %arg2[%dma_wait3A_1642, %dma_wait3A_1643] : memref<4194304x8xf32, #tpu.memory_space<hbm>> -> memref<4194304x8xf32, #tpu.memory_space<hbm>>
        tpu.wait_indirect_dma semaphore(%arg18 : memref<!tpu.dma_semaphore, #tpu.memory_space<semaphore_mem>>) src(%dma_wait3A_1644 : memref<4194304x8xf32, #tpu.memory_space<hbm>>) dst(%dma_wait3A_1638 : memref<128x8xf32, #tpu.memory_space<vmem>>)
        %dma_wait3A_1645 = arith.constant 7 : i32
        %dma_wait3A_1646 = arith.constant 896 : i32
        %dma_wait3A_1647 = arith.constant 0 : i32
        %dma_wait3A_1648 = tpu.memref_slice %arg14[%dma_wait3A_1646, %dma_wait3A_1647] : memref<2048x8xf32, #tpu.memory_space<vmem>> -> memref<128x8xf32, #tpu.memory_space<vmem>>
        %dma_wait3A_1649 = arith.constant 0 : i32
        %dma_wait3A_1650 = tpu.memref_slice %arg10[%dma_wait3A_1645, %dma_wait3A_1649] : memref<16x128xi32, #tpu.memory_space<vmem>> -> memref<1x128xi32, #tpu.memory_space<vmem>>
        %dma_wait3A_1651 = tpu.memref_squeeze %dma_wait3A_1650 : memref<1x128xi32, #tpu.memory_space<vmem>> -> memref<128xi32, #tpu.memory_space<vmem>>
        %dma_wait3A_1652 = arith.constant 0 : i32
        %dma_wait3A_1653 = arith.constant 0 : i32
        %dma_wait3A_1654 = tpu.memref_slice %arg2[%dma_wait3A_1652, %dma_wait3A_1653] : memref<4194304x8xf32, #tpu.memory_space<hbm>> -> memref<4194304x8xf32, #tpu.memory_space<hbm>>
        tpu.wait_indirect_dma semaphore(%arg18 : memref<!tpu.dma_semaphore, #tpu.memory_space<semaphore_mem>>) src(%dma_wait3A_1654 : memref<4194304x8xf32, #tpu.memory_space<hbm>>) dst(%dma_wait3A_1648 : memref<128x8xf32, #tpu.memory_space<vmem>>)
        %dma_wait3A_1655 = arith.constant 8 : i32
        %dma_wait3A_1656 = arith.constant 1024 : i32
        %dma_wait3A_1657 = arith.constant 0 : i32
        %dma_wait3A_1658 = tpu.memref_slice %arg14[%dma_wait3A_1656, %dma_wait3A_1657] : memref<2048x8xf32, #tpu.memory_space<vmem>> -> memref<128x8xf32, #tpu.memory_space<vmem>>
        %dma_wait3A_1659 = arith.constant 0 : i32
        %dma_wait3A_1660 = tpu.memref_slice %arg10[%dma_wait3A_1655, %dma_wait3A_1659] : memref<16x128xi32, #tpu.memory_space<vmem>> -> memref<1x128xi32, #tpu.memory_space<vmem>>
        %dma_wait3A_1661 = tpu.memref_squeeze %dma_wait3A_1660 : memref<1x128xi32, #tpu.memory_space<vmem>> -> memref<128xi32, #tpu.memory_space<vmem>>
        %dma_wait3A_1662 = arith.constant 0 : i32
        %dma_wait3A_1663 = arith.constant 0 : i32
        %dma_wait3A_1664 = tpu.memref_slice %arg2[%dma_wait3A_1662, %dma_wait3A_1663] : memref<4194304x8xf32, #tpu.memory_space<hbm>> -> memref<4194304x8xf32, #tpu.memory_space<hbm>>
        tpu.wait_indirect_dma semaphore(%arg18 : memref<!tpu.dma_semaphore, #tpu.memory_space<semaphore_mem>>) src(%dma_wait3A_1664 : memref<4194304x8xf32, #tpu.memory_space<hbm>>) dst(%dma_wait3A_1658 : memref<128x8xf32, #tpu.memory_space<vmem>>)
        %dma_wait3A_1665 = arith.constant 9 : i32
        %dma_wait3A_1666 = arith.constant 1152 : i32
        %dma_wait3A_1667 = arith.constant 0 : i32
        %dma_wait3A_1668 = tpu.memref_slice %arg14[%dma_wait3A_1666, %dma_wait3A_1667] : memref<2048x8xf32, #tpu.memory_space<vmem>> -> memref<128x8xf32, #tpu.memory_space<vmem>>
        %dma_wait3A_1669 = arith.constant 0 : i32
        %dma_wait3A_1670 = tpu.memref_slice %arg10[%dma_wait3A_1665, %dma_wait3A_1669] : memref<16x128xi32, #tpu.memory_space<vmem>> -> memref<1x128xi32, #tpu.memory_space<vmem>>
        %dma_wait3A_1671 = tpu.memref_squeeze %dma_wait3A_1670 : memref<1x128xi32, #tpu.memory_space<vmem>> -> memref<128xi32, #tpu.memory_space<vmem>>
        %dma_wait3A_1672 = arith.constant 0 : i32
        %dma_wait3A_1673 = arith.constant 0 : i32
        %dma_wait3A_1674 = tpu.memref_slice %arg2[%dma_wait3A_1672, %dma_wait3A_1673] : memref<4194304x8xf32, #tpu.memory_space<hbm>> -> memref<4194304x8xf32, #tpu.memory_space<hbm>>
        tpu.wait_indirect_dma semaphore(%arg18 : memref<!tpu.dma_semaphore, #tpu.memory_space<semaphore_mem>>) src(%dma_wait3A_1674 : memref<4194304x8xf32, #tpu.memory_space<hbm>>) dst(%dma_wait3A_1668 : memref<128x8xf32, #tpu.memory_space<vmem>>)
        %dma_wait3A_1675 = arith.constant 10 : i32
        %dma_wait3A_1676 = arith.constant 1280 : i32
        %dma_wait3A_1677 = arith.constant 0 : i32
        %dma_wait3A_1678 = tpu.memref_slice %arg14[%dma_wait3A_1676, %dma_wait3A_1677] : memref<2048x8xf32, #tpu.memory_space<vmem>> -> memref<128x8xf32, #tpu.memory_space<vmem>>
        %dma_wait3A_1679 = arith.constant 0 : i32
        %dma_wait3A_1680 = tpu.memref_slice %arg10[%dma_wait3A_1675, %dma_wait3A_1679] : memref<16x128xi32, #tpu.memory_space<vmem>> -> memref<1x128xi32, #tpu.memory_space<vmem>>
        %dma_wait3A_1681 = tpu.memref_squeeze %dma_wait3A_1680 : memref<1x128xi32, #tpu.memory_space<vmem>> -> memref<128xi32, #tpu.memory_space<vmem>>
        %dma_wait3A_1682 = arith.constant 0 : i32
        %dma_wait3A_1683 = arith.constant 0 : i32
        %dma_wait3A_1684 = tpu.memref_slice %arg2[%dma_wait3A_1682, %dma_wait3A_1683] : memref<4194304x8xf32, #tpu.memory_space<hbm>> -> memref<4194304x8xf32, #tpu.memory_space<hbm>>
        tpu.wait_indirect_dma semaphore(%arg18 : memref<!tpu.dma_semaphore, #tpu.memory_space<semaphore_mem>>) src(%dma_wait3A_1684 : memref<4194304x8xf32, #tpu.memory_space<hbm>>) dst(%dma_wait3A_1678 : memref<128x8xf32, #tpu.memory_space<vmem>>)
        %dma_wait3A_1685 = arith.constant 11 : i32
        %dma_wait3A_1686 = arith.constant 1408 : i32
        %dma_wait3A_1687 = arith.constant 0 : i32
        %dma_wait3A_1688 = tpu.memref_slice %arg14[%dma_wait3A_1686, %dma_wait3A_1687] : memref<2048x8xf32, #tpu.memory_space<vmem>> -> memref<128x8xf32, #tpu.memory_space<vmem>>
        %dma_wait3A_1689 = arith.constant 0 : i32
        %dma_wait3A_1690 = tpu.memref_slice %arg10[%dma_wait3A_1685, %dma_wait3A_1689] : memref<16x128xi32, #tpu.memory_space<vmem>> -> memref<1x128xi32, #tpu.memory_space<vmem>>
        %dma_wait3A_1691 = tpu.memref_squeeze %dma_wait3A_1690 : memref<1x128xi32, #tpu.memory_space<vmem>> -> memref<128xi32, #tpu.memory_space<vmem>>
        %dma_wait3A_1692 = arith.constant 0 : i32
        %dma_wait3A_1693 = arith.constant 0 : i32
        %dma_wait3A_1694 = tpu.memref_slice %arg2[%dma_wait3A_1692, %dma_wait3A_1693] : memref<4194304x8xf32, #tpu.memory_space<hbm>> -> memref<4194304x8xf32, #tpu.memory_space<hbm>>
        tpu.wait_indirect_dma semaphore(%arg18 : memref<!tpu.dma_semaphore, #tpu.memory_space<semaphore_mem>>) src(%dma_wait3A_1694 : memref<4194304x8xf32, #tpu.memory_space<hbm>>) dst(%dma_wait3A_1688 : memref<128x8xf32, #tpu.memory_space<vmem>>)
        %dma_wait3A_1695 = arith.constant 12 : i32
        %dma_wait3A_1696 = arith.constant 1536 : i32
        %dma_wait3A_1697 = arith.constant 0 : i32
        %dma_wait3A_1698 = tpu.memref_slice %arg14[%dma_wait3A_1696, %dma_wait3A_1697] : memref<2048x8xf32, #tpu.memory_space<vmem>> -> memref<128x8xf32, #tpu.memory_space<vmem>>
        %dma_wait3A_1699 = arith.constant 0 : i32
        %dma_wait3A_1700 = tpu.memref_slice %arg10[%dma_wait3A_1695, %dma_wait3A_1699] : memref<16x128xi32, #tpu.memory_space<vmem>> -> memref<1x128xi32, #tpu.memory_space<vmem>>
        %dma_wait3A_1701 = tpu.memref_squeeze %dma_wait3A_1700 : memref<1x128xi32, #tpu.memory_space<vmem>> -> memref<128xi32, #tpu.memory_space<vmem>>
        %dma_wait3A_1702 = arith.constant 0 : i32
        %dma_wait3A_1703 = arith.constant 0 : i32
        %dma_wait3A_1704 = tpu.memref_slice %arg2[%dma_wait3A_1702, %dma_wait3A_1703] : memref<4194304x8xf32, #tpu.memory_space<hbm>> -> memref<4194304x8xf32, #tpu.memory_space<hbm>>
        tpu.wait_indirect_dma semaphore(%arg18 : memref<!tpu.dma_semaphore, #tpu.memory_space<semaphore_mem>>) src(%dma_wait3A_1704 : memref<4194304x8xf32, #tpu.memory_space<hbm>>) dst(%dma_wait3A_1698 : memref<128x8xf32, #tpu.memory_space<vmem>>)
        %dma_wait3A_1705 = arith.constant 13 : i32
        %dma_wait3A_1706 = arith.constant 1664 : i32
        %dma_wait3A_1707 = arith.constant 0 : i32
        %dma_wait3A_1708 = tpu.memref_slice %arg14[%dma_wait3A_1706, %dma_wait3A_1707] : memref<2048x8xf32, #tpu.memory_space<vmem>> -> memref<128x8xf32, #tpu.memory_space<vmem>>
        %dma_wait3A_1709 = arith.constant 0 : i32
        %dma_wait3A_1710 = tpu.memref_slice %arg10[%dma_wait3A_1705, %dma_wait3A_1709] : memref<16x128xi32, #tpu.memory_space<vmem>> -> memref<1x128xi32, #tpu.memory_space<vmem>>
        %dma_wait3A_1711 = tpu.memref_squeeze %dma_wait3A_1710 : memref<1x128xi32, #tpu.memory_space<vmem>> -> memref<128xi32, #tpu.memory_space<vmem>>
        %dma_wait3A_1712 = arith.constant 0 : i32
        %dma_wait3A_1713 = arith.constant 0 : i32
        %dma_wait3A_1714 = tpu.memref_slice %arg2[%dma_wait3A_1712, %dma_wait3A_1713] : memref<4194304x8xf32, #tpu.memory_space<hbm>> -> memref<4194304x8xf32, #tpu.memory_space<hbm>>
        tpu.wait_indirect_dma semaphore(%arg18 : memref<!tpu.dma_semaphore, #tpu.memory_space<semaphore_mem>>) src(%dma_wait3A_1714 : memref<4194304x8xf32, #tpu.memory_space<hbm>>) dst(%dma_wait3A_1708 : memref<128x8xf32, #tpu.memory_space<vmem>>)
        %dma_wait3A_1715 = arith.constant 14 : i32
        %dma_wait3A_1716 = arith.constant 1792 : i32
        %dma_wait3A_1717 = arith.constant 0 : i32
        %dma_wait3A_1718 = tpu.memref_slice %arg14[%dma_wait3A_1716, %dma_wait3A_1717] : memref<2048x8xf32, #tpu.memory_space<vmem>> -> memref<128x8xf32, #tpu.memory_space<vmem>>
        %dma_wait3A_1719 = arith.constant 0 : i32
        %dma_wait3A_1720 = tpu.memref_slice %arg10[%dma_wait3A_1715, %dma_wait3A_1719] : memref<16x128xi32, #tpu.memory_space<vmem>> -> memref<1x128xi32, #tpu.memory_space<vmem>>
        %dma_wait3A_1721 = tpu.memref_squeeze %dma_wait3A_1720 : memref<1x128xi32, #tpu.memory_space<vmem>> -> memref<128xi32, #tpu.memory_space<vmem>>
        %dma_wait3A_1722 = arith.constant 0 : i32
        %dma_wait3A_1723 = arith.constant 0 : i32
        %dma_wait3A_1724 = tpu.memref_slice %arg2[%dma_wait3A_1722, %dma_wait3A_1723] : memref<4194304x8xf32, #tpu.memory_space<hbm>> -> memref<4194304x8xf32, #tpu.memory_space<hbm>>
        tpu.wait_indirect_dma semaphore(%arg18 : memref<!tpu.dma_semaphore, #tpu.memory_space<semaphore_mem>>) src(%dma_wait3A_1724 : memref<4194304x8xf32, #tpu.memory_space<hbm>>) dst(%dma_wait3A_1718 : memref<128x8xf32, #tpu.memory_space<vmem>>)
        %dma_wait3A_1725 = arith.constant 15 : i32
        %dma_wait3A_1726 = arith.constant 1920 : i32
        %dma_wait3A_1727 = arith.constant 0 : i32
        %dma_wait3A_1728 = tpu.memref_slice %arg14[%dma_wait3A_1726, %dma_wait3A_1727] : memref<2048x8xf32, #tpu.memory_space<vmem>> -> memref<128x8xf32, #tpu.memory_space<vmem>>
        %dma_wait3A_1729 = arith.constant 0 : i32
        %dma_wait3A_1730 = tpu.memref_slice %arg10[%dma_wait3A_1725, %dma_wait3A_1729] : memref<16x128xi32, #tpu.memory_space<vmem>> -> memref<1x128xi32, #tpu.memory_space<vmem>>
        %dma_wait3A_1731 = tpu.memref_squeeze %dma_wait3A_1730 : memref<1x128xi32, #tpu.memory_space<vmem>> -> memref<128xi32, #tpu.memory_space<vmem>>
        %dma_wait3A_1732 = arith.constant 0 : i32
        %dma_wait3A_1733 = arith.constant 0 : i32
        %dma_wait3A_1734 = tpu.memref_slice %arg2[%dma_wait3A_1732, %dma_wait3A_1733] : memref<4194304x8xf32, #tpu.memory_space<hbm>> -> memref<4194304x8xf32, #tpu.memory_space<hbm>>
        tpu.wait_indirect_dma semaphore(%arg18 : memref<!tpu.dma_semaphore, #tpu.memory_space<semaphore_mem>>) src(%dma_wait3A_1734 : memref<4194304x8xf32, #tpu.memory_space<hbm>>) dst(%dma_wait3A_1728 : memref<128x8xf32, #tpu.memory_space<vmem>>)
        %sub3A_1735 = arith.constant 1 : i32
        %sub3A_1736 = arith.subi %add3A_378, %sub3A_1735 : i32
        %mul3A_1737 = arith.constant 131072 : i32
        %mul3A_1738 = arith.muli %add3A, %mul3A_1737 : i32
        %mul3A_1739 = arith.constant 2048 : i32
        %mul3A_1740 = arith.muli %sub3A_1736, %mul3A_1739 : i32
        %add3A_1741 = arith.addi %mul3A_1738, %mul3A_1740 : i32
        %dma_start3A_1742 = arith.constant 0 : i32
        %dma_start3A_1743 = tpu.memref_slice %arg5[%add3A_1741, %dma_start3A_1742] : memref<4194304x8xf32, #tpu.memory_space<hbm>> -> memref<2048x8xf32, #tpu.memory_space<hbm>>
        %dma_start3A_1744 = arith.constant 0 : i32
        %dma_start3A_1745 = tpu.memref_slice %arg5[%add3A_1741, %dma_start3A_1744] : memref<4194304x8xf32, #tpu.memory_space<hbm>> -> memref<2048x8xf32, #tpu.memory_space<hbm>>
        tpu.enqueue_dma source(%arg13 : memref<2048x8xf32, #tpu.memory_space<vmem>>) target(%dma_start3A_1745 : memref<2048x8xf32, #tpu.memory_space<hbm>>) target_semaphore(%arg20 : memref<!tpu.dma_semaphore, #tpu.memory_space<semaphore_mem>>)
        %dma_start3A_1746 = arith.constant 0 : i32
        %dma_start3A_1747 = tpu.memref_slice %arg6[%add3A_1741, %dma_start3A_1746] : memref<4194304x8xf32, #tpu.memory_space<hbm>> -> memref<2048x8xf32, #tpu.memory_space<hbm>>
        %dma_start3A_1748 = arith.constant 0 : i32
        %dma_start3A_1749 = tpu.memref_slice %arg6[%add3A_1741, %dma_start3A_1748] : memref<4194304x8xf32, #tpu.memory_space<hbm>> -> memref<2048x8xf32, #tpu.memory_space<hbm>>
        tpu.enqueue_dma source(%arg14 : memref<2048x8xf32, #tpu.memory_space<vmem>>) target(%dma_start3A_1749 : memref<2048x8xf32, #tpu.memory_space<hbm>>) target_semaphore(%arg20 : memref<!tpu.dma_semaphore, #tpu.memory_space<semaphore_mem>>)
      } else {
      }
      %add3A_719 = arith.constant 1 : i32
      %add3A_720 = arith.addi %add3A_378, %add3A_719 : i32
      %mul3A_721 = arith.constant 1024 : i32
      %mul3A_722 = arith.muli %add3A, %mul3A_721 : i32
      %mul3A_723 = arith.constant 16 : i32
      %mul3A_724 = arith.muli %add3A_720, %mul3A_723 : i32
      %add3A_725 = arith.addi %mul3A_722, %mul3A_724 : i32
      %dma_start3A_726 = arith.constant 0 : i32
      %dma_start3A_727 = tpu.memref_slice %arg3[%add3A_725, %dma_start3A_726] : memref<32768x128xi32, #tpu.memory_space<hbm>> -> memref<16x128xi32, #tpu.memory_space<hbm>>
      %dma_start3A_728 = arith.constant 0 : i32
      %dma_start3A_729 = tpu.memref_slice %arg3[%add3A_725, %dma_start3A_728] : memref<32768x128xi32, #tpu.memory_space<hbm>> -> memref<16x128xi32, #tpu.memory_space<hbm>>
      tpu.enqueue_dma source(%dma_start3A_729 : memref<16x128xi32, #tpu.memory_space<hbm>>) target(%arg9 : memref<16x128xi32, #tpu.memory_space<vmem>>) target_semaphore(%arg16 : memref<!tpu.dma_semaphore, #tpu.memory_space<semaphore_mem>>)
      %dma_start3A_730 = arith.constant 0 : i32
      %dma_start3A_731 = tpu.memref_slice %arg4[%add3A_725, %dma_start3A_730] : memref<32768x128xi32, #tpu.memory_space<hbm>> -> memref<16x128xi32, #tpu.memory_space<hbm>>
      %dma_start3A_732 = arith.constant 0 : i32
      %dma_start3A_733 = tpu.memref_slice %arg4[%add3A_725, %dma_start3A_732] : memref<32768x128xi32, #tpu.memory_space<hbm>> -> memref<16x128xi32, #tpu.memory_space<hbm>>
      tpu.enqueue_dma source(%dma_start3A_733 : memref<16x128xi32, #tpu.memory_space<hbm>>) target(%arg10 : memref<16x128xi32, #tpu.memory_space<vmem>>) target_semaphore(%arg16 : memref<!tpu.dma_semaphore, #tpu.memory_space<semaphore_mem>>)
      %mul3A_734 = arith.constant 2 : i32
      %mul3A_735 = arith.muli %mul3A_734, %scan3A_373 : i32
      %add3A_736 = arith.constant 1 : i32
      %add3A_737 = arith.addi %mul3A_735, %add3A_736 : i32
      %mul3A_738 = arith.constant 1024 : i32
      %mul3A_739 = arith.muli %add3A, %mul3A_738 : i32
      %mul3A_740 = arith.constant 16 : i32
      %mul3A_741 = arith.muli %add3A_737, %mul3A_740 : i32
      %add3A_742 = arith.addi %mul3A_739, %mul3A_741 : i32
      %dma_wait3A_743 = arith.constant 0 : i32
      %dma_wait3A_744 = tpu.memref_slice %arg3[%add3A_742, %dma_wait3A_743] : memref<32768x128xi32, #tpu.memory_space<hbm>> -> memref<16x128xi32, #tpu.memory_space<hbm>>
      %dma_wait3A_745 = arith.constant 0 : i32
      %dma_wait3A_746 = tpu.memref_slice %arg3[%add3A_742, %dma_wait3A_745] : memref<32768x128xi32, #tpu.memory_space<hbm>> -> memref<16x128xi32, #tpu.memory_space<hbm>>
      tpu.wait_dma2 semaphore(%arg16 : memref<!tpu.dma_semaphore, #tpu.memory_space<semaphore_mem>>) src(%dma_wait3A_746 : memref<16x128xi32, #tpu.memory_space<hbm>>) dst(%arg9 : memref<16x128xi32, #tpu.memory_space<vmem>>)
      %dma_wait3A_747 = arith.constant 0 : i32
      %dma_wait3A_748 = tpu.memref_slice %arg4[%add3A_742, %dma_wait3A_747] : memref<32768x128xi32, #tpu.memory_space<hbm>> -> memref<16x128xi32, #tpu.memory_space<hbm>>
      %dma_wait3A_749 = arith.constant 0 : i32
      %dma_wait3A_750 = tpu.memref_slice %arg4[%add3A_742, %dma_wait3A_749] : memref<32768x128xi32, #tpu.memory_space<hbm>> -> memref<16x128xi32, #tpu.memory_space<hbm>>
      tpu.wait_dma2 semaphore(%arg16 : memref<!tpu.dma_semaphore, #tpu.memory_space<semaphore_mem>>) src(%dma_wait3A_750 : memref<16x128xi32, #tpu.memory_space<hbm>>) dst(%arg10 : memref<16x128xi32, #tpu.memory_space<vmem>>)
      %ge3A_751 = arith.constant 1 : i32
      %ge3A_752 = arith.cmpi sge, %scan3A_373, %ge3A_751 : i32
      %convert_element_type3A_753 = arith.extui %ge3A_752 : i1 to i32
      %cond3A_754 = arith.constant 0 : i32
      %cond3A_755 = arith.cmpi ne, %convert_element_type3A_753, %cond3A_754 : i32
      scf.if %cond3A_755 {
        %sub3A_1415 = arith.constant 2 : i32
        %sub3A_1416 = arith.subi %add3A_737, %sub3A_1415 : i32
        %mul3A_1417 = arith.constant 131072 : i32
        %mul3A_1418 = arith.muli %add3A, %mul3A_1417 : i32
        %mul3A_1419 = arith.constant 2048 : i32
        %mul3A_1420 = arith.muli %sub3A_1416, %mul3A_1419 : i32
        %add3A_1421 = arith.addi %mul3A_1418, %mul3A_1420 : i32
        %dma_wait3A_1422 = arith.constant 0 : i32
        %dma_wait3A_1423 = tpu.memref_slice %arg5[%add3A_1421, %dma_wait3A_1422] : memref<4194304x8xf32, #tpu.memory_space<hbm>> -> memref<2048x8xf32, #tpu.memory_space<hbm>>
        %dma_wait3A_1424 = arith.constant 0 : i32
        %dma_wait3A_1425 = tpu.memref_slice %arg5[%add3A_1421, %dma_wait3A_1424] : memref<4194304x8xf32, #tpu.memory_space<hbm>> -> memref<2048x8xf32, #tpu.memory_space<hbm>>
        tpu.wait_dma2 semaphore(%arg20 : memref<!tpu.dma_semaphore, #tpu.memory_space<semaphore_mem>>) src(%arg13 : memref<2048x8xf32, #tpu.memory_space<vmem>>) dst(%dma_wait3A_1425 : memref<2048x8xf32, #tpu.memory_space<hbm>>)
        %dma_wait3A_1426 = arith.constant 0 : i32
        %dma_wait3A_1427 = tpu.memref_slice %arg6[%add3A_1421, %dma_wait3A_1426] : memref<4194304x8xf32, #tpu.memory_space<hbm>> -> memref<2048x8xf32, #tpu.memory_space<hbm>>
        %dma_wait3A_1428 = arith.constant 0 : i32
        %dma_wait3A_1429 = tpu.memref_slice %arg6[%add3A_1421, %dma_wait3A_1428] : memref<4194304x8xf32, #tpu.memory_space<hbm>> -> memref<2048x8xf32, #tpu.memory_space<hbm>>
        tpu.wait_dma2 semaphore(%arg20 : memref<!tpu.dma_semaphore, #tpu.memory_space<semaphore_mem>>) src(%arg14 : memref<2048x8xf32, #tpu.memory_space<vmem>>) dst(%dma_wait3A_1429 : memref<2048x8xf32, #tpu.memory_space<hbm>>)
      } else {
      }
      %dma_start3A_756 = arith.constant 0 : i32
      %dma_start3A_757 = arith.constant 0 : i32
      %dma_start3A_758 = arith.constant 0 : i32
      %dma_start3A_759 = tpu.memref_slice %arg13[%dma_start3A_757, %dma_start3A_758] : memref<2048x8xf32, #tpu.memory_space<vmem>> -> memref<128x8xf32, #tpu.memory_space<vmem>>
      %dma_start3A_760 = arith.constant 0 : i32
      %dma_start3A_761 = tpu.memref_slice %arg9[%dma_start3A_756, %dma_start3A_760] : memref<16x128xi32, #tpu.memory_space<vmem>> -> memref<1x128xi32, #tpu.memory_space<vmem>>
      %dma_start3A_762 = tpu.memref_squeeze %dma_start3A_761 : memref<1x128xi32, #tpu.memory_space<vmem>> -> memref<128xi32, #tpu.memory_space<vmem>>
      %dma_start3A_763 = arith.constant 0 : i32
      %dma_start3A_764 = arith.constant 0 : i32
      %dma_start3A_765 = tpu.memref_slice %arg2[%dma_start3A_763, %dma_start3A_764] : memref<4194304x8xf32, #tpu.memory_space<hbm>> -> memref<4194304x8xf32, #tpu.memory_space<hbm>>
      tpu.enqueue_indirect_dma source(%dma_start3A_765 : memref<4194304x8xf32, #tpu.memory_space<hbm>>) target(%dma_start3A_759 : memref<128x8xf32, #tpu.memory_space<vmem>>) offsets(%dma_start3A_762 : memref<128xi32, #tpu.memory_space<vmem>>) semaphore(%arg18 : memref<!tpu.dma_semaphore, #tpu.memory_space<semaphore_mem>>)
      %dma_start3A_766 = arith.constant 1 : i32
      %dma_start3A_767 = arith.constant 128 : i32
      %dma_start3A_768 = arith.constant 0 : i32
      %dma_start3A_769 = tpu.memref_slice %arg13[%dma_start3A_767, %dma_start3A_768] : memref<2048x8xf32, #tpu.memory_space<vmem>> -> memref<128x8xf32, #tpu.memory_space<vmem>>
      %dma_start3A_770 = arith.constant 0 : i32
      %dma_start3A_771 = tpu.memref_slice %arg9[%dma_start3A_766, %dma_start3A_770] : memref<16x128xi32, #tpu.memory_space<vmem>> -> memref<1x128xi32, #tpu.memory_space<vmem>>
      %dma_start3A_772 = tpu.memref_squeeze %dma_start3A_771 : memref<1x128xi32, #tpu.memory_space<vmem>> -> memref<128xi32, #tpu.memory_space<vmem>>
      %dma_start3A_773 = arith.constant 0 : i32
      %dma_start3A_774 = arith.constant 0 : i32
      %dma_start3A_775 = tpu.memref_slice %arg2[%dma_start3A_773, %dma_start3A_774] : memref<4194304x8xf32, #tpu.memory_space<hbm>> -> memref<4194304x8xf32, #tpu.memory_space<hbm>>
      tpu.enqueue_indirect_dma source(%dma_start3A_775 : memref<4194304x8xf32, #tpu.memory_space<hbm>>) target(%dma_start3A_769 : memref<128x8xf32, #tpu.memory_space<vmem>>) offsets(%dma_start3A_772 : memref<128xi32, #tpu.memory_space<vmem>>) semaphore(%arg18 : memref<!tpu.dma_semaphore, #tpu.memory_space<semaphore_mem>>)
      %dma_start3A_776 = arith.constant 2 : i32
      %dma_start3A_777 = arith.constant 256 : i32
      %dma_start3A_778 = arith.constant 0 : i32
      %dma_start3A_779 = tpu.memref_slice %arg13[%dma_start3A_777, %dma_start3A_778] : memref<2048x8xf32, #tpu.memory_space<vmem>> -> memref<128x8xf32, #tpu.memory_space<vmem>>
      %dma_start3A_780 = arith.constant 0 : i32
      %dma_start3A_781 = tpu.memref_slice %arg9[%dma_start3A_776, %dma_start3A_780] : memref<16x128xi32, #tpu.memory_space<vmem>> -> memref<1x128xi32, #tpu.memory_space<vmem>>
      %dma_start3A_782 = tpu.memref_squeeze %dma_start3A_781 : memref<1x128xi32, #tpu.memory_space<vmem>> -> memref<128xi32, #tpu.memory_space<vmem>>
      %dma_start3A_783 = arith.constant 0 : i32
      %dma_start3A_784 = arith.constant 0 : i32
      %dma_start3A_785 = tpu.memref_slice %arg2[%dma_start3A_783, %dma_start3A_784] : memref<4194304x8xf32, #tpu.memory_space<hbm>> -> memref<4194304x8xf32, #tpu.memory_space<hbm>>
      tpu.enqueue_indirect_dma source(%dma_start3A_785 : memref<4194304x8xf32, #tpu.memory_space<hbm>>) target(%dma_start3A_779 : memref<128x8xf32, #tpu.memory_space<vmem>>) offsets(%dma_start3A_782 : memref<128xi32, #tpu.memory_space<vmem>>) semaphore(%arg18 : memref<!tpu.dma_semaphore, #tpu.memory_space<semaphore_mem>>)
      %dma_start3A_786 = arith.constant 3 : i32
      %dma_start3A_787 = arith.constant 384 : i32
      %dma_start3A_788 = arith.constant 0 : i32
      %dma_start3A_789 = tpu.memref_slice %arg13[%dma_start3A_787, %dma_start3A_788] : memref<2048x8xf32, #tpu.memory_space<vmem>> -> memref<128x8xf32, #tpu.memory_space<vmem>>
      %dma_start3A_790 = arith.constant 0 : i32
      %dma_start3A_791 = tpu.memref_slice %arg9[%dma_start3A_786, %dma_start3A_790] : memref<16x128xi32, #tpu.memory_space<vmem>> -> memref<1x128xi32, #tpu.memory_space<vmem>>
      %dma_start3A_792 = tpu.memref_squeeze %dma_start3A_791 : memref<1x128xi32, #tpu.memory_space<vmem>> -> memref<128xi32, #tpu.memory_space<vmem>>
      %dma_start3A_793 = arith.constant 0 : i32
      %dma_start3A_794 = arith.constant 0 : i32
      %dma_start3A_795 = tpu.memref_slice %arg2[%dma_start3A_793, %dma_start3A_794] : memref<4194304x8xf32, #tpu.memory_space<hbm>> -> memref<4194304x8xf32, #tpu.memory_space<hbm>>
      tpu.enqueue_indirect_dma source(%dma_start3A_795 : memref<4194304x8xf32, #tpu.memory_space<hbm>>) target(%dma_start3A_789 : memref<128x8xf32, #tpu.memory_space<vmem>>) offsets(%dma_start3A_792 : memref<128xi32, #tpu.memory_space<vmem>>) semaphore(%arg18 : memref<!tpu.dma_semaphore, #tpu.memory_space<semaphore_mem>>)
      %dma_start3A_796 = arith.constant 4 : i32
      %dma_start3A_797 = arith.constant 512 : i32
      %dma_start3A_798 = arith.constant 0 : i32
      %dma_start3A_799 = tpu.memref_slice %arg13[%dma_start3A_797, %dma_start3A_798] : memref<2048x8xf32, #tpu.memory_space<vmem>> -> memref<128x8xf32, #tpu.memory_space<vmem>>
      %dma_start3A_800 = arith.constant 0 : i32
      %dma_start3A_801 = tpu.memref_slice %arg9[%dma_start3A_796, %dma_start3A_800] : memref<16x128xi32, #tpu.memory_space<vmem>> -> memref<1x128xi32, #tpu.memory_space<vmem>>
      %dma_start3A_802 = tpu.memref_squeeze %dma_start3A_801 : memref<1x128xi32, #tpu.memory_space<vmem>> -> memref<128xi32, #tpu.memory_space<vmem>>
      %dma_start3A_803 = arith.constant 0 : i32
      %dma_start3A_804 = arith.constant 0 : i32
      %dma_start3A_805 = tpu.memref_slice %arg2[%dma_start3A_803, %dma_start3A_804] : memref<4194304x8xf32, #tpu.memory_space<hbm>> -> memref<4194304x8xf32, #tpu.memory_space<hbm>>
      tpu.enqueue_indirect_dma source(%dma_start3A_805 : memref<4194304x8xf32, #tpu.memory_space<hbm>>) target(%dma_start3A_799 : memref<128x8xf32, #tpu.memory_space<vmem>>) offsets(%dma_start3A_802 : memref<128xi32, #tpu.memory_space<vmem>>) semaphore(%arg18 : memref<!tpu.dma_semaphore, #tpu.memory_space<semaphore_mem>>)
      %dma_start3A_806 = arith.constant 5 : i32
      %dma_start3A_807 = arith.constant 640 : i32
      %dma_start3A_808 = arith.constant 0 : i32
      %dma_start3A_809 = tpu.memref_slice %arg13[%dma_start3A_807, %dma_start3A_808] : memref<2048x8xf32, #tpu.memory_space<vmem>> -> memref<128x8xf32, #tpu.memory_space<vmem>>
      %dma_start3A_810 = arith.constant 0 : i32
      %dma_start3A_811 = tpu.memref_slice %arg9[%dma_start3A_806, %dma_start3A_810] : memref<16x128xi32, #tpu.memory_space<vmem>> -> memref<1x128xi32, #tpu.memory_space<vmem>>
      %dma_start3A_812 = tpu.memref_squeeze %dma_start3A_811 : memref<1x128xi32, #tpu.memory_space<vmem>> -> memref<128xi32, #tpu.memory_space<vmem>>
      %dma_start3A_813 = arith.constant 0 : i32
      %dma_start3A_814 = arith.constant 0 : i32
      %dma_start3A_815 = tpu.memref_slice %arg2[%dma_start3A_813, %dma_start3A_814] : memref<4194304x8xf32, #tpu.memory_space<hbm>> -> memref<4194304x8xf32, #tpu.memory_space<hbm>>
      tpu.enqueue_indirect_dma source(%dma_start3A_815 : memref<4194304x8xf32, #tpu.memory_space<hbm>>) target(%dma_start3A_809 : memref<128x8xf32, #tpu.memory_space<vmem>>) offsets(%dma_start3A_812 : memref<128xi32, #tpu.memory_space<vmem>>) semaphore(%arg18 : memref<!tpu.dma_semaphore, #tpu.memory_space<semaphore_mem>>)
      %dma_start3A_816 = arith.constant 6 : i32
      %dma_start3A_817 = arith.constant 768 : i32
      %dma_start3A_818 = arith.constant 0 : i32
      %dma_start3A_819 = tpu.memref_slice %arg13[%dma_start3A_817, %dma_start3A_818] : memref<2048x8xf32, #tpu.memory_space<vmem>> -> memref<128x8xf32, #tpu.memory_space<vmem>>
      %dma_start3A_820 = arith.constant 0 : i32
      %dma_start3A_821 = tpu.memref_slice %arg9[%dma_start3A_816, %dma_start3A_820] : memref<16x128xi32, #tpu.memory_space<vmem>> -> memref<1x128xi32, #tpu.memory_space<vmem>>
      %dma_start3A_822 = tpu.memref_squeeze %dma_start3A_821 : memref<1x128xi32, #tpu.memory_space<vmem>> -> memref<128xi32, #tpu.memory_space<vmem>>
      %dma_start3A_823 = arith.constant 0 : i32
      %dma_start3A_824 = arith.constant 0 : i32
      %dma_start3A_825 = tpu.memref_slice %arg2[%dma_start3A_823, %dma_start3A_824] : memref<4194304x8xf32, #tpu.memory_space<hbm>> -> memref<4194304x8xf32, #tpu.memory_space<hbm>>
      tpu.enqueue_indirect_dma source(%dma_start3A_825 : memref<4194304x8xf32, #tpu.memory_space<hbm>>) target(%dma_start3A_819 : memref<128x8xf32, #tpu.memory_space<vmem>>) offsets(%dma_start3A_822 : memref<128xi32, #tpu.memory_space<vmem>>) semaphore(%arg18 : memref<!tpu.dma_semaphore, #tpu.memory_space<semaphore_mem>>)
      %dma_start3A_826 = arith.constant 7 : i32
      %dma_start3A_827 = arith.constant 896 : i32
      %dma_start3A_828 = arith.constant 0 : i32
      %dma_start3A_829 = tpu.memref_slice %arg13[%dma_start3A_827, %dma_start3A_828] : memref<2048x8xf32, #tpu.memory_space<vmem>> -> memref<128x8xf32, #tpu.memory_space<vmem>>
      %dma_start3A_830 = arith.constant 0 : i32
      %dma_start3A_831 = tpu.memref_slice %arg9[%dma_start3A_826, %dma_start3A_830] : memref<16x128xi32, #tpu.memory_space<vmem>> -> memref<1x128xi32, #tpu.memory_space<vmem>>
      %dma_start3A_832 = tpu.memref_squeeze %dma_start3A_831 : memref<1x128xi32, #tpu.memory_space<vmem>> -> memref<128xi32, #tpu.memory_space<vmem>>
      %dma_start3A_833 = arith.constant 0 : i32
      %dma_start3A_834 = arith.constant 0 : i32
      %dma_start3A_835 = tpu.memref_slice %arg2[%dma_start3A_833, %dma_start3A_834] : memref<4194304x8xf32, #tpu.memory_space<hbm>> -> memref<4194304x8xf32, #tpu.memory_space<hbm>>
      tpu.enqueue_indirect_dma source(%dma_start3A_835 : memref<4194304x8xf32, #tpu.memory_space<hbm>>) target(%dma_start3A_829 : memref<128x8xf32, #tpu.memory_space<vmem>>) offsets(%dma_start3A_832 : memref<128xi32, #tpu.memory_space<vmem>>) semaphore(%arg18 : memref<!tpu.dma_semaphore, #tpu.memory_space<semaphore_mem>>)
      %dma_start3A_836 = arith.constant 8 : i32
      %dma_start3A_837 = arith.constant 1024 : i32
      %dma_start3A_838 = arith.constant 0 : i32
      %dma_start3A_839 = tpu.memref_slice %arg13[%dma_start3A_837, %dma_start3A_838] : memref<2048x8xf32, #tpu.memory_space<vmem>> -> memref<128x8xf32, #tpu.memory_space<vmem>>
      %dma_start3A_840 = arith.constant 0 : i32
      %dma_start3A_841 = tpu.memref_slice %arg9[%dma_start3A_836, %dma_start3A_840] : memref<16x128xi32, #tpu.memory_space<vmem>> -> memref<1x128xi32, #tpu.memory_space<vmem>>
      %dma_start3A_842 = tpu.memref_squeeze %dma_start3A_841 : memref<1x128xi32, #tpu.memory_space<vmem>> -> memref<128xi32, #tpu.memory_space<vmem>>
      %dma_start3A_843 = arith.constant 0 : i32
      %dma_start3A_844 = arith.constant 0 : i32
      %dma_start3A_845 = tpu.memref_slice %arg2[%dma_start3A_843, %dma_start3A_844] : memref<4194304x8xf32, #tpu.memory_space<hbm>> -> memref<4194304x8xf32, #tpu.memory_space<hbm>>
      tpu.enqueue_indirect_dma source(%dma_start3A_845 : memref<4194304x8xf32, #tpu.memory_space<hbm>>) target(%dma_start3A_839 : memref<128x8xf32, #tpu.memory_space<vmem>>) offsets(%dma_start3A_842 : memref<128xi32, #tpu.memory_space<vmem>>) semaphore(%arg18 : memref<!tpu.dma_semaphore, #tpu.memory_space<semaphore_mem>>)
      %dma_start3A_846 = arith.constant 9 : i32
      %dma_start3A_847 = arith.constant 1152 : i32
      %dma_start3A_848 = arith.constant 0 : i32
      %dma_start3A_849 = tpu.memref_slice %arg13[%dma_start3A_847, %dma_start3A_848] : memref<2048x8xf32, #tpu.memory_space<vmem>> -> memref<128x8xf32, #tpu.memory_space<vmem>>
      %dma_start3A_850 = arith.constant 0 : i32
      %dma_start3A_851 = tpu.memref_slice %arg9[%dma_start3A_846, %dma_start3A_850] : memref<16x128xi32, #tpu.memory_space<vmem>> -> memref<1x128xi32, #tpu.memory_space<vmem>>
      %dma_start3A_852 = tpu.memref_squeeze %dma_start3A_851 : memref<1x128xi32, #tpu.memory_space<vmem>> -> memref<128xi32, #tpu.memory_space<vmem>>
      %dma_start3A_853 = arith.constant 0 : i32
      %dma_start3A_854 = arith.constant 0 : i32
      %dma_start3A_855 = tpu.memref_slice %arg2[%dma_start3A_853, %dma_start3A_854] : memref<4194304x8xf32, #tpu.memory_space<hbm>> -> memref<4194304x8xf32, #tpu.memory_space<hbm>>
      tpu.enqueue_indirect_dma source(%dma_start3A_855 : memref<4194304x8xf32, #tpu.memory_space<hbm>>) target(%dma_start3A_849 : memref<128x8xf32, #tpu.memory_space<vmem>>) offsets(%dma_start3A_852 : memref<128xi32, #tpu.memory_space<vmem>>) semaphore(%arg18 : memref<!tpu.dma_semaphore, #tpu.memory_space<semaphore_mem>>)
      %dma_start3A_856 = arith.constant 10 : i32
      %dma_start3A_857 = arith.constant 1280 : i32
      %dma_start3A_858 = arith.constant 0 : i32
      %dma_start3A_859 = tpu.memref_slice %arg13[%dma_start3A_857, %dma_start3A_858] : memref<2048x8xf32, #tpu.memory_space<vmem>> -> memref<128x8xf32, #tpu.memory_space<vmem>>
      %dma_start3A_860 = arith.constant 0 : i32
      %dma_start3A_861 = tpu.memref_slice %arg9[%dma_start3A_856, %dma_start3A_860] : memref<16x128xi32, #tpu.memory_space<vmem>> -> memref<1x128xi32, #tpu.memory_space<vmem>>
      %dma_start3A_862 = tpu.memref_squeeze %dma_start3A_861 : memref<1x128xi32, #tpu.memory_space<vmem>> -> memref<128xi32, #tpu.memory_space<vmem>>
      %dma_start3A_863 = arith.constant 0 : i32
      %dma_start3A_864 = arith.constant 0 : i32
      %dma_start3A_865 = tpu.memref_slice %arg2[%dma_start3A_863, %dma_start3A_864] : memref<4194304x8xf32, #tpu.memory_space<hbm>> -> memref<4194304x8xf32, #tpu.memory_space<hbm>>
      tpu.enqueue_indirect_dma source(%dma_start3A_865 : memref<4194304x8xf32, #tpu.memory_space<hbm>>) target(%dma_start3A_859 : memref<128x8xf32, #tpu.memory_space<vmem>>) offsets(%dma_start3A_862 : memref<128xi32, #tpu.memory_space<vmem>>) semaphore(%arg18 : memref<!tpu.dma_semaphore, #tpu.memory_space<semaphore_mem>>)
      %dma_start3A_866 = arith.constant 11 : i32
      %dma_start3A_867 = arith.constant 1408 : i32
      %dma_start3A_868 = arith.constant 0 : i32
      %dma_start3A_869 = tpu.memref_slice %arg13[%dma_start3A_867, %dma_start3A_868] : memref<2048x8xf32, #tpu.memory_space<vmem>> -> memref<128x8xf32, #tpu.memory_space<vmem>>
      %dma_start3A_870 = arith.constant 0 : i32
      %dma_start3A_871 = tpu.memref_slice %arg9[%dma_start3A_866, %dma_start3A_870] : memref<16x128xi32, #tpu.memory_space<vmem>> -> memref<1x128xi32, #tpu.memory_space<vmem>>
      %dma_start3A_872 = tpu.memref_squeeze %dma_start3A_871 : memref<1x128xi32, #tpu.memory_space<vmem>> -> memref<128xi32, #tpu.memory_space<vmem>>
      %dma_start3A_873 = arith.constant 0 : i32
      %dma_start3A_874 = arith.constant 0 : i32
      %dma_start3A_875 = tpu.memref_slice %arg2[%dma_start3A_873, %dma_start3A_874] : memref<4194304x8xf32, #tpu.memory_space<hbm>> -> memref<4194304x8xf32, #tpu.memory_space<hbm>>
      tpu.enqueue_indirect_dma source(%dma_start3A_875 : memref<4194304x8xf32, #tpu.memory_space<hbm>>) target(%dma_start3A_869 : memref<128x8xf32, #tpu.memory_space<vmem>>) offsets(%dma_start3A_872 : memref<128xi32, #tpu.memory_space<vmem>>) semaphore(%arg18 : memref<!tpu.dma_semaphore, #tpu.memory_space<semaphore_mem>>)
      %dma_start3A_876 = arith.constant 12 : i32
      %dma_start3A_877 = arith.constant 1536 : i32
      %dma_start3A_878 = arith.constant 0 : i32
      %dma_start3A_879 = tpu.memref_slice %arg13[%dma_start3A_877, %dma_start3A_878] : memref<2048x8xf32, #tpu.memory_space<vmem>> -> memref<128x8xf32, #tpu.memory_space<vmem>>
      %dma_start3A_880 = arith.constant 0 : i32
      %dma_start3A_881 = tpu.memref_slice %arg9[%dma_start3A_876, %dma_start3A_880] : memref<16x128xi32, #tpu.memory_space<vmem>> -> memref<1x128xi32, #tpu.memory_space<vmem>>
      %dma_start3A_882 = tpu.memref_squeeze %dma_start3A_881 : memref<1x128xi32, #tpu.memory_space<vmem>> -> memref<128xi32, #tpu.memory_space<vmem>>
      %dma_start3A_883 = arith.constant 0 : i32
      %dma_start3A_884 = arith.constant 0 : i32
      %dma_start3A_885 = tpu.memref_slice %arg2[%dma_start3A_883, %dma_start3A_884] : memref<4194304x8xf32, #tpu.memory_space<hbm>> -> memref<4194304x8xf32, #tpu.memory_space<hbm>>
      tpu.enqueue_indirect_dma source(%dma_start3A_885 : memref<4194304x8xf32, #tpu.memory_space<hbm>>) target(%dma_start3A_879 : memref<128x8xf32, #tpu.memory_space<vmem>>) offsets(%dma_start3A_882 : memref<128xi32, #tpu.memory_space<vmem>>) semaphore(%arg18 : memref<!tpu.dma_semaphore, #tpu.memory_space<semaphore_mem>>)
      %dma_start3A_886 = arith.constant 13 : i32
      %dma_start3A_887 = arith.constant 1664 : i32
      %dma_start3A_888 = arith.constant 0 : i32
      %dma_start3A_889 = tpu.memref_slice %arg13[%dma_start3A_887, %dma_start3A_888] : memref<2048x8xf32, #tpu.memory_space<vmem>> -> memref<128x8xf32, #tpu.memory_space<vmem>>
      %dma_start3A_890 = arith.constant 0 : i32
      %dma_start3A_891 = tpu.memref_slice %arg9[%dma_start3A_886, %dma_start3A_890] : memref<16x128xi32, #tpu.memory_space<vmem>> -> memref<1x128xi32, #tpu.memory_space<vmem>>
      %dma_start3A_892 = tpu.memref_squeeze %dma_start3A_891 : memref<1x128xi32, #tpu.memory_space<vmem>> -> memref<128xi32, #tpu.memory_space<vmem>>
      %dma_start3A_893 = arith.constant 0 : i32
      %dma_start3A_894 = arith.constant 0 : i32
      %dma_start3A_895 = tpu.memref_slice %arg2[%dma_start3A_893, %dma_start3A_894] : memref<4194304x8xf32, #tpu.memory_space<hbm>> -> memref<4194304x8xf32, #tpu.memory_space<hbm>>
      tpu.enqueue_indirect_dma source(%dma_start3A_895 : memref<4194304x8xf32, #tpu.memory_space<hbm>>) target(%dma_start3A_889 : memref<128x8xf32, #tpu.memory_space<vmem>>) offsets(%dma_start3A_892 : memref<128xi32, #tpu.memory_space<vmem>>) semaphore(%arg18 : memref<!tpu.dma_semaphore, #tpu.memory_space<semaphore_mem>>)
      %dma_start3A_896 = arith.constant 14 : i32
      %dma_start3A_897 = arith.constant 1792 : i32
      %dma_start3A_898 = arith.constant 0 : i32
      %dma_start3A_899 = tpu.memref_slice %arg13[%dma_start3A_897, %dma_start3A_898] : memref<2048x8xf32, #tpu.memory_space<vmem>> -> memref<128x8xf32, #tpu.memory_space<vmem>>
      %dma_start3A_900 = arith.constant 0 : i32
      %dma_start3A_901 = tpu.memref_slice %arg9[%dma_start3A_896, %dma_start3A_900] : memref<16x128xi32, #tpu.memory_space<vmem>> -> memref<1x128xi32, #tpu.memory_space<vmem>>
      %dma_start3A_902 = tpu.memref_squeeze %dma_start3A_901 : memref<1x128xi32, #tpu.memory_space<vmem>> -> memref<128xi32, #tpu.memory_space<vmem>>
      %dma_start3A_903 = arith.constant 0 : i32
      %dma_start3A_904 = arith.constant 0 : i32
      %dma_start3A_905 = tpu.memref_slice %arg2[%dma_start3A_903, %dma_start3A_904] : memref<4194304x8xf32, #tpu.memory_space<hbm>> -> memref<4194304x8xf32, #tpu.memory_space<hbm>>
      tpu.enqueue_indirect_dma source(%dma_start3A_905 : memref<4194304x8xf32, #tpu.memory_space<hbm>>) target(%dma_start3A_899 : memref<128x8xf32, #tpu.memory_space<vmem>>) offsets(%dma_start3A_902 : memref<128xi32, #tpu.memory_space<vmem>>) semaphore(%arg18 : memref<!tpu.dma_semaphore, #tpu.memory_space<semaphore_mem>>)
      %dma_start3A_906 = arith.constant 15 : i32
      %dma_start3A_907 = arith.constant 1920 : i32
      %dma_start3A_908 = arith.constant 0 : i32
      %dma_start3A_909 = tpu.memref_slice %arg13[%dma_start3A_907, %dma_start3A_908] : memref<2048x8xf32, #tpu.memory_space<vmem>> -> memref<128x8xf32, #tpu.memory_space<vmem>>
      %dma_start3A_910 = arith.constant 0 : i32
      %dma_start3A_911 = tpu.memref_slice %arg9[%dma_start3A_906, %dma_start3A_910] : memref<16x128xi32, #tpu.memory_space<vmem>> -> memref<1x128xi32, #tpu.memory_space<vmem>>
      %dma_start3A_912 = tpu.memref_squeeze %dma_start3A_911 : memref<1x128xi32, #tpu.memory_space<vmem>> -> memref<128xi32, #tpu.memory_space<vmem>>
      %dma_start3A_913 = arith.constant 0 : i32
      %dma_start3A_914 = arith.constant 0 : i32
      %dma_start3A_915 = tpu.memref_slice %arg2[%dma_start3A_913, %dma_start3A_914] : memref<4194304x8xf32, #tpu.memory_space<hbm>> -> memref<4194304x8xf32, #tpu.memory_space<hbm>>
      tpu.enqueue_indirect_dma source(%dma_start3A_915 : memref<4194304x8xf32, #tpu.memory_space<hbm>>) target(%dma_start3A_909 : memref<128x8xf32, #tpu.memory_space<vmem>>) offsets(%dma_start3A_912 : memref<128xi32, #tpu.memory_space<vmem>>) semaphore(%arg18 : memref<!tpu.dma_semaphore, #tpu.memory_space<semaphore_mem>>)
      %dma_start3A_916 = arith.constant 0 : i32
      %dma_start3A_917 = arith.constant 0 : i32
      %dma_start3A_918 = arith.constant 0 : i32
      %dma_start3A_919 = tpu.memref_slice %arg14[%dma_start3A_917, %dma_start3A_918] : memref<2048x8xf32, #tpu.memory_space<vmem>> -> memref<128x8xf32, #tpu.memory_space<vmem>>
      %dma_start3A_920 = arith.constant 0 : i32
      %dma_start3A_921 = tpu.memref_slice %arg10[%dma_start3A_916, %dma_start3A_920] : memref<16x128xi32, #tpu.memory_space<vmem>> -> memref<1x128xi32, #tpu.memory_space<vmem>>
      %dma_start3A_922 = tpu.memref_squeeze %dma_start3A_921 : memref<1x128xi32, #tpu.memory_space<vmem>> -> memref<128xi32, #tpu.memory_space<vmem>>
      %dma_start3A_923 = arith.constant 0 : i32
      %dma_start3A_924 = arith.constant 0 : i32
      %dma_start3A_925 = tpu.memref_slice %arg2[%dma_start3A_923, %dma_start3A_924] : memref<4194304x8xf32, #tpu.memory_space<hbm>> -> memref<4194304x8xf32, #tpu.memory_space<hbm>>
      tpu.enqueue_indirect_dma source(%dma_start3A_925 : memref<4194304x8xf32, #tpu.memory_space<hbm>>) target(%dma_start3A_919 : memref<128x8xf32, #tpu.memory_space<vmem>>) offsets(%dma_start3A_922 : memref<128xi32, #tpu.memory_space<vmem>>) semaphore(%arg18 : memref<!tpu.dma_semaphore, #tpu.memory_space<semaphore_mem>>)
      %dma_start3A_926 = arith.constant 1 : i32
      %dma_start3A_927 = arith.constant 128 : i32
      %dma_start3A_928 = arith.constant 0 : i32
      %dma_start3A_929 = tpu.memref_slice %arg14[%dma_start3A_927, %dma_start3A_928] : memref<2048x8xf32, #tpu.memory_space<vmem>> -> memref<128x8xf32, #tpu.memory_space<vmem>>
      %dma_start3A_930 = arith.constant 0 : i32
      %dma_start3A_931 = tpu.memref_slice %arg10[%dma_start3A_926, %dma_start3A_930] : memref<16x128xi32, #tpu.memory_space<vmem>> -> memref<1x128xi32, #tpu.memory_space<vmem>>
      %dma_start3A_932 = tpu.memref_squeeze %dma_start3A_931 : memref<1x128xi32, #tpu.memory_space<vmem>> -> memref<128xi32, #tpu.memory_space<vmem>>
      %dma_start3A_933 = arith.constant 0 : i32
      %dma_start3A_934 = arith.constant 0 : i32
      %dma_start3A_935 = tpu.memref_slice %arg2[%dma_start3A_933, %dma_start3A_934] : memref<4194304x8xf32, #tpu.memory_space<hbm>> -> memref<4194304x8xf32, #tpu.memory_space<hbm>>
      tpu.enqueue_indirect_dma source(%dma_start3A_935 : memref<4194304x8xf32, #tpu.memory_space<hbm>>) target(%dma_start3A_929 : memref<128x8xf32, #tpu.memory_space<vmem>>) offsets(%dma_start3A_932 : memref<128xi32, #tpu.memory_space<vmem>>) semaphore(%arg18 : memref<!tpu.dma_semaphore, #tpu.memory_space<semaphore_mem>>)
      %dma_start3A_936 = arith.constant 2 : i32
      %dma_start3A_937 = arith.constant 256 : i32
      %dma_start3A_938 = arith.constant 0 : i32
      %dma_start3A_939 = tpu.memref_slice %arg14[%dma_start3A_937, %dma_start3A_938] : memref<2048x8xf32, #tpu.memory_space<vmem>> -> memref<128x8xf32, #tpu.memory_space<vmem>>
      %dma_start3A_940 = arith.constant 0 : i32
      %dma_start3A_941 = tpu.memref_slice %arg10[%dma_start3A_936, %dma_start3A_940] : memref<16x128xi32, #tpu.memory_space<vmem>> -> memref<1x128xi32, #tpu.memory_space<vmem>>
      %dma_start3A_942 = tpu.memref_squeeze %dma_start3A_941 : memref<1x128xi32, #tpu.memory_space<vmem>> -> memref<128xi32, #tpu.memory_space<vmem>>
      %dma_start3A_943 = arith.constant 0 : i32
      %dma_start3A_944 = arith.constant 0 : i32
      %dma_start3A_945 = tpu.memref_slice %arg2[%dma_start3A_943, %dma_start3A_944] : memref<4194304x8xf32, #tpu.memory_space<hbm>> -> memref<4194304x8xf32, #tpu.memory_space<hbm>>
      tpu.enqueue_indirect_dma source(%dma_start3A_945 : memref<4194304x8xf32, #tpu.memory_space<hbm>>) target(%dma_start3A_939 : memref<128x8xf32, #tpu.memory_space<vmem>>) offsets(%dma_start3A_942 : memref<128xi32, #tpu.memory_space<vmem>>) semaphore(%arg18 : memref<!tpu.dma_semaphore, #tpu.memory_space<semaphore_mem>>)
      %dma_start3A_946 = arith.constant 3 : i32
      %dma_start3A_947 = arith.constant 384 : i32
      %dma_start3A_948 = arith.constant 0 : i32
      %dma_start3A_949 = tpu.memref_slice %arg14[%dma_start3A_947, %dma_start3A_948] : memref<2048x8xf32, #tpu.memory_space<vmem>> -> memref<128x8xf32, #tpu.memory_space<vmem>>
      %dma_start3A_950 = arith.constant 0 : i32
      %dma_start3A_951 = tpu.memref_slice %arg10[%dma_start3A_946, %dma_start3A_950] : memref<16x128xi32, #tpu.memory_space<vmem>> -> memref<1x128xi32, #tpu.memory_space<vmem>>
      %dma_start3A_952 = tpu.memref_squeeze %dma_start3A_951 : memref<1x128xi32, #tpu.memory_space<vmem>> -> memref<128xi32, #tpu.memory_space<vmem>>
      %dma_start3A_953 = arith.constant 0 : i32
      %dma_start3A_954 = arith.constant 0 : i32
      %dma_start3A_955 = tpu.memref_slice %arg2[%dma_start3A_953, %dma_start3A_954] : memref<4194304x8xf32, #tpu.memory_space<hbm>> -> memref<4194304x8xf32, #tpu.memory_space<hbm>>
      tpu.enqueue_indirect_dma source(%dma_start3A_955 : memref<4194304x8xf32, #tpu.memory_space<hbm>>) target(%dma_start3A_949 : memref<128x8xf32, #tpu.memory_space<vmem>>) offsets(%dma_start3A_952 : memref<128xi32, #tpu.memory_space<vmem>>) semaphore(%arg18 : memref<!tpu.dma_semaphore, #tpu.memory_space<semaphore_mem>>)
      %dma_start3A_956 = arith.constant 4 : i32
      %dma_start3A_957 = arith.constant 512 : i32
      %dma_start3A_958 = arith.constant 0 : i32
      %dma_start3A_959 = tpu.memref_slice %arg14[%dma_start3A_957, %dma_start3A_958] : memref<2048x8xf32, #tpu.memory_space<vmem>> -> memref<128x8xf32, #tpu.memory_space<vmem>>
      %dma_start3A_960 = arith.constant 0 : i32
      %dma_start3A_961 = tpu.memref_slice %arg10[%dma_start3A_956, %dma_start3A_960] : memref<16x128xi32, #tpu.memory_space<vmem>> -> memref<1x128xi32, #tpu.memory_space<vmem>>
      %dma_start3A_962 = tpu.memref_squeeze %dma_start3A_961 : memref<1x128xi32, #tpu.memory_space<vmem>> -> memref<128xi32, #tpu.memory_space<vmem>>
      %dma_start3A_963 = arith.constant 0 : i32
      %dma_start3A_964 = arith.constant 0 : i32
      %dma_start3A_965 = tpu.memref_slice %arg2[%dma_start3A_963, %dma_start3A_964] : memref<4194304x8xf32, #tpu.memory_space<hbm>> -> memref<4194304x8xf32, #tpu.memory_space<hbm>>
      tpu.enqueue_indirect_dma source(%dma_start3A_965 : memref<4194304x8xf32, #tpu.memory_space<hbm>>) target(%dma_start3A_959 : memref<128x8xf32, #tpu.memory_space<vmem>>) offsets(%dma_start3A_962 : memref<128xi32, #tpu.memory_space<vmem>>) semaphore(%arg18 : memref<!tpu.dma_semaphore, #tpu.memory_space<semaphore_mem>>)
      %dma_start3A_966 = arith.constant 5 : i32
      %dma_start3A_967 = arith.constant 640 : i32
      %dma_start3A_968 = arith.constant 0 : i32
      %dma_start3A_969 = tpu.memref_slice %arg14[%dma_start3A_967, %dma_start3A_968] : memref<2048x8xf32, #tpu.memory_space<vmem>> -> memref<128x8xf32, #tpu.memory_space<vmem>>
      %dma_start3A_970 = arith.constant 0 : i32
      %dma_start3A_971 = tpu.memref_slice %arg10[%dma_start3A_966, %dma_start3A_970] : memref<16x128xi32, #tpu.memory_space<vmem>> -> memref<1x128xi32, #tpu.memory_space<vmem>>
      %dma_start3A_972 = tpu.memref_squeeze %dma_start3A_971 : memref<1x128xi32, #tpu.memory_space<vmem>> -> memref<128xi32, #tpu.memory_space<vmem>>
      %dma_start3A_973 = arith.constant 0 : i32
      %dma_start3A_974 = arith.constant 0 : i32
      %dma_start3A_975 = tpu.memref_slice %arg2[%dma_start3A_973, %dma_start3A_974] : memref<4194304x8xf32, #tpu.memory_space<hbm>> -> memref<4194304x8xf32, #tpu.memory_space<hbm>>
      tpu.enqueue_indirect_dma source(%dma_start3A_975 : memref<4194304x8xf32, #tpu.memory_space<hbm>>) target(%dma_start3A_969 : memref<128x8xf32, #tpu.memory_space<vmem>>) offsets(%dma_start3A_972 : memref<128xi32, #tpu.memory_space<vmem>>) semaphore(%arg18 : memref<!tpu.dma_semaphore, #tpu.memory_space<semaphore_mem>>)
      %dma_start3A_976 = arith.constant 6 : i32
      %dma_start3A_977 = arith.constant 768 : i32
      %dma_start3A_978 = arith.constant 0 : i32
      %dma_start3A_979 = tpu.memref_slice %arg14[%dma_start3A_977, %dma_start3A_978] : memref<2048x8xf32, #tpu.memory_space<vmem>> -> memref<128x8xf32, #tpu.memory_space<vmem>>
      %dma_start3A_980 = arith.constant 0 : i32
      %dma_start3A_981 = tpu.memref_slice %arg10[%dma_start3A_976, %dma_start3A_980] : memref<16x128xi32, #tpu.memory_space<vmem>> -> memref<1x128xi32, #tpu.memory_space<vmem>>
      %dma_start3A_982 = tpu.memref_squeeze %dma_start3A_981 : memref<1x128xi32, #tpu.memory_space<vmem>> -> memref<128xi32, #tpu.memory_space<vmem>>
      %dma_start3A_983 = arith.constant 0 : i32
      %dma_start3A_984 = arith.constant 0 : i32
      %dma_start3A_985 = tpu.memref_slice %arg2[%dma_start3A_983, %dma_start3A_984] : memref<4194304x8xf32, #tpu.memory_space<hbm>> -> memref<4194304x8xf32, #tpu.memory_space<hbm>>
      tpu.enqueue_indirect_dma source(%dma_start3A_985 : memref<4194304x8xf32, #tpu.memory_space<hbm>>) target(%dma_start3A_979 : memref<128x8xf32, #tpu.memory_space<vmem>>) offsets(%dma_start3A_982 : memref<128xi32, #tpu.memory_space<vmem>>) semaphore(%arg18 : memref<!tpu.dma_semaphore, #tpu.memory_space<semaphore_mem>>)
      %dma_start3A_986 = arith.constant 7 : i32
      %dma_start3A_987 = arith.constant 896 : i32
      %dma_start3A_988 = arith.constant 0 : i32
      %dma_start3A_989 = tpu.memref_slice %arg14[%dma_start3A_987, %dma_start3A_988] : memref<2048x8xf32, #tpu.memory_space<vmem>> -> memref<128x8xf32, #tpu.memory_space<vmem>>
      %dma_start3A_990 = arith.constant 0 : i32
      %dma_start3A_991 = tpu.memref_slice %arg10[%dma_start3A_986, %dma_start3A_990] : memref<16x128xi32, #tpu.memory_space<vmem>> -> memref<1x128xi32, #tpu.memory_space<vmem>>
      %dma_start3A_992 = tpu.memref_squeeze %dma_start3A_991 : memref<1x128xi32, #tpu.memory_space<vmem>> -> memref<128xi32, #tpu.memory_space<vmem>>
      %dma_start3A_993 = arith.constant 0 : i32
      %dma_start3A_994 = arith.constant 0 : i32
      %dma_start3A_995 = tpu.memref_slice %arg2[%dma_start3A_993, %dma_start3A_994] : memref<4194304x8xf32, #tpu.memory_space<hbm>> -> memref<4194304x8xf32, #tpu.memory_space<hbm>>
      tpu.enqueue_indirect_dma source(%dma_start3A_995 : memref<4194304x8xf32, #tpu.memory_space<hbm>>) target(%dma_start3A_989 : memref<128x8xf32, #tpu.memory_space<vmem>>) offsets(%dma_start3A_992 : memref<128xi32, #tpu.memory_space<vmem>>) semaphore(%arg18 : memref<!tpu.dma_semaphore, #tpu.memory_space<semaphore_mem>>)
      %dma_start3A_996 = arith.constant 8 : i32
      %dma_start3A_997 = arith.constant 1024 : i32
      %dma_start3A_998 = arith.constant 0 : i32
      %dma_start3A_999 = tpu.memref_slice %arg14[%dma_start3A_997, %dma_start3A_998] : memref<2048x8xf32, #tpu.memory_space<vmem>> -> memref<128x8xf32, #tpu.memory_space<vmem>>
      %dma_start3A_1000 = arith.constant 0 : i32
      %dma_start3A_1001 = tpu.memref_slice %arg10[%dma_start3A_996, %dma_start3A_1000] : memref<16x128xi32, #tpu.memory_space<vmem>> -> memref<1x128xi32, #tpu.memory_space<vmem>>
      %dma_start3A_1002 = tpu.memref_squeeze %dma_start3A_1001 : memref<1x128xi32, #tpu.memory_space<vmem>> -> memref<128xi32, #tpu.memory_space<vmem>>
      %dma_start3A_1003 = arith.constant 0 : i32
      %dma_start3A_1004 = arith.constant 0 : i32
      %dma_start3A_1005 = tpu.memref_slice %arg2[%dma_start3A_1003, %dma_start3A_1004] : memref<4194304x8xf32, #tpu.memory_space<hbm>> -> memref<4194304x8xf32, #tpu.memory_space<hbm>>
      tpu.enqueue_indirect_dma source(%dma_start3A_1005 : memref<4194304x8xf32, #tpu.memory_space<hbm>>) target(%dma_start3A_999 : memref<128x8xf32, #tpu.memory_space<vmem>>) offsets(%dma_start3A_1002 : memref<128xi32, #tpu.memory_space<vmem>>) semaphore(%arg18 : memref<!tpu.dma_semaphore, #tpu.memory_space<semaphore_mem>>)
      %dma_start3A_1006 = arith.constant 9 : i32
      %dma_start3A_1007 = arith.constant 1152 : i32
      %dma_start3A_1008 = arith.constant 0 : i32
      %dma_start3A_1009 = tpu.memref_slice %arg14[%dma_start3A_1007, %dma_start3A_1008] : memref<2048x8xf32, #tpu.memory_space<vmem>> -> memref<128x8xf32, #tpu.memory_space<vmem>>
      %dma_start3A_1010 = arith.constant 0 : i32
      %dma_start3A_1011 = tpu.memref_slice %arg10[%dma_start3A_1006, %dma_start3A_1010] : memref<16x128xi32, #tpu.memory_space<vmem>> -> memref<1x128xi32, #tpu.memory_space<vmem>>
      %dma_start3A_1012 = tpu.memref_squeeze %dma_start3A_1011 : memref<1x128xi32, #tpu.memory_space<vmem>> -> memref<128xi32, #tpu.memory_space<vmem>>
      %dma_start3A_1013 = arith.constant 0 : i32
      %dma_start3A_1014 = arith.constant 0 : i32
      %dma_start3A_1015 = tpu.memref_slice %arg2[%dma_start3A_1013, %dma_start3A_1014] : memref<4194304x8xf32, #tpu.memory_space<hbm>> -> memref<4194304x8xf32, #tpu.memory_space<hbm>>
      tpu.enqueue_indirect_dma source(%dma_start3A_1015 : memref<4194304x8xf32, #tpu.memory_space<hbm>>) target(%dma_start3A_1009 : memref<128x8xf32, #tpu.memory_space<vmem>>) offsets(%dma_start3A_1012 : memref<128xi32, #tpu.memory_space<vmem>>) semaphore(%arg18 : memref<!tpu.dma_semaphore, #tpu.memory_space<semaphore_mem>>)
      %dma_start3A_1016 = arith.constant 10 : i32
      %dma_start3A_1017 = arith.constant 1280 : i32
      %dma_start3A_1018 = arith.constant 0 : i32
      %dma_start3A_1019 = tpu.memref_slice %arg14[%dma_start3A_1017, %dma_start3A_1018] : memref<2048x8xf32, #tpu.memory_space<vmem>> -> memref<128x8xf32, #tpu.memory_space<vmem>>
      %dma_start3A_1020 = arith.constant 0 : i32
      %dma_start3A_1021 = tpu.memref_slice %arg10[%dma_start3A_1016, %dma_start3A_1020] : memref<16x128xi32, #tpu.memory_space<vmem>> -> memref<1x128xi32, #tpu.memory_space<vmem>>
      %dma_start3A_1022 = tpu.memref_squeeze %dma_start3A_1021 : memref<1x128xi32, #tpu.memory_space<vmem>> -> memref<128xi32, #tpu.memory_space<vmem>>
      %dma_start3A_1023 = arith.constant 0 : i32
      %dma_start3A_1024 = arith.constant 0 : i32
      %dma_start3A_1025 = tpu.memref_slice %arg2[%dma_start3A_1023, %dma_start3A_1024] : memref<4194304x8xf32, #tpu.memory_space<hbm>> -> memref<4194304x8xf32, #tpu.memory_space<hbm>>
      tpu.enqueue_indirect_dma source(%dma_start3A_1025 : memref<4194304x8xf32, #tpu.memory_space<hbm>>) target(%dma_start3A_1019 : memref<128x8xf32, #tpu.memory_space<vmem>>) offsets(%dma_start3A_1022 : memref<128xi32, #tpu.memory_space<vmem>>) semaphore(%arg18 : memref<!tpu.dma_semaphore, #tpu.memory_space<semaphore_mem>>)
      %dma_start3A_1026 = arith.constant 11 : i32
      %dma_start3A_1027 = arith.constant 1408 : i32
      %dma_start3A_1028 = arith.constant 0 : i32
      %dma_start3A_1029 = tpu.memref_slice %arg14[%dma_start3A_1027, %dma_start3A_1028] : memref<2048x8xf32, #tpu.memory_space<vmem>> -> memref<128x8xf32, #tpu.memory_space<vmem>>
      %dma_start3A_1030 = arith.constant 0 : i32
      %dma_start3A_1031 = tpu.memref_slice %arg10[%dma_start3A_1026, %dma_start3A_1030] : memref<16x128xi32, #tpu.memory_space<vmem>> -> memref<1x128xi32, #tpu.memory_space<vmem>>
      %dma_start3A_1032 = tpu.memref_squeeze %dma_start3A_1031 : memref<1x128xi32, #tpu.memory_space<vmem>> -> memref<128xi32, #tpu.memory_space<vmem>>
      %dma_start3A_1033 = arith.constant 0 : i32
      %dma_start3A_1034 = arith.constant 0 : i32
      %dma_start3A_1035 = tpu.memref_slice %arg2[%dma_start3A_1033, %dma_start3A_1034] : memref<4194304x8xf32, #tpu.memory_space<hbm>> -> memref<4194304x8xf32, #tpu.memory_space<hbm>>
      tpu.enqueue_indirect_dma source(%dma_start3A_1035 : memref<4194304x8xf32, #tpu.memory_space<hbm>>) target(%dma_start3A_1029 : memref<128x8xf32, #tpu.memory_space<vmem>>) offsets(%dma_start3A_1032 : memref<128xi32, #tpu.memory_space<vmem>>) semaphore(%arg18 : memref<!tpu.dma_semaphore, #tpu.memory_space<semaphore_mem>>)
      %dma_start3A_1036 = arith.constant 12 : i32
      %dma_start3A_1037 = arith.constant 1536 : i32
      %dma_start3A_1038 = arith.constant 0 : i32
      %dma_start3A_1039 = tpu.memref_slice %arg14[%dma_start3A_1037, %dma_start3A_1038] : memref<2048x8xf32, #tpu.memory_space<vmem>> -> memref<128x8xf32, #tpu.memory_space<vmem>>
      %dma_start3A_1040 = arith.constant 0 : i32
      %dma_start3A_1041 = tpu.memref_slice %arg10[%dma_start3A_1036, %dma_start3A_1040] : memref<16x128xi32, #tpu.memory_space<vmem>> -> memref<1x128xi32, #tpu.memory_space<vmem>>
      %dma_start3A_1042 = tpu.memref_squeeze %dma_start3A_1041 : memref<1x128xi32, #tpu.memory_space<vmem>> -> memref<128xi32, #tpu.memory_space<vmem>>
      %dma_start3A_1043 = arith.constant 0 : i32
      %dma_start3A_1044 = arith.constant 0 : i32
      %dma_start3A_1045 = tpu.memref_slice %arg2[%dma_start3A_1043, %dma_start3A_1044] : memref<4194304x8xf32, #tpu.memory_space<hbm>> -> memref<4194304x8xf32, #tpu.memory_space<hbm>>
      tpu.enqueue_indirect_dma source(%dma_start3A_1045 : memref<4194304x8xf32, #tpu.memory_space<hbm>>) target(%dma_start3A_1039 : memref<128x8xf32, #tpu.memory_space<vmem>>) offsets(%dma_start3A_1042 : memref<128xi32, #tpu.memory_space<vmem>>) semaphore(%arg18 : memref<!tpu.dma_semaphore, #tpu.memory_space<semaphore_mem>>)
      %dma_start3A_1046 = arith.constant 13 : i32
      %dma_start3A_1047 = arith.constant 1664 : i32
      %dma_start3A_1048 = arith.constant 0 : i32
      %dma_start3A_1049 = tpu.memref_slice %arg14[%dma_start3A_1047, %dma_start3A_1048] : memref<2048x8xf32, #tpu.memory_space<vmem>> -> memref<128x8xf32, #tpu.memory_space<vmem>>
      %dma_start3A_1050 = arith.constant 0 : i32
      %dma_start3A_1051 = tpu.memref_slice %arg10[%dma_start3A_1046, %dma_start3A_1050] : memref<16x128xi32, #tpu.memory_space<vmem>> -> memref<1x128xi32, #tpu.memory_space<vmem>>
      %dma_start3A_1052 = tpu.memref_squeeze %dma_start3A_1051 : memref<1x128xi32, #tpu.memory_space<vmem>> -> memref<128xi32, #tpu.memory_space<vmem>>
      %dma_start3A_1053 = arith.constant 0 : i32
      %dma_start3A_1054 = arith.constant 0 : i32
      %dma_start3A_1055 = tpu.memref_slice %arg2[%dma_start3A_1053, %dma_start3A_1054] : memref<4194304x8xf32, #tpu.memory_space<hbm>> -> memref<4194304x8xf32, #tpu.memory_space<hbm>>
      tpu.enqueue_indirect_dma source(%dma_start3A_1055 : memref<4194304x8xf32, #tpu.memory_space<hbm>>) target(%dma_start3A_1049 : memref<128x8xf32, #tpu.memory_space<vmem>>) offsets(%dma_start3A_1052 : memref<128xi32, #tpu.memory_space<vmem>>) semaphore(%arg18 : memref<!tpu.dma_semaphore, #tpu.memory_space<semaphore_mem>>)
      %dma_start3A_1056 = arith.constant 14 : i32
      %dma_start3A_1057 = arith.constant 1792 : i32
      %dma_start3A_1058 = arith.constant 0 : i32
      %dma_start3A_1059 = tpu.memref_slice %arg14[%dma_start3A_1057, %dma_start3A_1058] : memref<2048x8xf32, #tpu.memory_space<vmem>> -> memref<128x8xf32, #tpu.memory_space<vmem>>
      %dma_start3A_1060 = arith.constant 0 : i32
      %dma_start3A_1061 = tpu.memref_slice %arg10[%dma_start3A_1056, %dma_start3A_1060] : memref<16x128xi32, #tpu.memory_space<vmem>> -> memref<1x128xi32, #tpu.memory_space<vmem>>
      %dma_start3A_1062 = tpu.memref_squeeze %dma_start3A_1061 : memref<1x128xi32, #tpu.memory_space<vmem>> -> memref<128xi32, #tpu.memory_space<vmem>>
      %dma_start3A_1063 = arith.constant 0 : i32
      %dma_start3A_1064 = arith.constant 0 : i32
      %dma_start3A_1065 = tpu.memref_slice %arg2[%dma_start3A_1063, %dma_start3A_1064] : memref<4194304x8xf32, #tpu.memory_space<hbm>> -> memref<4194304x8xf32, #tpu.memory_space<hbm>>
      tpu.enqueue_indirect_dma source(%dma_start3A_1065 : memref<4194304x8xf32, #tpu.memory_space<hbm>>) target(%dma_start3A_1059 : memref<128x8xf32, #tpu.memory_space<vmem>>) offsets(%dma_start3A_1062 : memref<128xi32, #tpu.memory_space<vmem>>) semaphore(%arg18 : memref<!tpu.dma_semaphore, #tpu.memory_space<semaphore_mem>>)
      %dma_start3A_1066 = arith.constant 15 : i32
      %dma_start3A_1067 = arith.constant 1920 : i32
      %dma_start3A_1068 = arith.constant 0 : i32
      %dma_start3A_1069 = tpu.memref_slice %arg14[%dma_start3A_1067, %dma_start3A_1068] : memref<2048x8xf32, #tpu.memory_space<vmem>> -> memref<128x8xf32, #tpu.memory_space<vmem>>
      %dma_start3A_1070 = arith.constant 0 : i32
      %dma_start3A_1071 = tpu.memref_slice %arg10[%dma_start3A_1066, %dma_start3A_1070] : memref<16x128xi32, #tpu.memory_space<vmem>> -> memref<1x128xi32, #tpu.memory_space<vmem>>
      %dma_start3A_1072 = tpu.memref_squeeze %dma_start3A_1071 : memref<1x128xi32, #tpu.memory_space<vmem>> -> memref<128xi32, #tpu.memory_space<vmem>>
      %dma_start3A_1073 = arith.constant 0 : i32
      %dma_start3A_1074 = arith.constant 0 : i32
      %dma_start3A_1075 = tpu.memref_slice %arg2[%dma_start3A_1073, %dma_start3A_1074] : memref<4194304x8xf32, #tpu.memory_space<hbm>> -> memref<4194304x8xf32, #tpu.memory_space<hbm>>
      tpu.enqueue_indirect_dma source(%dma_start3A_1075 : memref<4194304x8xf32, #tpu.memory_space<hbm>>) target(%dma_start3A_1069 : memref<128x8xf32, #tpu.memory_space<vmem>>) offsets(%dma_start3A_1072 : memref<128xi32, #tpu.memory_space<vmem>>) semaphore(%arg18 : memref<!tpu.dma_semaphore, #tpu.memory_space<semaphore_mem>>)
      %dma_wait3A_1076 = arith.constant 0 : i32
      %dma_wait3A_1077 = arith.constant 0 : i32
      %dma_wait3A_1078 = arith.constant 0 : i32
      %dma_wait3A_1079 = tpu.memref_slice %arg11[%dma_wait3A_1077, %dma_wait3A_1078] : memref<2048x8xf32, #tpu.memory_space<vmem>> -> memref<128x8xf32, #tpu.memory_space<vmem>>
      %dma_wait3A_1080 = arith.constant 0 : i32
      %dma_wait3A_1081 = tpu.memref_slice %arg7[%dma_wait3A_1076, %dma_wait3A_1080] : memref<16x128xi32, #tpu.memory_space<vmem>> -> memref<1x128xi32, #tpu.memory_space<vmem>>
      %dma_wait3A_1082 = tpu.memref_squeeze %dma_wait3A_1081 : memref<1x128xi32, #tpu.memory_space<vmem>> -> memref<128xi32, #tpu.memory_space<vmem>>
      %dma_wait3A_1083 = arith.constant 0 : i32
      %dma_wait3A_1084 = arith.constant 0 : i32
      %dma_wait3A_1085 = tpu.memref_slice %arg2[%dma_wait3A_1083, %dma_wait3A_1084] : memref<4194304x8xf32, #tpu.memory_space<hbm>> -> memref<4194304x8xf32, #tpu.memory_space<hbm>>
      tpu.wait_indirect_dma semaphore(%arg17 : memref<!tpu.dma_semaphore, #tpu.memory_space<semaphore_mem>>) src(%dma_wait3A_1085 : memref<4194304x8xf32, #tpu.memory_space<hbm>>) dst(%dma_wait3A_1079 : memref<128x8xf32, #tpu.memory_space<vmem>>)
      %dma_wait3A_1086 = arith.constant 1 : i32
      %dma_wait3A_1087 = arith.constant 128 : i32
      %dma_wait3A_1088 = arith.constant 0 : i32
      %dma_wait3A_1089 = tpu.memref_slice %arg11[%dma_wait3A_1087, %dma_wait3A_1088] : memref<2048x8xf32, #tpu.memory_space<vmem>> -> memref<128x8xf32, #tpu.memory_space<vmem>>
      %dma_wait3A_1090 = arith.constant 0 : i32
      %dma_wait3A_1091 = tpu.memref_slice %arg7[%dma_wait3A_1086, %dma_wait3A_1090] : memref<16x128xi32, #tpu.memory_space<vmem>> -> memref<1x128xi32, #tpu.memory_space<vmem>>
      %dma_wait3A_1092 = tpu.memref_squeeze %dma_wait3A_1091 : memref<1x128xi32, #tpu.memory_space<vmem>> -> memref<128xi32, #tpu.memory_space<vmem>>
      %dma_wait3A_1093 = arith.constant 0 : i32
      %dma_wait3A_1094 = arith.constant 0 : i32
      %dma_wait3A_1095 = tpu.memref_slice %arg2[%dma_wait3A_1093, %dma_wait3A_1094] : memref<4194304x8xf32, #tpu.memory_space<hbm>> -> memref<4194304x8xf32, #tpu.memory_space<hbm>>
      tpu.wait_indirect_dma semaphore(%arg17 : memref<!tpu.dma_semaphore, #tpu.memory_space<semaphore_mem>>) src(%dma_wait3A_1095 : memref<4194304x8xf32, #tpu.memory_space<hbm>>) dst(%dma_wait3A_1089 : memref<128x8xf32, #tpu.memory_space<vmem>>)
      %dma_wait3A_1096 = arith.constant 2 : i32
      %dma_wait3A_1097 = arith.constant 256 : i32
      %dma_wait3A_1098 = arith.constant 0 : i32
      %dma_wait3A_1099 = tpu.memref_slice %arg11[%dma_wait3A_1097, %dma_wait3A_1098] : memref<2048x8xf32, #tpu.memory_space<vmem>> -> memref<128x8xf32, #tpu.memory_space<vmem>>
      %dma_wait3A_1100 = arith.constant 0 : i32
      %dma_wait3A_1101 = tpu.memref_slice %arg7[%dma_wait3A_1096, %dma_wait3A_1100] : memref<16x128xi32, #tpu.memory_space<vmem>> -> memref<1x128xi32, #tpu.memory_space<vmem>>
      %dma_wait3A_1102 = tpu.memref_squeeze %dma_wait3A_1101 : memref<1x128xi32, #tpu.memory_space<vmem>> -> memref<128xi32, #tpu.memory_space<vmem>>
      %dma_wait3A_1103 = arith.constant 0 : i32
      %dma_wait3A_1104 = arith.constant 0 : i32
      %dma_wait3A_1105 = tpu.memref_slice %arg2[%dma_wait3A_1103, %dma_wait3A_1104] : memref<4194304x8xf32, #tpu.memory_space<hbm>> -> memref<4194304x8xf32, #tpu.memory_space<hbm>>
      tpu.wait_indirect_dma semaphore(%arg17 : memref<!tpu.dma_semaphore, #tpu.memory_space<semaphore_mem>>) src(%dma_wait3A_1105 : memref<4194304x8xf32, #tpu.memory_space<hbm>>) dst(%dma_wait3A_1099 : memref<128x8xf32, #tpu.memory_space<vmem>>)
      %dma_wait3A_1106 = arith.constant 3 : i32
      %dma_wait3A_1107 = arith.constant 384 : i32
      %dma_wait3A_1108 = arith.constant 0 : i32
      %dma_wait3A_1109 = tpu.memref_slice %arg11[%dma_wait3A_1107, %dma_wait3A_1108] : memref<2048x8xf32, #tpu.memory_space<vmem>> -> memref<128x8xf32, #tpu.memory_space<vmem>>
      %dma_wait3A_1110 = arith.constant 0 : i32
      %dma_wait3A_1111 = tpu.memref_slice %arg7[%dma_wait3A_1106, %dma_wait3A_1110] : memref<16x128xi32, #tpu.memory_space<vmem>> -> memref<1x128xi32, #tpu.memory_space<vmem>>
      %dma_wait3A_1112 = tpu.memref_squeeze %dma_wait3A_1111 : memref<1x128xi32, #tpu.memory_space<vmem>> -> memref<128xi32, #tpu.memory_space<vmem>>
      %dma_wait3A_1113 = arith.constant 0 : i32
      %dma_wait3A_1114 = arith.constant 0 : i32
      %dma_wait3A_1115 = tpu.memref_slice %arg2[%dma_wait3A_1113, %dma_wait3A_1114] : memref<4194304x8xf32, #tpu.memory_space<hbm>> -> memref<4194304x8xf32, #tpu.memory_space<hbm>>
      tpu.wait_indirect_dma semaphore(%arg17 : memref<!tpu.dma_semaphore, #tpu.memory_space<semaphore_mem>>) src(%dma_wait3A_1115 : memref<4194304x8xf32, #tpu.memory_space<hbm>>) dst(%dma_wait3A_1109 : memref<128x8xf32, #tpu.memory_space<vmem>>)
      %dma_wait3A_1116 = arith.constant 4 : i32
      %dma_wait3A_1117 = arith.constant 512 : i32
      %dma_wait3A_1118 = arith.constant 0 : i32
      %dma_wait3A_1119 = tpu.memref_slice %arg11[%dma_wait3A_1117, %dma_wait3A_1118] : memref<2048x8xf32, #tpu.memory_space<vmem>> -> memref<128x8xf32, #tpu.memory_space<vmem>>
      %dma_wait3A_1120 = arith.constant 0 : i32
      %dma_wait3A_1121 = tpu.memref_slice %arg7[%dma_wait3A_1116, %dma_wait3A_1120] : memref<16x128xi32, #tpu.memory_space<vmem>> -> memref<1x128xi32, #tpu.memory_space<vmem>>
      %dma_wait3A_1122 = tpu.memref_squeeze %dma_wait3A_1121 : memref<1x128xi32, #tpu.memory_space<vmem>> -> memref<128xi32, #tpu.memory_space<vmem>>
      %dma_wait3A_1123 = arith.constant 0 : i32
      %dma_wait3A_1124 = arith.constant 0 : i32
      %dma_wait3A_1125 = tpu.memref_slice %arg2[%dma_wait3A_1123, %dma_wait3A_1124] : memref<4194304x8xf32, #tpu.memory_space<hbm>> -> memref<4194304x8xf32, #tpu.memory_space<hbm>>
      tpu.wait_indirect_dma semaphore(%arg17 : memref<!tpu.dma_semaphore, #tpu.memory_space<semaphore_mem>>) src(%dma_wait3A_1125 : memref<4194304x8xf32, #tpu.memory_space<hbm>>) dst(%dma_wait3A_1119 : memref<128x8xf32, #tpu.memory_space<vmem>>)
      %dma_wait3A_1126 = arith.constant 5 : i32
      %dma_wait3A_1127 = arith.constant 640 : i32
      %dma_wait3A_1128 = arith.constant 0 : i32
      %dma_wait3A_1129 = tpu.memref_slice %arg11[%dma_wait3A_1127, %dma_wait3A_1128] : memref<2048x8xf32, #tpu.memory_space<vmem>> -> memref<128x8xf32, #tpu.memory_space<vmem>>
      %dma_wait3A_1130 = arith.constant 0 : i32
      %dma_wait3A_1131 = tpu.memref_slice %arg7[%dma_wait3A_1126, %dma_wait3A_1130] : memref<16x128xi32, #tpu.memory_space<vmem>> -> memref<1x128xi32, #tpu.memory_space<vmem>>
      %dma_wait3A_1132 = tpu.memref_squeeze %dma_wait3A_1131 : memref<1x128xi32, #tpu.memory_space<vmem>> -> memref<128xi32, #tpu.memory_space<vmem>>
      %dma_wait3A_1133 = arith.constant 0 : i32
      %dma_wait3A_1134 = arith.constant 0 : i32
      %dma_wait3A_1135 = tpu.memref_slice %arg2[%dma_wait3A_1133, %dma_wait3A_1134] : memref<4194304x8xf32, #tpu.memory_space<hbm>> -> memref<4194304x8xf32, #tpu.memory_space<hbm>>
      tpu.wait_indirect_dma semaphore(%arg17 : memref<!tpu.dma_semaphore, #tpu.memory_space<semaphore_mem>>) src(%dma_wait3A_1135 : memref<4194304x8xf32, #tpu.memory_space<hbm>>) dst(%dma_wait3A_1129 : memref<128x8xf32, #tpu.memory_space<vmem>>)
      %dma_wait3A_1136 = arith.constant 6 : i32
      %dma_wait3A_1137 = arith.constant 768 : i32
      %dma_wait3A_1138 = arith.constant 0 : i32
      %dma_wait3A_1139 = tpu.memref_slice %arg11[%dma_wait3A_1137, %dma_wait3A_1138] : memref<2048x8xf32, #tpu.memory_space<vmem>> -> memref<128x8xf32, #tpu.memory_space<vmem>>
      %dma_wait3A_1140 = arith.constant 0 : i32
      %dma_wait3A_1141 = tpu.memref_slice %arg7[%dma_wait3A_1136, %dma_wait3A_1140] : memref<16x128xi32, #tpu.memory_space<vmem>> -> memref<1x128xi32, #tpu.memory_space<vmem>>
      %dma_wait3A_1142 = tpu.memref_squeeze %dma_wait3A_1141 : memref<1x128xi32, #tpu.memory_space<vmem>> -> memref<128xi32, #tpu.memory_space<vmem>>
      %dma_wait3A_1143 = arith.constant 0 : i32
      %dma_wait3A_1144 = arith.constant 0 : i32
      %dma_wait3A_1145 = tpu.memref_slice %arg2[%dma_wait3A_1143, %dma_wait3A_1144] : memref<4194304x8xf32, #tpu.memory_space<hbm>> -> memref<4194304x8xf32, #tpu.memory_space<hbm>>
      tpu.wait_indirect_dma semaphore(%arg17 : memref<!tpu.dma_semaphore, #tpu.memory_space<semaphore_mem>>) src(%dma_wait3A_1145 : memref<4194304x8xf32, #tpu.memory_space<hbm>>) dst(%dma_wait3A_1139 : memref<128x8xf32, #tpu.memory_space<vmem>>)
      %dma_wait3A_1146 = arith.constant 7 : i32
      %dma_wait3A_1147 = arith.constant 896 : i32
      %dma_wait3A_1148 = arith.constant 0 : i32
      %dma_wait3A_1149 = tpu.memref_slice %arg11[%dma_wait3A_1147, %dma_wait3A_1148] : memref<2048x8xf32, #tpu.memory_space<vmem>> -> memref<128x8xf32, #tpu.memory_space<vmem>>
      %dma_wait3A_1150 = arith.constant 0 : i32
      %dma_wait3A_1151 = tpu.memref_slice %arg7[%dma_wait3A_1146, %dma_wait3A_1150] : memref<16x128xi32, #tpu.memory_space<vmem>> -> memref<1x128xi32, #tpu.memory_space<vmem>>
      %dma_wait3A_1152 = tpu.memref_squeeze %dma_wait3A_1151 : memref<1x128xi32, #tpu.memory_space<vmem>> -> memref<128xi32, #tpu.memory_space<vmem>>
      %dma_wait3A_1153 = arith.constant 0 : i32
      %dma_wait3A_1154 = arith.constant 0 : i32
      %dma_wait3A_1155 = tpu.memref_slice %arg2[%dma_wait3A_1153, %dma_wait3A_1154] : memref<4194304x8xf32, #tpu.memory_space<hbm>> -> memref<4194304x8xf32, #tpu.memory_space<hbm>>
      tpu.wait_indirect_dma semaphore(%arg17 : memref<!tpu.dma_semaphore, #tpu.memory_space<semaphore_mem>>) src(%dma_wait3A_1155 : memref<4194304x8xf32, #tpu.memory_space<hbm>>) dst(%dma_wait3A_1149 : memref<128x8xf32, #tpu.memory_space<vmem>>)
      %dma_wait3A_1156 = arith.constant 8 : i32
      %dma_wait3A_1157 = arith.constant 1024 : i32
      %dma_wait3A_1158 = arith.constant 0 : i32
      %dma_wait3A_1159 = tpu.memref_slice %arg11[%dma_wait3A_1157, %dma_wait3A_1158] : memref<2048x8xf32, #tpu.memory_space<vmem>> -> memref<128x8xf32, #tpu.memory_space<vmem>>
      %dma_wait3A_1160 = arith.constant 0 : i32
      %dma_wait3A_1161 = tpu.memref_slice %arg7[%dma_wait3A_1156, %dma_wait3A_1160] : memref<16x128xi32, #tpu.memory_space<vmem>> -> memref<1x128xi32, #tpu.memory_space<vmem>>
      %dma_wait3A_1162 = tpu.memref_squeeze %dma_wait3A_1161 : memref<1x128xi32, #tpu.memory_space<vmem>> -> memref<128xi32, #tpu.memory_space<vmem>>
      %dma_wait3A_1163 = arith.constant 0 : i32
      %dma_wait3A_1164 = arith.constant 0 : i32
      %dma_wait3A_1165 = tpu.memref_slice %arg2[%dma_wait3A_1163, %dma_wait3A_1164] : memref<4194304x8xf32, #tpu.memory_space<hbm>> -> memref<4194304x8xf32, #tpu.memory_space<hbm>>
      tpu.wait_indirect_dma semaphore(%arg17 : memref<!tpu.dma_semaphore, #tpu.memory_space<semaphore_mem>>) src(%dma_wait3A_1165 : memref<4194304x8xf32, #tpu.memory_space<hbm>>) dst(%dma_wait3A_1159 : memref<128x8xf32, #tpu.memory_space<vmem>>)
      %dma_wait3A_1166 = arith.constant 9 : i32
      %dma_wait3A_1167 = arith.constant 1152 : i32
      %dma_wait3A_1168 = arith.constant 0 : i32
      %dma_wait3A_1169 = tpu.memref_slice %arg11[%dma_wait3A_1167, %dma_wait3A_1168] : memref<2048x8xf32, #tpu.memory_space<vmem>> -> memref<128x8xf32, #tpu.memory_space<vmem>>
      %dma_wait3A_1170 = arith.constant 0 : i32
      %dma_wait3A_1171 = tpu.memref_slice %arg7[%dma_wait3A_1166, %dma_wait3A_1170] : memref<16x128xi32, #tpu.memory_space<vmem>> -> memref<1x128xi32, #tpu.memory_space<vmem>>
      %dma_wait3A_1172 = tpu.memref_squeeze %dma_wait3A_1171 : memref<1x128xi32, #tpu.memory_space<vmem>> -> memref<128xi32, #tpu.memory_space<vmem>>
      %dma_wait3A_1173 = arith.constant 0 : i32
      %dma_wait3A_1174 = arith.constant 0 : i32
      %dma_wait3A_1175 = tpu.memref_slice %arg2[%dma_wait3A_1173, %dma_wait3A_1174] : memref<4194304x8xf32, #tpu.memory_space<hbm>> -> memref<4194304x8xf32, #tpu.memory_space<hbm>>
      tpu.wait_indirect_dma semaphore(%arg17 : memref<!tpu.dma_semaphore, #tpu.memory_space<semaphore_mem>>) src(%dma_wait3A_1175 : memref<4194304x8xf32, #tpu.memory_space<hbm>>) dst(%dma_wait3A_1169 : memref<128x8xf32, #tpu.memory_space<vmem>>)
      %dma_wait3A_1176 = arith.constant 10 : i32
      %dma_wait3A_1177 = arith.constant 1280 : i32
      %dma_wait3A_1178 = arith.constant 0 : i32
      %dma_wait3A_1179 = tpu.memref_slice %arg11[%dma_wait3A_1177, %dma_wait3A_1178] : memref<2048x8xf32, #tpu.memory_space<vmem>> -> memref<128x8xf32, #tpu.memory_space<vmem>>
      %dma_wait3A_1180 = arith.constant 0 : i32
      %dma_wait3A_1181 = tpu.memref_slice %arg7[%dma_wait3A_1176, %dma_wait3A_1180] : memref<16x128xi32, #tpu.memory_space<vmem>> -> memref<1x128xi32, #tpu.memory_space<vmem>>
      %dma_wait3A_1182 = tpu.memref_squeeze %dma_wait3A_1181 : memref<1x128xi32, #tpu.memory_space<vmem>> -> memref<128xi32, #tpu.memory_space<vmem>>
      %dma_wait3A_1183 = arith.constant 0 : i32
      %dma_wait3A_1184 = arith.constant 0 : i32
      %dma_wait3A_1185 = tpu.memref_slice %arg2[%dma_wait3A_1183, %dma_wait3A_1184] : memref<4194304x8xf32, #tpu.memory_space<hbm>> -> memref<4194304x8xf32, #tpu.memory_space<hbm>>
      tpu.wait_indirect_dma semaphore(%arg17 : memref<!tpu.dma_semaphore, #tpu.memory_space<semaphore_mem>>) src(%dma_wait3A_1185 : memref<4194304x8xf32, #tpu.memory_space<hbm>>) dst(%dma_wait3A_1179 : memref<128x8xf32, #tpu.memory_space<vmem>>)
      %dma_wait3A_1186 = arith.constant 11 : i32
      %dma_wait3A_1187 = arith.constant 1408 : i32
      %dma_wait3A_1188 = arith.constant 0 : i32
      %dma_wait3A_1189 = tpu.memref_slice %arg11[%dma_wait3A_1187, %dma_wait3A_1188] : memref<2048x8xf32, #tpu.memory_space<vmem>> -> memref<128x8xf32, #tpu.memory_space<vmem>>
      %dma_wait3A_1190 = arith.constant 0 : i32
      %dma_wait3A_1191 = tpu.memref_slice %arg7[%dma_wait3A_1186, %dma_wait3A_1190] : memref<16x128xi32, #tpu.memory_space<vmem>> -> memref<1x128xi32, #tpu.memory_space<vmem>>
      %dma_wait3A_1192 = tpu.memref_squeeze %dma_wait3A_1191 : memref<1x128xi32, #tpu.memory_space<vmem>> -> memref<128xi32, #tpu.memory_space<vmem>>
      %dma_wait3A_1193 = arith.constant 0 : i32
      %dma_wait3A_1194 = arith.constant 0 : i32
      %dma_wait3A_1195 = tpu.memref_slice %arg2[%dma_wait3A_1193, %dma_wait3A_1194] : memref<4194304x8xf32, #tpu.memory_space<hbm>> -> memref<4194304x8xf32, #tpu.memory_space<hbm>>
      tpu.wait_indirect_dma semaphore(%arg17 : memref<!tpu.dma_semaphore, #tpu.memory_space<semaphore_mem>>) src(%dma_wait3A_1195 : memref<4194304x8xf32, #tpu.memory_space<hbm>>) dst(%dma_wait3A_1189 : memref<128x8xf32, #tpu.memory_space<vmem>>)
      %dma_wait3A_1196 = arith.constant 12 : i32
      %dma_wait3A_1197 = arith.constant 1536 : i32
      %dma_wait3A_1198 = arith.constant 0 : i32
      %dma_wait3A_1199 = tpu.memref_slice %arg11[%dma_wait3A_1197, %dma_wait3A_1198] : memref<2048x8xf32, #tpu.memory_space<vmem>> -> memref<128x8xf32, #tpu.memory_space<vmem>>
      %dma_wait3A_1200 = arith.constant 0 : i32
      %dma_wait3A_1201 = tpu.memref_slice %arg7[%dma_wait3A_1196, %dma_wait3A_1200] : memref<16x128xi32, #tpu.memory_space<vmem>> -> memref<1x128xi32, #tpu.memory_space<vmem>>
      %dma_wait3A_1202 = tpu.memref_squeeze %dma_wait3A_1201 : memref<1x128xi32, #tpu.memory_space<vmem>> -> memref<128xi32, #tpu.memory_space<vmem>>
      %dma_wait3A_1203 = arith.constant 0 : i32
      %dma_wait3A_1204 = arith.constant 0 : i32
      %dma_wait3A_1205 = tpu.memref_slice %arg2[%dma_wait3A_1203, %dma_wait3A_1204] : memref<4194304x8xf32, #tpu.memory_space<hbm>> -> memref<4194304x8xf32, #tpu.memory_space<hbm>>
      tpu.wait_indirect_dma semaphore(%arg17 : memref<!tpu.dma_semaphore, #tpu.memory_space<semaphore_mem>>) src(%dma_wait3A_1205 : memref<4194304x8xf32, #tpu.memory_space<hbm>>) dst(%dma_wait3A_1199 : memref<128x8xf32, #tpu.memory_space<vmem>>)
      %dma_wait3A_1206 = arith.constant 13 : i32
      %dma_wait3A_1207 = arith.constant 1664 : i32
      %dma_wait3A_1208 = arith.constant 0 : i32
      %dma_wait3A_1209 = tpu.memref_slice %arg11[%dma_wait3A_1207, %dma_wait3A_1208] : memref<2048x8xf32, #tpu.memory_space<vmem>> -> memref<128x8xf32, #tpu.memory_space<vmem>>
      %dma_wait3A_1210 = arith.constant 0 : i32
      %dma_wait3A_1211 = tpu.memref_slice %arg7[%dma_wait3A_1206, %dma_wait3A_1210] : memref<16x128xi32, #tpu.memory_space<vmem>> -> memref<1x128xi32, #tpu.memory_space<vmem>>
      %dma_wait3A_1212 = tpu.memref_squeeze %dma_wait3A_1211 : memref<1x128xi32, #tpu.memory_space<vmem>> -> memref<128xi32, #tpu.memory_space<vmem>>
      %dma_wait3A_1213 = arith.constant 0 : i32
      %dma_wait3A_1214 = arith.constant 0 : i32
      %dma_wait3A_1215 = tpu.memref_slice %arg2[%dma_wait3A_1213, %dma_wait3A_1214] : memref<4194304x8xf32, #tpu.memory_space<hbm>> -> memref<4194304x8xf32, #tpu.memory_space<hbm>>
      tpu.wait_indirect_dma semaphore(%arg17 : memref<!tpu.dma_semaphore, #tpu.memory_space<semaphore_mem>>) src(%dma_wait3A_1215 : memref<4194304x8xf32, #tpu.memory_space<hbm>>) dst(%dma_wait3A_1209 : memref<128x8xf32, #tpu.memory_space<vmem>>)
      %dma_wait3A_1216 = arith.constant 14 : i32
      %dma_wait3A_1217 = arith.constant 1792 : i32
      %dma_wait3A_1218 = arith.constant 0 : i32
      %dma_wait3A_1219 = tpu.memref_slice %arg11[%dma_wait3A_1217, %dma_wait3A_1218] : memref<2048x8xf32, #tpu.memory_space<vmem>> -> memref<128x8xf32, #tpu.memory_space<vmem>>
      %dma_wait3A_1220 = arith.constant 0 : i32
      %dma_wait3A_1221 = tpu.memref_slice %arg7[%dma_wait3A_1216, %dma_wait3A_1220] : memref<16x128xi32, #tpu.memory_space<vmem>> -> memref<1x128xi32, #tpu.memory_space<vmem>>
      %dma_wait3A_1222 = tpu.memref_squeeze %dma_wait3A_1221 : memref<1x128xi32, #tpu.memory_space<vmem>> -> memref<128xi32, #tpu.memory_space<vmem>>
      %dma_wait3A_1223 = arith.constant 0 : i32
      %dma_wait3A_1224 = arith.constant 0 : i32
      %dma_wait3A_1225 = tpu.memref_slice %arg2[%dma_wait3A_1223, %dma_wait3A_1224] : memref<4194304x8xf32, #tpu.memory_space<hbm>> -> memref<4194304x8xf32, #tpu.memory_space<hbm>>
      tpu.wait_indirect_dma semaphore(%arg17 : memref<!tpu.dma_semaphore, #tpu.memory_space<semaphore_mem>>) src(%dma_wait3A_1225 : memref<4194304x8xf32, #tpu.memory_space<hbm>>) dst(%dma_wait3A_1219 : memref<128x8xf32, #tpu.memory_space<vmem>>)
      %dma_wait3A_1226 = arith.constant 15 : i32
      %dma_wait3A_1227 = arith.constant 1920 : i32
      %dma_wait3A_1228 = arith.constant 0 : i32
      %dma_wait3A_1229 = tpu.memref_slice %arg11[%dma_wait3A_1227, %dma_wait3A_1228] : memref<2048x8xf32, #tpu.memory_space<vmem>> -> memref<128x8xf32, #tpu.memory_space<vmem>>
      %dma_wait3A_1230 = arith.constant 0 : i32
      %dma_wait3A_1231 = tpu.memref_slice %arg7[%dma_wait3A_1226, %dma_wait3A_1230] : memref<16x128xi32, #tpu.memory_space<vmem>> -> memref<1x128xi32, #tpu.memory_space<vmem>>
      %dma_wait3A_1232 = tpu.memref_squeeze %dma_wait3A_1231 : memref<1x128xi32, #tpu.memory_space<vmem>> -> memref<128xi32, #tpu.memory_space<vmem>>
      %dma_wait3A_1233 = arith.constant 0 : i32
      %dma_wait3A_1234 = arith.constant 0 : i32
      %dma_wait3A_1235 = tpu.memref_slice %arg2[%dma_wait3A_1233, %dma_wait3A_1234] : memref<4194304x8xf32, #tpu.memory_space<hbm>> -> memref<4194304x8xf32, #tpu.memory_space<hbm>>
      tpu.wait_indirect_dma semaphore(%arg17 : memref<!tpu.dma_semaphore, #tpu.memory_space<semaphore_mem>>) src(%dma_wait3A_1235 : memref<4194304x8xf32, #tpu.memory_space<hbm>>) dst(%dma_wait3A_1229 : memref<128x8xf32, #tpu.memory_space<vmem>>)
      %dma_wait3A_1236 = arith.constant 0 : i32
      %dma_wait3A_1237 = arith.constant 0 : i32
      %dma_wait3A_1238 = arith.constant 0 : i32
      %dma_wait3A_1239 = tpu.memref_slice %arg12[%dma_wait3A_1237, %dma_wait3A_1238] : memref<2048x8xf32, #tpu.memory_space<vmem>> -> memref<128x8xf32, #tpu.memory_space<vmem>>
      %dma_wait3A_1240 = arith.constant 0 : i32
      %dma_wait3A_1241 = tpu.memref_slice %arg8[%dma_wait3A_1236, %dma_wait3A_1240] : memref<16x128xi32, #tpu.memory_space<vmem>> -> memref<1x128xi32, #tpu.memory_space<vmem>>
      %dma_wait3A_1242 = tpu.memref_squeeze %dma_wait3A_1241 : memref<1x128xi32, #tpu.memory_space<vmem>> -> memref<128xi32, #tpu.memory_space<vmem>>
      %dma_wait3A_1243 = arith.constant 0 : i32
      %dma_wait3A_1244 = arith.constant 0 : i32
      %dma_wait3A_1245 = tpu.memref_slice %arg2[%dma_wait3A_1243, %dma_wait3A_1244] : memref<4194304x8xf32, #tpu.memory_space<hbm>> -> memref<4194304x8xf32, #tpu.memory_space<hbm>>
      tpu.wait_indirect_dma semaphore(%arg17 : memref<!tpu.dma_semaphore, #tpu.memory_space<semaphore_mem>>) src(%dma_wait3A_1245 : memref<4194304x8xf32, #tpu.memory_space<hbm>>) dst(%dma_wait3A_1239 : memref<128x8xf32, #tpu.memory_space<vmem>>)
      %dma_wait3A_1246 = arith.constant 1 : i32
      %dma_wait3A_1247 = arith.constant 128 : i32
      %dma_wait3A_1248 = arith.constant 0 : i32
      %dma_wait3A_1249 = tpu.memref_slice %arg12[%dma_wait3A_1247, %dma_wait3A_1248] : memref<2048x8xf32, #tpu.memory_space<vmem>> -> memref<128x8xf32, #tpu.memory_space<vmem>>
      %dma_wait3A_1250 = arith.constant 0 : i32
      %dma_wait3A_1251 = tpu.memref_slice %arg8[%dma_wait3A_1246, %dma_wait3A_1250] : memref<16x128xi32, #tpu.memory_space<vmem>> -> memref<1x128xi32, #tpu.memory_space<vmem>>
      %dma_wait3A_1252 = tpu.memref_squeeze %dma_wait3A_1251 : memref<1x128xi32, #tpu.memory_space<vmem>> -> memref<128xi32, #tpu.memory_space<vmem>>
      %dma_wait3A_1253 = arith.constant 0 : i32
      %dma_wait3A_1254 = arith.constant 0 : i32
      %dma_wait3A_1255 = tpu.memref_slice %arg2[%dma_wait3A_1253, %dma_wait3A_1254] : memref<4194304x8xf32, #tpu.memory_space<hbm>> -> memref<4194304x8xf32, #tpu.memory_space<hbm>>
      tpu.wait_indirect_dma semaphore(%arg17 : memref<!tpu.dma_semaphore, #tpu.memory_space<semaphore_mem>>) src(%dma_wait3A_1255 : memref<4194304x8xf32, #tpu.memory_space<hbm>>) dst(%dma_wait3A_1249 : memref<128x8xf32, #tpu.memory_space<vmem>>)
      %dma_wait3A_1256 = arith.constant 2 : i32
      %dma_wait3A_1257 = arith.constant 256 : i32
      %dma_wait3A_1258 = arith.constant 0 : i32
      %dma_wait3A_1259 = tpu.memref_slice %arg12[%dma_wait3A_1257, %dma_wait3A_1258] : memref<2048x8xf32, #tpu.memory_space<vmem>> -> memref<128x8xf32, #tpu.memory_space<vmem>>
      %dma_wait3A_1260 = arith.constant 0 : i32
      %dma_wait3A_1261 = tpu.memref_slice %arg8[%dma_wait3A_1256, %dma_wait3A_1260] : memref<16x128xi32, #tpu.memory_space<vmem>> -> memref<1x128xi32, #tpu.memory_space<vmem>>
      %dma_wait3A_1262 = tpu.memref_squeeze %dma_wait3A_1261 : memref<1x128xi32, #tpu.memory_space<vmem>> -> memref<128xi32, #tpu.memory_space<vmem>>
      %dma_wait3A_1263 = arith.constant 0 : i32
      %dma_wait3A_1264 = arith.constant 0 : i32
      %dma_wait3A_1265 = tpu.memref_slice %arg2[%dma_wait3A_1263, %dma_wait3A_1264] : memref<4194304x8xf32, #tpu.memory_space<hbm>> -> memref<4194304x8xf32, #tpu.memory_space<hbm>>
      tpu.wait_indirect_dma semaphore(%arg17 : memref<!tpu.dma_semaphore, #tpu.memory_space<semaphore_mem>>) src(%dma_wait3A_1265 : memref<4194304x8xf32, #tpu.memory_space<hbm>>) dst(%dma_wait3A_1259 : memref<128x8xf32, #tpu.memory_space<vmem>>)
      %dma_wait3A_1266 = arith.constant 3 : i32
      %dma_wait3A_1267 = arith.constant 384 : i32
      %dma_wait3A_1268 = arith.constant 0 : i32
      %dma_wait3A_1269 = tpu.memref_slice %arg12[%dma_wait3A_1267, %dma_wait3A_1268] : memref<2048x8xf32, #tpu.memory_space<vmem>> -> memref<128x8xf32, #tpu.memory_space<vmem>>
      %dma_wait3A_1270 = arith.constant 0 : i32
      %dma_wait3A_1271 = tpu.memref_slice %arg8[%dma_wait3A_1266, %dma_wait3A_1270] : memref<16x128xi32, #tpu.memory_space<vmem>> -> memref<1x128xi32, #tpu.memory_space<vmem>>
      %dma_wait3A_1272 = tpu.memref_squeeze %dma_wait3A_1271 : memref<1x128xi32, #tpu.memory_space<vmem>> -> memref<128xi32, #tpu.memory_space<vmem>>
      %dma_wait3A_1273 = arith.constant 0 : i32
      %dma_wait3A_1274 = arith.constant 0 : i32
      %dma_wait3A_1275 = tpu.memref_slice %arg2[%dma_wait3A_1273, %dma_wait3A_1274] : memref<4194304x8xf32, #tpu.memory_space<hbm>> -> memref<4194304x8xf32, #tpu.memory_space<hbm>>
      tpu.wait_indirect_dma semaphore(%arg17 : memref<!tpu.dma_semaphore, #tpu.memory_space<semaphore_mem>>) src(%dma_wait3A_1275 : memref<4194304x8xf32, #tpu.memory_space<hbm>>) dst(%dma_wait3A_1269 : memref<128x8xf32, #tpu.memory_space<vmem>>)
      %dma_wait3A_1276 = arith.constant 4 : i32
      %dma_wait3A_1277 = arith.constant 512 : i32
      %dma_wait3A_1278 = arith.constant 0 : i32
      %dma_wait3A_1279 = tpu.memref_slice %arg12[%dma_wait3A_1277, %dma_wait3A_1278] : memref<2048x8xf32, #tpu.memory_space<vmem>> -> memref<128x8xf32, #tpu.memory_space<vmem>>
      %dma_wait3A_1280 = arith.constant 0 : i32
      %dma_wait3A_1281 = tpu.memref_slice %arg8[%dma_wait3A_1276, %dma_wait3A_1280] : memref<16x128xi32, #tpu.memory_space<vmem>> -> memref<1x128xi32, #tpu.memory_space<vmem>>
      %dma_wait3A_1282 = tpu.memref_squeeze %dma_wait3A_1281 : memref<1x128xi32, #tpu.memory_space<vmem>> -> memref<128xi32, #tpu.memory_space<vmem>>
      %dma_wait3A_1283 = arith.constant 0 : i32
      %dma_wait3A_1284 = arith.constant 0 : i32
      %dma_wait3A_1285 = tpu.memref_slice %arg2[%dma_wait3A_1283, %dma_wait3A_1284] : memref<4194304x8xf32, #tpu.memory_space<hbm>> -> memref<4194304x8xf32, #tpu.memory_space<hbm>>
      tpu.wait_indirect_dma semaphore(%arg17 : memref<!tpu.dma_semaphore, #tpu.memory_space<semaphore_mem>>) src(%dma_wait3A_1285 : memref<4194304x8xf32, #tpu.memory_space<hbm>>) dst(%dma_wait3A_1279 : memref<128x8xf32, #tpu.memory_space<vmem>>)
      %dma_wait3A_1286 = arith.constant 5 : i32
      %dma_wait3A_1287 = arith.constant 640 : i32
      %dma_wait3A_1288 = arith.constant 0 : i32
      %dma_wait3A_1289 = tpu.memref_slice %arg12[%dma_wait3A_1287, %dma_wait3A_1288] : memref<2048x8xf32, #tpu.memory_space<vmem>> -> memref<128x8xf32, #tpu.memory_space<vmem>>
      %dma_wait3A_1290 = arith.constant 0 : i32
      %dma_wait3A_1291 = tpu.memref_slice %arg8[%dma_wait3A_1286, %dma_wait3A_1290] : memref<16x128xi32, #tpu.memory_space<vmem>> -> memref<1x128xi32, #tpu.memory_space<vmem>>
      %dma_wait3A_1292 = tpu.memref_squeeze %dma_wait3A_1291 : memref<1x128xi32, #tpu.memory_space<vmem>> -> memref<128xi32, #tpu.memory_space<vmem>>
      %dma_wait3A_1293 = arith.constant 0 : i32
      %dma_wait3A_1294 = arith.constant 0 : i32
      %dma_wait3A_1295 = tpu.memref_slice %arg2[%dma_wait3A_1293, %dma_wait3A_1294] : memref<4194304x8xf32, #tpu.memory_space<hbm>> -> memref<4194304x8xf32, #tpu.memory_space<hbm>>
      tpu.wait_indirect_dma semaphore(%arg17 : memref<!tpu.dma_semaphore, #tpu.memory_space<semaphore_mem>>) src(%dma_wait3A_1295 : memref<4194304x8xf32, #tpu.memory_space<hbm>>) dst(%dma_wait3A_1289 : memref<128x8xf32, #tpu.memory_space<vmem>>)
      %dma_wait3A_1296 = arith.constant 6 : i32
      %dma_wait3A_1297 = arith.constant 768 : i32
      %dma_wait3A_1298 = arith.constant 0 : i32
      %dma_wait3A_1299 = tpu.memref_slice %arg12[%dma_wait3A_1297, %dma_wait3A_1298] : memref<2048x8xf32, #tpu.memory_space<vmem>> -> memref<128x8xf32, #tpu.memory_space<vmem>>
      %dma_wait3A_1300 = arith.constant 0 : i32
      %dma_wait3A_1301 = tpu.memref_slice %arg8[%dma_wait3A_1296, %dma_wait3A_1300] : memref<16x128xi32, #tpu.memory_space<vmem>> -> memref<1x128xi32, #tpu.memory_space<vmem>>
      %dma_wait3A_1302 = tpu.memref_squeeze %dma_wait3A_1301 : memref<1x128xi32, #tpu.memory_space<vmem>> -> memref<128xi32, #tpu.memory_space<vmem>>
      %dma_wait3A_1303 = arith.constant 0 : i32
      %dma_wait3A_1304 = arith.constant 0 : i32
      %dma_wait3A_1305 = tpu.memref_slice %arg2[%dma_wait3A_1303, %dma_wait3A_1304] : memref<4194304x8xf32, #tpu.memory_space<hbm>> -> memref<4194304x8xf32, #tpu.memory_space<hbm>>
      tpu.wait_indirect_dma semaphore(%arg17 : memref<!tpu.dma_semaphore, #tpu.memory_space<semaphore_mem>>) src(%dma_wait3A_1305 : memref<4194304x8xf32, #tpu.memory_space<hbm>>) dst(%dma_wait3A_1299 : memref<128x8xf32, #tpu.memory_space<vmem>>)
      %dma_wait3A_1306 = arith.constant 7 : i32
      %dma_wait3A_1307 = arith.constant 896 : i32
      %dma_wait3A_1308 = arith.constant 0 : i32
      %dma_wait3A_1309 = tpu.memref_slice %arg12[%dma_wait3A_1307, %dma_wait3A_1308] : memref<2048x8xf32, #tpu.memory_space<vmem>> -> memref<128x8xf32, #tpu.memory_space<vmem>>
      %dma_wait3A_1310 = arith.constant 0 : i32
      %dma_wait3A_1311 = tpu.memref_slice %arg8[%dma_wait3A_1306, %dma_wait3A_1310] : memref<16x128xi32, #tpu.memory_space<vmem>> -> memref<1x128xi32, #tpu.memory_space<vmem>>
      %dma_wait3A_1312 = tpu.memref_squeeze %dma_wait3A_1311 : memref<1x128xi32, #tpu.memory_space<vmem>> -> memref<128xi32, #tpu.memory_space<vmem>>
      %dma_wait3A_1313 = arith.constant 0 : i32
      %dma_wait3A_1314 = arith.constant 0 : i32
      %dma_wait3A_1315 = tpu.memref_slice %arg2[%dma_wait3A_1313, %dma_wait3A_1314] : memref<4194304x8xf32, #tpu.memory_space<hbm>> -> memref<4194304x8xf32, #tpu.memory_space<hbm>>
      tpu.wait_indirect_dma semaphore(%arg17 : memref<!tpu.dma_semaphore, #tpu.memory_space<semaphore_mem>>) src(%dma_wait3A_1315 : memref<4194304x8xf32, #tpu.memory_space<hbm>>) dst(%dma_wait3A_1309 : memref<128x8xf32, #tpu.memory_space<vmem>>)
      %dma_wait3A_1316 = arith.constant 8 : i32
      %dma_wait3A_1317 = arith.constant 1024 : i32
      %dma_wait3A_1318 = arith.constant 0 : i32
      %dma_wait3A_1319 = tpu.memref_slice %arg12[%dma_wait3A_1317, %dma_wait3A_1318] : memref<2048x8xf32, #tpu.memory_space<vmem>> -> memref<128x8xf32, #tpu.memory_space<vmem>>
      %dma_wait3A_1320 = arith.constant 0 : i32
      %dma_wait3A_1321 = tpu.memref_slice %arg8[%dma_wait3A_1316, %dma_wait3A_1320] : memref<16x128xi32, #tpu.memory_space<vmem>> -> memref<1x128xi32, #tpu.memory_space<vmem>>
      %dma_wait3A_1322 = tpu.memref_squeeze %dma_wait3A_1321 : memref<1x128xi32, #tpu.memory_space<vmem>> -> memref<128xi32, #tpu.memory_space<vmem>>
      %dma_wait3A_1323 = arith.constant 0 : i32
      %dma_wait3A_1324 = arith.constant 0 : i32
      %dma_wait3A_1325 = tpu.memref_slice %arg2[%dma_wait3A_1323, %dma_wait3A_1324] : memref<4194304x8xf32, #tpu.memory_space<hbm>> -> memref<4194304x8xf32, #tpu.memory_space<hbm>>
      tpu.wait_indirect_dma semaphore(%arg17 : memref<!tpu.dma_semaphore, #tpu.memory_space<semaphore_mem>>) src(%dma_wait3A_1325 : memref<4194304x8xf32, #tpu.memory_space<hbm>>) dst(%dma_wait3A_1319 : memref<128x8xf32, #tpu.memory_space<vmem>>)
      %dma_wait3A_1326 = arith.constant 9 : i32
      %dma_wait3A_1327 = arith.constant 1152 : i32
      %dma_wait3A_1328 = arith.constant 0 : i32
      %dma_wait3A_1329 = tpu.memref_slice %arg12[%dma_wait3A_1327, %dma_wait3A_1328] : memref<2048x8xf32, #tpu.memory_space<vmem>> -> memref<128x8xf32, #tpu.memory_space<vmem>>
      %dma_wait3A_1330 = arith.constant 0 : i32
      %dma_wait3A_1331 = tpu.memref_slice %arg8[%dma_wait3A_1326, %dma_wait3A_1330] : memref<16x128xi32, #tpu.memory_space<vmem>> -> memref<1x128xi32, #tpu.memory_space<vmem>>
      %dma_wait3A_1332 = tpu.memref_squeeze %dma_wait3A_1331 : memref<1x128xi32, #tpu.memory_space<vmem>> -> memref<128xi32, #tpu.memory_space<vmem>>
      %dma_wait3A_1333 = arith.constant 0 : i32
      %dma_wait3A_1334 = arith.constant 0 : i32
      %dma_wait3A_1335 = tpu.memref_slice %arg2[%dma_wait3A_1333, %dma_wait3A_1334] : memref<4194304x8xf32, #tpu.memory_space<hbm>> -> memref<4194304x8xf32, #tpu.memory_space<hbm>>
      tpu.wait_indirect_dma semaphore(%arg17 : memref<!tpu.dma_semaphore, #tpu.memory_space<semaphore_mem>>) src(%dma_wait3A_1335 : memref<4194304x8xf32, #tpu.memory_space<hbm>>) dst(%dma_wait3A_1329 : memref<128x8xf32, #tpu.memory_space<vmem>>)
      %dma_wait3A_1336 = arith.constant 10 : i32
      %dma_wait3A_1337 = arith.constant 1280 : i32
      %dma_wait3A_1338 = arith.constant 0 : i32
      %dma_wait3A_1339 = tpu.memref_slice %arg12[%dma_wait3A_1337, %dma_wait3A_1338] : memref<2048x8xf32, #tpu.memory_space<vmem>> -> memref<128x8xf32, #tpu.memory_space<vmem>>
      %dma_wait3A_1340 = arith.constant 0 : i32
      %dma_wait3A_1341 = tpu.memref_slice %arg8[%dma_wait3A_1336, %dma_wait3A_1340] : memref<16x128xi32, #tpu.memory_space<vmem>> -> memref<1x128xi32, #tpu.memory_space<vmem>>
      %dma_wait3A_1342 = tpu.memref_squeeze %dma_wait3A_1341 : memref<1x128xi32, #tpu.memory_space<vmem>> -> memref<128xi32, #tpu.memory_space<vmem>>
      %dma_wait3A_1343 = arith.constant 0 : i32
      %dma_wait3A_1344 = arith.constant 0 : i32
      %dma_wait3A_1345 = tpu.memref_slice %arg2[%dma_wait3A_1343, %dma_wait3A_1344] : memref<4194304x8xf32, #tpu.memory_space<hbm>> -> memref<4194304x8xf32, #tpu.memory_space<hbm>>
      tpu.wait_indirect_dma semaphore(%arg17 : memref<!tpu.dma_semaphore, #tpu.memory_space<semaphore_mem>>) src(%dma_wait3A_1345 : memref<4194304x8xf32, #tpu.memory_space<hbm>>) dst(%dma_wait3A_1339 : memref<128x8xf32, #tpu.memory_space<vmem>>)
      %dma_wait3A_1346 = arith.constant 11 : i32
      %dma_wait3A_1347 = arith.constant 1408 : i32
      %dma_wait3A_1348 = arith.constant 0 : i32
      %dma_wait3A_1349 = tpu.memref_slice %arg12[%dma_wait3A_1347, %dma_wait3A_1348] : memref<2048x8xf32, #tpu.memory_space<vmem>> -> memref<128x8xf32, #tpu.memory_space<vmem>>
      %dma_wait3A_1350 = arith.constant 0 : i32
      %dma_wait3A_1351 = tpu.memref_slice %arg8[%dma_wait3A_1346, %dma_wait3A_1350] : memref<16x128xi32, #tpu.memory_space<vmem>> -> memref<1x128xi32, #tpu.memory_space<vmem>>
      %dma_wait3A_1352 = tpu.memref_squeeze %dma_wait3A_1351 : memref<1x128xi32, #tpu.memory_space<vmem>> -> memref<128xi32, #tpu.memory_space<vmem>>
      %dma_wait3A_1353 = arith.constant 0 : i32
      %dma_wait3A_1354 = arith.constant 0 : i32
      %dma_wait3A_1355 = tpu.memref_slice %arg2[%dma_wait3A_1353, %dma_wait3A_1354] : memref<4194304x8xf32, #tpu.memory_space<hbm>> -> memref<4194304x8xf32, #tpu.memory_space<hbm>>
      tpu.wait_indirect_dma semaphore(%arg17 : memref<!tpu.dma_semaphore, #tpu.memory_space<semaphore_mem>>) src(%dma_wait3A_1355 : memref<4194304x8xf32, #tpu.memory_space<hbm>>) dst(%dma_wait3A_1349 : memref<128x8xf32, #tpu.memory_space<vmem>>)
      %dma_wait3A_1356 = arith.constant 12 : i32
      %dma_wait3A_1357 = arith.constant 1536 : i32
      %dma_wait3A_1358 = arith.constant 0 : i32
      %dma_wait3A_1359 = tpu.memref_slice %arg12[%dma_wait3A_1357, %dma_wait3A_1358] : memref<2048x8xf32, #tpu.memory_space<vmem>> -> memref<128x8xf32, #tpu.memory_space<vmem>>
      %dma_wait3A_1360 = arith.constant 0 : i32
      %dma_wait3A_1361 = tpu.memref_slice %arg8[%dma_wait3A_1356, %dma_wait3A_1360] : memref<16x128xi32, #tpu.memory_space<vmem>> -> memref<1x128xi32, #tpu.memory_space<vmem>>
      %dma_wait3A_1362 = tpu.memref_squeeze %dma_wait3A_1361 : memref<1x128xi32, #tpu.memory_space<vmem>> -> memref<128xi32, #tpu.memory_space<vmem>>
      %dma_wait3A_1363 = arith.constant 0 : i32
      %dma_wait3A_1364 = arith.constant 0 : i32
      %dma_wait3A_1365 = tpu.memref_slice %arg2[%dma_wait3A_1363, %dma_wait3A_1364] : memref<4194304x8xf32, #tpu.memory_space<hbm>> -> memref<4194304x8xf32, #tpu.memory_space<hbm>>
      tpu.wait_indirect_dma semaphore(%arg17 : memref<!tpu.dma_semaphore, #tpu.memory_space<semaphore_mem>>) src(%dma_wait3A_1365 : memref<4194304x8xf32, #tpu.memory_space<hbm>>) dst(%dma_wait3A_1359 : memref<128x8xf32, #tpu.memory_space<vmem>>)
      %dma_wait3A_1366 = arith.constant 13 : i32
      %dma_wait3A_1367 = arith.constant 1664 : i32
      %dma_wait3A_1368 = arith.constant 0 : i32
      %dma_wait3A_1369 = tpu.memref_slice %arg12[%dma_wait3A_1367, %dma_wait3A_1368] : memref<2048x8xf32, #tpu.memory_space<vmem>> -> memref<128x8xf32, #tpu.memory_space<vmem>>
      %dma_wait3A_1370 = arith.constant 0 : i32
      %dma_wait3A_1371 = tpu.memref_slice %arg8[%dma_wait3A_1366, %dma_wait3A_1370] : memref<16x128xi32, #tpu.memory_space<vmem>> -> memref<1x128xi32, #tpu.memory_space<vmem>>
      %dma_wait3A_1372 = tpu.memref_squeeze %dma_wait3A_1371 : memref<1x128xi32, #tpu.memory_space<vmem>> -> memref<128xi32, #tpu.memory_space<vmem>>
      %dma_wait3A_1373 = arith.constant 0 : i32
      %dma_wait3A_1374 = arith.constant 0 : i32
      %dma_wait3A_1375 = tpu.memref_slice %arg2[%dma_wait3A_1373, %dma_wait3A_1374] : memref<4194304x8xf32, #tpu.memory_space<hbm>> -> memref<4194304x8xf32, #tpu.memory_space<hbm>>
      tpu.wait_indirect_dma semaphore(%arg17 : memref<!tpu.dma_semaphore, #tpu.memory_space<semaphore_mem>>) src(%dma_wait3A_1375 : memref<4194304x8xf32, #tpu.memory_space<hbm>>) dst(%dma_wait3A_1369 : memref<128x8xf32, #tpu.memory_space<vmem>>)
      %dma_wait3A_1376 = arith.constant 14 : i32
      %dma_wait3A_1377 = arith.constant 1792 : i32
      %dma_wait3A_1378 = arith.constant 0 : i32
      %dma_wait3A_1379 = tpu.memref_slice %arg12[%dma_wait3A_1377, %dma_wait3A_1378] : memref<2048x8xf32, #tpu.memory_space<vmem>> -> memref<128x8xf32, #tpu.memory_space<vmem>>
      %dma_wait3A_1380 = arith.constant 0 : i32
      %dma_wait3A_1381 = tpu.memref_slice %arg8[%dma_wait3A_1376, %dma_wait3A_1380] : memref<16x128xi32, #tpu.memory_space<vmem>> -> memref<1x128xi32, #tpu.memory_space<vmem>>
      %dma_wait3A_1382 = tpu.memref_squeeze %dma_wait3A_1381 : memref<1x128xi32, #tpu.memory_space<vmem>> -> memref<128xi32, #tpu.memory_space<vmem>>
      %dma_wait3A_1383 = arith.constant 0 : i32
      %dma_wait3A_1384 = arith.constant 0 : i32
      %dma_wait3A_1385 = tpu.memref_slice %arg2[%dma_wait3A_1383, %dma_wait3A_1384] : memref<4194304x8xf32, #tpu.memory_space<hbm>> -> memref<4194304x8xf32, #tpu.memory_space<hbm>>
      tpu.wait_indirect_dma semaphore(%arg17 : memref<!tpu.dma_semaphore, #tpu.memory_space<semaphore_mem>>) src(%dma_wait3A_1385 : memref<4194304x8xf32, #tpu.memory_space<hbm>>) dst(%dma_wait3A_1379 : memref<128x8xf32, #tpu.memory_space<vmem>>)
      %dma_wait3A_1386 = arith.constant 15 : i32
      %dma_wait3A_1387 = arith.constant 1920 : i32
      %dma_wait3A_1388 = arith.constant 0 : i32
      %dma_wait3A_1389 = tpu.memref_slice %arg12[%dma_wait3A_1387, %dma_wait3A_1388] : memref<2048x8xf32, #tpu.memory_space<vmem>> -> memref<128x8xf32, #tpu.memory_space<vmem>>
      %dma_wait3A_1390 = arith.constant 0 : i32
      %dma_wait3A_1391 = tpu.memref_slice %arg8[%dma_wait3A_1386, %dma_wait3A_1390] : memref<16x128xi32, #tpu.memory_space<vmem>> -> memref<1x128xi32, #tpu.memory_space<vmem>>
      %dma_wait3A_1392 = tpu.memref_squeeze %dma_wait3A_1391 : memref<1x128xi32, #tpu.memory_space<vmem>> -> memref<128xi32, #tpu.memory_space<vmem>>
      %dma_wait3A_1393 = arith.constant 0 : i32
      %dma_wait3A_1394 = arith.constant 0 : i32
      %dma_wait3A_1395 = tpu.memref_slice %arg2[%dma_wait3A_1393, %dma_wait3A_1394] : memref<4194304x8xf32, #tpu.memory_space<hbm>> -> memref<4194304x8xf32, #tpu.memory_space<hbm>>
      tpu.wait_indirect_dma semaphore(%arg17 : memref<!tpu.dma_semaphore, #tpu.memory_space<semaphore_mem>>) src(%dma_wait3A_1395 : memref<4194304x8xf32, #tpu.memory_space<hbm>>) dst(%dma_wait3A_1389 : memref<128x8xf32, #tpu.memory_space<vmem>>)
      %sub3A = arith.constant 1 : i32
      %sub3A_1396 = arith.subi %add3A_737, %sub3A : i32
      %mul3A_1397 = arith.constant 131072 : i32
      %mul3A_1398 = arith.muli %add3A, %mul3A_1397 : i32
      %mul3A_1399 = arith.constant 2048 : i32
      %mul3A_1400 = arith.muli %sub3A_1396, %mul3A_1399 : i32
      %add3A_1401 = arith.addi %mul3A_1398, %mul3A_1400 : i32
      %dma_start3A_1402 = arith.constant 0 : i32
      %dma_start3A_1403 = tpu.memref_slice %arg5[%add3A_1401, %dma_start3A_1402] : memref<4194304x8xf32, #tpu.memory_space<hbm>> -> memref<2048x8xf32, #tpu.memory_space<hbm>>
      %dma_start3A_1404 = arith.constant 0 : i32
      %dma_start3A_1405 = tpu.memref_slice %arg5[%add3A_1401, %dma_start3A_1404] : memref<4194304x8xf32, #tpu.memory_space<hbm>> -> memref<2048x8xf32, #tpu.memory_space<hbm>>
      tpu.enqueue_dma source(%arg11 : memref<2048x8xf32, #tpu.memory_space<vmem>>) target(%dma_start3A_1405 : memref<2048x8xf32, #tpu.memory_space<hbm>>) target_semaphore(%arg19 : memref<!tpu.dma_semaphore, #tpu.memory_space<semaphore_mem>>)
      %dma_start3A_1406 = arith.constant 0 : i32
      %dma_start3A_1407 = tpu.memref_slice %arg6[%add3A_1401, %dma_start3A_1406] : memref<4194304x8xf32, #tpu.memory_space<hbm>> -> memref<2048x8xf32, #tpu.memory_space<hbm>>
      %dma_start3A_1408 = arith.constant 0 : i32
      %dma_start3A_1409 = tpu.memref_slice %arg6[%add3A_1401, %dma_start3A_1408] : memref<4194304x8xf32, #tpu.memory_space<hbm>> -> memref<2048x8xf32, #tpu.memory_space<hbm>>
      tpu.enqueue_dma source(%arg12 : memref<2048x8xf32, #tpu.memory_space<vmem>>) target(%dma_start3A_1409 : memref<2048x8xf32, #tpu.memory_space<hbm>>) target_semaphore(%arg19 : memref<!tpu.dma_semaphore, #tpu.memory_space<semaphore_mem>>)
      %lt3A = arith.constant 31 : i32
      %lt3A_1410 = arith.cmpi slt, %scan3A_373, %lt3A : i32
      %convert_element_type3A_1411 = arith.extui %lt3A_1410 : i1 to i32
      %cond3A_1412 = arith.constant 0 : i32
      %cond3A_1413 = arith.cmpi ne, %convert_element_type3A_1411, %cond3A_1412 : i32
      scf.if %cond3A_1413 {
        %add3A_1415 = arith.constant 1 : i32
        %add3A_1416 = arith.addi %add3A_737, %add3A_1415 : i32
        %mul3A_1417 = arith.constant 1024 : i32
        %mul3A_1418 = arith.muli %add3A, %mul3A_1417 : i32
        %mul3A_1419 = arith.constant 16 : i32
        %mul3A_1420 = arith.muli %add3A_1416, %mul3A_1419 : i32
        %add3A_1421 = arith.addi %mul3A_1418, %mul3A_1420 : i32
        %dma_start3A_1422 = arith.constant 0 : i32
        %dma_start3A_1423 = tpu.memref_slice %arg3[%add3A_1421, %dma_start3A_1422] : memref<32768x128xi32, #tpu.memory_space<hbm>> -> memref<16x128xi32, #tpu.memory_space<hbm>>
        %dma_start3A_1424 = arith.constant 0 : i32
        %dma_start3A_1425 = tpu.memref_slice %arg3[%add3A_1421, %dma_start3A_1424] : memref<32768x128xi32, #tpu.memory_space<hbm>> -> memref<16x128xi32, #tpu.memory_space<hbm>>
        tpu.enqueue_dma source(%dma_start3A_1425 : memref<16x128xi32, #tpu.memory_space<hbm>>) target(%arg7 : memref<16x128xi32, #tpu.memory_space<vmem>>) target_semaphore(%arg15 : memref<!tpu.dma_semaphore, #tpu.memory_space<semaphore_mem>>)
        %dma_start3A_1426 = arith.constant 0 : i32
        %dma_start3A_1427 = tpu.memref_slice %arg4[%add3A_1421, %dma_start3A_1426] : memref<32768x128xi32, #tpu.memory_space<hbm>> -> memref<16x128xi32, #tpu.memory_space<hbm>>
        %dma_start3A_1428 = arith.constant 0 : i32
        %dma_start3A_1429 = tpu.memref_slice %arg4[%add3A_1421, %dma_start3A_1428] : memref<32768x128xi32, #tpu.memory_space<hbm>> -> memref<16x128xi32, #tpu.memory_space<hbm>>
        tpu.enqueue_dma source(%dma_start3A_1429 : memref<16x128xi32, #tpu.memory_space<hbm>>) target(%arg8 : memref<16x128xi32, #tpu.memory_space<vmem>>) target_semaphore(%arg15 : memref<!tpu.dma_semaphore, #tpu.memory_space<semaphore_mem>>)
      } else {
      }
      %scan3A_1414 = arith.constant 0 : i32
      scf.yield %scan3A_1414 : i32
    }
    %scan3A_17 = arith.constant 32 : i32
    %dma_wait3A = arith.constant 0 : i32
    %dma_wait3A_18 = arith.constant 0 : i32
    %dma_wait3A_19 = arith.constant 0 : i32
    %dma_wait3A_20 = tpu.memref_slice %arg13[%dma_wait3A_18, %dma_wait3A_19] : memref<2048x8xf32, #tpu.memory_space<vmem>> -> memref<128x8xf32, #tpu.memory_space<vmem>>
    %dma_wait3A_21 = arith.constant 0 : i32
    %dma_wait3A_22 = tpu.memref_slice %arg9[%dma_wait3A, %dma_wait3A_21] : memref<16x128xi32, #tpu.memory_space<vmem>> -> memref<1x128xi32, #tpu.memory_space<vmem>>
    %dma_wait3A_23 = tpu.memref_squeeze %dma_wait3A_22 : memref<1x128xi32, #tpu.memory_space<vmem>> -> memref<128xi32, #tpu.memory_space<vmem>>
    %dma_wait3A_24 = arith.constant 0 : i32
    %dma_wait3A_25 = arith.constant 0 : i32
    %dma_wait3A_26 = tpu.memref_slice %arg2[%dma_wait3A_24, %dma_wait3A_25] : memref<4194304x8xf32, #tpu.memory_space<hbm>> -> memref<4194304x8xf32, #tpu.memory_space<hbm>>
    tpu.wait_indirect_dma semaphore(%arg18 : memref<!tpu.dma_semaphore, #tpu.memory_space<semaphore_mem>>) src(%dma_wait3A_26 : memref<4194304x8xf32, #tpu.memory_space<hbm>>) dst(%dma_wait3A_20 : memref<128x8xf32, #tpu.memory_space<vmem>>)
    %dma_wait3A_27 = arith.constant 1 : i32
    %dma_wait3A_28 = arith.constant 128 : i32
    %dma_wait3A_29 = arith.constant 0 : i32
    %dma_wait3A_30 = tpu.memref_slice %arg13[%dma_wait3A_28, %dma_wait3A_29] : memref<2048x8xf32, #tpu.memory_space<vmem>> -> memref<128x8xf32, #tpu.memory_space<vmem>>
    %dma_wait3A_31 = arith.constant 0 : i32
    %dma_wait3A_32 = tpu.memref_slice %arg9[%dma_wait3A_27, %dma_wait3A_31] : memref<16x128xi32, #tpu.memory_space<vmem>> -> memref<1x128xi32, #tpu.memory_space<vmem>>
    %dma_wait3A_33 = tpu.memref_squeeze %dma_wait3A_32 : memref<1x128xi32, #tpu.memory_space<vmem>> -> memref<128xi32, #tpu.memory_space<vmem>>
    %dma_wait3A_34 = arith.constant 0 : i32
    %dma_wait3A_35 = arith.constant 0 : i32
    %dma_wait3A_36 = tpu.memref_slice %arg2[%dma_wait3A_34, %dma_wait3A_35] : memref<4194304x8xf32, #tpu.memory_space<hbm>> -> memref<4194304x8xf32, #tpu.memory_space<hbm>>
    tpu.wait_indirect_dma semaphore(%arg18 : memref<!tpu.dma_semaphore, #tpu.memory_space<semaphore_mem>>) src(%dma_wait3A_36 : memref<4194304x8xf32, #tpu.memory_space<hbm>>) dst(%dma_wait3A_30 : memref<128x8xf32, #tpu.memory_space<vmem>>)
    %dma_wait3A_37 = arith.constant 2 : i32
    %dma_wait3A_38 = arith.constant 256 : i32
    %dma_wait3A_39 = arith.constant 0 : i32
    %dma_wait3A_40 = tpu.memref_slice %arg13[%dma_wait3A_38, %dma_wait3A_39] : memref<2048x8xf32, #tpu.memory_space<vmem>> -> memref<128x8xf32, #tpu.memory_space<vmem>>
    %dma_wait3A_41 = arith.constant 0 : i32
    %dma_wait3A_42 = tpu.memref_slice %arg9[%dma_wait3A_37, %dma_wait3A_41] : memref<16x128xi32, #tpu.memory_space<vmem>> -> memref<1x128xi32, #tpu.memory_space<vmem>>
    %dma_wait3A_43 = tpu.memref_squeeze %dma_wait3A_42 : memref<1x128xi32, #tpu.memory_space<vmem>> -> memref<128xi32, #tpu.memory_space<vmem>>
    %dma_wait3A_44 = arith.constant 0 : i32
    %dma_wait3A_45 = arith.constant 0 : i32
    %dma_wait3A_46 = tpu.memref_slice %arg2[%dma_wait3A_44, %dma_wait3A_45] : memref<4194304x8xf32, #tpu.memory_space<hbm>> -> memref<4194304x8xf32, #tpu.memory_space<hbm>>
    tpu.wait_indirect_dma semaphore(%arg18 : memref<!tpu.dma_semaphore, #tpu.memory_space<semaphore_mem>>) src(%dma_wait3A_46 : memref<4194304x8xf32, #tpu.memory_space<hbm>>) dst(%dma_wait3A_40 : memref<128x8xf32, #tpu.memory_space<vmem>>)
    %dma_wait3A_47 = arith.constant 3 : i32
    %dma_wait3A_48 = arith.constant 384 : i32
    %dma_wait3A_49 = arith.constant 0 : i32
    %dma_wait3A_50 = tpu.memref_slice %arg13[%dma_wait3A_48, %dma_wait3A_49] : memref<2048x8xf32, #tpu.memory_space<vmem>> -> memref<128x8xf32, #tpu.memory_space<vmem>>
    %dma_wait3A_51 = arith.constant 0 : i32
    %dma_wait3A_52 = tpu.memref_slice %arg9[%dma_wait3A_47, %dma_wait3A_51] : memref<16x128xi32, #tpu.memory_space<vmem>> -> memref<1x128xi32, #tpu.memory_space<vmem>>
    %dma_wait3A_53 = tpu.memref_squeeze %dma_wait3A_52 : memref<1x128xi32, #tpu.memory_space<vmem>> -> memref<128xi32, #tpu.memory_space<vmem>>
    %dma_wait3A_54 = arith.constant 0 : i32
    %dma_wait3A_55 = arith.constant 0 : i32
    %dma_wait3A_56 = tpu.memref_slice %arg2[%dma_wait3A_54, %dma_wait3A_55] : memref<4194304x8xf32, #tpu.memory_space<hbm>> -> memref<4194304x8xf32, #tpu.memory_space<hbm>>
    tpu.wait_indirect_dma semaphore(%arg18 : memref<!tpu.dma_semaphore, #tpu.memory_space<semaphore_mem>>) src(%dma_wait3A_56 : memref<4194304x8xf32, #tpu.memory_space<hbm>>) dst(%dma_wait3A_50 : memref<128x8xf32, #tpu.memory_space<vmem>>)
    %dma_wait3A_57 = arith.constant 4 : i32
    %dma_wait3A_58 = arith.constant 512 : i32
    %dma_wait3A_59 = arith.constant 0 : i32
    %dma_wait3A_60 = tpu.memref_slice %arg13[%dma_wait3A_58, %dma_wait3A_59] : memref<2048x8xf32, #tpu.memory_space<vmem>> -> memref<128x8xf32, #tpu.memory_space<vmem>>
    %dma_wait3A_61 = arith.constant 0 : i32
    %dma_wait3A_62 = tpu.memref_slice %arg9[%dma_wait3A_57, %dma_wait3A_61] : memref<16x128xi32, #tpu.memory_space<vmem>> -> memref<1x128xi32, #tpu.memory_space<vmem>>
    %dma_wait3A_63 = tpu.memref_squeeze %dma_wait3A_62 : memref<1x128xi32, #tpu.memory_space<vmem>> -> memref<128xi32, #tpu.memory_space<vmem>>
    %dma_wait3A_64 = arith.constant 0 : i32
    %dma_wait3A_65 = arith.constant 0 : i32
    %dma_wait3A_66 = tpu.memref_slice %arg2[%dma_wait3A_64, %dma_wait3A_65] : memref<4194304x8xf32, #tpu.memory_space<hbm>> -> memref<4194304x8xf32, #tpu.memory_space<hbm>>
    tpu.wait_indirect_dma semaphore(%arg18 : memref<!tpu.dma_semaphore, #tpu.memory_space<semaphore_mem>>) src(%dma_wait3A_66 : memref<4194304x8xf32, #tpu.memory_space<hbm>>) dst(%dma_wait3A_60 : memref<128x8xf32, #tpu.memory_space<vmem>>)
    %dma_wait3A_67 = arith.constant 5 : i32
    %dma_wait3A_68 = arith.constant 640 : i32
    %dma_wait3A_69 = arith.constant 0 : i32
    %dma_wait3A_70 = tpu.memref_slice %arg13[%dma_wait3A_68, %dma_wait3A_69] : memref<2048x8xf32, #tpu.memory_space<vmem>> -> memref<128x8xf32, #tpu.memory_space<vmem>>
    %dma_wait3A_71 = arith.constant 0 : i32
    %dma_wait3A_72 = tpu.memref_slice %arg9[%dma_wait3A_67, %dma_wait3A_71] : memref<16x128xi32, #tpu.memory_space<vmem>> -> memref<1x128xi32, #tpu.memory_space<vmem>>
    %dma_wait3A_73 = tpu.memref_squeeze %dma_wait3A_72 : memref<1x128xi32, #tpu.memory_space<vmem>> -> memref<128xi32, #tpu.memory_space<vmem>>
    %dma_wait3A_74 = arith.constant 0 : i32
    %dma_wait3A_75 = arith.constant 0 : i32
    %dma_wait3A_76 = tpu.memref_slice %arg2[%dma_wait3A_74, %dma_wait3A_75] : memref<4194304x8xf32, #tpu.memory_space<hbm>> -> memref<4194304x8xf32, #tpu.memory_space<hbm>>
    tpu.wait_indirect_dma semaphore(%arg18 : memref<!tpu.dma_semaphore, #tpu.memory_space<semaphore_mem>>) src(%dma_wait3A_76 : memref<4194304x8xf32, #tpu.memory_space<hbm>>) dst(%dma_wait3A_70 : memref<128x8xf32, #tpu.memory_space<vmem>>)
    %dma_wait3A_77 = arith.constant 6 : i32
    %dma_wait3A_78 = arith.constant 768 : i32
    %dma_wait3A_79 = arith.constant 0 : i32
    %dma_wait3A_80 = tpu.memref_slice %arg13[%dma_wait3A_78, %dma_wait3A_79] : memref<2048x8xf32, #tpu.memory_space<vmem>> -> memref<128x8xf32, #tpu.memory_space<vmem>>
    %dma_wait3A_81 = arith.constant 0 : i32
    %dma_wait3A_82 = tpu.memref_slice %arg9[%dma_wait3A_77, %dma_wait3A_81] : memref<16x128xi32, #tpu.memory_space<vmem>> -> memref<1x128xi32, #tpu.memory_space<vmem>>
    %dma_wait3A_83 = tpu.memref_squeeze %dma_wait3A_82 : memref<1x128xi32, #tpu.memory_space<vmem>> -> memref<128xi32, #tpu.memory_space<vmem>>
    %dma_wait3A_84 = arith.constant 0 : i32
    %dma_wait3A_85 = arith.constant 0 : i32
    %dma_wait3A_86 = tpu.memref_slice %arg2[%dma_wait3A_84, %dma_wait3A_85] : memref<4194304x8xf32, #tpu.memory_space<hbm>> -> memref<4194304x8xf32, #tpu.memory_space<hbm>>
    tpu.wait_indirect_dma semaphore(%arg18 : memref<!tpu.dma_semaphore, #tpu.memory_space<semaphore_mem>>) src(%dma_wait3A_86 : memref<4194304x8xf32, #tpu.memory_space<hbm>>) dst(%dma_wait3A_80 : memref<128x8xf32, #tpu.memory_space<vmem>>)
    %dma_wait3A_87 = arith.constant 7 : i32
    %dma_wait3A_88 = arith.constant 896 : i32
    %dma_wait3A_89 = arith.constant 0 : i32
    %dma_wait3A_90 = tpu.memref_slice %arg13[%dma_wait3A_88, %dma_wait3A_89] : memref<2048x8xf32, #tpu.memory_space<vmem>> -> memref<128x8xf32, #tpu.memory_space<vmem>>
    %dma_wait3A_91 = arith.constant 0 : i32
    %dma_wait3A_92 = tpu.memref_slice %arg9[%dma_wait3A_87, %dma_wait3A_91] : memref<16x128xi32, #tpu.memory_space<vmem>> -> memref<1x128xi32, #tpu.memory_space<vmem>>
    %dma_wait3A_93 = tpu.memref_squeeze %dma_wait3A_92 : memref<1x128xi32, #tpu.memory_space<vmem>> -> memref<128xi32, #tpu.memory_space<vmem>>
    %dma_wait3A_94 = arith.constant 0 : i32
    %dma_wait3A_95 = arith.constant 0 : i32
    %dma_wait3A_96 = tpu.memref_slice %arg2[%dma_wait3A_94, %dma_wait3A_95] : memref<4194304x8xf32, #tpu.memory_space<hbm>> -> memref<4194304x8xf32, #tpu.memory_space<hbm>>
    tpu.wait_indirect_dma semaphore(%arg18 : memref<!tpu.dma_semaphore, #tpu.memory_space<semaphore_mem>>) src(%dma_wait3A_96 : memref<4194304x8xf32, #tpu.memory_space<hbm>>) dst(%dma_wait3A_90 : memref<128x8xf32, #tpu.memory_space<vmem>>)
    %dma_wait3A_97 = arith.constant 8 : i32
    %dma_wait3A_98 = arith.constant 1024 : i32
    %dma_wait3A_99 = arith.constant 0 : i32
    %dma_wait3A_100 = tpu.memref_slice %arg13[%dma_wait3A_98, %dma_wait3A_99] : memref<2048x8xf32, #tpu.memory_space<vmem>> -> memref<128x8xf32, #tpu.memory_space<vmem>>
    %dma_wait3A_101 = arith.constant 0 : i32
    %dma_wait3A_102 = tpu.memref_slice %arg9[%dma_wait3A_97, %dma_wait3A_101] : memref<16x128xi32, #tpu.memory_space<vmem>> -> memref<1x128xi32, #tpu.memory_space<vmem>>
    %dma_wait3A_103 = tpu.memref_squeeze %dma_wait3A_102 : memref<1x128xi32, #tpu.memory_space<vmem>> -> memref<128xi32, #tpu.memory_space<vmem>>
    %dma_wait3A_104 = arith.constant 0 : i32
    %dma_wait3A_105 = arith.constant 0 : i32
    %dma_wait3A_106 = tpu.memref_slice %arg2[%dma_wait3A_104, %dma_wait3A_105] : memref<4194304x8xf32, #tpu.memory_space<hbm>> -> memref<4194304x8xf32, #tpu.memory_space<hbm>>
    tpu.wait_indirect_dma semaphore(%arg18 : memref<!tpu.dma_semaphore, #tpu.memory_space<semaphore_mem>>) src(%dma_wait3A_106 : memref<4194304x8xf32, #tpu.memory_space<hbm>>) dst(%dma_wait3A_100 : memref<128x8xf32, #tpu.memory_space<vmem>>)
    %dma_wait3A_107 = arith.constant 9 : i32
    %dma_wait3A_108 = arith.constant 1152 : i32
    %dma_wait3A_109 = arith.constant 0 : i32
    %dma_wait3A_110 = tpu.memref_slice %arg13[%dma_wait3A_108, %dma_wait3A_109] : memref<2048x8xf32, #tpu.memory_space<vmem>> -> memref<128x8xf32, #tpu.memory_space<vmem>>
    %dma_wait3A_111 = arith.constant 0 : i32
    %dma_wait3A_112 = tpu.memref_slice %arg9[%dma_wait3A_107, %dma_wait3A_111] : memref<16x128xi32, #tpu.memory_space<vmem>> -> memref<1x128xi32, #tpu.memory_space<vmem>>
    %dma_wait3A_113 = tpu.memref_squeeze %dma_wait3A_112 : memref<1x128xi32, #tpu.memory_space<vmem>> -> memref<128xi32, #tpu.memory_space<vmem>>
    %dma_wait3A_114 = arith.constant 0 : i32
    %dma_wait3A_115 = arith.constant 0 : i32
    %dma_wait3A_116 = tpu.memref_slice %arg2[%dma_wait3A_114, %dma_wait3A_115] : memref<4194304x8xf32, #tpu.memory_space<hbm>> -> memref<4194304x8xf32, #tpu.memory_space<hbm>>
    tpu.wait_indirect_dma semaphore(%arg18 : memref<!tpu.dma_semaphore, #tpu.memory_space<semaphore_mem>>) src(%dma_wait3A_116 : memref<4194304x8xf32, #tpu.memory_space<hbm>>) dst(%dma_wait3A_110 : memref<128x8xf32, #tpu.memory_space<vmem>>)
    %dma_wait3A_117 = arith.constant 10 : i32
    %dma_wait3A_118 = arith.constant 1280 : i32
    %dma_wait3A_119 = arith.constant 0 : i32
    %dma_wait3A_120 = tpu.memref_slice %arg13[%dma_wait3A_118, %dma_wait3A_119] : memref<2048x8xf32, #tpu.memory_space<vmem>> -> memref<128x8xf32, #tpu.memory_space<vmem>>
    %dma_wait3A_121 = arith.constant 0 : i32
    %dma_wait3A_122 = tpu.memref_slice %arg9[%dma_wait3A_117, %dma_wait3A_121] : memref<16x128xi32, #tpu.memory_space<vmem>> -> memref<1x128xi32, #tpu.memory_space<vmem>>
    %dma_wait3A_123 = tpu.memref_squeeze %dma_wait3A_122 : memref<1x128xi32, #tpu.memory_space<vmem>> -> memref<128xi32, #tpu.memory_space<vmem>>
    %dma_wait3A_124 = arith.constant 0 : i32
    %dma_wait3A_125 = arith.constant 0 : i32
    %dma_wait3A_126 = tpu.memref_slice %arg2[%dma_wait3A_124, %dma_wait3A_125] : memref<4194304x8xf32, #tpu.memory_space<hbm>> -> memref<4194304x8xf32, #tpu.memory_space<hbm>>
    tpu.wait_indirect_dma semaphore(%arg18 : memref<!tpu.dma_semaphore, #tpu.memory_space<semaphore_mem>>) src(%dma_wait3A_126 : memref<4194304x8xf32, #tpu.memory_space<hbm>>) dst(%dma_wait3A_120 : memref<128x8xf32, #tpu.memory_space<vmem>>)
    %dma_wait3A_127 = arith.constant 11 : i32
    %dma_wait3A_128 = arith.constant 1408 : i32
    %dma_wait3A_129 = arith.constant 0 : i32
    %dma_wait3A_130 = tpu.memref_slice %arg13[%dma_wait3A_128, %dma_wait3A_129] : memref<2048x8xf32, #tpu.memory_space<vmem>> -> memref<128x8xf32, #tpu.memory_space<vmem>>
    %dma_wait3A_131 = arith.constant 0 : i32
    %dma_wait3A_132 = tpu.memref_slice %arg9[%dma_wait3A_127, %dma_wait3A_131] : memref<16x128xi32, #tpu.memory_space<vmem>> -> memref<1x128xi32, #tpu.memory_space<vmem>>
    %dma_wait3A_133 = tpu.memref_squeeze %dma_wait3A_132 : memref<1x128xi32, #tpu.memory_space<vmem>> -> memref<128xi32, #tpu.memory_space<vmem>>
    %dma_wait3A_134 = arith.constant 0 : i32
    %dma_wait3A_135 = arith.constant 0 : i32
    %dma_wait3A_136 = tpu.memref_slice %arg2[%dma_wait3A_134, %dma_wait3A_135] : memref<4194304x8xf32, #tpu.memory_space<hbm>> -> memref<4194304x8xf32, #tpu.memory_space<hbm>>
    tpu.wait_indirect_dma semaphore(%arg18 : memref<!tpu.dma_semaphore, #tpu.memory_space<semaphore_mem>>) src(%dma_wait3A_136 : memref<4194304x8xf32, #tpu.memory_space<hbm>>) dst(%dma_wait3A_130 : memref<128x8xf32, #tpu.memory_space<vmem>>)
    %dma_wait3A_137 = arith.constant 12 : i32
    %dma_wait3A_138 = arith.constant 1536 : i32
    %dma_wait3A_139 = arith.constant 0 : i32
    %dma_wait3A_140 = tpu.memref_slice %arg13[%dma_wait3A_138, %dma_wait3A_139] : memref<2048x8xf32, #tpu.memory_space<vmem>> -> memref<128x8xf32, #tpu.memory_space<vmem>>
    %dma_wait3A_141 = arith.constant 0 : i32
    %dma_wait3A_142 = tpu.memref_slice %arg9[%dma_wait3A_137, %dma_wait3A_141] : memref<16x128xi32, #tpu.memory_space<vmem>> -> memref<1x128xi32, #tpu.memory_space<vmem>>
    %dma_wait3A_143 = tpu.memref_squeeze %dma_wait3A_142 : memref<1x128xi32, #tpu.memory_space<vmem>> -> memref<128xi32, #tpu.memory_space<vmem>>
    %dma_wait3A_144 = arith.constant 0 : i32
    %dma_wait3A_145 = arith.constant 0 : i32
    %dma_wait3A_146 = tpu.memref_slice %arg2[%dma_wait3A_144, %dma_wait3A_145] : memref<4194304x8xf32, #tpu.memory_space<hbm>> -> memref<4194304x8xf32, #tpu.memory_space<hbm>>
    tpu.wait_indirect_dma semaphore(%arg18 : memref<!tpu.dma_semaphore, #tpu.memory_space<semaphore_mem>>) src(%dma_wait3A_146 : memref<4194304x8xf32, #tpu.memory_space<hbm>>) dst(%dma_wait3A_140 : memref<128x8xf32, #tpu.memory_space<vmem>>)
    %dma_wait3A_147 = arith.constant 13 : i32
    %dma_wait3A_148 = arith.constant 1664 : i32
    %dma_wait3A_149 = arith.constant 0 : i32
    %dma_wait3A_150 = tpu.memref_slice %arg13[%dma_wait3A_148, %dma_wait3A_149] : memref<2048x8xf32, #tpu.memory_space<vmem>> -> memref<128x8xf32, #tpu.memory_space<vmem>>
    %dma_wait3A_151 = arith.constant 0 : i32
    %dma_wait3A_152 = tpu.memref_slice %arg9[%dma_wait3A_147, %dma_wait3A_151] : memref<16x128xi32, #tpu.memory_space<vmem>> -> memref<1x128xi32, #tpu.memory_space<vmem>>
    %dma_wait3A_153 = tpu.memref_squeeze %dma_wait3A_152 : memref<1x128xi32, #tpu.memory_space<vmem>> -> memref<128xi32, #tpu.memory_space<vmem>>
    %dma_wait3A_154 = arith.constant 0 : i32
    %dma_wait3A_155 = arith.constant 0 : i32
    %dma_wait3A_156 = tpu.memref_slice %arg2[%dma_wait3A_154, %dma_wait3A_155] : memref<4194304x8xf32, #tpu.memory_space<hbm>> -> memref<4194304x8xf32, #tpu.memory_space<hbm>>
    tpu.wait_indirect_dma semaphore(%arg18 : memref<!tpu.dma_semaphore, #tpu.memory_space<semaphore_mem>>) src(%dma_wait3A_156 : memref<4194304x8xf32, #tpu.memory_space<hbm>>) dst(%dma_wait3A_150 : memref<128x8xf32, #tpu.memory_space<vmem>>)
    %dma_wait3A_157 = arith.constant 14 : i32
    %dma_wait3A_158 = arith.constant 1792 : i32
    %dma_wait3A_159 = arith.constant 0 : i32
    %dma_wait3A_160 = tpu.memref_slice %arg13[%dma_wait3A_158, %dma_wait3A_159] : memref<2048x8xf32, #tpu.memory_space<vmem>> -> memref<128x8xf32, #tpu.memory_space<vmem>>
    %dma_wait3A_161 = arith.constant 0 : i32
    %dma_wait3A_162 = tpu.memref_slice %arg9[%dma_wait3A_157, %dma_wait3A_161] : memref<16x128xi32, #tpu.memory_space<vmem>> -> memref<1x128xi32, #tpu.memory_space<vmem>>
    %dma_wait3A_163 = tpu.memref_squeeze %dma_wait3A_162 : memref<1x128xi32, #tpu.memory_space<vmem>> -> memref<128xi32, #tpu.memory_space<vmem>>
    %dma_wait3A_164 = arith.constant 0 : i32
    %dma_wait3A_165 = arith.constant 0 : i32
    %dma_wait3A_166 = tpu.memref_slice %arg2[%dma_wait3A_164, %dma_wait3A_165] : memref<4194304x8xf32, #tpu.memory_space<hbm>> -> memref<4194304x8xf32, #tpu.memory_space<hbm>>
    tpu.wait_indirect_dma semaphore(%arg18 : memref<!tpu.dma_semaphore, #tpu.memory_space<semaphore_mem>>) src(%dma_wait3A_166 : memref<4194304x8xf32, #tpu.memory_space<hbm>>) dst(%dma_wait3A_160 : memref<128x8xf32, #tpu.memory_space<vmem>>)
    %dma_wait3A_167 = arith.constant 15 : i32
    %dma_wait3A_168 = arith.constant 1920 : i32
    %dma_wait3A_169 = arith.constant 0 : i32
    %dma_wait3A_170 = tpu.memref_slice %arg13[%dma_wait3A_168, %dma_wait3A_169] : memref<2048x8xf32, #tpu.memory_space<vmem>> -> memref<128x8xf32, #tpu.memory_space<vmem>>
    %dma_wait3A_171 = arith.constant 0 : i32
    %dma_wait3A_172 = tpu.memref_slice %arg9[%dma_wait3A_167, %dma_wait3A_171] : memref<16x128xi32, #tpu.memory_space<vmem>> -> memref<1x128xi32, #tpu.memory_space<vmem>>
    %dma_wait3A_173 = tpu.memref_squeeze %dma_wait3A_172 : memref<1x128xi32, #tpu.memory_space<vmem>> -> memref<128xi32, #tpu.memory_space<vmem>>
    %dma_wait3A_174 = arith.constant 0 : i32
    %dma_wait3A_175 = arith.constant 0 : i32
    %dma_wait3A_176 = tpu.memref_slice %arg2[%dma_wait3A_174, %dma_wait3A_175] : memref<4194304x8xf32, #tpu.memory_space<hbm>> -> memref<4194304x8xf32, #tpu.memory_space<hbm>>
    tpu.wait_indirect_dma semaphore(%arg18 : memref<!tpu.dma_semaphore, #tpu.memory_space<semaphore_mem>>) src(%dma_wait3A_176 : memref<4194304x8xf32, #tpu.memory_space<hbm>>) dst(%dma_wait3A_170 : memref<128x8xf32, #tpu.memory_space<vmem>>)
    %dma_wait3A_177 = arith.constant 0 : i32
    %dma_wait3A_178 = arith.constant 0 : i32
    %dma_wait3A_179 = arith.constant 0 : i32
    %dma_wait3A_180 = tpu.memref_slice %arg14[%dma_wait3A_178, %dma_wait3A_179] : memref<2048x8xf32, #tpu.memory_space<vmem>> -> memref<128x8xf32, #tpu.memory_space<vmem>>
    %dma_wait3A_181 = arith.constant 0 : i32
    %dma_wait3A_182 = tpu.memref_slice %arg10[%dma_wait3A_177, %dma_wait3A_181] : memref<16x128xi32, #tpu.memory_space<vmem>> -> memref<1x128xi32, #tpu.memory_space<vmem>>
    %dma_wait3A_183 = tpu.memref_squeeze %dma_wait3A_182 : memref<1x128xi32, #tpu.memory_space<vmem>> -> memref<128xi32, #tpu.memory_space<vmem>>
    %dma_wait3A_184 = arith.constant 0 : i32
    %dma_wait3A_185 = arith.constant 0 : i32
    %dma_wait3A_186 = tpu.memref_slice %arg2[%dma_wait3A_184, %dma_wait3A_185] : memref<4194304x8xf32, #tpu.memory_space<hbm>> -> memref<4194304x8xf32, #tpu.memory_space<hbm>>
    tpu.wait_indirect_dma semaphore(%arg18 : memref<!tpu.dma_semaphore, #tpu.memory_space<semaphore_mem>>) src(%dma_wait3A_186 : memref<4194304x8xf32, #tpu.memory_space<hbm>>) dst(%dma_wait3A_180 : memref<128x8xf32, #tpu.memory_space<vmem>>)
    %dma_wait3A_187 = arith.constant 1 : i32
    %dma_wait3A_188 = arith.constant 128 : i32
    %dma_wait3A_189 = arith.constant 0 : i32
    %dma_wait3A_190 = tpu.memref_slice %arg14[%dma_wait3A_188, %dma_wait3A_189] : memref<2048x8xf32, #tpu.memory_space<vmem>> -> memref<128x8xf32, #tpu.memory_space<vmem>>
    %dma_wait3A_191 = arith.constant 0 : i32
    %dma_wait3A_192 = tpu.memref_slice %arg10[%dma_wait3A_187, %dma_wait3A_191] : memref<16x128xi32, #tpu.memory_space<vmem>> -> memref<1x128xi32, #tpu.memory_space<vmem>>
    %dma_wait3A_193 = tpu.memref_squeeze %dma_wait3A_192 : memref<1x128xi32, #tpu.memory_space<vmem>> -> memref<128xi32, #tpu.memory_space<vmem>>
    %dma_wait3A_194 = arith.constant 0 : i32
    %dma_wait3A_195 = arith.constant 0 : i32
    %dma_wait3A_196 = tpu.memref_slice %arg2[%dma_wait3A_194, %dma_wait3A_195] : memref<4194304x8xf32, #tpu.memory_space<hbm>> -> memref<4194304x8xf32, #tpu.memory_space<hbm>>
    tpu.wait_indirect_dma semaphore(%arg18 : memref<!tpu.dma_semaphore, #tpu.memory_space<semaphore_mem>>) src(%dma_wait3A_196 : memref<4194304x8xf32, #tpu.memory_space<hbm>>) dst(%dma_wait3A_190 : memref<128x8xf32, #tpu.memory_space<vmem>>)
    %dma_wait3A_197 = arith.constant 2 : i32
    %dma_wait3A_198 = arith.constant 256 : i32
    %dma_wait3A_199 = arith.constant 0 : i32
    %dma_wait3A_200 = tpu.memref_slice %arg14[%dma_wait3A_198, %dma_wait3A_199] : memref<2048x8xf32, #tpu.memory_space<vmem>> -> memref<128x8xf32, #tpu.memory_space<vmem>>
    %dma_wait3A_201 = arith.constant 0 : i32
    %dma_wait3A_202 = tpu.memref_slice %arg10[%dma_wait3A_197, %dma_wait3A_201] : memref<16x128xi32, #tpu.memory_space<vmem>> -> memref<1x128xi32, #tpu.memory_space<vmem>>
    %dma_wait3A_203 = tpu.memref_squeeze %dma_wait3A_202 : memref<1x128xi32, #tpu.memory_space<vmem>> -> memref<128xi32, #tpu.memory_space<vmem>>
    %dma_wait3A_204 = arith.constant 0 : i32
    %dma_wait3A_205 = arith.constant 0 : i32
    %dma_wait3A_206 = tpu.memref_slice %arg2[%dma_wait3A_204, %dma_wait3A_205] : memref<4194304x8xf32, #tpu.memory_space<hbm>> -> memref<4194304x8xf32, #tpu.memory_space<hbm>>
    tpu.wait_indirect_dma semaphore(%arg18 : memref<!tpu.dma_semaphore, #tpu.memory_space<semaphore_mem>>) src(%dma_wait3A_206 : memref<4194304x8xf32, #tpu.memory_space<hbm>>) dst(%dma_wait3A_200 : memref<128x8xf32, #tpu.memory_space<vmem>>)
    %dma_wait3A_207 = arith.constant 3 : i32
    %dma_wait3A_208 = arith.constant 384 : i32
    %dma_wait3A_209 = arith.constant 0 : i32
    %dma_wait3A_210 = tpu.memref_slice %arg14[%dma_wait3A_208, %dma_wait3A_209] : memref<2048x8xf32, #tpu.memory_space<vmem>> -> memref<128x8xf32, #tpu.memory_space<vmem>>
    %dma_wait3A_211 = arith.constant 0 : i32
    %dma_wait3A_212 = tpu.memref_slice %arg10[%dma_wait3A_207, %dma_wait3A_211] : memref<16x128xi32, #tpu.memory_space<vmem>> -> memref<1x128xi32, #tpu.memory_space<vmem>>
    %dma_wait3A_213 = tpu.memref_squeeze %dma_wait3A_212 : memref<1x128xi32, #tpu.memory_space<vmem>> -> memref<128xi32, #tpu.memory_space<vmem>>
    %dma_wait3A_214 = arith.constant 0 : i32
    %dma_wait3A_215 = arith.constant 0 : i32
    %dma_wait3A_216 = tpu.memref_slice %arg2[%dma_wait3A_214, %dma_wait3A_215] : memref<4194304x8xf32, #tpu.memory_space<hbm>> -> memref<4194304x8xf32, #tpu.memory_space<hbm>>
    tpu.wait_indirect_dma semaphore(%arg18 : memref<!tpu.dma_semaphore, #tpu.memory_space<semaphore_mem>>) src(%dma_wait3A_216 : memref<4194304x8xf32, #tpu.memory_space<hbm>>) dst(%dma_wait3A_210 : memref<128x8xf32, #tpu.memory_space<vmem>>)
    %dma_wait3A_217 = arith.constant 4 : i32
    %dma_wait3A_218 = arith.constant 512 : i32
    %dma_wait3A_219 = arith.constant 0 : i32
    %dma_wait3A_220 = tpu.memref_slice %arg14[%dma_wait3A_218, %dma_wait3A_219] : memref<2048x8xf32, #tpu.memory_space<vmem>> -> memref<128x8xf32, #tpu.memory_space<vmem>>
    %dma_wait3A_221 = arith.constant 0 : i32
    %dma_wait3A_222 = tpu.memref_slice %arg10[%dma_wait3A_217, %dma_wait3A_221] : memref<16x128xi32, #tpu.memory_space<vmem>> -> memref<1x128xi32, #tpu.memory_space<vmem>>
    %dma_wait3A_223 = tpu.memref_squeeze %dma_wait3A_222 : memref<1x128xi32, #tpu.memory_space<vmem>> -> memref<128xi32, #tpu.memory_space<vmem>>
    %dma_wait3A_224 = arith.constant 0 : i32
    %dma_wait3A_225 = arith.constant 0 : i32
    %dma_wait3A_226 = tpu.memref_slice %arg2[%dma_wait3A_224, %dma_wait3A_225] : memref<4194304x8xf32, #tpu.memory_space<hbm>> -> memref<4194304x8xf32, #tpu.memory_space<hbm>>
    tpu.wait_indirect_dma semaphore(%arg18 : memref<!tpu.dma_semaphore, #tpu.memory_space<semaphore_mem>>) src(%dma_wait3A_226 : memref<4194304x8xf32, #tpu.memory_space<hbm>>) dst(%dma_wait3A_220 : memref<128x8xf32, #tpu.memory_space<vmem>>)
    %dma_wait3A_227 = arith.constant 5 : i32
    %dma_wait3A_228 = arith.constant 640 : i32
    %dma_wait3A_229 = arith.constant 0 : i32
    %dma_wait3A_230 = tpu.memref_slice %arg14[%dma_wait3A_228, %dma_wait3A_229] : memref<2048x8xf32, #tpu.memory_space<vmem>> -> memref<128x8xf32, #tpu.memory_space<vmem>>
    %dma_wait3A_231 = arith.constant 0 : i32
    %dma_wait3A_232 = tpu.memref_slice %arg10[%dma_wait3A_227, %dma_wait3A_231] : memref<16x128xi32, #tpu.memory_space<vmem>> -> memref<1x128xi32, #tpu.memory_space<vmem>>
    %dma_wait3A_233 = tpu.memref_squeeze %dma_wait3A_232 : memref<1x128xi32, #tpu.memory_space<vmem>> -> memref<128xi32, #tpu.memory_space<vmem>>
    %dma_wait3A_234 = arith.constant 0 : i32
    %dma_wait3A_235 = arith.constant 0 : i32
    %dma_wait3A_236 = tpu.memref_slice %arg2[%dma_wait3A_234, %dma_wait3A_235] : memref<4194304x8xf32, #tpu.memory_space<hbm>> -> memref<4194304x8xf32, #tpu.memory_space<hbm>>
    tpu.wait_indirect_dma semaphore(%arg18 : memref<!tpu.dma_semaphore, #tpu.memory_space<semaphore_mem>>) src(%dma_wait3A_236 : memref<4194304x8xf32, #tpu.memory_space<hbm>>) dst(%dma_wait3A_230 : memref<128x8xf32, #tpu.memory_space<vmem>>)
    %dma_wait3A_237 = arith.constant 6 : i32
    %dma_wait3A_238 = arith.constant 768 : i32
    %dma_wait3A_239 = arith.constant 0 : i32
    %dma_wait3A_240 = tpu.memref_slice %arg14[%dma_wait3A_238, %dma_wait3A_239] : memref<2048x8xf32, #tpu.memory_space<vmem>> -> memref<128x8xf32, #tpu.memory_space<vmem>>
    %dma_wait3A_241 = arith.constant 0 : i32
    %dma_wait3A_242 = tpu.memref_slice %arg10[%dma_wait3A_237, %dma_wait3A_241] : memref<16x128xi32, #tpu.memory_space<vmem>> -> memref<1x128xi32, #tpu.memory_space<vmem>>
    %dma_wait3A_243 = tpu.memref_squeeze %dma_wait3A_242 : memref<1x128xi32, #tpu.memory_space<vmem>> -> memref<128xi32, #tpu.memory_space<vmem>>
    %dma_wait3A_244 = arith.constant 0 : i32
    %dma_wait3A_245 = arith.constant 0 : i32
    %dma_wait3A_246 = tpu.memref_slice %arg2[%dma_wait3A_244, %dma_wait3A_245] : memref<4194304x8xf32, #tpu.memory_space<hbm>> -> memref<4194304x8xf32, #tpu.memory_space<hbm>>
    tpu.wait_indirect_dma semaphore(%arg18 : memref<!tpu.dma_semaphore, #tpu.memory_space<semaphore_mem>>) src(%dma_wait3A_246 : memref<4194304x8xf32, #tpu.memory_space<hbm>>) dst(%dma_wait3A_240 : memref<128x8xf32, #tpu.memory_space<vmem>>)
    %dma_wait3A_247 = arith.constant 7 : i32
    %dma_wait3A_248 = arith.constant 896 : i32
    %dma_wait3A_249 = arith.constant 0 : i32
    %dma_wait3A_250 = tpu.memref_slice %arg14[%dma_wait3A_248, %dma_wait3A_249] : memref<2048x8xf32, #tpu.memory_space<vmem>> -> memref<128x8xf32, #tpu.memory_space<vmem>>
    %dma_wait3A_251 = arith.constant 0 : i32
    %dma_wait3A_252 = tpu.memref_slice %arg10[%dma_wait3A_247, %dma_wait3A_251] : memref<16x128xi32, #tpu.memory_space<vmem>> -> memref<1x128xi32, #tpu.memory_space<vmem>>
    %dma_wait3A_253 = tpu.memref_squeeze %dma_wait3A_252 : memref<1x128xi32, #tpu.memory_space<vmem>> -> memref<128xi32, #tpu.memory_space<vmem>>
    %dma_wait3A_254 = arith.constant 0 : i32
    %dma_wait3A_255 = arith.constant 0 : i32
    %dma_wait3A_256 = tpu.memref_slice %arg2[%dma_wait3A_254, %dma_wait3A_255] : memref<4194304x8xf32, #tpu.memory_space<hbm>> -> memref<4194304x8xf32, #tpu.memory_space<hbm>>
    tpu.wait_indirect_dma semaphore(%arg18 : memref<!tpu.dma_semaphore, #tpu.memory_space<semaphore_mem>>) src(%dma_wait3A_256 : memref<4194304x8xf32, #tpu.memory_space<hbm>>) dst(%dma_wait3A_250 : memref<128x8xf32, #tpu.memory_space<vmem>>)
    %dma_wait3A_257 = arith.constant 8 : i32
    %dma_wait3A_258 = arith.constant 1024 : i32
    %dma_wait3A_259 = arith.constant 0 : i32
    %dma_wait3A_260 = tpu.memref_slice %arg14[%dma_wait3A_258, %dma_wait3A_259] : memref<2048x8xf32, #tpu.memory_space<vmem>> -> memref<128x8xf32, #tpu.memory_space<vmem>>
    %dma_wait3A_261 = arith.constant 0 : i32
    %dma_wait3A_262 = tpu.memref_slice %arg10[%dma_wait3A_257, %dma_wait3A_261] : memref<16x128xi32, #tpu.memory_space<vmem>> -> memref<1x128xi32, #tpu.memory_space<vmem>>
    %dma_wait3A_263 = tpu.memref_squeeze %dma_wait3A_262 : memref<1x128xi32, #tpu.memory_space<vmem>> -> memref<128xi32, #tpu.memory_space<vmem>>
    %dma_wait3A_264 = arith.constant 0 : i32
    %dma_wait3A_265 = arith.constant 0 : i32
    %dma_wait3A_266 = tpu.memref_slice %arg2[%dma_wait3A_264, %dma_wait3A_265] : memref<4194304x8xf32, #tpu.memory_space<hbm>> -> memref<4194304x8xf32, #tpu.memory_space<hbm>>
    tpu.wait_indirect_dma semaphore(%arg18 : memref<!tpu.dma_semaphore, #tpu.memory_space<semaphore_mem>>) src(%dma_wait3A_266 : memref<4194304x8xf32, #tpu.memory_space<hbm>>) dst(%dma_wait3A_260 : memref<128x8xf32, #tpu.memory_space<vmem>>)
    %dma_wait3A_267 = arith.constant 9 : i32
    %dma_wait3A_268 = arith.constant 1152 : i32
    %dma_wait3A_269 = arith.constant 0 : i32
    %dma_wait3A_270 = tpu.memref_slice %arg14[%dma_wait3A_268, %dma_wait3A_269] : memref<2048x8xf32, #tpu.memory_space<vmem>> -> memref<128x8xf32, #tpu.memory_space<vmem>>
    %dma_wait3A_271 = arith.constant 0 : i32
    %dma_wait3A_272 = tpu.memref_slice %arg10[%dma_wait3A_267, %dma_wait3A_271] : memref<16x128xi32, #tpu.memory_space<vmem>> -> memref<1x128xi32, #tpu.memory_space<vmem>>
    %dma_wait3A_273 = tpu.memref_squeeze %dma_wait3A_272 : memref<1x128xi32, #tpu.memory_space<vmem>> -> memref<128xi32, #tpu.memory_space<vmem>>
    %dma_wait3A_274 = arith.constant 0 : i32
    %dma_wait3A_275 = arith.constant 0 : i32
    %dma_wait3A_276 = tpu.memref_slice %arg2[%dma_wait3A_274, %dma_wait3A_275] : memref<4194304x8xf32, #tpu.memory_space<hbm>> -> memref<4194304x8xf32, #tpu.memory_space<hbm>>
    tpu.wait_indirect_dma semaphore(%arg18 : memref<!tpu.dma_semaphore, #tpu.memory_space<semaphore_mem>>) src(%dma_wait3A_276 : memref<4194304x8xf32, #tpu.memory_space<hbm>>) dst(%dma_wait3A_270 : memref<128x8xf32, #tpu.memory_space<vmem>>)
    %dma_wait3A_277 = arith.constant 10 : i32
    %dma_wait3A_278 = arith.constant 1280 : i32
    %dma_wait3A_279 = arith.constant 0 : i32
    %dma_wait3A_280 = tpu.memref_slice %arg14[%dma_wait3A_278, %dma_wait3A_279] : memref<2048x8xf32, #tpu.memory_space<vmem>> -> memref<128x8xf32, #tpu.memory_space<vmem>>
    %dma_wait3A_281 = arith.constant 0 : i32
    %dma_wait3A_282 = tpu.memref_slice %arg10[%dma_wait3A_277, %dma_wait3A_281] : memref<16x128xi32, #tpu.memory_space<vmem>> -> memref<1x128xi32, #tpu.memory_space<vmem>>
    %dma_wait3A_283 = tpu.memref_squeeze %dma_wait3A_282 : memref<1x128xi32, #tpu.memory_space<vmem>> -> memref<128xi32, #tpu.memory_space<vmem>>
    %dma_wait3A_284 = arith.constant 0 : i32
    %dma_wait3A_285 = arith.constant 0 : i32
    %dma_wait3A_286 = tpu.memref_slice %arg2[%dma_wait3A_284, %dma_wait3A_285] : memref<4194304x8xf32, #tpu.memory_space<hbm>> -> memref<4194304x8xf32, #tpu.memory_space<hbm>>
    tpu.wait_indirect_dma semaphore(%arg18 : memref<!tpu.dma_semaphore, #tpu.memory_space<semaphore_mem>>) src(%dma_wait3A_286 : memref<4194304x8xf32, #tpu.memory_space<hbm>>) dst(%dma_wait3A_280 : memref<128x8xf32, #tpu.memory_space<vmem>>)
    %dma_wait3A_287 = arith.constant 11 : i32
    %dma_wait3A_288 = arith.constant 1408 : i32
    %dma_wait3A_289 = arith.constant 0 : i32
    %dma_wait3A_290 = tpu.memref_slice %arg14[%dma_wait3A_288, %dma_wait3A_289] : memref<2048x8xf32, #tpu.memory_space<vmem>> -> memref<128x8xf32, #tpu.memory_space<vmem>>
    %dma_wait3A_291 = arith.constant 0 : i32
    %dma_wait3A_292 = tpu.memref_slice %arg10[%dma_wait3A_287, %dma_wait3A_291] : memref<16x128xi32, #tpu.memory_space<vmem>> -> memref<1x128xi32, #tpu.memory_space<vmem>>
    %dma_wait3A_293 = tpu.memref_squeeze %dma_wait3A_292 : memref<1x128xi32, #tpu.memory_space<vmem>> -> memref<128xi32, #tpu.memory_space<vmem>>
    %dma_wait3A_294 = arith.constant 0 : i32
    %dma_wait3A_295 = arith.constant 0 : i32
    %dma_wait3A_296 = tpu.memref_slice %arg2[%dma_wait3A_294, %dma_wait3A_295] : memref<4194304x8xf32, #tpu.memory_space<hbm>> -> memref<4194304x8xf32, #tpu.memory_space<hbm>>
    tpu.wait_indirect_dma semaphore(%arg18 : memref<!tpu.dma_semaphore, #tpu.memory_space<semaphore_mem>>) src(%dma_wait3A_296 : memref<4194304x8xf32, #tpu.memory_space<hbm>>) dst(%dma_wait3A_290 : memref<128x8xf32, #tpu.memory_space<vmem>>)
    %dma_wait3A_297 = arith.constant 12 : i32
    %dma_wait3A_298 = arith.constant 1536 : i32
    %dma_wait3A_299 = arith.constant 0 : i32
    %dma_wait3A_300 = tpu.memref_slice %arg14[%dma_wait3A_298, %dma_wait3A_299] : memref<2048x8xf32, #tpu.memory_space<vmem>> -> memref<128x8xf32, #tpu.memory_space<vmem>>
    %dma_wait3A_301 = arith.constant 0 : i32
    %dma_wait3A_302 = tpu.memref_slice %arg10[%dma_wait3A_297, %dma_wait3A_301] : memref<16x128xi32, #tpu.memory_space<vmem>> -> memref<1x128xi32, #tpu.memory_space<vmem>>
    %dma_wait3A_303 = tpu.memref_squeeze %dma_wait3A_302 : memref<1x128xi32, #tpu.memory_space<vmem>> -> memref<128xi32, #tpu.memory_space<vmem>>
    %dma_wait3A_304 = arith.constant 0 : i32
    %dma_wait3A_305 = arith.constant 0 : i32
    %dma_wait3A_306 = tpu.memref_slice %arg2[%dma_wait3A_304, %dma_wait3A_305] : memref<4194304x8xf32, #tpu.memory_space<hbm>> -> memref<4194304x8xf32, #tpu.memory_space<hbm>>
    tpu.wait_indirect_dma semaphore(%arg18 : memref<!tpu.dma_semaphore, #tpu.memory_space<semaphore_mem>>) src(%dma_wait3A_306 : memref<4194304x8xf32, #tpu.memory_space<hbm>>) dst(%dma_wait3A_300 : memref<128x8xf32, #tpu.memory_space<vmem>>)
    %dma_wait3A_307 = arith.constant 13 : i32
    %dma_wait3A_308 = arith.constant 1664 : i32
    %dma_wait3A_309 = arith.constant 0 : i32
    %dma_wait3A_310 = tpu.memref_slice %arg14[%dma_wait3A_308, %dma_wait3A_309] : memref<2048x8xf32, #tpu.memory_space<vmem>> -> memref<128x8xf32, #tpu.memory_space<vmem>>
    %dma_wait3A_311 = arith.constant 0 : i32
    %dma_wait3A_312 = tpu.memref_slice %arg10[%dma_wait3A_307, %dma_wait3A_311] : memref<16x128xi32, #tpu.memory_space<vmem>> -> memref<1x128xi32, #tpu.memory_space<vmem>>
    %dma_wait3A_313 = tpu.memref_squeeze %dma_wait3A_312 : memref<1x128xi32, #tpu.memory_space<vmem>> -> memref<128xi32, #tpu.memory_space<vmem>>
    %dma_wait3A_314 = arith.constant 0 : i32
    %dma_wait3A_315 = arith.constant 0 : i32
    %dma_wait3A_316 = tpu.memref_slice %arg2[%dma_wait3A_314, %dma_wait3A_315] : memref<4194304x8xf32, #tpu.memory_space<hbm>> -> memref<4194304x8xf32, #tpu.memory_space<hbm>>
    tpu.wait_indirect_dma semaphore(%arg18 : memref<!tpu.dma_semaphore, #tpu.memory_space<semaphore_mem>>) src(%dma_wait3A_316 : memref<4194304x8xf32, #tpu.memory_space<hbm>>) dst(%dma_wait3A_310 : memref<128x8xf32, #tpu.memory_space<vmem>>)
    %dma_wait3A_317 = arith.constant 14 : i32
    %dma_wait3A_318 = arith.constant 1792 : i32
    %dma_wait3A_319 = arith.constant 0 : i32
    %dma_wait3A_320 = tpu.memref_slice %arg14[%dma_wait3A_318, %dma_wait3A_319] : memref<2048x8xf32, #tpu.memory_space<vmem>> -> memref<128x8xf32, #tpu.memory_space<vmem>>
    %dma_wait3A_321 = arith.constant 0 : i32
    %dma_wait3A_322 = tpu.memref_slice %arg10[%dma_wait3A_317, %dma_wait3A_321] : memref<16x128xi32, #tpu.memory_space<vmem>> -> memref<1x128xi32, #tpu.memory_space<vmem>>
    %dma_wait3A_323 = tpu.memref_squeeze %dma_wait3A_322 : memref<1x128xi32, #tpu.memory_space<vmem>> -> memref<128xi32, #tpu.memory_space<vmem>>
    %dma_wait3A_324 = arith.constant 0 : i32
    %dma_wait3A_325 = arith.constant 0 : i32
    %dma_wait3A_326 = tpu.memref_slice %arg2[%dma_wait3A_324, %dma_wait3A_325] : memref<4194304x8xf32, #tpu.memory_space<hbm>> -> memref<4194304x8xf32, #tpu.memory_space<hbm>>
    tpu.wait_indirect_dma semaphore(%arg18 : memref<!tpu.dma_semaphore, #tpu.memory_space<semaphore_mem>>) src(%dma_wait3A_326 : memref<4194304x8xf32, #tpu.memory_space<hbm>>) dst(%dma_wait3A_320 : memref<128x8xf32, #tpu.memory_space<vmem>>)
    %dma_wait3A_327 = arith.constant 15 : i32
    %dma_wait3A_328 = arith.constant 1920 : i32
    %dma_wait3A_329 = arith.constant 0 : i32
    %dma_wait3A_330 = tpu.memref_slice %arg14[%dma_wait3A_328, %dma_wait3A_329] : memref<2048x8xf32, #tpu.memory_space<vmem>> -> memref<128x8xf32, #tpu.memory_space<vmem>>
    %dma_wait3A_331 = arith.constant 0 : i32
    %dma_wait3A_332 = tpu.memref_slice %arg10[%dma_wait3A_327, %dma_wait3A_331] : memref<16x128xi32, #tpu.memory_space<vmem>> -> memref<1x128xi32, #tpu.memory_space<vmem>>
    %dma_wait3A_333 = tpu.memref_squeeze %dma_wait3A_332 : memref<1x128xi32, #tpu.memory_space<vmem>> -> memref<128xi32, #tpu.memory_space<vmem>>
    %dma_wait3A_334 = arith.constant 0 : i32
    %dma_wait3A_335 = arith.constant 0 : i32
    %dma_wait3A_336 = tpu.memref_slice %arg2[%dma_wait3A_334, %dma_wait3A_335] : memref<4194304x8xf32, #tpu.memory_space<hbm>> -> memref<4194304x8xf32, #tpu.memory_space<hbm>>
    tpu.wait_indirect_dma semaphore(%arg18 : memref<!tpu.dma_semaphore, #tpu.memory_space<semaphore_mem>>) src(%dma_wait3A_336 : memref<4194304x8xf32, #tpu.memory_space<hbm>>) dst(%dma_wait3A_330 : memref<128x8xf32, #tpu.memory_space<vmem>>)
    %mul3A_337 = arith.constant 131072 : i32
    %mul3A_338 = arith.muli %add3A, %mul3A_337 : i32
    %add3A_339 = arith.constant 129024 : i32
    %add3A_340 = arith.addi %mul3A_338, %add3A_339 : i32
    %dma_start3A_341 = arith.constant 0 : i32
    %dma_start3A_342 = tpu.memref_slice %arg5[%add3A_340, %dma_start3A_341] : memref<4194304x8xf32, #tpu.memory_space<hbm>> -> memref<2048x8xf32, #tpu.memory_space<hbm>>
    %dma_start3A_343 = arith.constant 0 : i32
    %dma_start3A_344 = tpu.memref_slice %arg5[%add3A_340, %dma_start3A_343] : memref<4194304x8xf32, #tpu.memory_space<hbm>> -> memref<2048x8xf32, #tpu.memory_space<hbm>>
    tpu.enqueue_dma source(%arg13 : memref<2048x8xf32, #tpu.memory_space<vmem>>) target(%dma_start3A_344 : memref<2048x8xf32, #tpu.memory_space<hbm>>) target_semaphore(%arg20 : memref<!tpu.dma_semaphore, #tpu.memory_space<semaphore_mem>>)
    %dma_start3A_345 = arith.constant 0 : i32
    %dma_start3A_346 = tpu.memref_slice %arg6[%add3A_340, %dma_start3A_345] : memref<4194304x8xf32, #tpu.memory_space<hbm>> -> memref<2048x8xf32, #tpu.memory_space<hbm>>
    %dma_start3A_347 = arith.constant 0 : i32
    %dma_start3A_348 = tpu.memref_slice %arg6[%add3A_340, %dma_start3A_347] : memref<4194304x8xf32, #tpu.memory_space<hbm>> -> memref<2048x8xf32, #tpu.memory_space<hbm>>
    tpu.enqueue_dma source(%arg14 : memref<2048x8xf32, #tpu.memory_space<vmem>>) target(%dma_start3A_348 : memref<2048x8xf32, #tpu.memory_space<hbm>>) target_semaphore(%arg20 : memref<!tpu.dma_semaphore, #tpu.memory_space<semaphore_mem>>)
    %mul3A_349 = arith.constant 131072 : i32
    %mul3A_350 = arith.muli %add3A, %mul3A_349 : i32
    %add3A_351 = arith.constant 126976 : i32
    %add3A_352 = arith.addi %mul3A_350, %add3A_351 : i32
    %dma_wait3A_353 = arith.constant 0 : i32
    %dma_wait3A_354 = tpu.memref_slice %arg5[%add3A_352, %dma_wait3A_353] : memref<4194304x8xf32, #tpu.memory_space<hbm>> -> memref<2048x8xf32, #tpu.memory_space<hbm>>
    %dma_wait3A_355 = arith.constant 0 : i32
    %dma_wait3A_356 = tpu.memref_slice %arg5[%add3A_352, %dma_wait3A_355] : memref<4194304x8xf32, #tpu.memory_space<hbm>> -> memref<2048x8xf32, #tpu.memory_space<hbm>>
    tpu.wait_dma2 semaphore(%arg19 : memref<!tpu.dma_semaphore, #tpu.memory_space<semaphore_mem>>) src(%arg11 : memref<2048x8xf32, #tpu.memory_space<vmem>>) dst(%dma_wait3A_356 : memref<2048x8xf32, #tpu.memory_space<hbm>>)
    %dma_wait3A_357 = arith.constant 0 : i32
    %dma_wait3A_358 = tpu.memref_slice %arg6[%add3A_352, %dma_wait3A_357] : memref<4194304x8xf32, #tpu.memory_space<hbm>> -> memref<2048x8xf32, #tpu.memory_space<hbm>>
    %dma_wait3A_359 = arith.constant 0 : i32
    %dma_wait3A_360 = tpu.memref_slice %arg6[%add3A_352, %dma_wait3A_359] : memref<4194304x8xf32, #tpu.memory_space<hbm>> -> memref<2048x8xf32, #tpu.memory_space<hbm>>
    tpu.wait_dma2 semaphore(%arg19 : memref<!tpu.dma_semaphore, #tpu.memory_space<semaphore_mem>>) src(%arg12 : memref<2048x8xf32, #tpu.memory_space<vmem>>) dst(%dma_wait3A_360 : memref<2048x8xf32, #tpu.memory_space<hbm>>)
    %mul3A_361 = arith.constant 131072 : i32
    %mul3A_362 = arith.muli %add3A, %mul3A_361 : i32
    %add3A_363 = arith.constant 129024 : i32
    %add3A_364 = arith.addi %mul3A_362, %add3A_363 : i32
    %dma_wait3A_365 = arith.constant 0 : i32
    %dma_wait3A_366 = tpu.memref_slice %arg5[%add3A_364, %dma_wait3A_365] : memref<4194304x8xf32, #tpu.memory_space<hbm>> -> memref<2048x8xf32, #tpu.memory_space<hbm>>
    %dma_wait3A_367 = arith.constant 0 : i32
    %dma_wait3A_368 = tpu.memref_slice %arg5[%add3A_364, %dma_wait3A_367] : memref<4194304x8xf32, #tpu.memory_space<hbm>> -> memref<2048x8xf32, #tpu.memory_space<hbm>>
    tpu.wait_dma2 semaphore(%arg20 : memref<!tpu.dma_semaphore, #tpu.memory_space<semaphore_mem>>) src(%arg13 : memref<2048x8xf32, #tpu.memory_space<vmem>>) dst(%dma_wait3A_368 : memref<2048x8xf32, #tpu.memory_space<hbm>>)
    %dma_wait3A_369 = arith.constant 0 : i32
    %dma_wait3A_370 = tpu.memref_slice %arg6[%add3A_364, %dma_wait3A_369] : memref<4194304x8xf32, #tpu.memory_space<hbm>> -> memref<2048x8xf32, #tpu.memory_space<hbm>>
    %dma_wait3A_371 = arith.constant 0 : i32
    %dma_wait3A_372 = tpu.memref_slice %arg6[%add3A_364, %dma_wait3A_371] : memref<4194304x8xf32, #tpu.memory_space<hbm>> -> memref<2048x8xf32, #tpu.memory_space<hbm>>
    tpu.wait_dma2 semaphore(%arg20 : memref<!tpu.dma_semaphore, #tpu.memory_space<semaphore_mem>>) src(%arg14 : memref<2048x8xf32, #tpu.memory_space<vmem>>) dst(%dma_wait3A_372 : memref<2048x8xf32, #tpu.memory_space<hbm>>)
    return
  }
}

module attributes {stable_mosaic.version = 14 : i64} {
  func.func @_stage_a_body(%arg0: i32, %arg1: i32, %arg2: memref<1x3x256x128xf32, #tpu.memory_space<vmem>>, %arg3: memref<256x128xi32, #tpu.memory_space<vmem>>, %arg4: memref<256x128xi32, #tpu.memory_space<vmem>>, %arg5: memref<256x128xi32, #tpu.memory_space<vmem>>, %arg6: memref<256x128xf32, #tpu.memory_space<vmem>>, %arg7: memref<256x128xf32, #tpu.memory_space<vmem>>, %arg8: memref<256x128xf32, #tpu.memory_space<vmem>>, %arg9: memref<256x128xf32, #tpu.memory_space<vmem>>) attributes {dimension_semantics = [#tpu.dimension_semantics<arbitrary>, #tpu.dimension_semantics<arbitrary>], iteration_bounds = array<i64: 16, 8>, scalar_prefetch = 0 : i64, scratch_operands = 0 : i64, tpu.core_type = #tpu.core_type<tc>, window_params = [{transform_indices = @transform_0, window_bounds = array<i64: 1, 3, 256, 128>}, {transform_indices = @transform_1, window_bounds = array<i64: 256, 128>}, {transform_indices = @transform_2, window_bounds = array<i64: 256, 128>}, {transform_indices = @transform_3, window_bounds = array<i64: 256, 128>}, {transform_indices = @transform_4, window_bounds = array<i64: 256, 128>}, {transform_indices = @transform_5, window_bounds = array<i64: 256, 128>}, {transform_indices = @transform_6, window_bounds = array<i64: 256, 128>}, {transform_indices = @transform_7, window_bounds = array<i64: 256, 128>}]} {
    %get3A = arith.constant 0 : index
    %get3A_0 = arith.constant 0 : index
    %get3A_1 = arith.constant 0 : index
    %get3A_2 = arith.constant 0 : index
    %get3A_3 = vector.load %arg2[%get3A, %get3A_0, %get3A_1, %get3A_2] : memref<1x3x256x128xf32, #tpu.memory_space<vmem>>, vector<1x1x256x128xf32>
    %get3A_4 = vector.shape_cast %get3A_3 : vector<1x1x256x128xf32> to vector<256x128xf32>
    %get3A_5 = arith.constant 0 : index
    %get3A_6 = arith.constant 1 : index
    %get3A_7 = arith.constant 0 : index
    %get3A_8 = arith.constant 0 : index
    %get3A_9 = vector.load %arg2[%get3A_5, %get3A_6, %get3A_7, %get3A_8] : memref<1x3x256x128xf32, #tpu.memory_space<vmem>>, vector<1x1x256x128xf32>
    %get3A_10 = vector.shape_cast %get3A_9 : vector<1x1x256x128xf32> to vector<256x128xf32>
    %get3A_11 = arith.constant 0 : index
    %get3A_12 = arith.constant 2 : index
    %get3A_13 = arith.constant 0 : index
    %get3A_14 = arith.constant 0 : index
    %get3A_15 = vector.load %arg2[%get3A_11, %get3A_12, %get3A_13, %get3A_14] : memref<1x3x256x128xf32, #tpu.memory_space<vmem>>, vector<1x1x256x128xf32>
    %get3A_16 = vector.shape_cast %get3A_15 : vector<1x1x256x128xf32> to vector<256x128xf32>
    %iota3A = tpu.iota {dimensions = array<i32: 0>} : vector<256x128xi32>
    %iota3A_17 = tpu.iota {dimensions = array<i32: 1>} : vector<256x128xi32>
    %and3A = arith.constant 3 : i32
    %and3A_18 = vector.broadcast %and3A : i32 to vector<256x128xi32>
    %and3A_19 = arith.andi %iota3A, %and3A_18 : vector<256x128xi32>
    %mul3A = arith.constant 128 : i32
    %mul3A_20 = vector.broadcast %mul3A : i32 to vector<256x128xi32>
    %mul3A_21 = arith.muli %and3A_19, %mul3A_20 : vector<256x128xi32>
    %add3A = arith.addi %mul3A_21, %iota3A_17 : vector<256x128xi32>
    %mul3A_22 = arith.constant 64 : i32
    %mul3A_23 = arith.muli %arg1, %mul3A_22 : i32
    %shift_right_arithmetic3A = arith.constant 2 : i32
    %shift_right_arithmetic3A_24 = vector.broadcast %shift_right_arithmetic3A : i32 to vector<256x128xi32>
    %shift_right_arithmetic3A_25 = arith.shrsi %iota3A, %shift_right_arithmetic3A_24 : vector<256x128xi32>
    %add3A_26 = vector.broadcast %mul3A_23 : i32 to vector<256x128xi32>
    %add3A_27 = arith.addi %add3A_26, %shift_right_arithmetic3A_25 : vector<256x128xi32>
    %convert_element_type3A = arith.sitofp %add3A : vector<256x128xi32> to vector<256x128xf32>
    %convert_element_type3A_28 = arith.sitofp %add3A_27 : vector<256x128xi32> to vector<256x128xf32>
    %abs3A = math.absf %get3A_16 : vector<256x128xf32>
    %ge3A = arith.constant 1.000000e-07 : f32
    %ge3A_29 = vector.broadcast %ge3A : f32 to vector<256x128xf32>
    %ge3A_30 = arith.cmpf oge, %abs3A, %ge3A_29 : vector<256x128xf32>
    %jit3A = arith.constant 0.000000e+00 : f32
    %jit3A_31 = arith.constant 9.99999997E-7 : f32
    %broadcast_in_dim3A = vector.broadcast %jit3A : f32 to vector<256x128xf32>
    %broadcast_in_dim3A_32 = vector.broadcast %jit3A_31 : f32 to vector<256x128xf32>
    %select_n3A = arith.select %ge3A_30, %broadcast_in_dim3A, %broadcast_in_dim3A_32 : vector<256x128xi1>, vector<256x128xf32>
    %add3A_33 = arith.addf %get3A_16, %select_n3A : vector<256x128xf32>
    %div3A = arith.divf %get3A_4, %add3A_33 : vector<256x128xf32>
    %div3A_34 = arith.divf %get3A_10, %add3A_33 : vector<256x128xf32>
    %sub3A = arith.subf %div3A, %convert_element_type3A : vector<256x128xf32>
    %add3A_35 = arith.addf %convert_element_type3A, %sub3A : vector<256x128xf32>
    %sub3A_36 = arith.subf %div3A_34, %convert_element_type3A_28 : vector<256x128xf32>
    %add3A_37 = arith.addf %convert_element_type3A_28, %sub3A_36 : vector<256x128xf32>
    %floor3A = math.floor %add3A_35 : vector<256x128xf32>
    %convert_element_type3A_38 = arith.fptosi %floor3A : vector<256x128xf32> to vector<256x128xi32>
    %floor3A_39 = math.floor %add3A_37 : vector<256x128xf32>
    %convert_element_type3A_40 = arith.fptosi %floor3A_39 : vector<256x128xf32> to vector<256x128xi32>
    %jit3A_41 = arith.constant 0 : i32
    %jit3A_42 = arith.constant 511 : i32
    %max3A = vector.broadcast %jit3A_41 : i32 to vector<256x128xi32>
    %max3A_43 = arith.maxsi %max3A, %convert_element_type3A_38 : vector<256x128xi32>
    %min3A = vector.broadcast %jit3A_42 : i32 to vector<256x128xi32>
    %min3A_44 = arith.minsi %min3A, %max3A_43 : vector<256x128xi32>
    %add3A_45 = arith.constant 1 : i32
    %add3A_46 = vector.broadcast %add3A_45 : i32 to vector<256x128xi32>
    %add3A_47 = arith.addi %convert_element_type3A_38, %add3A_46 : vector<256x128xi32>
    %jit3A_48 = arith.constant 0 : i32
    %jit3A_49 = arith.constant 511 : i32
    %max3A_50 = vector.broadcast %jit3A_48 : i32 to vector<256x128xi32>
    %max3A_51 = arith.maxsi %max3A_50, %add3A_47 : vector<256x128xi32>
    %min3A_52 = vector.broadcast %jit3A_49 : i32 to vector<256x128xi32>
    %min3A_53 = arith.minsi %min3A_52, %max3A_51 : vector<256x128xi32>
    %jit3A_54 = arith.constant 0 : i32
    %jit3A_55 = arith.constant 511 : i32
    %max3A_56 = vector.broadcast %jit3A_54 : i32 to vector<256x128xi32>
    %max3A_57 = arith.maxsi %max3A_56, %convert_element_type3A_40 : vector<256x128xi32>
    %min3A_58 = vector.broadcast %jit3A_55 : i32 to vector<256x128xi32>
    %min3A_59 = arith.minsi %min3A_58, %max3A_57 : vector<256x128xi32>
    %add3A_60 = arith.constant 1 : i32
    %add3A_61 = vector.broadcast %add3A_60 : i32 to vector<256x128xi32>
    %add3A_62 = arith.addi %convert_element_type3A_40, %add3A_61 : vector<256x128xi32>
    %jit3A_63 = arith.constant 0 : i32
    %jit3A_64 = arith.constant 511 : i32
    %max3A_65 = vector.broadcast %jit3A_63 : i32 to vector<256x128xi32>
    %max3A_66 = arith.maxsi %max3A_65, %add3A_62 : vector<256x128xi32>
    %min3A_67 = vector.broadcast %jit3A_64 : i32 to vector<256x128xi32>
    %min3A_68 = arith.minsi %min3A_67, %max3A_66 : vector<256x128xi32>
    %convert_element_type3A_69 = arith.sitofp %min3A_44 : vector<256x128xi32> to vector<256x128xf32>
    %convert_element_type3A_70 = arith.sitofp %min3A_53 : vector<256x128xi32> to vector<256x128xf32>
    %convert_element_type3A_71 = arith.sitofp %min3A_59 : vector<256x128xi32> to vector<256x128xf32>
    %convert_element_type3A_72 = arith.sitofp %min3A_68 : vector<256x128xi32> to vector<256x128xf32>
    %sub3A_73 = arith.subf %convert_element_type3A_70, %add3A_35 : vector<256x128xf32>
    %sub3A_74 = arith.subf %add3A_35, %convert_element_type3A_69 : vector<256x128xf32>
    %sub3A_75 = arith.subf %convert_element_type3A_72, %add3A_37 : vector<256x128xf32>
    %sub3A_76 = arith.subf %add3A_37, %convert_element_type3A_71 : vector<256x128xf32>
    %mul3A_77 = arith.mulf %sub3A_73, %sub3A_75 : vector<256x128xf32>
    %swap3A = arith.constant 0 : index
    %swap3A_78 = arith.constant 0 : index
    %swap3A_79 = vector.load %arg6[%swap3A, %swap3A_78] : memref<256x128xf32, #tpu.memory_space<vmem>>, vector<256x128xf32>
    tpu.vector_store %arg6[%swap3A, %swap3A_78], %mul3A_77 {strides = array<i32>} : memref<256x128xf32, #tpu.memory_space<vmem>>, vector<256x128xf32>,
    %mul3A_80 = arith.mulf %sub3A_73, %sub3A_76 : vector<256x128xf32>
    %swap3A_81 = arith.constant 0 : index
    %swap3A_82 = arith.constant 0 : index
    %swap3A_83 = vector.load %arg7[%swap3A_81, %swap3A_82] : memref<256x128xf32, #tpu.memory_space<vmem>>, vector<256x128xf32>
    tpu.vector_store %arg7[%swap3A_81, %swap3A_82], %mul3A_80 {strides = array<i32>} : memref<256x128xf32, #tpu.memory_space<vmem>>, vector<256x128xf32>,
    %mul3A_84 = arith.mulf %sub3A_74, %sub3A_75 : vector<256x128xf32>
    %swap3A_85 = arith.constant 0 : index
    %swap3A_86 = arith.constant 0 : index
    %swap3A_87 = vector.load %arg8[%swap3A_85, %swap3A_86] : memref<256x128xf32, #tpu.memory_space<vmem>>, vector<256x128xf32>
    tpu.vector_store %arg8[%swap3A_85, %swap3A_86], %mul3A_84 {strides = array<i32>} : memref<256x128xf32, #tpu.memory_space<vmem>>, vector<256x128xf32>,
    %mul3A_88 = arith.mulf %sub3A_74, %sub3A_76 : vector<256x128xf32>
    %swap3A_89 = arith.constant 0 : index
    %swap3A_90 = arith.constant 0 : index
    %swap3A_91 = vector.load %arg9[%swap3A_89, %swap3A_90] : memref<256x128xf32, #tpu.memory_space<vmem>>, vector<256x128xf32>
    tpu.vector_store %arg9[%swap3A_89, %swap3A_90], %mul3A_88 {strides = array<i32>} : memref<256x128xf32, #tpu.memory_space<vmem>>, vector<256x128xf32>,
    %mul3A_92 = arith.constant 262144 : i32
    %mul3A_93 = arith.muli %arg0, %mul3A_92 : i32
    %mul3A_94 = arith.constant 512 : i32
    %mul3A_95 = vector.broadcast %mul3A_94 : i32 to vector<256x128xi32>
    %mul3A_96 = arith.muli %min3A_59, %mul3A_95 : vector<256x128xi32>
    %add3A_97 = vector.broadcast %mul3A_93 : i32 to vector<256x128xi32>
    %add3A_98 = arith.addi %add3A_97, %mul3A_96 : vector<256x128xi32>
    %add3A_99 = arith.addi %add3A_98, %min3A_44 : vector<256x128xi32>
    %swap3A_100 = arith.constant 0 : index
    %swap3A_101 = arith.constant 0 : index
    %swap3A_102 = vector.load %arg3[%swap3A_100, %swap3A_101] : memref<256x128xi32, #tpu.memory_space<vmem>>, vector<256x128xi32>
    tpu.vector_store %arg3[%swap3A_100, %swap3A_101], %add3A_99 {strides = array<i32>} : memref<256x128xi32, #tpu.memory_space<vmem>>, vector<256x128xi32>,
    %mul3A_103 = arith.constant 512 : i32
    %mul3A_104 = vector.broadcast %mul3A_103 : i32 to vector<256x128xi32>
    %mul3A_105 = arith.muli %min3A_68, %mul3A_104 : vector<256x128xi32>
    %add3A_106 = vector.broadcast %mul3A_93 : i32 to vector<256x128xi32>
    %add3A_107 = arith.addi %add3A_106, %mul3A_105 : vector<256x128xi32>
    %add3A_108 = arith.addi %add3A_107, %min3A_44 : vector<256x128xi32>
    %swap3A_109 = arith.constant 0 : index
    %swap3A_110 = arith.constant 0 : index
    %swap3A_111 = vector.load %arg4[%swap3A_109, %swap3A_110] : memref<256x128xi32, #tpu.memory_space<vmem>>, vector<256x128xi32>
    tpu.vector_store %arg4[%swap3A_109, %swap3A_110], %add3A_108 {strides = array<i32>} : memref<256x128xi32, #tpu.memory_space<vmem>>, vector<256x128xi32>,
    %sub3A_112 = arith.subi %min3A_53, %min3A_44 : vector<256x128xi32>
    %swap3A_113 = arith.constant 0 : index
    %swap3A_114 = arith.constant 0 : index
    %swap3A_115 = vector.load %arg5[%swap3A_113, %swap3A_114] : memref<256x128xi32, #tpu.memory_space<vmem>>, vector<256x128xi32>
    tpu.vector_store %arg5[%swap3A_113, %swap3A_114], %sub3A_112 {strides = array<i32>} : memref<256x128xi32, #tpu.memory_space<vmem>>, vector<256x128xi32>,
    return
  }
  func.func @transform_0(%arg0: i32, %arg1: i32) -> (i32, i32, i32, i32) {
    %c0_i32 = arith.constant 0 : i32
    %c0_i32_0 = arith.constant 0 : i32
    %c0_i32_1 = arith.constant 0 : i32
    return %arg0, %c0_i32, %arg1, %c0_i32_0 : i32, i32, i32, i32
  }
  func.func @transform_1(%arg0: i32, %arg1: i32) -> (i32, i32) {
    %mul3A = arith.constant 8 : i32
    %mul3A_0 = arith.muli %arg0, %mul3A : i32
    %add3A = arith.addi %mul3A_0, %arg1 : i32
    %c0_i32 = arith.constant 0 : i32
    %c0_i32_1 = arith.constant 0 : i32
    return %add3A, %c0_i32 : i32, i32
  }
  func.func @transform_2(%arg0: i32, %arg1: i32) -> (i32, i32) {
    %mul3A = arith.constant 8 : i32
    %mul3A_0 = arith.muli %arg0, %mul3A : i32
    %add3A = arith.addi %mul3A_0, %arg1 : i32
    %c0_i32 = arith.constant 0 : i32
    %c0_i32_1 = arith.constant 0 : i32
    return %add3A, %c0_i32 : i32, i32
  }
  func.func @transform_3(%arg0: i32, %arg1: i32) -> (i32, i32) {
    %mul3A = arith.constant 8 : i32
    %mul3A_0 = arith.muli %arg0, %mul3A : i32
    %add3A = arith.addi %mul3A_0, %arg1 : i32
    %c0_i32 = arith.constant 0 : i32
    %c0_i32_1 = arith.constant 0 : i32
    return %add3A, %c0_i32 : i32, i32
  }
  func.func @transform_4(%arg0: i32, %arg1: i32) -> (i32, i32) {
    %mul3A = arith.constant 8 : i32
    %mul3A_0 = arith.muli %arg0, %mul3A : i32
    %add3A = arith.addi %mul3A_0, %arg1 : i32
    %c0_i32 = arith.constant 0 : i32
    %c0_i32_1 = arith.constant 0 : i32
    return %add3A, %c0_i32 : i32, i32
  }
  func.func @transform_5(%arg0: i32, %arg1: i32) -> (i32, i32) {
    %mul3A = arith.constant 8 : i32
    %mul3A_0 = arith.muli %arg0, %mul3A : i32
    %add3A = arith.addi %mul3A_0, %arg1 : i32
    %c0_i32 = arith.constant 0 : i32
    %c0_i32_1 = arith.constant 0 : i32
    return %add3A, %c0_i32 : i32, i32
  }
  func.func @transform_6(%arg0: i32, %arg1: i32) -> (i32, i32) {
    %mul3A = arith.constant 8 : i32
    %mul3A_0 = arith.muli %arg0, %mul3A : i32
    %add3A = arith.addi %mul3A_0, %arg1 : i32
    %c0_i32 = arith.constant 0 : i32
    %c0_i32_1 = arith.constant 0 : i32
    return %add3A, %c0_i32 : i32, i32
  }
  func.func @transform_7(%arg0: i32, %arg1: i32) -> (i32, i32) {
    %mul3A = arith.constant 8 : i32
    %mul3A_0 = arith.muli %arg0, %mul3A : i32
    %add3A = arith.addi %mul3A_0, %arg1 : i32
    %c0_i32 = arith.constant 0 : i32
    %c0_i32_1 = arith.constant 0 : i32
    return %add3A, %c0_i32 : i32, i32
  }
}

module attributes {stable_mosaic.version = 14 : i64} {
  func.func @_stage_c_body(%arg0: i32, %arg1: i32, %arg2: memref<6x256x128xf32, #tpu.memory_space<vmem>>, %arg3: memref<6x256x128xf32, #tpu.memory_space<vmem>>, %arg4: memref<256x128xi32, #tpu.memory_space<vmem>>, %arg5: memref<256x128xf32, #tpu.memory_space<vmem>>, %arg6: memref<256x128xf32, #tpu.memory_space<vmem>>, %arg7: memref<256x128xf32, #tpu.memory_space<vmem>>, %arg8: memref<256x128xf32, #tpu.memory_space<vmem>>, %arg9: memref<1x3x256x128xf32, #tpu.memory_space<vmem>>) attributes {dimension_semantics = [#tpu.dimension_semantics<arbitrary>, #tpu.dimension_semantics<arbitrary>], iteration_bounds = array<i64: 16, 8>, scalar_prefetch = 0 : i64, scratch_operands = 0 : i64, tpu.core_type = #tpu.core_type<tc>, window_params = [{transform_indices = @transform_0, window_bounds = array<i64: 6, 256, 128>}, {transform_indices = @transform_1, window_bounds = array<i64: 6, 256, 128>}, {transform_indices = @transform_2, window_bounds = array<i64: 256, 128>}, {transform_indices = @transform_3, window_bounds = array<i64: 256, 128>}, {transform_indices = @transform_4, window_bounds = array<i64: 256, 128>}, {transform_indices = @transform_5, window_bounds = array<i64: 256, 128>}, {transform_indices = @transform_6, window_bounds = array<i64: 256, 128>}, {transform_indices = @transform_7, window_bounds = array<i64: 1, 3, 256, 128>}]} {
    %get3A = arith.constant 0 : index
    %get3A_0 = arith.constant 0 : index
    %get3A_1 = vector.load %arg5[%get3A, %get3A_0] : memref<256x128xf32, #tpu.memory_space<vmem>>, vector<256x128xf32>
    %get3A_2 = arith.constant 0 : index
    %get3A_3 = arith.constant 0 : index
    %get3A_4 = vector.load %arg6[%get3A_2, %get3A_3] : memref<256x128xf32, #tpu.memory_space<vmem>>, vector<256x128xf32>
    %get3A_5 = arith.constant 0 : index
    %get3A_6 = arith.constant 0 : index
    %get3A_7 = vector.load %arg7[%get3A_5, %get3A_6] : memref<256x128xf32, #tpu.memory_space<vmem>>, vector<256x128xf32>
    %get3A_8 = arith.constant 0 : index
    %get3A_9 = arith.constant 0 : index
    %get3A_10 = vector.load %arg8[%get3A_8, %get3A_9] : memref<256x128xf32, #tpu.memory_space<vmem>>, vector<256x128xf32>
    %get3A_11 = arith.constant 0 : index
    %get3A_12 = arith.constant 0 : index
    %get3A_13 = vector.load %arg4[%get3A_11, %get3A_12] : memref<256x128xi32, #tpu.memory_space<vmem>>, vector<256x128xi32>
    %gt3A = arith.constant 0 : i32
    %gt3A_14 = vector.broadcast %gt3A : i32 to vector<256x128xi32>
    %gt3A_15 = arith.cmpi sgt, %get3A_13, %gt3A_14 : vector<256x128xi32>
    %get3A_16 = arith.constant 0 : index
    %get3A_17 = arith.constant 0 : index
    %get3A_18 = arith.constant 0 : index
    %get3A_19 = vector.load %arg2[%get3A_16, %get3A_17, %get3A_18] : memref<6x256x128xf32, #tpu.memory_space<vmem>>, vector<1x256x128xf32>
    %get3A_20 = vector.shape_cast %get3A_19 : vector<1x256x128xf32> to vector<256x128xf32>
    %get3A_21 = arith.constant 0 : index
    %get3A_22 = arith.constant 0 : index
    %get3A_23 = arith.constant 0 : index
    %get3A_24 = vector.load %arg3[%get3A_21, %get3A_22, %get3A_23] : memref<6x256x128xf32, #tpu.memory_space<vmem>>, vector<1x256x128xf32>
    %get3A_25 = vector.shape_cast %get3A_24 : vector<1x256x128xf32> to vector<256x128xf32>
    %get3A_26 = arith.constant 3 : index
    %get3A_27 = arith.constant 0 : index
    %get3A_28 = arith.constant 0 : index
    %get3A_29 = vector.load %arg2[%get3A_26, %get3A_27, %get3A_28] : memref<6x256x128xf32, #tpu.memory_space<vmem>>, vector<1x256x128xf32>
    %get3A_30 = vector.shape_cast %get3A_29 : vector<1x256x128xf32> to vector<256x128xf32>
    %select_n3A = arith.select %gt3A_15, %get3A_30, %get3A_20 : vector<256x128xi1>, vector<256x128xf32>
    %get3A_31 = arith.constant 3 : index
    %get3A_32 = arith.constant 0 : index
    %get3A_33 = arith.constant 0 : index
    %get3A_34 = vector.load %arg3[%get3A_31, %get3A_32, %get3A_33] : memref<6x256x128xf32, #tpu.memory_space<vmem>>, vector<1x256x128xf32>
    %get3A_35 = vector.shape_cast %get3A_34 : vector<1x256x128xf32> to vector<256x128xf32>
    %select_n3A_36 = arith.select %gt3A_15, %get3A_35, %get3A_25 : vector<256x128xi1>, vector<256x128xf32>
    %mul3A = arith.mulf %get3A_1, %get3A_20 : vector<256x128xf32>
    %mul3A_37 = arith.mulf %get3A_4, %get3A_25 : vector<256x128xf32>
    %add3A = arith.addf %mul3A, %mul3A_37 : vector<256x128xf32>
    %mul3A_38 = arith.mulf %get3A_7, %select_n3A : vector<256x128xf32>
    %add3A_39 = arith.addf %add3A, %mul3A_38 : vector<256x128xf32>
    %mul3A_40 = arith.mulf %get3A_10, %select_n3A_36 : vector<256x128xf32>
    %add3A_41 = arith.addf %add3A_39, %mul3A_40 : vector<256x128xf32>
    %swap3A = arith.constant 0 : index
    %swap3A_42 = arith.constant 0 : index
    %swap3A_43 = arith.constant 0 : index
    %swap3A_44 = arith.constant 0 : index
    %swap3A_45 = vector.load %arg9[%swap3A, %swap3A_42, %swap3A_43, %swap3A_44] : memref<1x3x256x128xf32, #tpu.memory_space<vmem>>, vector<1x1x256x128xf32>
    %swap3A_46 = vector.shape_cast %swap3A_45 : vector<1x1x256x128xf32> to vector<256x128xf32>
    %swap3A_47 = vector.shape_cast %add3A_41 : vector<256x128xf32> to vector<1x1x256x128xf32>
    tpu.vector_store %arg9[%swap3A, %swap3A_42, %swap3A_43, %swap3A_44], %swap3A_47 {strides = array<i32>} : memref<1x3x256x128xf32, #tpu.memory_space<vmem>>, vector<1x1x256x128xf32>,
    %get3A_48 = arith.constant 1 : index
    %get3A_49 = arith.constant 0 : index
    %get3A_50 = arith.constant 0 : index
    %get3A_51 = vector.load %arg2[%get3A_48, %get3A_49, %get3A_50] : memref<6x256x128xf32, #tpu.memory_space<vmem>>, vector<1x256x128xf32>
    %get3A_52 = vector.shape_cast %get3A_51 : vector<1x256x128xf32> to vector<256x128xf32>
    %get3A_53 = arith.constant 1 : index
    %get3A_54 = arith.constant 0 : index
    %get3A_55 = arith.constant 0 : index
    %get3A_56 = vector.load %arg3[%get3A_53, %get3A_54, %get3A_55] : memref<6x256x128xf32, #tpu.memory_space<vmem>>, vector<1x256x128xf32>
    %get3A_57 = vector.shape_cast %get3A_56 : vector<1x256x128xf32> to vector<256x128xf32>
    %get3A_58 = arith.constant 4 : index
    %get3A_59 = arith.constant 0 : index
    %get3A_60 = arith.constant 0 : index
    %get3A_61 = vector.load %arg2[%get3A_58, %get3A_59, %get3A_60] : memref<6x256x128xf32, #tpu.memory_space<vmem>>, vector<1x256x128xf32>
    %get3A_62 = vector.shape_cast %get3A_61 : vector<1x256x128xf32> to vector<256x128xf32>
    %select_n3A_63 = arith.select %gt3A_15, %get3A_62, %get3A_52 : vector<256x128xi1>, vector<256x128xf32>
    %get3A_64 = arith.constant 4 : index
    %get3A_65 = arith.constant 0 : index
    %get3A_66 = arith.constant 0 : index
    %get3A_67 = vector.load %arg3[%get3A_64, %get3A_65, %get3A_66] : memref<6x256x128xf32, #tpu.memory_space<vmem>>, vector<1x256x128xf32>
    %get3A_68 = vector.shape_cast %get3A_67 : vector<1x256x128xf32> to vector<256x128xf32>
    %select_n3A_69 = arith.select %gt3A_15, %get3A_68, %get3A_57 : vector<256x128xi1>, vector<256x128xf32>
    %mul3A_70 = arith.mulf %get3A_1, %get3A_52 : vector<256x128xf32>
    %mul3A_71 = arith.mulf %get3A_4, %get3A_57 : vector<256x128xf32>
    %add3A_72 = arith.addf %mul3A_70, %mul3A_71 : vector<256x128xf32>
    %mul3A_73 = arith.mulf %get3A_7, %select_n3A_63 : vector<256x128xf32>
    %add3A_74 = arith.addf %add3A_72, %mul3A_73 : vector<256x128xf32>
    %mul3A_75 = arith.mulf %get3A_10, %select_n3A_69 : vector<256x128xf32>
    %add3A_76 = arith.addf %add3A_74, %mul3A_75 : vector<256x128xf32>
    %swap3A_77 = arith.constant 0 : index
    %swap3A_78 = arith.constant 1 : index
    %swap3A_79 = arith.constant 0 : index
    %swap3A_80 = arith.constant 0 : index
    %swap3A_81 = vector.load %arg9[%swap3A_77, %swap3A_78, %swap3A_79, %swap3A_80] : memref<1x3x256x128xf32, #tpu.memory_space<vmem>>, vector<1x1x256x128xf32>
    %swap3A_82 = vector.shape_cast %swap3A_81 : vector<1x1x256x128xf32> to vector<256x128xf32>
    %swap3A_83 = vector.shape_cast %add3A_76 : vector<256x128xf32> to vector<1x1x256x128xf32>
    tpu.vector_store %arg9[%swap3A_77, %swap3A_78, %swap3A_79, %swap3A_80], %swap3A_83 {strides = array<i32>} : memref<1x3x256x128xf32, #tpu.memory_space<vmem>>, vector<1x1x256x128xf32>,
    %get3A_84 = arith.constant 2 : index
    %get3A_85 = arith.constant 0 : index
    %get3A_86 = arith.constant 0 : index
    %get3A_87 = vector.load %arg2[%get3A_84, %get3A_85, %get3A_86] : memref<6x256x128xf32, #tpu.memory_space<vmem>>, vector<1x256x128xf32>
    %get3A_88 = vector.shape_cast %get3A_87 : vector<1x256x128xf32> to vector<256x128xf32>
    %get3A_89 = arith.constant 2 : index
    %get3A_90 = arith.constant 0 : index
    %get3A_91 = arith.constant 0 : index
    %get3A_92 = vector.load %arg3[%get3A_89, %get3A_90, %get3A_91] : memref<6x256x128xf32, #tpu.memory_space<vmem>>, vector<1x256x128xf32>
    %get3A_93 = vector.shape_cast %get3A_92 : vector<1x256x128xf32> to vector<256x128xf32>
    %get3A_94 = arith.constant 5 : index
    %get3A_95 = arith.constant 0 : index
    %get3A_96 = arith.constant 0 : index
    %get3A_97 = vector.load %arg2[%get3A_94, %get3A_95, %get3A_96] : memref<6x256x128xf32, #tpu.memory_space<vmem>>, vector<1x256x128xf32>
    %get3A_98 = vector.shape_cast %get3A_97 : vector<1x256x128xf32> to vector<256x128xf32>
    %select_n3A_99 = arith.select %gt3A_15, %get3A_98, %get3A_88 : vector<256x128xi1>, vector<256x128xf32>
    %get3A_100 = arith.constant 5 : index
    %get3A_101 = arith.constant 0 : index
    %get3A_102 = arith.constant 0 : index
    %get3A_103 = vector.load %arg3[%get3A_100, %get3A_101, %get3A_102] : memref<6x256x128xf32, #tpu.memory_space<vmem>>, vector<1x256x128xf32>
    %get3A_104 = vector.shape_cast %get3A_103 : vector<1x256x128xf32> to vector<256x128xf32>
    %select_n3A_105 = arith.select %gt3A_15, %get3A_104, %get3A_93 : vector<256x128xi1>, vector<256x128xf32>
    %mul3A_106 = arith.mulf %get3A_1, %get3A_88 : vector<256x128xf32>
    %mul3A_107 = arith.mulf %get3A_4, %get3A_93 : vector<256x128xf32>
    %add3A_108 = arith.addf %mul3A_106, %mul3A_107 : vector<256x128xf32>
    %mul3A_109 = arith.mulf %get3A_7, %select_n3A_99 : vector<256x128xf32>
    %add3A_110 = arith.addf %add3A_108, %mul3A_109 : vector<256x128xf32>
    %mul3A_111 = arith.mulf %get3A_10, %select_n3A_105 : vector<256x128xf32>
    %add3A_112 = arith.addf %add3A_110, %mul3A_111 : vector<256x128xf32>
    %swap3A_113 = arith.constant 0 : index
    %swap3A_114 = arith.constant 2 : index
    %swap3A_115 = arith.constant 0 : index
    %swap3A_116 = arith.constant 0 : index
    %swap3A_117 = vector.load %arg9[%swap3A_113, %swap3A_114, %swap3A_115, %swap3A_116] : memref<1x3x256x128xf32, #tpu.memory_space<vmem>>, vector<1x1x256x128xf32>
    %swap3A_118 = vector.shape_cast %swap3A_117 : vector<1x1x256x128xf32> to vector<256x128xf32>
    %swap3A_119 = vector.shape_cast %add3A_112 : vector<256x128xf32> to vector<1x1x256x128xf32>
    tpu.vector_store %arg9[%swap3A_113, %swap3A_114, %swap3A_115, %swap3A_116], %swap3A_119 {strides = array<i32>} : memref<1x3x256x128xf32, #tpu.memory_space<vmem>>, vector<1x1x256x128xf32>,
    return
  }
  func.func @transform_0(%arg0: i32, %arg1: i32) -> (i32, i32, i32) {
    %mul3A = arith.constant 8 : i32
    %mul3A_0 = arith.muli %arg0, %mul3A : i32
    %add3A = arith.addi %mul3A_0, %arg1 : i32
    %c0_i32 = arith.constant 0 : i32
    %c0_i32_1 = arith.constant 0 : i32
    %c0_i32_2 = arith.constant 0 : i32
    return %c0_i32, %add3A, %c0_i32_1 : i32, i32, i32
  }
  func.func @transform_1(%arg0: i32, %arg1: i32) -> (i32, i32, i32) {
    %mul3A = arith.constant 8 : i32
    %mul3A_0 = arith.muli %arg0, %mul3A : i32
    %add3A = arith.addi %mul3A_0, %arg1 : i32
    %c0_i32 = arith.constant 0 : i32
    %c0_i32_1 = arith.constant 0 : i32
    %c0_i32_2 = arith.constant 0 : i32
    return %c0_i32, %add3A, %c0_i32_1 : i32, i32, i32
  }
  func.func @transform_2(%arg0: i32, %arg1: i32) -> (i32, i32) {
    %mul3A = arith.constant 8 : i32
    %mul3A_0 = arith.muli %arg0, %mul3A : i32
    %add3A = arith.addi %mul3A_0, %arg1 : i32
    %c0_i32 = arith.constant 0 : i32
    %c0_i32_1 = arith.constant 0 : i32
    return %add3A, %c0_i32 : i32, i32
  }
  func.func @transform_3(%arg0: i32, %arg1: i32) -> (i32, i32) {
    %mul3A = arith.constant 8 : i32
    %mul3A_0 = arith.muli %arg0, %mul3A : i32
    %add3A = arith.addi %mul3A_0, %arg1 : i32
    %c0_i32 = arith.constant 0 : i32
    %c0_i32_1 = arith.constant 0 : i32
    return %add3A, %c0_i32 : i32, i32
  }
  func.func @transform_4(%arg0: i32, %arg1: i32) -> (i32, i32) {
    %mul3A = arith.constant 8 : i32
    %mul3A_0 = arith.muli %arg0, %mul3A : i32
    %add3A = arith.addi %mul3A_0, %arg1 : i32
    %c0_i32 = arith.constant 0 : i32
    %c0_i32_1 = arith.constant 0 : i32
    return %add3A, %c0_i32 : i32, i32
  }
  func.func @transform_5(%arg0: i32, %arg1: i32) -> (i32, i32) {
    %mul3A = arith.constant 8 : i32
    %mul3A_0 = arith.muli %arg0, %mul3A : i32
    %add3A = arith.addi %mul3A_0, %arg1 : i32
    %c0_i32 = arith.constant 0 : i32
    %c0_i32_1 = arith.constant 0 : i32
    return %add3A, %c0_i32 : i32, i32
  }
  func.func @transform_6(%arg0: i32, %arg1: i32) -> (i32, i32) {
    %mul3A = arith.constant 8 : i32
    %mul3A_0 = arith.muli %arg0, %mul3A : i32
    %add3A = arith.addi %mul3A_0, %arg1 : i32
    %c0_i32 = arith.constant 0 : i32
    %c0_i32_1 = arith.constant 0 : i32
    return %add3A, %c0_i32 : i32, i32
  }
  func.func @transform_7(%arg0: i32, %arg1: i32) -> (i32, i32, i32, i32) {
    %c0_i32 = arith.constant 0 : i32
    %c0_i32_0 = arith.constant 0 : i32
    %c0_i32_1 = arith.constant 0 : i32
    return %arg0, %c0_i32, %arg1, %c0_i32_0 : i32, i32, i32, i32
  }
}

</mosaic_0001>

<sc_bundles>
// kernel: kernel.5.cloned.1.call-start
scs
__scs_entry_jumppad:
0x0: {  	(pc) =	sbr.rel $0x88, $3  }
0x1: {  	(tag) =	ssettag $0x0;
	lr =	simm.s32 $0x1  }
0x2: {  	[smem:$0x3F9F] =	sst lr;
	_ =	strace $0xD0000000  }
0x3: {  	_ = 	snop  }
0x4: {  	_ = 	snop  }
0x5: {  	_ = 	snop  }
0x6: {  	_ = 	snop  }
0x7: {  	_ = 	snop  }
__scs_overlays_trampoline_lowered:
0x8: {  	[smem:$0x3FAE] =	sst s0  }
0x9: {  	[smem:$0x3FAF] =	sst s1  }
0xa: {  	[smem:$0x3FB0] =	sst s2  }
0xb: {  	[smem:$0x3FB1] =	sst s3  }
0xc: {  	[smem:$0x3FB2] =	sst s4  }
0xd: {  	[smem:$0x3FB3] =	sst s5  }
0xe: {  	[smem:$0x3FB4] =	sst s6  }
0xf: {  	[smem:$0x3FB5] =	sst s7  }
0x10: {  	[smem:$0x3FB6] =	sst s8  }
0x11: {  	[smem:$0x3FB7] =	sst s9;
	s0 =	simm.s32 @!p0 $0x0  }
0x12: {  	s1 =	sld [smem:$0x3F9D];
	s0 =	simm.s32 @p0 $0x1  }
0x13: {  	[smem:$0x3FB8] =	sst s0;
	s0 =	simm.s32 @!p1 $0x0  }
0x14: {  	s2 =	sld [smem:$0x3F9C];
	s0 =	simm.s32 @p1 $0x1  }
0x15: {  	[smem:$0x3FB9] =	sst s0;
	s0 =	simm.s32 @!p2 $0x0  }
0x16: {  	s3 =	sld [smem:$0x3FDB];
	s0 =	simm.s32 @p2 $0x1  }
0x17: {  	s4 =	simm.s32 $0x1BF5;
	[smem:$0x3FBB] =	sst s0  }
0x18: {  	s0 =	sld [smem:$0x3F9E];
	_ =	swait.ge [sflag:s4], $0x0  }
0x19: {  	s7 =	sld [smem:$0x3F9F]  }
0x1a: {  	s8 =	sadd.s32 $0xFFFFE003, lr  }
0x1b: {  	s9 =	sadd.s32 $0xFFFFFEF7, lr;
	s5 =	simm.s32 $0xFFFFFFFF;
	p2 =	slt.u32 s8, $0xFFFFF086  }
0x1c: {  	p1 =	slt.u32 s9, $0xF7A;
	s5 =	simm.s32 @!p2 $0x0  }
0x1d: {  	s5 =	simm.s32 @p1 $0x1;
	p0 =	seq.s32 s7, s2  }
0x1e: {  	s7 =	smul.u32 @!p0 $0xF7A, s2;
	p2 =	seq.s32 @!p0 s5, $0x0  }
0x1f: {  	s9 =	smul.u32 $0xF7A, s1;
	s8 =	simm.s32 @!p0 $0x1BF5;
	p2 =	por !p2, p0  }
0x20: {  	[sflag:s8] =	ssyncset.s32 @!p0 $0xFFFFF086;
	s6 =	sadd.s32 @!p0 s3, s7;
	s7 =	simm.s32 @!p0 $0x108  }
0x21: {  	s3 =	sadd.s32 s3, s9;
	s6 =	sadd.s32 @!p0 $0x88, s6;
	s7 =	simm.s32 @p2 $0x1082  }
0x22: {  	[simem:s7], [sflag:s8] =	dma.local @!p0 [hbm:s6], $0xF7A  }
0x23: {  	s9 =	sor.u32 $0xD0000000, s2;
	s6 =	simm.s32 $0x108;
	_ =	swait.ge @!p0 [sflag:s8], $0x0  }
0x24: {  	s3 =	sadd.s32 $0x88, s3;
	s6 =	simm.s32 @!p1 $0x1082;
	[sflag:s4] =	ssyncset.s32 $0xFFFFF086  }
0x25: {  	[simem:s6], [sflag:s4] =	dma.local [hbm:s3], $0xF7A  }
0x26: {  	[smem:$0x3F9F] =	sst s1;
	(tag) =	ssettag s2;
	_ =	strace s9  }
0x27: {  	s1 =	sld [smem:$0x3FAF]  }
0x28: {  	s2 =	sld [smem:$0x3FB0]  }
0x29: {  	s4 =	sld [smem:$0x3FB2]  }
0x2a: {  	p0 =	seq.s32 s5, $0x0;
	s5 =	sld [smem:$0x3FB3]  }
0x2b: {  	s6 =	sld [smem:$0x3FB4]  }
0x2c: {  	s7 =	sld [smem:$0x3FB5]  }
0x2d: {  	s3 =	simm.s32 $0x108;
	s8 =	sld [smem:$0x3FB6]  }
0x2e: {  	s3 =	simm.s32 @!p0 $0x1082;
	s9 =	sld [smem:$0x3FB7]  }
0x2f: {  	lr =	sadd.s32 s0, s3;
	s0 =	sld [smem:$0x3FAE]  }
0x30: {  	s3 =	sld [smem:$0x3FB1]  }
0x31: {  	[smem:$0x3FBA] =	sst s10  }
0x32: {  	s10 =	sld [smem:$0x3FB8];
	_ =	sdelay $0x3  }
0x33: {  	p0 =	seq.s32 s10, $0x1;
	s10 =	sld [smem:$0x3FBA];
	_ =	sdelay $0x3  }
0x34: {  	[smem:$0x3FBA] =	sst s10  }
0x35: {  	s10 =	sld [smem:$0x3FB9];
	_ =	sdelay $0x3  }
0x36: {  	p1 =	seq.s32 s10, $0x1;
	s10 =	sld [smem:$0x3FBA];
	_ =	sdelay $0x3  }
0x37: {  	[smem:$0x3FBA] =	sst s10  }
0x38: {  	s10 =	sld [smem:$0x3FBB]  }
0x39: {  	_ = 	snop;
	(pc) =	sbr.ind lr, $3  }
0x3a: {  	_ = 	snop  }
0x3b: {  	_ = 	snop  }
0x3c: {  	p2 =	seq.s32 s10, $0x1;
	s10 =	sld [smem:$0x3FBA]  }
0x3d: {  	_ =	shalt  }
0x3e: {  	_ =	shalt  }
0x3f: {  	_ =	shalt  }
0x40: {  	_ =	shalt  }
0x41: {  	_ =	shalt  }
0x42: {  	_ =	shalt  }
0x43: {  	_ =	shalt  }
0x44: {  	_ =	shalt  }
0x45: {  	_ =	shalt  }
0x46: {  	_ =	shalt  }
0x47: {  	_ =	shalt  }
0x48: {  	_ =	shalt  }
0x49: {  	_ =	shalt  }
0x4a: {  	_ =	shalt  }
0x4b: {  	_ =	shalt  }
0x4c: {  	_ =	shalt  }
0x4d: {  	_ =	shalt  }
0x4e: {  	_ =	shalt  }
0x4f: {  	_ =	shalt  }
0x50: {  	_ =	shalt  }
0x51: {  	_ =	shalt  }
0x52: {  	_ =	shalt  }
0x53: {  	_ =	shalt  }
0x54: {  	_ =	shalt  }
0x55: {  	_ =	shalt  }
0x56: {  	_ =	shalt  }
0x57: {  	_ =	shalt  }
0x58: {  	_ =	shalt  }
0x59: {  	_ =	shalt  }
0x5a: {  	_ =	shalt  }
0x5b: {  	_ =	shalt  }
0x5c: {  	_ =	shalt  }
0x5d: {  	_ =	shalt  }
0x5e: {  	_ =	shalt  }
0x5f: {  	_ =	shalt  }
0x60: {  	_ =	shalt  }
0x61: {  	_ =	shalt  }
0x62: {  	_ =	shalt  }
0x63: {  	_ =	shalt  }
0x64: {  	_ =	shalt  }
0x65: {  	_ =	shalt  }
0x66: {  	_ =	shalt  }
0x67: {  	_ =	shalt  }
0x68: {  	_ =	shalt  }
0x69: {  	_ =	shalt  }
0x6a: {  	_ =	shalt  }
0x6b: {  	_ =	shalt  }
0x6c: {  	_ =	shalt  }
0x6d: {  	_ =	shalt  }
0x6e: {  	_ =	shalt  }
0x6f: {  	_ =	shalt  }
0x70: {  	_ =	shalt  }
0x71: {  	_ =	shalt  }
0x72: {  	_ =	shalt  }
0x73: {  	_ =	shalt  }
0x74: {  	_ =	shalt  }
0x75: {  	_ =	shalt  }
0x76: {  	_ =	shalt  }
0x77: {  	_ =	shalt  }
0x78: {  	_ =	shalt  }
0x79: {  	_ =	shalt  }
0x7a: {  	_ =	shalt  }
0x7b: {  	_ =	shalt  }
0x7c: {  	_ =	shalt  }
0x7d: {  	_ =	shalt  }
0x7e: {  	_ =	shalt  }
0x7f: {  	_ =	shalt  }
0x80: {  	_ =	shalt  }
0x81: {  	_ =	shalt  }
0x82: {  	_ =	shalt  }
0x83: {  	_ =	shalt  }
0x84: {  	_ =	shalt  }
0x85: {  	_ =	shalt  }
0x86: {  	_ =	shalt  }
0x87: {  	_ =	shalt  }
.Lfunc_end0:
.L_simem_size_0:
called_computation.4_lowered:
.L_overlay_start_0:
0x88: {  	s2 =	sld [smem:$0x3FD9]  }
0x89: {  	s3 =	sld [smem:$0x3FFE];
	_ =	sdelay $0x1  }
0x8a: {  	s1 =	srdreg.scid  }
0x8b: {  	s0 =	sand.u32 $0x1, s1  }
0x8c: {  	s17 =	sshll.u32 s0, $0xA;
	s2 =	sadd.s32 s3, s2  }
0x8d: {  	s2 =	sadd.s32 s2, s17  }
0x8e: {  	[smem:$0x3FC6] =	sst s2  }
0x8f: {  	_ = 	snop  }
0x90: {  	s2 =	sld [smem:$0x3FD0];
	(tm) =	ssettm $0x1  }
0x91: {  	s18 =	sld [smem:$0x3FFB];
	_ =	sdelay $0x3  }
0x92: {  	_ =	strace s18  }
0x93: {  	s3 =	sld [smem:$0x3FFC];
	_ =	sdelay $0x3  }
0x94: {  	_ =	strace s3  }
0x95: {  	s3 =	sld [smem:$0x3FFD];
	_ =	sdelay $0x3  }
0x96: {  	_ =	strace s3  }
0x97: {  	_ =	strace $0x8FFFFFFF  }
0x98: {  	s19 =	sld [smem:$0x3FDB];
	_ =	sdelay $0x1  }
0x99: {  	s4 =	simm.s32 $_scs_section_size  }
0x9a: {  	s5 =	simm.s32 $_size__tile_overlayer_lowered;
	s6 =	simm.s32 $_tile_overlayer_lowered  }
0x9b: {  	s22 =	simm.s32 $0x1BFF;
	s21 =	sshll.u32 s6, $0x1;
	s3 =	sadd.s32 s4, s19  }
0x9c: {  	s7 =	simm.s32 $0x0;
	s20 =	sshll.u32 s5, $0x1;
	s5 =	sadd.s32 s21, s3  }
0x9d: {  	[timem:s7], [sflag:s22] =	dma.local [hbm:s5], s20  }
0x9e: {  	_ =	swait.ge [sflag:s22], s20  }
0x9f: {  	s4 =	ssub.s32 $0x0, s20;
	[sflag:s22] =	ssyncset.done $0x0  }
0xa0: {  	[sflag:s22] =	ssyncadd.s32 s4;
	_ =	sdelay $0x1  }
0xa1: {  	s23 =	simm.s32 $0x1B8B  }
0xa2: {  	_ =	swait.ge [sflag:s23], $0x1  }
0xa3: {  	[sflag:s23] =	ssyncset.done $0x0  }
0xa4: {  	s25 =	simm.s32 $0x1B8E;
	s24 =	sld [smem:$0x3FFE];
	[sflag:s23] =	ssyncadd.s32 $0xFFFFFFFF  }
0xa5: {  	s26 =	simm.s32 $execute0_lowered;
	[smem:$0x3FD2] =	sst s25  }
0xa6: {  	s5 =	sshll.u32 s26, $0x1;
	_ =	strace $0x80000052;
	[dreg:$0x1] =	wrdreg $0xFFFFFFFF  }
0xa7: {  	s28 =	simm.s32 $_size_execute0_lowered;
	s3 =	sadd.s32 s3, s5;
	[dreg:$0x0] =	wrdreg $0x0  }
0xa8: {  	s5 =	sshll.u32 s28, $0x1;
	[dreg:$0x2] =	wrdreg s3  }
0xa9: {  	[dreg:$0x3] =	wrdreg s5  }
0xaa: {  	[dreg:$0x4] =	wrdreg $0xC0  }
0xab: {  	_ =	task [dreg:s7], $0x5FFFF  }
0xac: {  	[dreg:$0x1] =	wrdreg $0xFFFFFFFF  }
0xad: {  	[dreg:$0x0] =	wrdreg $0x60  }
0xae: {  	[dreg:$0x2] =	wrdreg s24  }
0xaf: {  	[dreg:$0x3] =	wrdreg s2  }
0xb0: {  	[dreg:$0x4] =	wrdreg $0x9  }
0xb1: {  	_ =	task.clear_ibuf [dreg:s7], $0x5FFFF;
	_ =	strace $0x90000052  }
0xb2: {  	s29 =	simm.s32 $0x9;
	_ =	strace $0x80000054  }
0xb3: {  	_ =	swait.ge [sflag:s29], $0x1  }
0xb4: {  	[sflag:s29] =	ssyncadd.s32 $0xFFFFFFFF  }
0xb5: {  	_ =	strace $0x90000054  }
0xb6: {  	_ =	sfence  }
0xb7: {  	s30 =	sld [smem:$0x0];
	_ =	sdelay $0x2  }
0xb8: {  	s31 =	sshll.u32 s1, $0xD;
	s1 =	sshrl.u32 s1, $0x2  }
0xb9: {  	s3 =	sand.u32 $0x4000, s31;
	s1 =	sadd.s32 s1, s30  }
0xba: {  	s0 =	sor.u32 s3, s0;
	s1 =	sshll.u32 s1, $0x11  }
0xbb: {  	s0 =	sor.u32 s1, s0  }
0xbc: {  	s0 =	sadd.s32 $0x8F2B, s0  }
0xbd: {  	[sflag:s0] =	ssyncadd.remote.s32 $0x1  }
0xbe: {  	_ =	sfence.sel $0xFFFF  }
0xbf: {  	[dreg:$0x0] =	wrdreg $0xFFFFFFFF;
	(pc) =	sbr.abs _section_cstart, $3  }
0xc0: {  	[dreg:$0x1] =	wrdreg $0xFFFFFFFF  }
0xc1: {  	_ =	task.clear_ibuf [dreg:s7], $0x2FFFF;
	_ =	strace $0x9FFFFFFF  }
0xc2: {  	(tm) =	ssettm $0x7FFFFFFF  }
0xc3: {  	_ =	shalt  }
tec
execute0_lowered:
.L_overlay_start_1:
0x0: {  	(tag) =	ssettag $0x1  }
0x1: {  	s0 =	rddreg [dreg:$0x0]  }
0x2: {  	s2 =	rddreg [dreg:$0x1];
	s1 =	simm.s32 $0x0  }
0x3: {  	s4 =	srdreg.scid;
	s9 =	stileid.u32;
	s28 =	simm.s32 $0x1800  }
0x4: {  	s29 =	simm.s32 $0x2;
	s30 =	simm.s32 $0xA000;
	s31 =	simm.s32 $0x1F80  }
0x5: {  	[smem:$0x7FF] =	sst s1;
	s3 =	sadd.s32 $0x302000, s0;
	s5 =	sadd.s32 $0x2000, s0  }
0x6: {  	s4 =	sand.u32 $0x1, s4;
	s10 =	sadd.s32 $0xB02000, s0;
	s7 =	sshll.u32 s9, $0x1  }
0x7: {  	s11 =	sadd.s32 $0x702000, s0;
	s17 =	sshll.u32 s9, $0x15;
	s20 =	sshll.u32 s9, $0x12  }
0x8: {  	s24 =	sshll.u32 s9, $0xF;
	_ =	strace $0x80000053;
	s6 =	ssub.s32 $0x2, s4  }
0x9: {  	s7 =	sor.u32 s4, s7;
	s18 =	sshll.u32 s4, $0x14;
	[dreg:$0x4] =	wrdreg s11  }
0xa: {  	s22 =	sadd.s32 s20, s11;
	s23 =	sshll.u32 s4, $0x11;
	s4 =	sshll.u32 s4, $0xE  }
0xb: {  	[dreg:$0x3] =	wrdreg s10;
	s25 =	sadd.s32 s20, s10;
	s20 =	simm.s32 $0x80  }
0xc: {  	s14 =	sshrl.u32 s6, $0x1;
	s15 =	sshll.u32 s7, $0xE;
	s7 =	sshll.u32 s7, $0x11  }
0xd: {  	s19 =	sor.u32 s18, s17;
	s4 =	sor.u32 s4, s24;
	s18 =	simm.s32 $0x800  }
0xe: {  	s24 =	simm.s32 $0x11400;
	s0 =	ssub.s32 s6, s14;
	s8 =	sadd.s32 s2, s15  }
0xf: {  	s6 =	sadd.s32 s5, s15;
	s16 =	sor.u32 $0x1F800, s7;
	s21 =	sadd.s32 $0xFFFFC000, s19  }
0x10: {  	s26 =	sor.u32 $0x200, s4;
	s4 =	sor.u32 $0x100, s4;
	[dreg:$0x5] =	wrdreg s8  }
0x11: {  	s19 =	simm.s32 $0x1;
	[dreg:$0x6] =	wrdreg s6;
	s7 =	sadd.s32 s10, s16  }
0x12: {  	s6 =	sadd.s32 s11, s16;
	s0 =	smax.u32 s0, $0x1;
	[dreg:$0xa] =	wrdreg s21  }
0x13: {  	s14 =	sadd.s32 s26, s2;
	s15 =	sadd.s32 s26, s5;
	s16 =	sadd.s32 s4, s2  }
0x14: {  	s17 =	sadd.s32 s4, s5;
	s21 =	simm.s32 $0x2000;
	s2 =	simm.s32 $0x6000  }
0x15: {  	s26 =	simm.s32 $0x1000;
	s4 =	simm.s32 $0x1E80;
	[dreg:$0x7] =	wrdreg s7  }
.Ltmp0:
0x16: {  	s5 =	simm.s32 $0x11800;
	[dreg:$0x8] =	wrdreg s6;
	(pc) =	sbr.rel .LBB2_1-.Ltmp0, $4  }
0x17: {  	s8 =	simm.s32 $0x4;
	s11 =	simm.s32 $0x0;
	[dreg:$0x9] =	wrdreg s0  }
0x18: {  	s0 =	sadd.s32 s23, s22;
	s6 =	simm.s32 $0xE000;
	s7 =	simm.s32 $0x3  }
0x19: {  	[dreg:$0xb] =	wrdreg s0;
	s0 =	sadd.s32 s23, s25;
	s23 =	simm.s32 $0x11000  }
0x1a: {  	s25 =	simm.s32 $0x1F00;
	[dreg:$0xc] =	wrdreg s0;
	s0 =	simm.s32 $0x11C00  }
.LBB2_6:
0x1b: {  	_ =	swait.ge [sflag:s8], $0x400  }
0x1c: {  	[sflag:s8] =	ssyncset.done $0x0  }
0x1d: {  	[sflag:s8] =	ssyncadd.s32 $0xFFFFFC00  }
0x1e: {  	_ =	swait.ge [sflag:s8], $0x400  }
0x1f: {  	[sflag:s8] =	ssyncset.done $0x0  }
0x20: {  	[sflag:s8] =	ssyncadd.s32 $0xFFFFFC00  }
0x21: {  	_ =	swait.ge [sflag:s8], $0x400  }
0x22: {  	[sflag:s8] =	ssyncset.done $0x0  }
0x23: {  	[sflag:s8] =	ssyncadd.s32 $0xFFFFFC00  }
0x24: {  	_ =	swait.ge [sflag:s8], $0x400  }
0x25: {  	[sflag:s8] =	ssyncset.done $0x0  }
0x26: {  	[sflag:s8] =	ssyncadd.s32 $0xFFFFFC00  }
0x27: {  	_ =	swait.ge [sflag:s8], $0x400  }
0x28: {  	[sflag:s8] =	ssyncset.done $0x0  }
0x29: {  	[sflag:s8] =	ssyncadd.s32 $0xFFFFFC00  }
0x2a: {  	_ =	swait.ge [sflag:s8], $0x400  }
0x2b: {  	[sflag:s8] =	ssyncset.done $0x0  }
0x2c: {  	[sflag:s8] =	ssyncadd.s32 $0xFFFFFC00  }
0x2d: {  	_ =	swait.ge [sflag:s8], $0x400  }
0x2e: {  	[sflag:s8] =	ssyncset.done $0x0  }
0x2f: {  	[sflag:s8] =	ssyncadd.s32 $0xFFFFFC00  }
0x30: {  	_ =	swait.ge [sflag:s8], $0x400  }
0x31: {  	[sflag:s8] =	ssyncset.done $0x0  }
0x32: {  	[sflag:s8] =	ssyncadd.s32 $0xFFFFFC00  }
0x33: {  	_ =	swait.ge [sflag:s8], $0x400  }
0x34: {  	[sflag:s8] =	ssyncset.done $0x0  }
0x35: {  	[sflag:s8] =	ssyncadd.s32 $0xFFFFFC00  }
0x36: {  	_ =	swait.ge [sflag:s8], $0x400  }
0x37: {  	[sflag:s8] =	ssyncset.done $0x0  }
0x38: {  	[sflag:s8] =	ssyncadd.s32 $0xFFFFFC00  }
0x39: {  	_ =	swait.ge [sflag:s8], $0x400  }
0x3a: {  	[sflag:s8] =	ssyncset.done $0x0  }
0x3b: {  	[sflag:s8] =	ssyncadd.s32 $0xFFFFFC00  }
0x3c: {  	_ =	swait.ge [sflag:s8], $0x400  }
0x3d: {  	[sflag:s8] =	ssyncset.done $0x0  }
0x3e: {  	[sflag:s8] =	ssyncadd.s32 $0xFFFFFC00  }
0x3f: {  	_ =	swait.ge [sflag:s8], $0x400  }
0x40: {  	[sflag:s8] =	ssyncset.done $0x0  }
0x41: {  	[sflag:s8] =	ssyncadd.s32 $0xFFFFFC00  }
0x42: {  	_ =	swait.ge [sflag:s8], $0x400  }
0x43: {  	[sflag:s8] =	ssyncset.done $0x0  }
0x44: {  	[sflag:s8] =	ssyncadd.s32 $0xFFFFFC00  }
0x45: {  	_ =	swait.ge [sflag:s8], $0x400  }
0x46: {  	[sflag:s8] =	ssyncset.done $0x0  }
0x47: {  	[sflag:s8] =	ssyncadd.s32 $0xFFFFFC00  }
0x48: {  	_ =	swait.ge [sflag:s8], $0x400  }
0x49: {  	[sflag:s8] =	ssyncset.done $0x0  }
0x4a: {  	[sflag:s8] =	ssyncadd.s32 $0xFFFFFC00  }
0x4b: {  	_ =	swait.ge [sflag:s8], $0x400  }
0x4c: {  	[sflag:s8] =	ssyncset.done $0x0  }
0x4d: {  	[sflag:s8] =	ssyncadd.s32 $0xFFFFFC00  }
0x4e: {  	_ =	swait.ge [sflag:s8], $0x400  }
0x4f: {  	[sflag:s8] =	ssyncset.done $0x0  }
0x50: {  	[sflag:s8] =	ssyncadd.s32 $0xFFFFFC00  }
0x51: {  	_ =	swait.ge [sflag:s8], $0x400  }
0x52: {  	[sflag:s8] =	ssyncset.done $0x0  }
0x53: {  	[sflag:s8] =	ssyncadd.s32 $0xFFFFFC00  }
0x54: {  	_ =	swait.ge [sflag:s8], $0x400  }
0x55: {  	[sflag:s8] =	ssyncset.done $0x0  }
0x56: {  	[sflag:s8] =	ssyncadd.s32 $0xFFFFFC00  }
0x57: {  	_ =	swait.ge [sflag:s8], $0x400  }
0x58: {  	[sflag:s8] =	ssyncset.done $0x0  }
0x59: {  	[sflag:s8] =	ssyncadd.s32 $0xFFFFFC00  }
0x5a: {  	_ =	swait.ge [sflag:s8], $0x400  }
0x5b: {  	[sflag:s8] =	ssyncset.done $0x0  }
0x5c: {  	[sflag:s8] =	ssyncadd.s32 $0xFFFFFC00  }
0x5d: {  	_ =	swait.ge [sflag:s8], $0x400  }
0x5e: {  	[sflag:s8] =	ssyncset.done $0x0  }
0x5f: {  	[sflag:s8] =	ssyncadd.s32 $0xFFFFFC00  }
0x60: {  	_ =	swait.ge [sflag:s8], $0x400  }
0x61: {  	[sflag:s8] =	ssyncset.done $0x0  }
0x62: {  	[sflag:s8] =	ssyncadd.s32 $0xFFFFFC00  }
0x63: {  	_ =	swait.ge [sflag:s8], $0x400  }
0x64: {  	[sflag:s8] =	ssyncset.done $0x0  }
0x65: {  	[sflag:s8] =	ssyncadd.s32 $0xFFFFFC00  }
0x66: {  	_ =	swait.ge [sflag:s8], $0x400  }
0x67: {  	[sflag:s8] =	ssyncset.done $0x0  }
0x68: {  	[sflag:s8] =	ssyncadd.s32 $0xFFFFFC00  }
0x69: {  	_ =	swait.ge [sflag:s8], $0x400  }
0x6a: {  	[sflag:s8] =	ssyncset.done $0x0  }
0x6b: {  	[sflag:s8] =	ssyncadd.s32 $0xFFFFFC00  }
0x6c: {  	_ =	swait.ge [sflag:s8], $0x400  }
0x6d: {  	[sflag:s8] =	ssyncset.done $0x0  }
0x6e: {  	[sflag:s8] =	ssyncadd.s32 $0xFFFFFC00  }
0x6f: {  	_ =	swait.ge [sflag:s8], $0x400  }
0x70: {  	[sflag:s8] =	ssyncset.done $0x0  }
0x71: {  	[sflag:s8] =	ssyncadd.s32 $0xFFFFFC00  }
0x72: {  	_ =	swait.ge [sflag:s8], $0x400  }
0x73: {  	[sflag:s8] =	ssyncset.done $0x0  }
0x74: {  	[sflag:s8] =	ssyncadd.s32 $0xFFFFFC00  }
0x75: {  	_ =	swait.ge [sflag:s8], $0x400  }
0x76: {  	[sflag:s8] =	ssyncset.done $0x0  }
0x77: {  	[sflag:s8] =	ssyncadd.s32 $0xFFFFFC00  }
0x78: {  	_ =	swait.ge [sflag:s8], $0x400  }
0x79: {  	[sflag:s8] =	ssyncset.done $0x0  }
0x7a: {  	s9 =	rddreg [dreg:$0x7];
	[sflag:s8] =	ssyncadd.s32 $0xFFFFFC00  }
0x7b: {  	[hbm4b:s9+s1] =	stream.linear.scatter [tilespmem:s30], [sflag:$0x6], $0x4000, $0x38;
	[tilespmem:$0x12000] =	vst v63  }
0x7c: {  	s13 =	simm.s32 $0x5;
	s12 =	rddreg [dreg:$0x8]  }
0x7d: {  	[hbm4b:s12+s1] =	stream.linear.scatter [tilespmem:s6], [sflag:$0x6], $0x4000, $0x38;
	[tilespmem:$0x12000] =	vst v63  }
0x7e: {  	_ =	swait.ge [sflag:s13], $0x4000  }
0x7f: {  	[sflag:s13] =	ssyncset.done $0x0  }
0x80: {  	[sflag:s13] =	ssyncadd.s32 $0xFFFFC000  }
0x81: {  	_ =	swait.ge [sflag:s13], $0x4000  }
0x82: {  	[sflag:s13] =	ssyncset.done $0x0  }
0x83: {  	s10 =	simm.s32 $0x6;
	[sflag:s13] =	ssyncadd.s32 $0xFFFFC000  }
0x84: {  	_ =	swait.ge [sflag:s10], $0x4000  }
0x85: {  	[sflag:s10] =	ssyncset.done $0x0  }
0x86: {  	[sflag:s10] =	ssyncadd.s32 $0xFFFFC000  }
0x87: {  	_ =	swait.ge [sflag:s10], $0x4000  }
0x88: {  	s11 =	rddreg [dreg:$0xd]  }
0x89: {  	s22 =	rddreg [dreg:$0x9];
	s11 =	sadd.s32 $0x1, s11  }
0x8a: {  	p0 =	sne.s32 s11, s22  }
.Ltmp1:
0x8b: {  	_ = 	snop;
	(pc) =	sbr.rel @!p0 .LBB2_7-.Ltmp1, $3  }
0x8c: {  	_ =	sdelay $0x1  }
0x8d: {  	[sflag:s10] =	ssyncset.done $0x0  }
0x8e: {  	[sflag:s10] =	ssyncadd.s32 $0xFFFFC000  }
.LBB2_1:
0x8f: {  	[dreg:$0xd] =	wrdreg s11  }
0x90: {  	s9 =	rddreg [dreg:$0x5]  }
0x91: {  	s22 =	rddreg [dreg:$0x6]  }
0x92: {  	s10 =	rddreg [dreg:$0xb]  }
0x93: {  	s12 =	rddreg [dreg:$0xa]  }
0x94: {  	[tilespmem:s1], [sflag:$0x1] =	stream.linear.gather [hbm4b:s9+s1], $0x800, $0x38;
	[tilespmem:$0x12000] =	vst v63  }
0x95: {  	s11 =	simm.s32 $0x0;
	s9 =	rddreg [dreg:$0xc]  }
0x96: {  	[tilespmem:s18], [sflag:$0x1] =	stream.linear.gather [hbm4b:s22+s1], $0x800, $0x38;
	[tilespmem:$0x12000] =	vst v63  }
.LBB2_2:
0x97: {  	_ =	swait.ge [sflag:s19], $0x800  }
0x98: {  	[sflag:s19] =	ssyncset.done $0x0  }
0x99: {  	[sflag:s19] =	ssyncadd.s32 $0xFFFFF800  }
0x9a: {  	_ =	swait.ge [sflag:s19], $0x800  }
0x9b: {  	p0 =	seq.s32 s11, $0x0;
	[sflag:s19] =	ssyncset.done $0x0  }
0x9c: {  	s13 =	simm.s32 @!p0 $0x5;
	[sflag:s19] =	ssyncadd.s32 $0xFFFFF800  }
0x9d: {  	_ =	swait.ge @!p0 [sflag:s13], $0x4000  }
0x9e: {  	[sflag:s13] =	ssyncset.done @!p0 $0x0  }
0x9f: {  	[sflag:s13] =	ssyncadd.s32 @!p0 $0xFFFFC000  }
0xa0: {  	_ =	swait.ge @!p0 [sflag:s13], $0x4000  }
0xa1: {  	[sflag:s13] =	ssyncset.done @!p0 $0x0  }
0xa2: {  	[sflag:s13] =	ssyncadd.s32 @!p0 $0xFFFFC000  }
0xa3: {  	[tilespmem:s21], [sflag:$0x3] =	stream.indirect.gather [hbm4b:s3+s20], $0x8, s1, s20, $0xb8;
	[tilespmem:$0x12000] =	vst v63  }
0xa4: {  	s22 =	simm.s32 $0x2400  }
0xa5: {  	[tilespmem:s22], [sflag:$0x3] =	stream.indirect.gather [hbm4b:s3+s20], $0x8, s20, s20, $0xb8;
	[tilespmem:$0x12000] =	vst v63  }
0xa6: {  	s13 =	simm.s32 $0x100;
	s22 =	simm.s32 $0x2800  }
0xa7: {  	[tilespmem:s22], [sflag:$0x3] =	stream.indirect.gather [hbm4b:s3+s20], $0x8, s13, s20, $0xb8;
	[tilespmem:$0x12000] =	vst v63  }
0xa8: {  	s13 =	simm.s32 $0x180;
	s22 =	simm.s32 $0x2C00  }
0xa9: {  	[tilespmem:s22], [sflag:$0x3] =	stream.indirect.gather [hbm4b:s3+s20], $0x8, s13, s20, $0xb8;
	[tilespmem:$0x12000] =	vst v63  }
0xaa: {  	s13 =	simm.s32 $0x200;
	s22 =	simm.s32 $0x3000  }
0xab: {  	[tilespmem:s22], [sflag:$0x3] =	stream.indirect.gather [hbm4b:s3+s20], $0x8, s13, s20, $0xb8;
	[tilespmem:$0x12000] =	vst v63  }
0xac: {  	s13 =	simm.s32 $0x280;
	s22 =	simm.s32 $0x3400  }
0xad: {  	[tilespmem:s22], [sflag:$0x3] =	stream.indirect.gather [hbm4b:s3+s20], $0x8, s13, s20, $0xb8;
	[tilespmem:$0x12000] =	vst v63  }
0xae: {  	s13 =	simm.s32 $0x300;
	s22 =	simm.s32 $0x3800  }
0xaf: {  	[tilespmem:s22], [sflag:$0x3] =	stream.indirect.gather [hbm4b:s3+s20], $0x8, s13, s20, $0xb8;
	[tilespmem:$0x12000] =	vst v63  }
0xb0: {  	s13 =	simm.s32 $0x380;
	s22 =	simm.s32 $0x3C00  }
0xb1: {  	[tilespmem:s22], [sflag:$0x3] =	stream.indirect.gather [hbm4b:s3+s20], $0x8, s13, s20, $0xb8;
	[tilespmem:$0x12000] =	vst v63  }
0xb2: {  	s13 =	simm.s32 $0x400;
	s22 =	simm.s32 $0x4000  }
0xb3: {  	[tilespmem:s22], [sflag:$0x3] =	stream.indirect.gather [hbm4b:s3+s20], $0x8, s13, s20, $0xb8;
	[tilespmem:$0x12000] =	vst v63  }
0xb4: {  	s13 =	simm.s32 $0x480;
	s22 =	simm.s32 $0x4400  }
0xb5: {  	[tilespmem:s22], [sflag:$0x3] =	stream.indirect.gather [hbm4b:s3+s20], $0x8, s13, s20, $0xb8;
	[tilespmem:$0x12000] =	vst v63  }
0xb6: {  	s13 =	simm.s32 $0x500;
	s22 =	simm.s32 $0x4800  }
0xb7: {  	[tilespmem:s22], [sflag:$0x3] =	stream.indirect.gather [hbm4b:s3+s20], $0x8, s13, s20, $0xb8;
	[tilespmem:$0x12000] =	vst v63  }
0xb8: {  	s13 =	simm.s32 $0x580;
	s22 =	simm.s32 $0x4C00  }
0xb9: {  	[tilespmem:s22], [sflag:$0x3] =	stream.indirect.gather [hbm4b:s3+s20], $0x8, s13, s20, $0xb8;
	[tilespmem:$0x12000] =	vst v63  }
0xba: {  	s13 =	simm.s32 $0x600;
	s22 =	simm.s32 $0x5000  }
0xbb: {  	[tilespmem:s22], [sflag:$0x3] =	stream.indirect.gather [hbm4b:s3+s20], $0x8, s13, s20, $0xb8;
	[tilespmem:$0x12000] =	vst v63  }
0xbc: {  	s13 =	simm.s32 $0x680;
	s22 =	simm.s32 $0x5400  }
0xbd: {  	[tilespmem:s22], [sflag:$0x3] =	stream.indirect.gather [hbm4b:s3+s20], $0x8, s13, s20, $0xb8;
	[tilespmem:$0x12000] =	vst v63  }
0xbe: {  	s13 =	simm.s32 $0x700;
	s22 =	simm.s32 $0x5800  }
0xbf: {  	[tilespmem:s22], [sflag:$0x3] =	stream.indirect.gather [hbm4b:s3+s20], $0x8, s13, s20, $0xb8;
	[tilespmem:$0x12000] =	vst v63  }
0xc0: {  	s13 =	simm.s32 $0x780;
	s22 =	simm.s32 $0x5C00  }
0xc1: {  	[tilespmem:s22], [sflag:$0x3] =	stream.indirect.gather [hbm4b:s3+s20], $0x8, s13, s20, $0xb8;
	[tilespmem:$0x12000] =	vst v63  }
0xc2: {  	_ = 	snop  }
0xc3: {  	[tilespmem:s2], [sflag:$0x3] =	stream.indirect.gather [hbm4b:s3+s20], $0x8, s18, s20, $0xb8;
	[tilespmem:$0x12000] =	vst v63  }
0xc4: {  	s13 =	simm.s32 $0x880;
	s22 =	simm.s32 $0x6400  }
0xc5: {  	[tilespmem:s22], [sflag:$0x3] =	stream.indirect.gather [hbm4b:s3+s20], $0x8, s13, s20, $0xb8;
	[tilespmem:$0x12000] =	vst v63  }
0xc6: {  	s13 =	simm.s32 $0x900;
	s22 =	simm.s32 $0x6800  }
0xc7: {  	[tilespmem:s22], [sflag:$0x3] =	stream.indirect.gather [hbm4b:s3+s20], $0x8, s13, s20, $0xb8;
	[tilespmem:$0x12000] =	vst v63  }
0xc8: {  	s13 =	simm.s32 $0x980;
	s22 =	simm.s32 $0x6C00  }
0xc9: {  	[tilespmem:s22], [sflag:$0x3] =	stream.indirect.gather [hbm4b:s3+s20], $0x8, s13, s20, $0xb8;
	[tilespmem:$0x12000] =	vst v63  }
0xca: {  	s13 =	simm.s32 $0xA00;
	s22 =	simm.s32 $0x7000  }
0xcb: {  	[tilespmem:s22], [sflag:$0x3] =	stream.indirect.gather [hbm4b:s3+s20], $0x8, s13, s20, $0xb8;
	[tilespmem:$0x12000] =	vst v63  }
0xcc: {  	s13 =	simm.s32 $0xA80;
	s22 =	simm.s32 $0x7400  }
0xcd: {  	[tilespmem:s22], [sflag:$0x3] =	stream.indirect.gather [hbm4b:s3+s20], $0x8, s13, s20, $0xb8;
	[tilespmem:$0x12000] =	vst v63  }
0xce: {  	s13 =	simm.s32 $0xB00;
	s22 =	simm.s32 $0x7800  }
0xcf: {  	[tilespmem:s22], [sflag:$0x3] =	stream.indirect.gather [hbm4b:s3+s20], $0x8, s13, s20, $0xb8;
	[tilespmem:$0x12000] =	vst v63  }
0xd0: {  	s13 =	simm.s32 $0xB80;
	s22 =	simm.s32 $0x7C00  }
0xd1: {  	[tilespmem:s22], [sflag:$0x3] =	stream.indirect.gather [hbm4b:s3+s20], $0x8, s13, s20, $0xb8;
	[tilespmem:$0x12000] =	vst v63  }
0xd2: {  	s13 =	simm.s32 $0xC00;
	s22 =	simm.s32 $0x8000  }
0xd3: {  	[tilespmem:s22], [sflag:$0x3] =	stream.indirect.gather [hbm4b:s3+s20], $0x8, s13, s20, $0xb8;
	[tilespmem:$0x12000] =	vst v63  }
0xd4: {  	s13 =	simm.s32 $0xC80;
	s22 =	simm.s32 $0x8400  }
0xd5: {  	[tilespmem:s22], [sflag:$0x3] =	stream.indirect.gather [hbm4b:s3+s20], $0x8, s13, s20, $0xb8;
	[tilespmem:$0x12000] =	vst v63  }
0xd6: {  	s13 =	simm.s32 $0xD00;
	s22 =	simm.s32 $0x8800  }
0xd7: {  	[tilespmem:s22], [sflag:$0x3] =	stream.indirect.gather [hbm4b:s3+s20], $0x8, s13, s20, $0xb8;
	[tilespmem:$0x12000] =	vst v63  }
0xd8: {  	s13 =	simm.s32 $0xD80;
	s22 =	simm.s32 $0x8C00  }
0xd9: {  	[tilespmem:s22], [sflag:$0x3] =	stream.indirect.gather [hbm4b:s3+s20], $0x8, s13, s20, $0xb8;
	[tilespmem:$0x12000] =	vst v63  }
0xda: {  	s13 =	simm.s32 $0xE00;
	s22 =	simm.s32 $0x9000  }
0xdb: {  	[tilespmem:s22], [sflag:$0x3] =	stream.indirect.gather [hbm4b:s3+s20], $0x8, s13, s20, $0xb8;
	[tilespmem:$0x12000] =	vst v63  }
0xdc: {  	s13 =	simm.s32 $0xE80;
	s22 =	simm.s32 $0x9400  }
0xdd: {  	[tilespmem:s22], [sflag:$0x3] =	stream.indirect.gather [hbm4b:s3+s20], $0x8, s13, s20, $0xb8;
	[tilespmem:$0x12000] =	vst v63  }
.Ltmp2:
0xde: {  	_ = 	snop;
	(pc) =	sbr.rel @p0 .LBB2_4-.Ltmp2, $4  }
0xdf: {  	s13 =	simm.s32 $0xF00;
	s22 =	simm.s32 $0x9800  }
0xe0: {  	[tilespmem:s22], [sflag:$0x3] =	stream.indirect.gather [hbm4b:s3+s20], $0x8, s13, s20, $0xb8;
	[tilespmem:$0x12000] =	vst v63  }
0xe1: {  	s13 =	simm.s32 $0xF80;
	s22 =	simm.s32 $0x9C00  }
0xe2: {  	[tilespmem:s22], [sflag:$0x3] =	stream.indirect.gather [hbm4b:s3+s20], $0x8, s13, s20, $0xb8;
	[tilespmem:$0x12000] =	vst v63  }
0xe3: {  	_ =	swait.ge [sflag:s8], $0x400  }
0xe4: {  	[sflag:s8] =	ssyncset.done $0x0  }
0xe5: {  	[sflag:s8] =	ssyncadd.s32 $0xFFFFFC00  }
0xe6: {  	_ =	swait.ge [sflag:s8], $0x400  }
0xe7: {  	[sflag:s8] =	ssyncset.done $0x0  }
0xe8: {  	[sflag:s8] =	ssyncadd.s32 $0xFFFFFC00  }
0xe9: {  	_ =	swait.ge [sflag:s8], $0x400  }
0xea: {  	[sflag:s8] =	ssyncset.done $0x0  }
0xeb: {  	[sflag:s8] =	ssyncadd.s32 $0xFFFFFC00  }
0xec: {  	_ =	swait.ge [sflag:s8], $0x400  }
0xed: {  	[sflag:s8] =	ssyncset.done $0x0  }
0xee: {  	[sflag:s8] =	ssyncadd.s32 $0xFFFFFC00  }
0xef: {  	_ =	swait.ge [sflag:s8], $0x400  }
0xf0: {  	[sflag:s8] =	ssyncset.done $0x0  }
0xf1: {  	[sflag:s8] =	ssyncadd.s32 $0xFFFFFC00  }
0xf2: {  	_ =	swait.ge [sflag:s8], $0x400  }
0xf3: {  	[sflag:s8] =	ssyncset.done $0x0  }
0xf4: {  	[sflag:s8] =	ssyncadd.s32 $0xFFFFFC00  }
0xf5: {  	_ =	swait.ge [sflag:s8], $0x400  }
0xf6: {  	[sflag:s8] =	ssyncset.done $0x0  }
0xf7: {  	[sflag:s8] =	ssyncadd.s32 $0xFFFFFC00  }
0xf8: {  	_ =	swait.ge [sflag:s8], $0x400  }
0xf9: {  	[sflag:s8] =	ssyncset.done $0x0  }
0xfa: {  	[sflag:s8] =	ssyncadd.s32 $0xFFFFFC00  }
0xfb: {  	_ =	swait.ge [sflag:s8], $0x400  }
0xfc: {  	[sflag:s8] =	ssyncset.done $0x0  }
0xfd: {  	[sflag:s8] =	ssyncadd.s32 $0xFFFFFC00  }
0xfe: {  	_ =	swait.ge [sflag:s8], $0x400  }
0xff: {  	[sflag:s8] =	ssyncset.done $0x0  }
0x100: {  	[sflag:s8] =	ssyncadd.s32 $0xFFFFFC00  }
0x101: {  	_ =	swait.ge [sflag:s8], $0x400  }
0x102: {  	[sflag:s8] =	ssyncset.done $0x0  }
0x103: {  	[sflag:s8] =	ssyncadd.s32 $0xFFFFFC00  }
0x104: {  	_ =	swait.ge [sflag:s8], $0x400  }
0x105: {  	[sflag:s8] =	ssyncset.done $0x0  }
0x106: {  	[sflag:s8] =	ssyncadd.s32 $0xFFFFFC00  }
0x107: {  	_ =	swait.ge [sflag:s8], $0x400  }
0x108: {  	[sflag:s8] =	ssyncset.done $0x0  }
0x109: {  	[sflag:s8] =	ssyncadd.s32 $0xFFFFFC00  }
0x10a: {  	_ =	swait.ge [sflag:s8], $0x400  }
0x10b: {  	[sflag:s8] =	ssyncset.done $0x0  }
0x10c: {  	[sflag:s8] =	ssyncadd.s32 $0xFFFFFC00  }
0x10d: {  	_ =	swait.ge [sflag:s8], $0x400  }
0x10e: {  	[sflag:s8] =	ssyncset.done $0x0  }
0x10f: {  	[sflag:s8] =	ssyncadd.s32 $0xFFFFFC00  }
0x110: {  	_ =	swait.ge [sflag:s8], $0x400  }
0x111: {  	[sflag:s8] =	ssyncset.done $0x0  }
0x112: {  	[sflag:s8] =	ssyncadd.s32 $0xFFFFFC00  }
0x113: {  	_ =	swait.ge [sflag:s8], $0x400  }
0x114: {  	[sflag:s8] =	ssyncset.done $0x0  }
0x115: {  	[sflag:s8] =	ssyncadd.s32 $0xFFFFFC00  }
0x116: {  	_ =	swait.ge [sflag:s8], $0x400  }
0x117: {  	[sflag:s8] =	ssyncset.done $0x0  }
0x118: {  	[sflag:s8] =	ssyncadd.s32 $0xFFFFFC00  }
0x119: {  	_ =	swait.ge [sflag:s8], $0x400  }
0x11a: {  	[sflag:s8] =	ssyncset.done $0x0  }
0x11b: {  	[sflag:s8] =	ssyncadd.s32 $0xFFFFFC00  }
0x11c: {  	_ =	swait.ge [sflag:s8], $0x400  }
0x11d: {  	[sflag:s8] =	ssyncset.done $0x0  }
0x11e: {  	[sflag:s8] =	ssyncadd.s32 $0xFFFFFC00  }
0x11f: {  	_ =	swait.ge [sflag:s8], $0x400  }
0x120: {  	[sflag:s8] =	ssyncset.done $0x0  }
0x121: {  	[sflag:s8] =	ssyncadd.s32 $0xFFFFFC00  }
0x122: {  	_ =	swait.ge [sflag:s8], $0x400  }
0x123: {  	[sflag:s8] =	ssyncset.done $0x0  }
0x124: {  	[sflag:s8] =	ssyncadd.s32 $0xFFFFFC00  }
0x125: {  	_ =	swait.ge [sflag:s8], $0x400  }
0x126: {  	[sflag:s8] =	ssyncset.done $0x0  }
0x127: {  	[sflag:s8] =	ssyncadd.s32 $0xFFFFFC00  }
0x128: {  	_ =	swait.ge [sflag:s8], $0x400  }
0x129: {  	[sflag:s8] =	ssyncset.done $0x0  }
0x12a: {  	[sflag:s8] =	ssyncadd.s32 $0xFFFFFC00  }
0x12b: {  	_ =	swait.ge [sflag:s8], $0x400  }
0x12c: {  	[sflag:s8] =	ssyncset.done $0x0  }
0x12d: {  	[sflag:s8] =	ssyncadd.s32 $0xFFFFFC00  }
0x12e: {  	_ =	swait.ge [sflag:s8], $0x400  }
0x12f: {  	[sflag:s8] =	ssyncset.done $0x0  }
0x130: {  	[sflag:s8] =	ssyncadd.s32 $0xFFFFFC00  }
0x131: {  	_ =	swait.ge [sflag:s8], $0x400  }
0x132: {  	[sflag:s8] =	ssyncset.done $0x0  }
0x133: {  	[sflag:s8] =	ssyncadd.s32 $0xFFFFFC00  }
0x134: {  	_ =	swait.ge [sflag:s8], $0x400  }
0x135: {  	[sflag:s8] =	ssyncset.done $0x0  }
0x136: {  	[sflag:s8] =	ssyncadd.s32 $0xFFFFFC00  }
0x137: {  	_ =	swait.ge [sflag:s8], $0x400  }
0x138: {  	[sflag:s8] =	ssyncset.done $0x0  }
0x139: {  	[sflag:s8] =	ssyncadd.s32 $0xFFFFFC00  }
0x13a: {  	_ =	swait.ge [sflag:s8], $0x400  }
0x13b: {  	[sflag:s8] =	ssyncset.done $0x0  }
0x13c: {  	[sflag:s8] =	ssyncadd.s32 $0xFFFFFC00  }
0x13d: {  	_ =	swait.ge [sflag:s8], $0x400  }
0x13e: {  	[sflag:s8] =	ssyncset.done $0x0  }
0x13f: {  	[sflag:s8] =	ssyncadd.s32 $0xFFFFFC00  }
0x140: {  	_ =	swait.ge [sflag:s8], $0x400  }
0x141: {  	s13 =	sshrl.u32 s12, $0x3;
	[sflag:s8] =	ssyncset.done $0x0;
	s22 =	rddreg [dreg:$0x3]  }
0x142: {  	[sflag:s8] =	ssyncadd.s32 $0xFFFFFC00;
	s22 =	sadd.s32 s22, s13  }
0x143: {  	[hbm4b:s22+s1] =	stream.linear.scatter [tilespmem:s30], [sflag:$0x6], $0x4000, $0x38;
	[tilespmem:$0x12000] =	vst v63  }
0x144: {  	s22 =	rddreg [dreg:$0x4]  }
0x145: {  	s13 =	sadd.s32 s22, s13  }
0x146: {  	[hbm4b:s13+s1] =	stream.linear.scatter [tilespmem:s6], [sflag:$0x6], $0x4000, $0x38;
	[tilespmem:$0x12000] =	vst v63  }
.LBB2_4:
0x147: {  	s13 =	sadd.s32 s11, s16  }
0x148: {  	[tilespmem:s26], [sflag:$0x2] =	stream.linear.gather [hbm4b:s13+s1], $0x800, $0x38;
	[tilespmem:$0x12000] =	vst v63  }
0x149: {  	s22 =	sadd.s32 s11, s17  }
0x14a: {  	[tilespmem:s28], [sflag:$0x2] =	stream.linear.gather [hbm4b:s22+s1], $0x800, $0x38;
	[tilespmem:$0x12000] =	vst v63  }
0x14b: {  	_ =	swait.ge [sflag:s29], $0x800  }
0x14c: {  	[sflag:s29] =	ssyncset.done $0x0  }
0x14d: {  	[sflag:s29] =	ssyncadd.s32 $0xFFFFF800  }
0x14e: {  	_ =	swait.ge [sflag:s29], $0x800  }
0x14f: {  	[sflag:s29] =	ssyncset.done $0x0  }
0x150: {  	s13 =	simm.s32 @!p0 $0x6;
	[sflag:s29] =	ssyncadd.s32 $0xFFFFF800  }
0x151: {  	_ =	swait.ge @!p0 [sflag:s13], $0x4000  }
0x152: {  	[sflag:s13] =	ssyncset.done @!p0 $0x0  }
0x153: {  	[sflag:s13] =	ssyncadd.s32 @!p0 $0xFFFFC000  }
0x154: {  	_ =	swait.ge @!p0 [sflag:s13], $0x4000  }
0x155: {  	[sflag:s13] =	ssyncset.done @!p0 $0x0  }
0x156: {  	[sflag:s13] =	ssyncadd.s32 @!p0 $0xFFFFC000  }
0x157: {  	[tilespmem:s30], [sflag:$0x4] =	stream.indirect.gather [hbm4b:s3+s20], $0x8, s26, s20, $0xb8;
	[tilespmem:$0x12000] =	vst v63  }
0x158: {  	s22 =	simm.s32 $0xA400;
	s13 =	simm.s32 $0x1080  }
0x159: {  	[tilespmem:s22], [sflag:$0x4] =	stream.indirect.gather [hbm4b:s3+s20], $0x8, s13, s20, $0xb8;
	[tilespmem:$0x12000] =	vst v63  }
0x15a: {  	s13 =	simm.s32 $0x1100;
	s22 =	simm.s32 $0xA800  }
0x15b: {  	[tilespmem:s22], [sflag:$0x4] =	stream.indirect.gather [hbm4b:s3+s20], $0x8, s13, s20, $0xb8;
	[tilespmem:$0x12000] =	vst v63  }
0x15c: {  	s13 =	simm.s32 $0x1180;
	s22 =	simm.s32 $0xAC00  }
0x15d: {  	[tilespmem:s22], [sflag:$0x4] =	stream.indirect.gather [hbm4b:s3+s20], $0x8, s13, s20, $0xb8;
	[tilespmem:$0x12000] =	vst v63  }
0x15e: {  	s13 =	simm.s32 $0x1200;
	s22 =	simm.s32 $0xB000  }
0x15f: {  	[tilespmem:s22], [sflag:$0x4] =	stream.indirect.gather [hbm4b:s3+s20], $0x8, s13, s20, $0xb8;
	[tilespmem:$0x12000] =	vst v63  }
0x160: {  	s13 =	simm.s32 $0x1280;
	s22 =	simm.s32 $0xB400  }
0x161: {  	[tilespmem:s22], [sflag:$0x4] =	stream.indirect.gather [hbm4b:s3+s20], $0x8, s13, s20, $0xb8;
	[tilespmem:$0x12000] =	vst v63  }
0x162: {  	s13 =	simm.s32 $0x1300;
	s22 =	simm.s32 $0xB800  }
0x163: {  	[tilespmem:s22], [sflag:$0x4] =	stream.indirect.gather [hbm4b:s3+s20], $0x8, s13, s20, $0xb8;
	[tilespmem:$0x12000] =	vst v63  }
0x164: {  	s13 =	simm.s32 $0x1380;
	s22 =	simm.s32 $0xBC00  }
0x165: {  	[tilespmem:s22], [sflag:$0x4] =	stream.indirect.gather [hbm4b:s3+s20], $0x8, s13, s20, $0xb8;
	[tilespmem:$0x12000] =	vst v63  }
0x166: {  	s13 =	simm.s32 $0x1400;
	s22 =	simm.s32 $0xC000  }
0x167: {  	[tilespmem:s22], [sflag:$0x4] =	stream.indirect.gather [hbm4b:s3+s20], $0x8, s13, s20, $0xb8;
	[tilespmem:$0x12000] =	vst v63  }
0x168: {  	s13 =	simm.s32 $0x1480;
	s22 =	simm.s32 $0xC400  }
0x169: {  	[tilespmem:s22], [sflag:$0x4] =	stream.indirect.gather [hbm4b:s3+s20], $0x8, s13, s20, $0xb8;
	[tilespmem:$0x12000] =	vst v63  }
0x16a: {  	s13 =	simm.s32 $0x1500;
	s22 =	simm.s32 $0xC800  }
0x16b: {  	[tilespmem:s22], [sflag:$0x4] =	stream.indirect.gather [hbm4b:s3+s20], $0x8, s13, s20, $0xb8;
	[tilespmem:$0x12000] =	vst v63  }
0x16c: {  	s13 =	simm.s32 $0x1580;
	s22 =	simm.s32 $0xCC00  }
0x16d: {  	[tilespmem:s22], [sflag:$0x4] =	stream.indirect.gather [hbm4b:s3+s20], $0x8, s13, s20, $0xb8;
	[tilespmem:$0x12000] =	vst v63  }
0x16e: {  	s13 =	simm.s32 $0x1600;
	s22 =	simm.s32 $0xD000  }
0x16f: {  	[tilespmem:s22], [sflag:$0x4] =	stream.indirect.gather [hbm4b:s3+s20], $0x8, s13, s20, $0xb8;
	[tilespmem:$0x12000] =	vst v63  }
0x170: {  	s13 =	simm.s32 $0x1680;
	s22 =	simm.s32 $0xD400  }
0x171: {  	[tilespmem:s22], [sflag:$0x4] =	stream.indirect.gather [hbm4b:s3+s20], $0x8, s13, s20, $0xb8;
	[tilespmem:$0x12000] =	vst v63  }
0x172: {  	s13 =	simm.s32 $0x1700;
	s22 =	simm.s32 $0xD800  }
0x173: {  	[tilespmem:s22], [sflag:$0x4] =	stream.indirect.gather [hbm4b:s3+s20], $0x8, s13, s20, $0xb8;
	[tilespmem:$0x12000] =	vst v63  }
0x174: {  	s13 =	simm.s32 $0x1780;
	s22 =	simm.s32 $0xDC00  }
0x175: {  	[tilespmem:s22], [sflag:$0x4] =	stream.indirect.gather [hbm4b:s3+s20], $0x8, s13, s20, $0xb8;
	[tilespmem:$0x12000] =	vst v63  }
0x176: {  	_ = 	snop  }
0x177: {  	[tilespmem:s6], [sflag:$0x4] =	stream.indirect.gather [hbm4b:s3+s20], $0x8, s28, s20, $0xb8;
	[tilespmem:$0x12000] =	vst v63  }
0x178: {  	s13 =	simm.s32 $0x1880;
	s22 =	simm.s32 $0xE400  }
0x179: {  	[tilespmem:s22], [sflag:$0x4] =	stream.indirect.gather [hbm4b:s3+s20], $0x8, s13, s20, $0xb8;
	[tilespmem:$0x12000] =	vst v63  }
0x17a: {  	s13 =	simm.s32 $0x1900;
	s22 =	simm.s32 $0xE800  }
0x17b: {  	[tilespmem:s22], [sflag:$0x4] =	stream.indirect.gather [hbm4b:s3+s20], $0x8, s13, s20, $0xb8;
	[tilespmem:$0x12000] =	vst v63  }
0x17c: {  	s13 =	simm.s32 $0x1980;
	s22 =	simm.s32 $0xEC00  }
0x17d: {  	[tilespmem:s22], [sflag:$0x4] =	stream.indirect.gather [hbm4b:s3+s20], $0x8, s13, s20, $0xb8;
	[tilespmem:$0x12000] =	vst v63  }
0x17e: {  	s13 =	simm.s32 $0x1A00;
	s22 =	simm.s32 $0xF000  }
0x17f: {  	[tilespmem:s22], [sflag:$0x4] =	stream.indirect.gather [hbm4b:s3+s20], $0x8, s13, s20, $0xb8;
	[tilespmem:$0x12000] =	vst v63  }
0x180: {  	s13 =	simm.s32 $0x1A80;
	s22 =	simm.s32 $0xF400  }
0x181: {  	[tilespmem:s22], [sflag:$0x4] =	stream.indirect.gather [hbm4b:s3+s20], $0x8, s13, s20, $0xb8;
	[tilespmem:$0x12000] =	vst v63  }
0x182: {  	s13 =	simm.s32 $0x1B00;
	s22 =	simm.s32 $0xF800  }
0x183: {  	[tilespmem:s22], [sflag:$0x4] =	stream.indirect.gather [hbm4b:s3+s20], $0x8, s13, s20, $0xb8;
	[tilespmem:$0x12000] =	vst v63  }
0x184: {  	s13 =	simm.s32 $0x1B80;
	s22 =	simm.s32 $0xFC00  }
0x185: {  	[tilespmem:s22], [sflag:$0x4] =	stream.indirect.gather [hbm4b:s3+s20], $0x8, s13, s20, $0xb8;
	[tilespmem:$0x12000] =	vst v63  }
0x186: {  	s13 =	simm.s32 $0x1C00;
	s22 =	simm.s32 $0x10000  }
0x187: {  	[tilespmem:s22], [sflag:$0x4] =	stream.indirect.gather [hbm4b:s3+s20], $0x8, s13, s20, $0xb8;
	[tilespmem:$0x12000] =	vst v63  }
0x188: {  	s13 =	simm.s32 $0x1C80;
	s22 =	simm.s32 $0x10400  }
0x189: {  	[tilespmem:s22], [sflag:$0x4] =	stream.indirect.gather [hbm4b:s3+s20], $0x8, s13, s20, $0xb8;
	[tilespmem:$0x12000] =	vst v63  }
0x18a: {  	s13 =	simm.s32 $0x1D00;
	s22 =	simm.s32 $0x10800  }
0x18b: {  	[tilespmem:s22], [sflag:$0x4] =	stream.indirect.gather [hbm4b:s3+s20], $0x8, s13, s20, $0xb8;
	[tilespmem:$0x12000] =	vst v63  }
0x18c: {  	s13 =	simm.s32 $0x1D80;
	s22 =	simm.s32 $0x10C00  }
0x18d: {  	[tilespmem:s22], [sflag:$0x4] =	stream.indirect.gather [hbm4b:s3+s20], $0x8, s13, s20, $0xb8;
	[tilespmem:$0x12000] =	vst v63  }
0x18e: {  	s22 =	simm.s32 $0x1E00  }
0x18f: {  	[tilespmem:s23], [sflag:$0x4] =	stream.indirect.gather [hbm4b:s3+s20], $0x8, s22, s20, $0xb8;
	[tilespmem:$0x12000] =	vst v63  }
0x190: {  	_ = 	snop  }
0x191: {  	[tilespmem:s24], [sflag:$0x4] =	stream.indirect.gather [hbm4b:s3+s20], $0x8, s4, s20, $0xb8;
	[tilespmem:$0x12000] =	vst v63  }
0x192: {  	_ = 	snop  }
0x193: {  	[tilespmem:s5], [sflag:$0x4] =	stream.indirect.gather [hbm4b:s3+s20], $0x8, s25, s20, $0xb8;
	[tilespmem:$0x12000] =	vst v63  }
0x194: {  	_ = 	snop  }
0x195: {  	[tilespmem:s0], [sflag:$0x4] =	stream.indirect.gather [hbm4b:s3+s20], $0x8, s31, s20, $0xb8;
	[tilespmem:$0x12000] =	vst v63  }
0x196: {  	_ =	swait.ge [sflag:s7], $0x400  }
0x197: {  	[sflag:s7] =	ssyncset.done $0x0  }
0x198: {  	[sflag:s7] =	ssyncadd.s32 $0xFFFFFC00  }
0x199: {  	_ =	swait.ge [sflag:s7], $0x400  }
0x19a: {  	[sflag:s7] =	ssyncset.done $0x0  }
0x19b: {  	[sflag:s7] =	ssyncadd.s32 $0xFFFFFC00  }
0x19c: {  	_ =	swait.ge [sflag:s7], $0x400  }
0x19d: {  	[sflag:s7] =	ssyncset.done $0x0  }
0x19e: {  	[sflag:s7] =	ssyncadd.s32 $0xFFFFFC00  }
0x19f: {  	_ =	swait.ge [sflag:s7], $0x400  }
0x1a0: {  	[sflag:s7] =	ssyncset.done $0x0  }
0x1a1: {  	[sflag:s7] =	ssyncadd.s32 $0xFFFFFC00  }
0x1a2: {  	_ =	swait.ge [sflag:s7], $0x400  }
0x1a3: {  	[sflag:s7] =	ssyncset.done $0x0  }
0x1a4: {  	[sflag:s7] =	ssyncadd.s32 $0xFFFFFC00  }
0x1a5: {  	_ =	swait.ge [sflag:s7], $0x400  }
0x1a6: {  	[sflag:s7] =	ssyncset.done $0x0  }
0x1a7: {  	[sflag:s7] =	ssyncadd.s32 $0xFFFFFC00  }
0x1a8: {  	_ =	swait.ge [sflag:s7], $0x400  }
0x1a9: {  	[sflag:s7] =	ssyncset.done $0x0  }
0x1aa: {  	[sflag:s7] =	ssyncadd.s32 $0xFFFFFC00  }
0x1ab: {  	_ =	swait.ge [sflag:s7], $0x400  }
0x1ac: {  	[sflag:s7] =	ssyncset.done $0x0  }
0x1ad: {  	[sflag:s7] =	ssyncadd.s32 $0xFFFFFC00  }
0x1ae: {  	_ =	swait.ge [sflag:s7], $0x400  }
0x1af: {  	[sflag:s7] =	ssyncset.done $0x0  }
0x1b0: {  	[sflag:s7] =	ssyncadd.s32 $0xFFFFFC00  }
0x1b1: {  	_ =	swait.ge [sflag:s7], $0x400  }
0x1b2: {  	[sflag:s7] =	ssyncset.done $0x0  }
0x1b3: {  	[sflag:s7] =	ssyncadd.s32 $0xFFFFFC00  }
0x1b4: {  	_ =	swait.ge [sflag:s7], $0x400  }
0x1b5: {  	[sflag:s7] =	ssyncset.done $0x0  }
0x1b6: {  	[sflag:s7] =	ssyncadd.s32 $0xFFFFFC00  }
0x1b7: {  	_ =	swait.ge [sflag:s7], $0x400  }
0x1b8: {  	[sflag:s7] =	ssyncset.done $0x0  }
0x1b9: {  	[sflag:s7] =	ssyncadd.s32 $0xFFFFFC00  }
0x1ba: {  	_ =	swait.ge [sflag:s7], $0x400  }
0x1bb: {  	[sflag:s7] =	ssyncset.done $0x0  }
0x1bc: {  	[sflag:s7] =	ssyncadd.s32 $0xFFFFFC00  }
0x1bd: {  	_ =	swait.ge [sflag:s7], $0x400  }
0x1be: {  	[sflag:s7] =	ssyncset.done $0x0  }
0x1bf: {  	[sflag:s7] =	ssyncadd.s32 $0xFFFFFC00  }
0x1c0: {  	_ =	swait.ge [sflag:s7], $0x400  }
0x1c1: {  	[sflag:s7] =	ssyncset.done $0x0  }
0x1c2: {  	[sflag:s7] =	ssyncadd.s32 $0xFFFFFC00  }
0x1c3: {  	_ =	swait.ge [sflag:s7], $0x400  }
0x1c4: {  	[sflag:s7] =	ssyncset.done $0x0  }
0x1c5: {  	[sflag:s7] =	ssyncadd.s32 $0xFFFFFC00  }
0x1c6: {  	_ =	swait.ge [sflag:s7], $0x400  }
0x1c7: {  	[sflag:s7] =	ssyncset.done $0x0  }
0x1c8: {  	[sflag:s7] =	ssyncadd.s32 $0xFFFFFC00  }
0x1c9: {  	_ =	swait.ge [sflag:s7], $0x400  }
0x1ca: {  	[sflag:s7] =	ssyncset.done $0x0  }
0x1cb: {  	[sflag:s7] =	ssyncadd.s32 $0xFFFFFC00  }
0x1cc: {  	_ =	swait.ge [sflag:s7], $0x400  }
0x1cd: {  	[sflag:s7] =	ssyncset.done $0x0  }
0x1ce: {  	[sflag:s7] =	ssyncadd.s32 $0xFFFFFC00  }
0x1cf: {  	_ =	swait.ge [sflag:s7], $0x400  }
0x1d0: {  	[sflag:s7] =	ssyncset.done $0x0  }
0x1d1: {  	[sflag:s7] =	ssyncadd.s32 $0xFFFFFC00  }
0x1d2: {  	_ =	swait.ge [sflag:s7], $0x400  }
0x1d3: {  	[sflag:s7] =	ssyncset.done $0x0  }
0x1d4: {  	[sflag:s7] =	ssyncadd.s32 $0xFFFFFC00  }
0x1d5: {  	_ =	swait.ge [sflag:s7], $0x400  }
0x1d6: {  	[sflag:s7] =	ssyncset.done $0x0  }
0x1d7: {  	[sflag:s7] =	ssyncadd.s32 $0xFFFFFC00  }
0x1d8: {  	_ =	swait.ge [sflag:s7], $0x400  }
0x1d9: {  	[sflag:s7] =	ssyncset.done $0x0  }
0x1da: {  	[sflag:s7] =	ssyncadd.s32 $0xFFFFFC00  }
0x1db: {  	_ =	swait.ge [sflag:s7], $0x400  }
0x1dc: {  	[sflag:s7] =	ssyncset.done $0x0  }
0x1dd: {  	[sflag:s7] =	ssyncadd.s32 $0xFFFFFC00  }
0x1de: {  	_ =	swait.ge [sflag:s7], $0x400  }
0x1df: {  	[sflag:s7] =	ssyncset.done $0x0  }
0x1e0: {  	[sflag:s7] =	ssyncadd.s32 $0xFFFFFC00  }
0x1e1: {  	_ =	swait.ge [sflag:s7], $0x400  }
0x1e2: {  	[sflag:s7] =	ssyncset.done $0x0  }
0x1e3: {  	[sflag:s7] =	ssyncadd.s32 $0xFFFFFC00  }
0x1e4: {  	_ =	swait.ge [sflag:s7], $0x400  }
0x1e5: {  	[sflag:s7] =	ssyncset.done $0x0  }
0x1e6: {  	[sflag:s7] =	ssyncadd.s32 $0xFFFFFC00  }
0x1e7: {  	_ =	swait.ge [sflag:s7], $0x400  }
0x1e8: {  	[sflag:s7] =	ssyncset.done $0x0  }
0x1e9: {  	[sflag:s7] =	ssyncadd.s32 $0xFFFFFC00  }
0x1ea: {  	_ =	swait.ge [sflag:s7], $0x400  }
0x1eb: {  	[sflag:s7] =	ssyncset.done $0x0  }
0x1ec: {  	[sflag:s7] =	ssyncadd.s32 $0xFFFFFC00  }
0x1ed: {  	_ =	swait.ge [sflag:s7], $0x400  }
0x1ee: {  	[sflag:s7] =	ssyncset.done $0x0  }
0x1ef: {  	[sflag:s7] =	ssyncadd.s32 $0xFFFFFC00  }
0x1f0: {  	_ =	swait.ge [sflag:s7], $0x400  }
0x1f1: {  	[sflag:s7] =	ssyncset.done $0x0  }
0x1f2: {  	[sflag:s7] =	ssyncadd.s32 $0xFFFFFC00  }
0x1f3: {  	p0 =	seq.s32 s11, $0x3E00;
	_ =	swait.ge [sflag:s7], $0x400  }
.Ltmp3:
0x1f4: {  	[sflag:s7] =	ssyncset.done $0x0;
	(pc) =	sbr.rel @p0 .LBB2_6-.Ltmp3, $4  }
0x1f5: {  	[sflag:s7] =	ssyncadd.s32 $0xFFFFFC00  }
0x1f6: {  	[hbm4b:s9+s1] =	stream.linear.scatter [tilespmem:s21], [sflag:$0x5], $0x4000, $0x38;
	[tilespmem:$0x12000] =	vst v63  }
0x1f7: {  	_ = 	snop  }
0x1f8: {  	[hbm4b:s10+s1] =	stream.linear.scatter [tilespmem:s2], [sflag:$0x5], $0x4000, $0x38;
	[tilespmem:$0x12000] =	vst v63  }
.Ltmp4:
0x1f9: {  	(pc) =	sbr.rel .LBB2_2-.Ltmp4, $4  }
0x1fa: {  	s13 =	sadd.s32 s11, s14;
	s22 =	sadd.s32 s11, s15;
	s12 =	sadd.s32 $0x8000, s12  }
0x1fb: {  	[tilespmem:s1], [sflag:$0x1] =	stream.linear.gather [hbm4b:s13+s1], $0x800, $0x38;
	[tilespmem:$0x12000] =	vst v63  }
0x1fc: {  	s11 =	sadd.s32 $0x200, s11;
	s10 =	sadd.s32 $0x1000, s10;
	s9 =	sadd.s32 $0x1000, s9  }
0x1fd: {  	[tilespmem:s18], [sflag:$0x1] =	stream.linear.gather [hbm4b:s22+s1], $0x800, $0x38;
	[tilespmem:$0x12000] =	vst v63  }
.LBB2_7:
0x1fe: {  	_ =	sfence.sel $0x180000  }
0x1ff: {  	[bflag:$0x0] =	sbarrier.arrive $0xFFFF  }
0x200: {  	_ =	strace $0x90000053  }
0x201: {  	s0 =	stileid.u32;
	[bflag:$0x2] =	sbarrier.arrive $0xFFFF  }
0x202: {  	p0 =	sne.s32 s0, $0x0;
	s0 =	rddreg [dreg:$0x2]  }
0x203: {  	s0 =	sadd.s32 @!p0 $0x100000, s0  }
0x204: {  	[sflag:s0] =	ssyncadd.tile.s32 @!p0 $0x1;
	_ =	shalt  }
.Lfunc_end2:
_tile_overlayer_lowered:
.L_overlay_start_2:
0x205: {  	(tag) =	ssettag $0x2  }
0x206: {  	s0 =	rddreg [dreg:$0x0];
	s2 =	stileid.u32  }
0x207: {  	s1 =	rddreg [dreg:$0x1];
	p0 =	sne.s32 s2, $0x0  }
0x208: {  	s3 =	rddreg [dreg:$0x2];
	[bflag:$0x3] =	sbarrier.arrive $0xFFFF;
	s2 =	simm.s32 @!p0 $0x1C07  }
0x209: {  	[timem:s3], [sflag:s2] =	dma.local @!p0 [hbm:s0], s1  }
0x20a: {  	s0 =	simm.s32 @!p0 $0x7  }
0x20b: {  	_ =	swait.ge @!p0 [sflag:s0], s1  }
0x20c: {  	s1 =	ssub.s32 @!p0 $0x0, s1;
	[sflag:s0] =	ssyncset.done @!p0 $0x0  }
0x20d: {  	[sflag:s0] =	ssyncadd.s32 @!p0 s1  }
0x20e: {  	[bflag:$0x3] =	sbarrier.arrive $0xFFFF  }
0x20f: {  	_ =	shalt  }

// kernel: sparse-core-data-format-call.1.cloned.1.call-start
scs
called_computation.1_lowered:
.L_overlay_start_0:
0x0: {  	s2 =	sld [smem:$0x3FD9]  }
0x1: {  	s3 =	sld [smem:$0x3FFE];
	_ =	sdelay $0x1  }
0x2: {  	s1 =	srdreg.scid  }
0x3: {  	s0 =	sand.u32 $0x1, s1  }
0x4: {  	s18 =	sshll.u32 s0, $0xA;
	s2 =	sadd.s32 s3, s2  }
0x5: {  	s2 =	sadd.s32 s2, s18  }
0x6: {  	[smem:$0x3FC6] =	sst s2  }
0x7: {  	_ = 	snop  }
0x8: {  	(tm) =	ssettm $0x1  }
0x9: {  	s19 =	sld [smem:$0x3FFB];
	_ =	sdelay $0x3  }
0xa: {  	_ =	strace s19  }
0xb: {  	s2 =	sld [smem:$0x3FFC];
	_ =	sdelay $0x3  }
0xc: {  	_ =	strace s2  }
0xd: {  	s2 =	sld [smem:$0x3FFD];
	_ =	sdelay $0x3  }
0xe: {  	_ =	strace s2  }
0xf: {  	_ =	strace $0x8FFFFFFF  }
0x10: {  	s20 =	sld [smem:$0x3FDB];
	_ =	sdelay $0x1  }
0x11: {  	s21 =	simm.s32 $_scs_section_size  }
0x12: {  	s4 =	simm.s32 $_size__tile_overlayer_lowered;
	s5 =	simm.s32 $_tile_overlayer_lowered  }
0x13: {  	s6 =	simm.s32 $0x1BFF;
	s22 =	sshll.u32 s5, $0x1;
	s3 =	sadd.s32 s21, s20  }
0x14: {  	s23 =	simm.s32 $0x0;
	s4 =	sshll.u32 s4, $0x1;
	s5 =	sadd.s32 s22, s3  }
0x15: {  	[timem:s23], [sflag:s6] =	dma.local [hbm:s5], s4  }
0x16: {  	_ =	swait.ge [sflag:s6], s4  }
0x17: {  	s4 =	ssub.s32 $0x0, s4;
	[sflag:s6] =	ssyncset.done $0x0  }
0x18: {  	[sflag:s6] =	ssyncadd.s32 s4;
	_ =	sdelay $0x1  }
0x19: {  	s24 =	simm.s32 $0x1B8B  }
0x1a: {  	_ =	swait.ge [sflag:s24], $0x1  }
0x1b: {  	[sflag:s24] =	ssyncset.done $0x0  }
0x1c: {  	[sflag:s24] =	ssyncadd.s32 $0xFFFFFFFF  }
0x1d: {  	s4 =	sld [smem:$0x0]  }
0x1e: {  	s5 =	sand.u32 $0xFFFFFFFE, s1  }
0x1f: {  	p0 =	sne.s32 s1, s5  }
0x20: {  	s5 =	sshll.u32 @p0 s5, $0xE  }
0x21: {  	s5 =	sadd.s32 @p0 $0x11B8D, s5;
	s6 =	sshll.u32 @p0 s4, $0x11  }
0x22: {  	s5 =	sor.u32 @p0 s6, s5  }
0x23: {  	[sflag:s5] =	ssyncadd.remote.s32 @p0 $0x1;
	_ =	sdelay $0x1  }
0x24: {  	s5 =	simm.s32 @p0 $0x1B8D  }
0x25: {  	_ =	swait.eq @p0 [sflag:s5], $0x1  }
0x26: {  	[sflag:s5] =	ssyncadd.s32 @p0 $0xFFFFFFFF  }
0x27: {  	s6 =	sshll.u32 @!p0 s1, $0xE  }
0x28: {  	s6 =	sor.u32 @!p0 $0x4000, s6;
	s5 =	simm.s32 @!p0 $0x1B8D  }
0x29: {  	s4 =	sshll.u32 @!p0 s4, $0x11;
	s6 =	sadd.s32 @!p0 $0x11B8D, s6;
	_ =	swait.eq @!p0 [sflag:s5], $0x1  }
0x2a: {  	s4 =	sor.u32 @!p0 s4, s6;
	[sflag:s5] =	ssyncadd.s32 @!p0 $0xFFFFFFFF  }
0x2b: {  	s26 =	simm.s32 $0x1B8E;
	s25 =	sld [smem:$0x3FFE];
	[sflag:s4] =	ssyncadd.remote.s32 @!p0 $0x1  }
0x2c: {  	s27 =	simm.s32 $execute0_lowered;
	[smem:$0x3FD2] =	sst s26  }
0x2d: {  	s5 =	sshll.u32 s27, $0x1;
	_ =	strace $0x8000004F;
	[dreg:$0x1] =	wrdreg $0xFFFFFFFF  }
0x2e: {  	s28 =	simm.s32 $_size_execute0_lowered;
	s3 =	sadd.s32 s3, s5;
	[dreg:$0x0] =	wrdreg $0x0  }
0x2f: {  	s5 =	sshll.u32 s28, $0x1;
	[dreg:$0x2] =	wrdreg s3  }
0x30: {  	[dreg:$0x3] =	wrdreg s5  }
0x31: {  	[dreg:$0x4] =	wrdreg $0xC0  }
0x32: {  	_ =	task [dreg:s23], $0x5FFFF  }
0x33: {  	[dreg:$0x1] =	wrdreg $0xFFFFFFFF  }
0x34: {  	[dreg:$0x0] =	wrdreg $0x60  }
0x35: {  	[dreg:$0x2] =	wrdreg s25  }
0x36: {  	[dreg:$0x3] =	wrdreg $0xA  }
0x37: {  	_ =	task.clear_ibuf [dreg:s23], $0x4FFFF;
	_ =	strace $0x9000004F  }
0x38: {  	s29 =	simm.s32 $0xA;
	_ =	strace $0x80000051  }
0x39: {  	_ =	swait.ge [sflag:s29], $0x1  }
0x3a: {  	[sflag:s29] =	ssyncadd.s32 $0xFFFFFFFF  }
0x3b: {  	_ =	strace $0x90000051  }
0x3c: {  	_ =	sfence  }
0x3d: {  	s30 =	sld [smem:$0x0];
	_ =	sdelay $0x2  }
0x3e: {  	s31 =	sshll.u32 s1, $0xD;
	s1 =	sshrl.u32 s1, $0x2  }
0x3f: {  	s4 =	sand.u32 $0x4000, s31;
	s1 =	sadd.s32 s1, s30  }
0x40: {  	s0 =	sor.u32 s4, s0;
	s1 =	sshll.u32 s1, $0x11  }
0x41: {  	s0 =	sor.u32 s1, s0  }
0x42: {  	s0 =	sadd.s32 $0x8F2B, s0  }
0x43: {  	[sflag:s0] =	ssyncadd.remote.s32 $0x1  }
0x44: {  	_ =	sfence.sel $0xFFFF  }
0x45: {  	[dreg:$0x0] =	wrdreg $0xFFFFFFFF;
	(pc) =	sbr.abs _section_cstart, $3  }
0x46: {  	[dreg:$0x1] =	wrdreg $0xFFFFFFFF  }
0x47: {  	_ =	task.clear_ibuf [dreg:s23], $0x2FFFF;
	_ =	strace $0x9FFFFFFF  }
0x48: {  	(tm) =	ssettm $0x7FFFFFFF  }
0x49: {  	_ =	shalt  }
tec
execute0_lowered:
.L_overlay_start_1:
0x0: {  	(tag) =	ssettag $0x1  }
0x1: {  	s0 =	srdreg.scid  }
0x2: {  	s6 =	rddreg [dreg:$0x0];
	s7 =	simm.s32 $0x1;
	s1 =	sshll.u32 s0, $0x4  }
0x3: {  	s8 =	simm.s32 $0x2;
	s0 =	stileid.u32;
	s1 =	sand.u32 $0x10, s1  }
0x4: {  	s13 =	simm.s32 $0x0;
	s12 =	simm.s32 $0x0;
	s1 =	sor.u32 s0, s1  }
0x5: {  	s10 =	simm.s32 $0x0;
	s11 =	simm.s32 $0x0;
	s2 =	sshll.u32 s1, $0xB  }
0x6: {  	s3 =	sadd.s32 $0x782000, s6;
	s6 =	sadd.s32 $0xB82000, s6;
	s5 =	ssub.s32 $0x400000, s2  }
.Ltmp0:
0x7: {  	s1 =	rddreg [dreg:$0x1];
	s4 =	sand.u32 $0xF800, s5;
	(pc) =	sbr.rel .LBB1_1-.Ltmp0, $4  }
0x8: {  	_ =	strace $0x80000050;
	s9 =	smov.u32 s2;
	p0 =	sne.s32 s4, $0x0  }
0x9: {  	s5 =	sshrl.u32 s5, $0x10;
	s4 =	simm.s32 $0x1;
	s7 =	simm.s32 @!p0 $0x0  }
0xa: {  	[sflag:s4] =	ssyncpa.u1 $0x0;
	p0 =	por $0x0, $0x0;
	s5 =	sadd.s32 s7, s5  }
0xb: {  	[sflag:s8] =	ssyncpa.u1 $0x0;
	s8 =	simm.s32 $0x80;
	s7 =	sadd.s32 $0x1, s5  }
.LBB1_7:
0xc: {  	s14 =	sadd.s32 $0x10000, s9  }
0xd: {  	s12 =	sadd.s32 $0x8, s10;
	s16 =	smov.u32 s10;
	p2 =	sgt.s32 s14, $0x3FFFFF  }
0xe: {  	s16 =	smov.u32 @p2 s12  }
0xf: {  	s14 =	smov.u32 @p2 s2;
	p2 =	sgt.s32 s16, $0x7  }
0x10: {  	s16 =	simm.s32 @p2 $0x0;
	p2 =	sne.s32 s11, s7  }
.Ltmp1:
0x11: {  	p1 =	slt.u32 s11, $0x2;
	(pc) =	sbr.rel @!p2 .LBB1_8-.Ltmp1, $4  }
0x12: {  	s15 =	simm.s32 @!p1 $0x2  }
0x13: {  	s13 =	smov.u32 s9;
	p0 =	por !p0, !p0;
	_ =	swait.ge @!p1 [sflag:s15], $0x4000  }
0x14: {  	s12 =	smov.u32 s10;
	[sflag:s15] =	ssyncset.done @!p1 $0x0;
	s9 =	smov.u32 s14  }
0x15: {  	s11 =	sadd.s32 $0x1, s11;
	[sflag:s15] =	ssyncadd.s32 @!p1 $0xFFFFC000;
	s10 =	smov.u32 s16  }
.LBB1_1:
0x16: {  	p1 =	sge.u32 s11, s5  }
0x17: {  	s14 =	sshll.u32 @!p1 s10, $0x7  }
0x18: {  	s15 =	sand.u32 @!p1 $0x78, s9;
	s16 =	sshll.u32 @!p1 s9, $0x3;
	s14 =	sand.u32 @!p1 $0x380, s14  }
0x19: {  	s31 =	sadd.s32 $0xFFFFFFFF, s11;
	s16 =	sand.u32 @!p1 $0x3FFC00, s16;
	s14 =	sor.u32 @!p1 s14, s15  }
0x1a: {  	s15 =	sxor.u32 @!p1 $0xFFFFFFFF, s11;
	s14 =	sor.u32 @!p1 s16, s14;
	s16 =	sand.u32 @!p1 $0x380000, s9  }
0x1b: {  	s15 =	sshll.u32 @!p1 s15, $0xE;
	s14 =	sshrl.u32 @!p1 s14, $0x3;
	s16 =	sadd.s32 @!p1 s3, s16  }
0x1c: {  	s15 =	sand.u32 @!p1 $0x4000, s15;
	s14 =	sadd.s32 @!p1 s14, s16;
	s16 =	sand.u32 @!p1 $0x7, s9  }
0x1d: {  	[tilespmem:s15], [sflag:$0x1] =	stream.linear.gather @!p1 [hbm4b:s14+s16], $0x4000, $0x38;
	[tilespmem:$0x11000] =	vst v63  }
0x1e: {  	p1 =	sge.u32 s31, s5  }
.Ltmp2:
0x1f: {  	_ = 	snop;
	(pc) =	sbr.rel @p1 .LBB1_7-.Ltmp2, $1  }
0x20: {  	_ =	sdelay $0x3  }
0x21: {  	s14 =	simm.s32 $0x1;
	s16 =	sand.u32 $0x1, s11  }
0x22: {  	_ =	swait.ge [sflag:s4], $0x4000;
	s14 =	simm.s32 @!p0 $0x0;
	s17 =	smul.u32 $0x12000, s16  }
0x23: {  	[sflag:s4] =	ssyncset.done $0x0;
	s15 =	smul.u32 $0x12000, s14  }
0x24: {  	s14 =	sshll.u32 s14, $0xE;
	[sflag:s4] =	ssyncadd.s32 $0xFFFFC000  }
0x25: {  	s16 =	sor.u32 $0x800, s14;
	s31 =	sshrl.u32 s17, $0x2;
	s15 =	sshrl.u32 s15, $0x2  }
0x26: {  	s17 =	simm.s32 $0x0;
	s14 =	sor.u32 $0x8000, s31;
	s15 =	sadd.s32 $0x9170, s15  }
.LBB1_3:
0x27: {  	v0 =	vld [tilespmem:s16+$0x470]  }
0x28: {  	v1 =	vld [tilespmem:s16+$0xFFFFF810]  }
0x29: {  	v2 =	vld [tilespmem:s16+$0xFFFFF820]  }
0x2a: {  	v3 =	vld [tilespmem:s16+$0xFFFFF830]  }
0x2b: {  	v4 =	vld [tilespmem:s16+$0xFFFFF840]  }
0x2c: {  	v5 =	vld [tilespmem:s16+$0xFFFFF850];
	[tilespmem:s15+$0x0 ss:$0x9] =	vst.msk $0xffff, v0  }
0x2d: {  	[tilespmem:s15+$0xFFFFEF20 ss:$0x9] =	vst.msk $0xffff, v1;
	v0 =	vld [tilespmem:s16+$0xFFFFF860]  }
0x2e: {  	[tilespmem:s15+$0xFFFFEFB0 ss:$0x9] =	vst.msk $0xffff, v2;
	v1 =	vld [tilespmem:s16+$0xFFFFF870]  }
0x2f: {  	[tilespmem:s15+$0xFFFFF040 ss:$0x9] =	vst.msk $0xffff, v3;
	v2 =	vld [tilespmem:s16+$0xFFFFFC00]  }
0x30: {  	[tilespmem:s15+$0xFFFFF0D0 ss:$0x9] =	vst.msk $0xffff, v4;
	v3 =	vld [tilespmem:s16+$0xFFFFFC10]  }
0x31: {  	[tilespmem:s15+$0xFFFFF160 ss:$0x9] =	vst.msk $0xffff, v5;
	v4 =	vld [tilespmem:s16+$0xFFFFFC20]  }
0x32: {  	v5 =	vld [tilespmem:s16+$0x420];
	[tilespmem:s15+$0xFFFFF1F0 ss:$0x9] =	vst.msk $0xffff, v0  }
0x33: {  	v0 =	vld [tilespmem:s16+$0xFFFFFC30];
	[tilespmem:s15+$0xFFFFF280 ss:$0x9] =	vst.msk $0xffff, v1  }
0x34: {  	v1 =	vld [tilespmem:s16+$0xFFFFFC40];
	[tilespmem:s15+$0xFFFFF310 ss:$0x9] =	vst.msk $0xffff, v2  }
0x35: {  	[tilespmem:s15+$0xFFFFF3A0 ss:$0x9] =	vst.msk $0xffff, v3;
	v3 =	vld [tilespmem:s16+$0xFFFFFC60]  }
0x36: {  	[tilespmem:s15+$0xFFFFF430 ss:$0x9] =	vst.msk $0xffff, v4;
	v4 =	vld [tilespmem:s16+$0xFFFFFC70]  }
0x37: {  	v2 =	vld [tilespmem:s16+$0xFFFFFC50];
	[tilespmem:s15+$0xFFFFFD30 ss:$0x9] =	vst.msk $0xffff, v5  }
0x38: {  	[tilespmem:s15+$0xFFFFF4C0 ss:$0x9] =	vst.msk $0xffff, v0;
	v0 =	vld [tilespmem:s16+$0x0]  }
0x39: {  	[tilespmem:s15+$0xFFFFF550 ss:$0x9] =	vst.msk $0xffff, v1;
	v1 =	vld [tilespmem:s16+$0x10]  }
0x3a: {  	[tilespmem:s15+$0xFFFFF670 ss:$0x9] =	vst.msk $0xffff, v3;
	v3 =	vld [tilespmem:s16+$0x30]  }
0x3b: {  	[tilespmem:s15+$0xFFFFF700 ss:$0x9] =	vst.msk $0xffff, v4;
	v4 =	vld [tilespmem:s16+$0x40]  }
0x3c: {  	[tilespmem:s15+$0xFFFFF5E0 ss:$0x9] =	vst.msk $0xffff, v2;
	v2 =	vld [tilespmem:s16+$0x20]  }
0x3d: {  	[tilespmem:s15+$0xFFFFF790 ss:$0x9] =	vst.msk $0xffff, v0;
	v0 =	vld [tilespmem:s16+$0x50]  }
0x3e: {  	[tilespmem:s15+$0xFFFFF820 ss:$0x9] =	vst.msk $0xffff, v1;
	v1 =	vld [tilespmem:s16+$0x60]  }
0x3f: {  	[tilespmem:s15+$0xFFFFF940 ss:$0x9] =	vst.msk $0xffff, v3;
	v3 =	vld [tilespmem:s16+$0x400]  }
0x40: {  	[tilespmem:s15+$0xFFFFF9D0 ss:$0x9] =	vst.msk $0xffff, v4;
	v4 =	vld [tilespmem:s16+$0x410]  }
0x41: {  	[tilespmem:s15+$0xFFFFF8B0 ss:$0x9] =	vst.msk $0xffff, v2;
	v2 =	vld [tilespmem:s16+$0x70]  }
0x42: {  	[tilespmem:s15+$0xFFFFFA60 ss:$0x9] =	vst.msk $0xffff, v0;
	v0 =	vld [tilespmem:s16+$0x430]  }
0x43: {  	[tilespmem:s15+$0xFFFFFAF0 ss:$0x9] =	vst.msk $0xffff, v1;
	v1 =	vld [tilespmem:s16+$0x440]  }
0x44: {  	[tilespmem:s15+$0xFFFFFC10 ss:$0x9] =	vst.msk $0xffff, v3;
	v3 =	vld [tilespmem:s16+$0x450]  }
0x45: {  	[tilespmem:s15+$0xFFFFFCA0 ss:$0x9] =	vst.msk $0xffff, v4;
	v4 =	vld [tilespmem:s16+$0x460]  }
0x46: {  	s19 =	simm.s32 $0x0;
	s20 =	sadd.s32 $0x1000, s16;
	s18 =	smov.u32 s15;
	[tilespmem:s15+$0xFFFFFB80 ss:$0x9] =	vst.msk $0xffff, v2;
	v2 =	vld [tilespmem:s16+$0xFFFFF800]  }
.LBB1_4:
0x47: {  	v5 =	vld [tilespmem:s20+$0x470];
	s19 =	sadd.s32 $0x200, s19;
	[tilespmem:s18+$0xFFFFFDC0 ss:$0x9] =	vst.msk $0xffff, v0  }
0x48: {  	v0 =	vld [tilespmem:s20+$0xFFFFF810];
	p1 =	slt.u32 s19, $0x600;
	[tilespmem:s18+$0xFFFFFE50 ss:$0x9] =	vst.msk $0xffff, v1  }
0x49: {  	v1 =	vld [tilespmem:s20+$0xFFFFF820];
	[tilespmem:s18+$0xFFFFFEE0 ss:$0x9] =	vst.msk $0xffff, v3  }
0x4a: {  	v3 =	vld [tilespmem:s20+$0xFFFFF830];
	[tilespmem:s18+$0xFFFFFF70 ss:$0x9] =	vst.msk $0xffff, v4  }
0x4b: {  	v4 =	vld [tilespmem:s20+$0xFFFFF840];
	[tilespmem:s18+$0xFFFFEE90 ss:$0x9] =	vst.msk $0xffff, v2;
	s18 =	sadd.s32 $0x1200, s18  }
0x4c: {  	v2 =	vld [tilespmem:s20+$0xFFFFF850];
	[tilespmem:s18+$0x0 ss:$0x9] =	vst.msk $0xffff, v5  }
0x4d: {  	[tilespmem:s18+$0xFFFFEF20 ss:$0x9] =	vst.msk $0xffff, v0;
	v0 =	vld [tilespmem:s20+$0xFFFFF860]  }
0x4e: {  	[tilespmem:s18+$0xFFFFEFB0 ss:$0x9] =	vst.msk $0xffff, v1;
	v1 =	vld [tilespmem:s20+$0xFFFFF870]  }
0x4f: {  	[tilespmem:s18+$0xFFFFF040 ss:$0x9] =	vst.msk $0xffff, v3;
	v3 =	vld [tilespmem:s20+$0xFFFFFC00]  }
0x50: {  	[tilespmem:s18+$0xFFFFF0D0 ss:$0x9] =	vst.msk $0xffff, v4;
	v4 =	vld [tilespmem:s20+$0xFFFFFC10]  }
0x51: {  	[tilespmem:s18+$0xFFFFF160 ss:$0x9] =	vst.msk $0xffff, v2;
	v2 =	vld [tilespmem:s20+$0xFFFFFC20]  }
0x52: {  	[tilespmem:s18+$0xFFFFF1F0 ss:$0x9] =	vst.msk $0xffff, v0;
	v0 =	vld [tilespmem:s20+$0xFFFFFC30]  }
0x53: {  	[tilespmem:s18+$0xFFFFF280 ss:$0x9] =	vst.msk $0xffff, v1;
	v1 =	vld [tilespmem:s20+$0xFFFFFC40]  }
0x54: {  	[tilespmem:s18+$0xFFFFF310 ss:$0x9] =	vst.msk $0xffff, v3;
	v3 =	vld [tilespmem:s20+$0xFFFFFC50]  }
0x55: {  	[tilespmem:s18+$0xFFFFF3A0 ss:$0x9] =	vst.msk $0xffff, v4;
	v4 =	vld [tilespmem:s20+$0xFFFFFC60]  }
0x56: {  	[tilespmem:s18+$0xFFFFF430 ss:$0x9] =	vst.msk $0xffff, v2;
	v2 =	vld [tilespmem:s20+$0xFFFFFC70]  }
0x57: {  	[tilespmem:s18+$0xFFFFF4C0 ss:$0x9] =	vst.msk $0xffff, v0;
	v0 =	vld [tilespmem:s20+$0x0]  }
0x58: {  	[tilespmem:s18+$0xFFFFF550 ss:$0x9] =	vst.msk $0xffff, v1;
	v1 =	vld [tilespmem:s20+$0x10]  }
0x59: {  	[tilespmem:s18+$0xFFFFF5E0 ss:$0x9] =	vst.msk $0xffff, v3;
	v3 =	vld [tilespmem:s20+$0x20]  }
0x5a: {  	[tilespmem:s18+$0xFFFFF670 ss:$0x9] =	vst.msk $0xffff, v4;
	v4 =	vld [tilespmem:s20+$0x30]  }
0x5b: {  	[tilespmem:s18+$0xFFFFF700 ss:$0x9] =	vst.msk $0xffff, v2;
	v2 =	vld [tilespmem:s20+$0x40]  }
0x5c: {  	[tilespmem:s18+$0xFFFFF790 ss:$0x9] =	vst.msk $0xffff, v0;
	v0 =	vld [tilespmem:s20+$0x50]  }
0x5d: {  	[tilespmem:s18+$0xFFFFF820 ss:$0x9] =	vst.msk $0xffff, v1;
	v1 =	vld [tilespmem:s20+$0x60]  }
0x5e: {  	[tilespmem:s18+$0xFFFFF8B0 ss:$0x9] =	vst.msk $0xffff, v3;
	v3 =	vld [tilespmem:s20+$0x70]  }
0x5f: {  	[tilespmem:s18+$0xFFFFF940 ss:$0x9] =	vst.msk $0xffff, v4;
	v4 =	vld [tilespmem:s20+$0x400]  }
0x60: {  	[tilespmem:s18+$0xFFFFF9D0 ss:$0x9] =	vst.msk $0xffff, v2;
	v2 =	vld [tilespmem:s20+$0x410]  }
0x61: {  	[tilespmem:s18+$0xFFFFFA60 ss:$0x9] =	vst.msk $0xffff, v0;
	v5 =	vld [tilespmem:s20+$0x420]  }
.Ltmp3:
0x62: {  	[tilespmem:s18+$0xFFFFFAF0 ss:$0x9] =	vst.msk $0xffff, v1;
	v0 =	vld [tilespmem:s20+$0x430];
	(pc) =	sbr.rel @p1 .LBB1_4-.Ltmp3, $4  }
0x63: {  	[tilespmem:s18+$0xFFFFFB80 ss:$0x9] =	vst.msk $0xffff, v3;
	v1 =	vld [tilespmem:s20+$0x440]  }
0x64: {  	[tilespmem:s18+$0xFFFFFC10 ss:$0x9] =	vst.msk $0xffff, v4;
	v3 =	vld [tilespmem:s20+$0x450]  }
0x65: {  	[tilespmem:s18+$0xFFFFFCA0 ss:$0x9] =	vst.msk $0xffff, v2;
	v4 =	vld [tilespmem:s20+$0x460]  }
0x66: {  	v2 =	vld [tilespmem:s20+$0xFFFFF800];
	[tilespmem:s18+$0xFFFFFD30 ss:$0x9] =	vst.msk $0xffff, v5;
	s20 =	sadd.s32 $0x1000, s20  }
0x67: {  	s17 =	sadd.s32 $0x1, s17  }
0x68: {  	p1 =	sne.s32 s17, $0x8  }
.Ltmp4:
0x69: {  	[tilespmem:s18+$0xFFFFFDC0 ss:$0x9] =	vst.msk $0xffff, v0;
	(pc) =	sbr.rel @p1 .LBB1_3-.Ltmp4, $4  }
0x6a: {  	[tilespmem:s18+$0xFFFFFE50 ss:$0x9] =	vst.msk $0xffff, v1  }
0x6b: {  	[tilespmem:s18+$0xFFFFFEE0 ss:$0x9] =	vst.msk $0xffff, v3  }
0x6c: {  	[tilespmem:s18+$0xFFFFFF70 ss:$0x9] =	vst.msk $0xffff, v4  }
0x6d: {  	s15 =	sadd.s32 $0x1, s15;
	s16 =	sadd.s32 $0x80, s16;
	[tilespmem:s18+$0xFFFFEE90 ss:$0x9] =	vst.msk $0xffff, v2  }
0x6e: {  	s13 =	sshll.u32 s13, $0x7;
	s15 =	sshll.u32 s12, $0x3  }
0x6f: {  	s16 =	sand.u32 $0x1FFFFC00, s13;
	s15 =	sand.u32 $0x1FFFFC00, s15  }
0x70: {  	s13 =	sand.u32 $0x380, s13;
	s15 =	sadd.s32 s15, s16  }
.Ltmp5:
0x71: {  	s30 =	sshrl.u32 s12, $0x3;
	s13 =	sor.u32 s13, s15;
	(pc) =	sbr.rel .LBB1_7-.Ltmp5, $4  }
0x72: {  	s31 =	sand.u32 $0x7, s12;
	s15 =	sand.u32 $0xF, s30;
	s13 =	sshrl.u32 s13, $0x3  }
0x73: {  	s12 =	sshll.u32 s31, $0x12;
	s15 =	sadd.s32 s6, s15;
	s13 =	sand.u32 $0x3FFFFF0, s13  }
0x74: {  	s12 =	sor.u32 $0x8, s12;
	s13 =	sadd.s32 s13, s15  }
0x75: {  	[hbm4b:s13+s12] =	stream.strided.scatter [tilespmem:s14], [sflag:$0x2], $0x4000, s8, s12, $0x0;
	[tilespmem:$0x11000] =	vst v63  }
.LBB1_8:
0x76: {  	_ =	sfence.sel $0x180000  }
0x77: {  	s2 =	simm.s32 $0x1;
	[bflag:$0x0] =	sbarrier.arrive $0xFFFF  }
0x78: {  	s31 =	simm.s32 $0x2;
	[sflag:s2] =	ssyncpa.u1 $0x1  }
0x79: {  	[sflag:s31] =	ssyncpa.u1 $0x1  }
0x7a: {  	p0 =	sne.s32 s0, $0x0;
	_ =	strace $0x90000050  }
0x7b: {  	s0 =	sadd.s32 @!p0 $0x100000, s1;
	[bflag:$0x2] =	sbarrier.arrive $0xFFFF  }
0x7c: {  	[sflag:s0] =	ssyncadd.tile.s32 @!p0 $0x1;
	_ =	shalt  }
.Lfunc_end1:
_tile_overlayer_lowered:
.L_overlay_start_2:
0x7d: {  	(tag) =	ssettag $0x2  }
0x7e: {  	s0 =	rddreg [dreg:$0x0];
	s2 =	stileid.u32  }
0x7f: {  	s1 =	rddreg [dreg:$0x1];
	p0 =	sne.s32 s2, $0x0  }
0x80: {  	s3 =	rddreg [dreg:$0x2];
	[bflag:$0x3] =	sbarrier.arrive $0xFFFF;
	s2 =	simm.s32 @!p0 $0x1C01  }
0x81: {  	[timem:s3], [sflag:s2] =	dma.local @!p0 [hbm:s0], s1  }
0x82: {  	s0 =	simm.s32 @!p0 $0x1  }
0x83: {  	_ =	swait.ge @!p0 [sflag:s0], s1  }
0x84: {  	s1 =	ssub.s32 @!p0 $0x0, s1;
	[sflag:s0] =	ssyncset.done @!p0 $0x0  }
0x85: {  	[sflag:s0] =	ssyncadd.s32 @!p0 s1  }
0x86: {  	[bflag:$0x3] =	sbarrier.arrive $0xFFFF  }
0x87: {  	_ =	shalt  }

// kernel: sparse-core-data-format-call.2.cloned.1.call-start
scs
called_computation.2_lowered:
.L_overlay_start_0:
0x0: {  	s2 =	sld [smem:$0x3FD9]  }
0x1: {  	s3 =	sld [smem:$0x3FFE];
	_ =	sdelay $0x1  }
0x2: {  	s1 =	srdreg.scid  }
0x3: {  	s0 =	sand.u32 $0x1, s1  }
0x4: {  	s18 =	sshll.u32 s0, $0xA;
	s2 =	sadd.s32 s3, s2  }
0x5: {  	s2 =	sadd.s32 s2, s18  }
0x6: {  	[smem:$0x3FC6] =	sst s2  }
0x7: {  	_ = 	snop  }
0x8: {  	s2 =	sld [smem:$0x3FD0];
	(tm) =	ssettm $0x1  }
0x9: {  	s19 =	sld [smem:$0x3FFB];
	_ =	sdelay $0x3  }
0xa: {  	_ =	strace s19  }
0xb: {  	s3 =	sld [smem:$0x3FFC];
	_ =	sdelay $0x3  }
0xc: {  	_ =	strace s3  }
0xd: {  	s3 =	sld [smem:$0x3FFD];
	_ =	sdelay $0x3  }
0xe: {  	_ =	strace s3  }
0xf: {  	_ =	strace $0x8FFFFFFF  }
0x10: {  	s20 =	sld [smem:$0x3FDB];
	_ =	sdelay $0x1  }
0x11: {  	s4 =	simm.s32 $_scs_section_size  }
0x12: {  	s5 =	simm.s32 $_size__tile_overlayer_lowered;
	s6 =	simm.s32 $_tile_overlayer_lowered  }
0x13: {  	s23 =	simm.s32 $0x1BFF;
	s22 =	sshll.u32 s6, $0x1;
	s3 =	sadd.s32 s4, s20  }
0x14: {  	s7 =	simm.s32 $0x0;
	s21 =	sshll.u32 s5, $0x1;
	s5 =	sadd.s32 s22, s3  }
0x15: {  	[timem:s7], [sflag:s23] =	dma.local [hbm:s5], s21  }
0x16: {  	_ =	swait.ge [sflag:s23], s21  }
0x17: {  	s4 =	ssub.s32 $0x0, s21;
	[sflag:s23] =	ssyncset.done $0x0  }
0x18: {  	[sflag:s23] =	ssyncadd.s32 s4;
	_ =	sdelay $0x1  }
0x19: {  	s24 =	simm.s32 $0x1B8B  }
0x1a: {  	_ =	swait.ge [sflag:s24], $0x1  }
0x1b: {  	[sflag:s24] =	ssyncset.done $0x0  }
0x1c: {  	s26 =	simm.s32 $0x1B8E;
	s25 =	sld [smem:$0x3FFE];
	[sflag:s24] =	ssyncadd.s32 $0xFFFFFFFF  }
0x1d: {  	s27 =	simm.s32 $execute0_lowered;
	[smem:$0x3FD2] =	sst s26  }
0x1e: {  	s5 =	sshll.u32 s27, $0x1;
	_ =	strace $0x80000049;
	[dreg:$0x1] =	wrdreg $0xFFFFFFFF  }
0x1f: {  	s28 =	simm.s32 $_size_execute0_lowered;
	s3 =	sadd.s32 s3, s5;
	[dreg:$0x0] =	wrdreg $0x0  }
0x20: {  	s5 =	sshll.u32 s28, $0x1;
	[dreg:$0x2] =	wrdreg s3  }
0x21: {  	[dreg:$0x3] =	wrdreg s5  }
0x22: {  	[dreg:$0x4] =	wrdreg $0xC0  }
0x23: {  	_ =	task [dreg:s7], $0x5FFFF  }
0x24: {  	[dreg:$0x1] =	wrdreg $0xFFFFFFFF  }
0x25: {  	[dreg:$0x0] =	wrdreg $0x60  }
0x26: {  	[dreg:$0x2] =	wrdreg s2  }
0x27: {  	[dreg:$0x3] =	wrdreg s25  }
0x28: {  	[dreg:$0x4] =	wrdreg $0xA  }
0x29: {  	_ =	task.clear_ibuf [dreg:s7], $0x5FFFF;
	_ =	strace $0x90000049  }
0x2a: {  	s29 =	simm.s32 $0xA;
	_ =	strace $0x8000004B  }
0x2b: {  	_ =	swait.ge [sflag:s29], $0x1  }
0x2c: {  	[sflag:s29] =	ssyncadd.s32 $0xFFFFFFFF  }
0x2d: {  	_ =	strace $0x9000004B  }
0x2e: {  	_ =	sfence  }
0x2f: {  	s30 =	sld [smem:$0x0];
	_ =	sdelay $0x2  }
0x30: {  	s31 =	sshll.u32 s1, $0xD;
	s1 =	sshrl.u32 s1, $0x2  }
0x31: {  	s3 =	sand.u32 $0x4000, s31;
	s1 =	sadd.s32 s1, s30  }
0x32: {  	s0 =	sor.u32 s3, s0;
	s1 =	sshll.u32 s1, $0x11  }
0x33: {  	s0 =	sor.u32 s1, s0  }
0x34: {  	s0 =	sadd.s32 $0x8F2B, s0  }
0x35: {  	[sflag:s0] =	ssyncadd.remote.s32 $0x1  }
0x36: {  	_ =	sfence.sel $0xFFFF  }
0x37: {  	[dreg:$0x0] =	wrdreg $0xFFFFFFFF;
	(pc) =	sbr.abs _section_cstart, $3  }
0x38: {  	[dreg:$0x1] =	wrdreg $0xFFFFFFFF  }
0x39: {  	_ =	task.clear_ibuf [dreg:s7], $0x2FFFF;
	_ =	strace $0x9FFFFFFF  }
0x3a: {  	(tm) =	ssettm $0x7FFFFFFF  }
0x3b: {  	_ =	shalt  }
tec
execute0_lowered:
.L_overlay_start_1:
0x0: {  	(tag) =	ssettag $0x1  }
0x1: {  	s0 =	srdreg.scid  }
0x2: {  	s1 =	sshll.u32 s0, $0x4  }
0x3: {  	s3 =	rddreg [dreg:$0x0];
	s0 =	stileid.u32;
	s1 =	sand.u32 $0x10, s1  }
0x4: {  	s6 =	rddreg [dreg:$0x1];
	s1 =	sor.u32 s0, s1  }
0x5: {  	s5 =	simm.s32 $0x1;
	s31 =	simm.s32 $0x2;
	s2 =	sshll.u32 s1, $0x7  }
0x6: {  	s14 =	simm.s32 $0x0;
	s8 =	simm.s32 $0x800;
	s4 =	ssub.s32 $0x2000, s2  }
0x7: {  	s9 =	simm.s32 $0x0;
	s15 =	simm.s32 $0x0;
	s30 =	sand.u32 $0xF80, s4  }
0x8: {  	s16 =	simm.s32 $0x0;
	s10 =	simm.s32 $0x0;
	p0 =	sne.s32 s30, $0x0  }
.Ltmp0:
0x9: {  	s7 =	sshrl.u32 s4, $0xC;
	s5 =	simm.s32 @!p0 $0x0;
	(pc) =	sbr.rel .LBB1_1-.Ltmp0, $4  }
0xa: {  	s12 =	simm.s32 $0x0;
	s1 =	rddreg [dreg:$0x2];
	s5 =	sadd.s32 s5, s7  }
0xb: {  	_ =	strace $0x8000004A;
	s4 =	simm.s32 $0x1;
	s5 =	smul.u32 $0xC, s5  }
0xc: {  	s13 =	simm.s32 $0x0;
	s6 =	sadd.s32 $0x2000, s6;
	[sflag:s4] =	ssyncpa.u1 $0x0  }
0xd: {  	s11 =	smov.u32 s2;
	[sflag:s31] =	ssyncpa.u1 $0x0;
	s7 =	sor.u32 $0x1, s5  }
.LBB1_4:
0xe: {  	_ =	sdelay $0x3  }
0xf: {  	[tilespmem:v0+s19+$0xFFFFFFA0 ss:$0x1] =	vst.idx.msk $0xffff, v6  }
0x10: {  	v56 =	vld.idx.msk [tilespmem:v1+s18+$0x30 ss:$0x1], $0xffff;
	[tilespmem:v0+s19+$0xFFFFFFB0 ss:$0x1] =	vst.idx.msk $0xffff, v4  }
0x11: {  	v57 =	vld.idx.msk [tilespmem:v1+s18+$0xFFFFFFC0 ss:$0x1], $0xffff;
	[tilespmem:v0+s19+$0xFFFFFFC0 ss:$0x1] =	vst.idx.msk $0xffff, v2  }
0x12: {  	v58 =	vld.idx.msk [tilespmem:v1+s18+$0xFFFFFFD0 ss:$0x1], $0xffff;
	[tilespmem:v0+s19+$0xFFFFFFD0 ss:$0x1] =	vst.idx.msk $0xffff, v3  }
0x13: {  	v59 =	vld.idx.msk [tilespmem:v1+s18+$0xFFFFFFE0 ss:$0x1], $0xffff;
	[tilespmem:v0+s19+$0xFFFFFFE0 ss:$0x1] =	vst.idx.msk $0xffff, v5  }
0x14: {  	v60 =	vld.idx.msk [tilespmem:v1+s18+$0xFFFFFFF0 ss:$0x1], $0xffff;
	[tilespmem:v0+s19+$0xFFFFFFF0 ss:$0x1] =	vst.idx.msk $0xffff, v7  }
0x15: {  	v61 =	vld.idx.msk [tilespmem:v1+s18+$0x0 ss:$0x1], $0xffff;
	[tilespmem:v0+s18+$0x0 ss:$0x1] =	vst.idx.msk $0xffff, v56  }
0x16: {  	v62 =	vld.idx.msk [tilespmem:v1+s18+$0x10 ss:$0x1], $0xffff;
	[tilespmem:v0+s18+$0xFFFFFF90 ss:$0x1] =	vst.idx.msk $0xffff, v57  }
0x17: {  	v63 =	vld.idx.msk [tilespmem:v1+s18+$0x20 ss:$0x1], $0xffff;
	[tilespmem:v0+s18+$0xFFFFFFA0 ss:$0x1] =	vst.idx.msk $0xffff, v58  }
0x18: {  	s16 =	sshll.u32 s16, $0x7;
	s29 =	sand.u32 $0x78, s14;
	s15 =	sshll.u32 s15, $0x8;
	[tilespmem:v0+s18+$0xFFFFFFB0 ss:$0x1] =	vst.idx.msk $0xffff, v59  }
0x19: {  	s30 =	sshrl.u32 s14, $0x1;
	s31 =	sand.u32 $0x7, s14;
	s16 =	sand.u32 $0x180, s16;
	[tilespmem:v0+s18+$0xFFFFFFC0 ss:$0x1] =	vst.idx.msk $0xffff, v60  }
0x1a: {  	s19 =	sand.u32 $0xC0, s30;
	s15 =	sadd.s32 s6, s15;
	s16 =	sor.u32 s16, s29;
	[tilespmem:v0+s18+$0xFFFFFFD0 ss:$0x1] =	vst.idx.msk $0xffff, v61  }
0x1b: {  	s14 =	sshll.u32 s31, $0x12;
	s15 =	sadd.s32 s19, s15;
	s16 =	sshrl.u32 s16, $0x3;
	[tilespmem:v0+s18+$0xFFFFFFE0 ss:$0x1] =	vst.idx.msk $0xffff, v62  }
0x1c: {  	s14 =	sor.u32 $0x80, s14;
	s15 =	sadd.s32 s16, s15;
	[tilespmem:v0+s18+$0xFFFFFFF0 ss:$0x1] =	vst.idx.msk $0xffff, v63  }
0x1d: {  	[hbm4b:s15+s14] =	stream.strided.scatter [tilespmem:s17], [sflag:$0x2], $0x4000, s8, s14, $0x38;
	[tilespmem:$0x10000] =	vst v63  }
.LBB1_5:
0x1e: {  	s17 =	sadd.s32 $0x80, s10  }
0x1f: {  	s14 =	sadd.s32 $0x1000, s11;
	s18 =	smov.u32 s11;
	p1 =	sgt.s32 s17, $0x1FF  }
0x20: {  	s18 =	smov.u32 @p1 s14  }
0x21: {  	s14 =	simm.s32 $0x1;
	p2 =	sgt.s32 s18, $0x1FFF  }
0x22: {  	s14 =	simm.s32 @!p2 $0x0  }
0x23: {  	s20 =	sadd.s32 s14, s12  }
0x24: {  	s17 =	simm.s32 @p1 $0x0;
	p1 =	sgt.s32 s20, $0x2  }
0x25: {  	p0 =	slt.u32 s13, $0x2;
	s20 =	simm.s32 @p1 $0x0;
	p1 =	sne.s32 s13, s7  }
.Ltmp1:
0x26: {  	s19 =	simm.s32 @!p0 $0x2;
	(pc) =	sbr.rel @!p1 .LBB1_6-.Ltmp1, $4  }
0x27: {  	s15 =	smov.u32 s11;
	s16 =	smov.u32 s12;
	_ =	swait.ge @!p0 [sflag:s19], $0x4000  }
0x28: {  	s9 =	sadd.s32 $0x4000, s9;
	[sflag:s19] =	ssyncset.done @!p0 $0x0;
	s18 =	smov.u32 @p2 s2  }
0x29: {  	[sflag:s19] =	ssyncadd.s32 @!p0 $0xFFFFC000;
	s14 =	smov.u32 s10;
	s10 =	smov.u32 s17  }
0x2a: {  	s11 =	smov.u32 s18;
	s13 =	sadd.s32 $0x1, s13;
	s12 =	smov.u32 s20  }
.LBB1_1:
0x2b: {  	p0 =	sge.u32 s13, s5  }
0x2c: {  	s31 =	sadd.s32 $0xFFFFFFFF, s13;
	s17 =	sxor.u32 @!p0 $0xFFFFFFFF, s13  }
0x2d: {  	s18 =	sshll.u32 @!p0 s11, $0x9;
	s19 =	sshll.u32 @!p0 s10, $0x3;
	s20 =	sshll.u32 @!p0 s11, $0x7  }
0x2e: {  	s21 =	sand.u32 @!p0 $0x78, s10;
	s18 =	sand.u32 @!p0 $0x3FF000, s18;
	s19 =	sand.u32 @!p0 $0x3FFC00, s19  }
0x2f: {  	s17 =	sshll.u32 @!p0 s17, $0xE;
	s18 =	sadd.s32 @!p0 s18, s19;
	s19 =	sand.u32 @!p0 $0x200, s20  }
0x30: {  	s17 =	sand.u32 @!p0 $0x4000, s17;
	s18 =	sor.u32 @!p0 s19, s18;
	s19 =	sand.u32 @!p0 $0x180, s20  }
0x31: {  	s20 =	sshll.u32 @!p0 s12, $0x13;
	s19 =	sor.u32 @!p0 s21, s19;
	s18 =	sshrl.u32 @!p0 s18, $0x3  }
0x32: {  	s20 =	sadd.s32 @!p0 s3, s20;
	s21 =	sand.u32 @!p0 $0x7, s10;
	s19 =	sshrl.u32 @!p0 s19, $0x3  }
0x33: {  	s18 =	sand.u32 @!p0 $0x7FFC0, s18;
	s19 =	sadd.s32 @!p0 s19, s20;
	s20 =	sshll.u32 @!p0 s21, $0x12  }
0x34: {  	s18 =	sadd.s32 @!p0 s18, s19;
	s19 =	sor.u32 @!p0 $0x400, s20;
	s20 =	simm.s32 @!p0 $0x1000  }
0x35: {  	[tilespmem:s17], [sflag:$0x1] =	stream.strided.gather @!p0 [hbm4b:s18+s19], $0x4000, s20, s19, $0x38;
	[tilespmem:$0x10000] =	vst v63  }
0x36: {  	p0 =	sge.u32 s31, s5  }
.Ltmp2:
0x37: {  	_ = 	snop;
	(pc) =	sbr.rel @p0 .LBB1_5-.Ltmp2, $1  }
0x38: {  	_ =	sdelay $0x3  }
0x39: {  	s17 =	sand.u32 $0x4000, s9  }
0x3a: {  	s18 =	sor.u32 $0x40, s17  }
0x3b: {  	v1 =	vmov s18;
	_ =	sdelay $0x1  }
0x3c: {  	_ =	swait.ge [sflag:s4], $0x4000  }
0x3d: {  	[sflag:s4] =	ssyncset.done $0x0  }
0x3e: {  	s19 =	simm.s32 $0x0;
	[sflag:s4] =	ssyncadd.s32 $0xFFFFC000  }
0x3f: {  	s17 =	sor.u32 $0x8070, s17;
	v7 =	vld.idx.msk [tilespmem:v1+s19+$0x30 ss:$0x1], $0xffff  }
0x40: {  	v0 =	vmov s17;
	v8 =	vld.idx.msk [tilespmem:v1+s19+$0xFFFFFFC0 ss:$0x1], $0xffff  }
0x41: {  	v6 =	vld.idx.msk [tilespmem:v1+s19+$0xFFFFFFD0 ss:$0x1], $0xffff  }
0x42: {  	v4 =	vld.idx.msk [tilespmem:v1+s19+$0xFFFFFFE0 ss:$0x1], $0xffff  }
0x43: {  	v2 =	vld.idx.msk [tilespmem:v1+s19+$0xFFFFFFF0 ss:$0x1], $0xffff  }
0x44: {  	s31 =	sshll.u32 s13, $0xE;
	v3 =	vld.idx.msk [tilespmem:v1+s19+$0x0 ss:$0x1], $0xffff  }
0x45: {  	s17 =	sand.u32 $0x4000, s31;
	v5 =	vld.idx.msk [tilespmem:v1+s19+$0x10 ss:$0x1], $0xffff;
	[tilespmem:v0+s19+$0x0 ss:$0x1] =	vst.idx.msk $0xffff, v7  }
0x46: {  	s20 =	simm.s32 $0x400;
	s18 =	simm.s32 $0x80;
	s17 =	sor.u32 $0x8000, s17;
	[tilespmem:v0+s19+$0xFFFFFF90 ss:$0x1] =	vst.idx.msk $0xffff, v8;
	v7 =	vld.idx.msk [tilespmem:v1+s19+$0x20 ss:$0x1], $0xffff  }
.LBB1_3:
0x47: {  	p0 =	sne.s32 s20, $0xFE00;
	v8 =	vld.idx.msk [tilespmem:v1+s18+$0x30 ss:$0x1], $0xffff;
	[tilespmem:v0+s19+$0xFFFFFFA0 ss:$0x1] =	vst.idx.msk $0xffff, v6  }
0x48: {  	v9 =	vld.idx.msk [tilespmem:v1+s18+$0xFFFFFFC0 ss:$0x1], $0xffff;
	[tilespmem:v0+s19+$0xFFFFFFB0 ss:$0x1] =	vst.idx.msk $0xffff, v4  }
0x49: {  	v6 =	vld.idx.msk [tilespmem:v1+s18+$0xFFFFFFD0 ss:$0x1], $0xffff;
	[tilespmem:v0+s19+$0xFFFFFFC0 ss:$0x1] =	vst.idx.msk $0xffff, v2  }
.Ltmp3:
0x4a: {  	v4 =	vld.idx.msk [tilespmem:v1+s18+$0xFFFFFFE0 ss:$0x1], $0xffff;
	[tilespmem:v0+s19+$0xFFFFFFD0 ss:$0x1] =	vst.idx.msk $0xffff, v3;
	(pc) =	sbr.rel @p0 .LBB1_3-.Ltmp3, $4  }
0x4b: {  	v2 =	vld.idx.msk [tilespmem:v1+s18+$0xFFFFFFF0 ss:$0x1], $0xffff;
	[tilespmem:v0+s19+$0xFFFFFFE0 ss:$0x1] =	vst.idx.msk $0xffff, v5  }
0x4c: {  	v3 =	vld.idx.msk [tilespmem:v1+s18+$0x0 ss:$0x1], $0xffff;
	[tilespmem:v0+s19+$0xFFFFFFF0 ss:$0x1] =	vst.idx.msk $0xffff, v7;
	s19 =	smov.u32 s18  }
0x4d: {  	v5 =	vld.idx.msk [tilespmem:v1+s19+$0x10 ss:$0x1], $0xffff;
	[tilespmem:v0+s19+$0x0 ss:$0x1] =	vst.idx.msk $0xffff, v8  }
0x4e: {  	s18 =	sshra.s32 s20, $0x2;
	s20 =	sadd.s32 $0x200, s20;
	[tilespmem:v0+s19+$0xFFFFFF90 ss:$0x1] =	vst.idx.msk $0xffff, v9;
	v7 =	vld.idx.msk [tilespmem:v1+s19+$0x20 ss:$0x1], $0xffff  }
.Ltmp4:
0x4f: {  	_ = 	snop;
	(pc) =	sbr.rel .LBB1_4-.Ltmp4, $1  }
0x50: {  	_ =	sdelay $0x3  }
.LBB1_6:
0x51: {  	_ =	sfence.sel $0x180000  }
0x52: {  	s2 =	simm.s32 $0x1;
	[bflag:$0x0] =	sbarrier.arrive $0xFFFF  }
0x53: {  	s31 =	simm.s32 $0x2;
	[sflag:s2] =	ssyncpa.u1 $0x1  }
0x54: {  	[sflag:s31] =	ssyncpa.u1 $0x1  }
0x55: {  	p0 =	sne.s32 s0, $0x0;
	_ =	strace $0x9000004A  }
0x56: {  	s0 =	sadd.s32 @!p0 $0x100000, s1;
	[bflag:$0x2] =	sbarrier.arrive $0xFFFF  }
0x57: {  	[sflag:s0] =	ssyncadd.tile.s32 @!p0 $0x1;
	_ =	shalt  }
.Lfunc_end1:
_tile_overlayer_lowered:
.L_overlay_start_2:
0x58: {  	(tag) =	ssettag $0x2  }
0x59: {  	s0 =	rddreg [dreg:$0x0];
	s2 =	stileid.u32  }
0x5a: {  	s1 =	rddreg [dreg:$0x1];
	p0 =	sne.s32 s2, $0x0  }
0x5b: {  	s3 =	rddreg [dreg:$0x2];
	[bflag:$0x3] =	sbarrier.arrive $0xFFFF;
	s2 =	simm.s32 @!p0 $0x1C01  }
0x5c: {  	[timem:s3], [sflag:s2] =	dma.local @!p0 [hbm:s0], s1  }
0x5d: {  	s0 =	simm.s32 @!p0 $0x1  }
0x5e: {  	_ =	swait.ge @!p0 [sflag:s0], s1  }
0x5f: {  	s1 =	ssub.s32 @!p0 $0x0, s1;
	[sflag:s0] =	ssyncset.done @!p0 $0x0  }
0x60: {  	[sflag:s0] =	ssyncadd.s32 @!p0 s1  }
0x61: {  	[bflag:$0x3] =	sbarrier.arrive $0xFFFF  }
0x62: {  	_ =	shalt  }

// kernel: sparse-core-data-format-call.3.cloned.1.call-start
scs
called_computation.3_lowered:
.L_overlay_start_0:
0x0: {  	s2 =	sld [smem:$0x3FD9]  }
0x1: {  	s3 =	sld [smem:$0x3FFE];
	_ =	sdelay $0x1  }
0x2: {  	s1 =	srdreg.scid  }
0x3: {  	s0 =	sand.u32 $0x1, s1  }
0x4: {  	s19 =	sshll.u32 s0, $0xA;
	s2 =	sadd.s32 s3, s2  }
0x5: {  	s2 =	sadd.s32 s2, s19  }
0x6: {  	[smem:$0x3FC6] =	sst s2  }
0x7: {  	_ = 	snop  }
0x8: {  	s2 =	sld [smem:$0x3FC9]  }
0x9: {  	s20 =	sld [smem:$0x3FD0];
	(tm) =	ssettm $0x1  }
0xa: {  	s4 =	sld [smem:$0x3FFB];
	_ =	sdelay $0x3  }
0xb: {  	_ =	strace s4  }
0xc: {  	s4 =	sld [smem:$0x3FFC];
	_ =	sdelay $0x3  }
0xd: {  	_ =	strace s4  }
0xe: {  	s4 =	sld [smem:$0x3FFD];
	_ =	sdelay $0x3  }
0xf: {  	_ =	strace s4  }
0x10: {  	_ =	strace $0x8FFFFFFF  }
0x11: {  	s21 =	sld [smem:$0x3FDB];
	_ =	sdelay $0x1  }
0x12: {  	s5 =	simm.s32 $_scs_section_size  }
0x13: {  	s6 =	simm.s32 $_size__tile_overlayer_lowered;
	s7 =	simm.s32 $_tile_overlayer_lowered  }
0x14: {  	s24 =	simm.s32 $0x1BFF;
	s23 =	sshll.u32 s7, $0x1;
	s4 =	sadd.s32 s5, s21  }
0x15: {  	s8 =	simm.s32 $0x0;
	s22 =	sshll.u32 s6, $0x1;
	s6 =	sadd.s32 s23, s4  }
0x16: {  	[timem:s8], [sflag:s24] =	dma.local [hbm:s6], s22  }
0x17: {  	_ =	swait.ge [sflag:s24], s22  }
0x18: {  	s5 =	ssub.s32 $0x0, s22;
	[sflag:s24] =	ssyncset.done $0x0  }
0x19: {  	[sflag:s24] =	ssyncadd.s32 s5;
	_ =	sdelay $0x1  }
0x1a: {  	s25 =	simm.s32 $0x1B8B  }
0x1b: {  	_ =	swait.ge [sflag:s25], $0x1  }
0x1c: {  	[sflag:s25] =	ssyncset.done $0x0  }
0x1d: {  	s26 =	simm.s32 $0x1B8E;
	[sflag:s25] =	ssyncadd.s32 $0xFFFFFFFF  }
0x1e: {  	s27 =	simm.s32 $execute0_lowered;
	[smem:$0x3FD2] =	sst s26  }
0x1f: {  	s5 =	sshll.u32 s27, $0x1;
	_ =	strace $0x80000046;
	[dreg:$0x1] =	wrdreg $0xFFFFFFFF  }
0x20: {  	s28 =	simm.s32 $_size_execute0_lowered;
	s4 =	sadd.s32 s4, s5;
	[dreg:$0x0] =	wrdreg $0x0  }
0x21: {  	s5 =	sshll.u32 s28, $0x1;
	[dreg:$0x2] =	wrdreg s4  }
0x22: {  	[dreg:$0x3] =	wrdreg s5  }
0x23: {  	[dreg:$0x4] =	wrdreg $0xC0  }
0x24: {  	_ =	task [dreg:s8], $0x5FFFF  }
0x25: {  	[dreg:$0x1] =	wrdreg $0xFFFFFFFF  }
0x26: {  	[dreg:$0x0] =	wrdreg $0x60  }
0x27: {  	[dreg:$0x2] =	wrdreg s2  }
0x28: {  	[dreg:$0x3] =	wrdreg s20  }
0x29: {  	[dreg:$0x4] =	wrdreg $0x9  }
0x2a: {  	_ =	task.clear_ibuf [dreg:s8], $0x5FFFF;
	_ =	strace $0x90000046  }
0x2b: {  	s29 =	simm.s32 $0x9;
	_ =	strace $0x80000048  }
0x2c: {  	_ =	swait.ge [sflag:s29], $0x1  }
0x2d: {  	[sflag:s29] =	ssyncadd.s32 $0xFFFFFFFF  }
0x2e: {  	_ =	strace $0x90000048  }
0x2f: {  	_ =	sfence  }
0x30: {  	s30 =	sld [smem:$0x0];
	_ =	sdelay $0x2  }
0x31: {  	s31 =	sshll.u32 s1, $0xD;
	s1 =	sshrl.u32 s1, $0x2  }
0x32: {  	s3 =	sand.u32 $0x4000, s31;
	s1 =	sadd.s32 s1, s30  }
0x33: {  	s0 =	sor.u32 s3, s0;
	s1 =	sshll.u32 s1, $0x11  }
0x34: {  	s0 =	sor.u32 s1, s0  }
0x35: {  	s0 =	sadd.s32 $0x8F2B, s0  }
0x36: {  	[sflag:s0] =	ssyncadd.remote.s32 $0x1  }
0x37: {  	_ =	sfence.sel $0xFFFF  }
0x38: {  	[dreg:$0x0] =	wrdreg $0xFFFFFFFF;
	(pc) =	sbr.abs _section_cstart, $3  }
0x39: {  	[dreg:$0x1] =	wrdreg $0xFFFFFFFF  }
0x3a: {  	_ =	task.clear_ibuf [dreg:s8], $0x2FFFF;
	_ =	strace $0x9FFFFFFF  }
0x3b: {  	(tm) =	ssettm $0x7FFFFFFF  }
tec
execute0_lowered:
.L_overlay_start_1:
0x0: {  	(tag) =	ssettag $0x1  }
0x1: {  	s0 =	srdreg.scid  }
0x2: {  	s0 =	sshll.u32 s0, $0x5  }
0x3: {  	s6 =	rddreg [dreg:$0x0];
	s5 =	sand.u32 $0x20, s0  }
0x4: {  	_ =	strace $0x80000047;
	s30 =	simm.s32 $0x1;
	s0 =	ssub.s32 $0x200, s5  }
0x5: {  	s7 =	stileid.u32;
	s31 =	simm.s32 $0x2;
	s1 =	sshrl.u32 s0, $0x5  }
0x6: {  	s15 =	simm.s32 $0x0;
	s0 =	sshrl.u32 s0, $0x6;
	s1 =	sand.u32 $0x1, s1  }
.Ltmp0:
0x7: {  	s14 =	simm.s32 $0x0;
	s0 =	sadd.s32 s0, s1;
	(pc) =	sbr.rel .LBB1_1-.Ltmp0, $4  }
0x8: {  	s16 =	simm.s32 $0x0;
	s11 =	simm.s32 $0x0;
	s8 =	smul.u32 $0x3, s0  }
0x9: {  	s12 =	stileid.u32;
	s13 =	simm.s32 $0x0;
	[dreg:$0x3] =	wrdreg s5  }
0xa: {  	[sflag:s30] =	ssyncpa.u1 $0x0;
	s9 =	sadd.s32 $0x1, s8;
	[dreg:$0x4] =	wrdreg s8  }
0xb: {  	[sflag:s31] =	ssyncpa.u1 $0x0;
	s10 =	smov.u32 s5;
	[dreg:$0x5] =	wrdreg s9  }
.LBB1_4:
0xc: {  	_ =	sdelay $0x3  }
0xd: {  	[tilespmem:v0+s26+$0x0 ss:$0x1] =	vst.idx.msk $0xffff, v7  }
0xe: {  	s19 =	sor.u32 s1, s0;
	v30 =	vld.idx.msk [tilespmem:v1+s20+$0x0 ss:$0x1], $0xffff;
	[tilespmem:v0+s25+$0x0 ss:$0x1] =	vst.idx.msk $0xffff, v6  }
0xf: {  	[tilespmem:v0+s24+$0x0 ss:$0x1] =	vst.idx.msk $0xffff, v4;
	v31 =	vld.idx.msk [tilespmem:v1+s18+$0x0 ss:$0x1], $0xffff;
	s25 =	sor.u32 $0x410, s19  }
0x10: {  	[tilespmem:v0+s22+$0x0 ss:$0x1] =	vst.idx.msk $0xffff, v3;
	s31 =	sor.u32 $0x420, s19;
	v32 =	vld.idx.msk [tilespmem:v1+s25+$0x0 ss:$0x1], $0xffff  }
0x11: {  	[tilespmem:v0+s23+$0x0 ss:$0x1] =	vst.idx.msk $0xffff, v2;
	s6 =	sor.u32 $0x430, s19;
	v44 =	vld.idx.msk [tilespmem:v1+s31+$0x0 ss:$0x1], $0xffff  }
0x12: {  	[tilespmem:v0+s21+$0x0 ss:$0x1] =	vst.idx.msk $0xffff, v5;
	s7 =	sor.u32 $0x440, s19;
	v45 =	vld.idx.msk [tilespmem:v1+s6+$0x0 ss:$0x1], $0xffff  }
0x13: {  	s8 =	sor.u32 $0x450, s19;
	v46 =	vld.idx.msk [tilespmem:v1+s7+$0x0 ss:$0x1], $0xffff;
	[tilespmem:v0+s20+$0x0 ss:$0x1] =	vst.idx.msk $0xffff, v30  }
0x14: {  	s9 =	sor.u32 $0x460, s19;
	v47 =	vld.idx.msk [tilespmem:v1+s8+$0x0 ss:$0x1], $0xffff;
	[tilespmem:v0+s18+$0x0 ss:$0x1] =	vst.idx.msk $0xffff, v31  }
0x15: {  	s10 =	sor.u32 $0x470, s19;
	v48 =	vld.idx.msk [tilespmem:v1+s9+$0x0 ss:$0x1], $0xffff;
	[tilespmem:v0+s25+$0x0 ss:$0x1] =	vst.idx.msk $0xffff, v32  }
0x16: {  	s11 =	sor.u32 $0x810, s19;
	v49 =	vld.idx.msk [tilespmem:v1+s10+$0x0 ss:$0x1], $0xffff;
	[tilespmem:v0+s31+$0x0 ss:$0x1] =	vst.idx.msk $0xffff, v44  }
0x17: {  	s12 =	sor.u32 $0x820, s19;
	v50 =	vld.idx.msk [tilespmem:v1+s11+$0x0 ss:$0x1], $0xffff;
	[tilespmem:v0+s6+$0x0 ss:$0x1] =	vst.idx.msk $0xffff, v45  }
0x18: {  	s13 =	sor.u32 $0x830, s19;
	v51 =	vld.idx.msk [tilespmem:v1+s12+$0x0 ss:$0x1], $0xffff;
	[tilespmem:v0+s7+$0x0 ss:$0x1] =	vst.idx.msk $0xffff, v46  }
0x19: {  	s14 =	sor.u32 $0x840, s19;
	v52 =	vld.idx.msk [tilespmem:v1+s13+$0x0 ss:$0x1], $0xffff;
	[tilespmem:v0+s8+$0x0 ss:$0x1] =	vst.idx.msk $0xffff, v47  }
0x1a: {  	s15 =	sor.u32 $0x850, s19;
	v53 =	vld.idx.msk [tilespmem:v1+s14+$0x0 ss:$0x1], $0xffff;
	[tilespmem:v0+s9+$0x0 ss:$0x1] =	vst.idx.msk $0xffff, v48  }
0x1b: {  	s16 =	sor.u32 $0x860, s19;
	v54 =	vld.idx.msk [tilespmem:v1+s15+$0x0 ss:$0x1], $0xffff;
	[tilespmem:v0+s10+$0x0 ss:$0x1] =	vst.idx.msk $0xffff, v49  }
0x1c: {  	s17 =	sand.u32 $0x180, s17;
	s1 =	sand.u32 $0x3200, s19;
	s21 =	sor.u32 $0xC30, s19;
	v55 =	vld.idx.msk [tilespmem:v1+s16+$0x0 ss:$0x1], $0xffff;
	[tilespmem:v0+s11+$0x0 ss:$0x1] =	vst.idx.msk $0xffff, v50  }
0x1d: {  	s0 =	sor.u32 s17, s1;
	v59 =	vld.idx.msk [tilespmem:v1+s21+$0x0 ss:$0x1], $0xffff;
	[tilespmem:v0+s12+$0x0 ss:$0x1] =	vst.idx.msk $0xffff, v51  }
0x1e: {  	s17 =	sor.u32 $0x870, s19;
	v37 =	vld.idx.msk [tilespmem:v1+s0+$0x0 ss:$0x1], $0xffff;
	[tilespmem:v0+s13+$0x0 ss:$0x1] =	vst.idx.msk $0xffff, v52  }
0x1f: {  	s2 =	sor.u32 $0xC00, s0;
	v56 =	vld.idx.msk [tilespmem:v1+s17+$0x0 ss:$0x1], $0xffff;
	[tilespmem:v0+s14+$0x0 ss:$0x1] =	vst.idx.msk $0xffff, v53  }
0x20: {  	s3 =	sor.u32 $0x10, s0;
	v33 =	vld.idx.msk [tilespmem:v1+s2+$0x0 ss:$0x1], $0xffff;
	[tilespmem:v0+s15+$0x0 ss:$0x1] =	vst.idx.msk $0xffff, v54  }
0x21: {  	s4 =	sor.u32 $0x20, s0;
	v34 =	vld.idx.msk [tilespmem:v1+s3+$0x0 ss:$0x1], $0xffff;
	[tilespmem:v0+s16+$0x0 ss:$0x1] =	vst.idx.msk $0xffff, v55  }
0x22: {  	s5 =	sor.u32 $0x30, s0;
	v35 =	vld.idx.msk [tilespmem:v1+s4+$0x0 ss:$0x1], $0xffff;
	[tilespmem:v0+s21+$0x0 ss:$0x1] =	vst.idx.msk $0xffff, v59  }
0x23: {  	s26 =	sor.u32 $0x40, s0;
	v36 =	vld.idx.msk [tilespmem:v1+s5+$0x0 ss:$0x1], $0xffff;
	[tilespmem:v0+s0+$0x0 ss:$0x1] =	vst.idx.msk $0xffff, v37  }
0x24: {  	s27 =	sor.u32 $0x50, s0;
	v38 =	vld.idx.msk [tilespmem:v1+s26+$0x0 ss:$0x1], $0xffff;
	[tilespmem:v0+s17+$0x0 ss:$0x1] =	vst.idx.msk $0xffff, v56  }
0x25: {  	s28 =	sor.u32 $0x60, s0;
	v39 =	vld.idx.msk [tilespmem:v1+s27+$0x0 ss:$0x1], $0xffff;
	[tilespmem:v0+s2+$0x0 ss:$0x1] =	vst.idx.msk $0xffff, v33  }
0x26: {  	s29 =	sor.u32 $0x70, s0;
	v40 =	vld.idx.msk [tilespmem:v1+s28+$0x0 ss:$0x1], $0xffff;
	[tilespmem:v0+s3+$0x0 ss:$0x1] =	vst.idx.msk $0xffff, v34  }
0x27: {  	s30 =	sor.u32 $0x400, s0;
	v41 =	vld.idx.msk [tilespmem:v1+s29+$0x0 ss:$0x1], $0xffff;
	[tilespmem:v0+s4+$0x0 ss:$0x1] =	vst.idx.msk $0xffff, v35  }
0x28: {  	v42 =	vld.idx.msk [tilespmem:v1+s30+$0x0 ss:$0x1], $0xffff;
	s18 =	sor.u32 $0xC10, s19;
	[tilespmem:v0+s5+$0x0 ss:$0x1] =	vst.idx.msk $0xffff, v36  }
0x29: {  	s20 =	sor.u32 $0xC20, s19;
	v57 =	vld.idx.msk [tilespmem:v1+s18+$0x0 ss:$0x1], $0xffff;
	[tilespmem:v0+s26+$0x0 ss:$0x1] =	vst.idx.msk $0xffff, v38  }
0x2a: {  	v58 =	vld.idx.msk [tilespmem:v1+s20+$0x0 ss:$0x1], $0xffff;
	s0 =	sor.u32 $0x800, s0;
	[tilespmem:v0+s27+$0x0 ss:$0x1] =	vst.idx.msk $0xffff, v39  }
0x2b: {  	s22 =	sor.u32 $0xC40, s19;
	v43 =	vld.idx.msk [tilespmem:v1+s0+$0x0 ss:$0x1], $0xffff;
	[tilespmem:v0+s28+$0x0 ss:$0x1] =	vst.idx.msk $0xffff, v40  }
0x2c: {  	s23 =	sor.u32 $0xC50, s19;
	v60 =	vld.idx.msk [tilespmem:v1+s22+$0x0 ss:$0x1], $0xffff;
	[tilespmem:v0+s29+$0x0 ss:$0x1] =	vst.idx.msk $0xffff, v41  }
0x2d: {  	s24 =	sor.u32 $0xC60, s19;
	v61 =	vld.idx.msk [tilespmem:v1+s23+$0x0 ss:$0x1], $0xffff;
	[tilespmem:v0+s30+$0x0 ss:$0x1] =	vst.idx.msk $0xffff, v42  }
0x2e: {  	v62 =	vld.idx.msk [tilespmem:v1+s24+$0x0 ss:$0x1], $0xffff;
	s25 =	sor.u32 $0xC70, s19;
	[tilespmem:v0+s18+$0x0 ss:$0x1] =	vst.idx.msk $0xffff, v57  }
0x2f: {  	v63 =	vld.idx.msk [tilespmem:v1+s25+$0x0 ss:$0x1], $0xffff;
	[tilespmem:v0+s20+$0x0 ss:$0x1] =	vst.idx.msk $0xffff, v58  }
0x30: {  	s6 =	rddreg [dreg:$0x0];
	[tilespmem:v0+s0+$0x0 ss:$0x1] =	vst.idx.msk $0xffff, v43  }
0x31: {  	s4 =	rddreg [dreg:$0xb];
	[tilespmem:v0+s22+$0x0 ss:$0x1] =	vst.idx.msk $0xffff, v60  }
0x32: {  	s5 =	rddreg [dreg:$0xc];
	[tilespmem:v0+s23+$0x0 ss:$0x1] =	vst.idx.msk $0xffff, v61  }
0x33: {  	s26 =	sshll.u32 s4, $0x9;
	s28 =	rddreg [dreg:$0xa];
	[tilespmem:v0+s24+$0x0 ss:$0x1] =	vst.idx.msk $0xffff, v62  }
0x34: {  	s29 =	rddreg [dreg:$0x1];
	s4 =	sshll.u32 s4, $0x7;
	s3 =	sand.u32 $0x3F000, s26;
	[tilespmem:v0+s25+$0x0 ss:$0x1] =	vst.idx.msk $0xffff, v63  }
0x35: {  	s5 =	sshll.u32 s5, $0xF;
	s4 =	sand.u32 $0x380, s4;
	s2 =	rddreg [dreg:$0xd]  }
0x36: {  	s27 =	sor.u32 s4, s3;
	s4 =	sadd.s32 s29, s5;
	s5 =	rddreg [dreg:$0x3]  }
0x37: {  	s8 =	rddreg [dreg:$0x4]  }
0x38: {  	s9 =	rddreg [dreg:$0x5]  }
0x39: {  	s10 =	rddreg [dreg:$0x6]  }
0x3a: {  	s31 =	simm.s32 $0x0;
	s3 =	sshll.u32 s28, $0x13;
	s11 =	rddreg [dreg:$0x7]  }
0x3b: {  	s12 =	rddreg [dreg:$0x8];
	s30 =	sadd.s32 s3, s4;
	s0 =	sshrl.u32 s27, $0x3  }
0x3c: {  	s7 =	stileid.u32;
	s13 =	rddreg [dreg:$0x9];
	s0 =	sadd.s32 s0, s30  }
0x3d: {  	[hbm4b:s0+s31] =	stream.linear.scatter [tilespmem:s2], [sflag:$0x2], $0x4000, $0x38;
	[tilespmem:$0x10000] =	vst v63  }
.LBB1_5:
0x3e: {  	s0 =	sadd.s32 $0x40, s10  }
0x3f: {  	s1 =	simm.s32 $0x1;
	p1 =	sgt.s32 s0, $0x1FF  }
0x40: {  	s1 =	simm.s32 @!p1 $0x0  }
0x41: {  	s1 =	sadd.s32 s1, s11  }
0x42: {  	s3 =	sadd.s32 $0x10, s12;
	s4 =	smov.u32 s12;
	p2 =	sgt.s32 s1, $0x2  }
0x43: {  	s4 =	smov.u32 @p2 s3  }
0x44: {  	s0 =	smov.u32 @p1 s5;
	p1 =	sgt.s32 s4, $0xF  }
0x45: {  	p0 =	slt.u32 s13, $0x2;
	s4 =	smov.u32 @p1 s7;
	p1 =	sne.s32 s13, s9  }
.Ltmp1:
0x46: {  	s2 =	simm.s32 @!p0 $0x2;
	(pc) =	sbr.rel @!p1 .LBB1_6-.Ltmp1, $4  }
0x47: {  	s15 =	smov.u32 s10;
	_ =	swait.ge @!p0 [sflag:s2], $0x4000  }
0x48: {  	s14 =	smov.u32 s11;
	s16 =	smov.u32 s12;
	[sflag:s2] =	ssyncset.done @!p0 $0x0  }
0x49: {  	s10 =	smov.u32 s0;
	[sflag:s2] =	ssyncadd.s32 @!p0 $0xFFFFC000;
	s1 =	simm.s32 @p2 $0x0  }
0x4a: {  	s11 =	smov.u32 s1;
	s13 =	sadd.s32 $0x1, s13;
	s12 =	smov.u32 s4  }
.LBB1_1:
0x4b: {  	p0 =	sge.u32 s13, s8;
	s31 =	sadd.s32 $0xFFFFFFFF, s13  }
0x4c: {  	s0 =	sshll.u32 @!p0 s10, $0x9;
	s1 =	sshll.u32 @!p0 s10, $0x7;
	s2 =	smul.u32 @!p0 $0x18000, s12  }
0x4d: {  	s3 =	sxor.u32 @!p0 $0xFFFFFFFF, s13;
	s0 =	sand.u32 @!p0 $0x3F000, s0;
	s1 =	sand.u32 @!p0 $0x380, s1  }
0x4e: {  	s4 =	sshll.u32 @!p0 s11, $0xF;
	s0 =	sor.u32 @!p0 s1, s0;
	s1 =	sadd.s32 @!p0 s6, s2  }
0x4f: {  	s2 =	sshll.u32 @!p0 s3, $0xE;
	s0 =	sshrl.u32 @!p0 s0, $0x3;
	s1 =	sadd.s32 @!p0 s4, s1  }
0x50: {  	s2 =	sand.u32 @!p0 $0x4000, s2;
	s0 =	sadd.s32 @!p0 s0, s1;
	s1 =	simm.s32 @!p0 $0x0  }
0x51: {  	[tilespmem:s2], [sflag:$0x1] =	stream.linear.gather @!p0 [hbm4b:s0+s1], $0x4000, $0x38;
	[tilespmem:$0x10000] =	vst v63  }
0x52: {  	p0 =	sge.u32 s31, s8  }
.Ltmp2:
0x53: {  	_ = 	snop;
	(pc) =	sbr.rel @p0 .LBB1_5-.Ltmp2, $1  }
0x54: {  	_ =	sdelay $0x3  }
0x55: {  	[dreg:$0xc] =	wrdreg s16  }
0x56: {  	[dreg:$0xb] =	wrdreg s15  }
0x57: {  	[dreg:$0xa] =	wrdreg s14  }
0x58: {  	[dreg:$0x8] =	wrdreg s12  }
0x59: {  	[dreg:$0x7] =	wrdreg s11;
	s0 =	sshll.u32 s13, $0xE  }
0x5a: {  	[dreg:$0x6] =	wrdreg s10;
	s0 =	sand.u32 $0x4000, s0  }
0x5b: {  	[dreg:$0x9] =	wrdreg s13;
	s4 =	simm.s32 $0x1;
	v1 =	vmov s0  }
0x5c: {  	s1 =	simm.s32 $0x0;
	_ =	swait.ge [sflag:s4], $0x4000  }
0x5d: {  	s2 =	sand.u32 $0x3000, s1;
	s3 =	sand.u32 $0x380, s1;
	s1 =	sand.u32 $0x180, s1  }
0x5e: {  	[sflag:s4] =	ssyncset.done $0x0;
	s17 =	sor.u32 s3, s2;
	s9 =	sor.u32 $0x8000, s0  }
0x5f: {  	[sflag:s4] =	ssyncadd.s32 $0xFFFFC000;
	s2 =	sand.u32 $0x3200, s17;
	s3 =	sor.u32 $0x410, s17  }
0x60: {  	s10 =	sor.u32 s1, s2;
	v2 =	vld.idx.msk [tilespmem:v1+s3+$0x0 ss:$0x1], $0xffff;
	[dreg:$0xd] =	wrdreg s9  }
0x61: {  	v0 =	vmov s9;
	s1 =	sor.u32 $0xC00, s10;
	v3 =	vld.idx.msk [tilespmem:v1+s10+$0x0 ss:$0x1], $0xffff  }
0x62: {  	s2 =	sor.u32 $0x10, s10;
	v4 =	vld.idx.msk [tilespmem:v1+s1+$0x0 ss:$0x1], $0xffff  }
0x63: {  	s11 =	sor.u32 $0x20, s10;
	v5 =	vld.idx.msk [tilespmem:v1+s2+$0x0 ss:$0x1], $0xffff  }
0x64: {  	s5 =	sor.u32 $0x30, s10;
	v6 =	vld.idx.msk [tilespmem:v1+s11+$0x0 ss:$0x1], $0xffff  }
0x65: {  	s7 =	sor.u32 $0x40, s10;
	v7 =	vld.idx.msk [tilespmem:v1+s5+$0x0 ss:$0x1], $0xffff  }
0x66: {  	s28 =	sor.u32 $0x840, s17;
	v8 =	vld.idx.msk [tilespmem:v1+s7+$0x0 ss:$0x1], $0xffff;
	[tilespmem:v0+s3+$0x0 ss:$0x1] =	vst.idx.msk $0xffff, v2  }
0x67: {  	s8 =	sor.u32 $0x50, s10;
	v9 =	vld.idx.msk [tilespmem:v1+s28+$0x0 ss:$0x1], $0xffff;
	[tilespmem:v0+s10+$0x0 ss:$0x1] =	vst.idx.msk $0xffff, v3  }
0x68: {  	s12 =	sor.u32 $0x60, s10;
	v2 =	vld.idx.msk [tilespmem:v1+s8+$0x0 ss:$0x1], $0xffff;
	[tilespmem:v0+s1+$0x0 ss:$0x1] =	vst.idx.msk $0xffff, v4  }
0x69: {  	s18 =	sor.u32 $0x70, s10;
	v3 =	vld.idx.msk [tilespmem:v1+s12+$0x0 ss:$0x1], $0xffff;
	[tilespmem:v0+s2+$0x0 ss:$0x1] =	vst.idx.msk $0xffff, v5  }
0x6a: {  	s13 =	sor.u32 $0x400, s10;
	v4 =	vld.idx.msk [tilespmem:v1+s18+$0x0 ss:$0x1], $0xffff;
	[tilespmem:v0+s11+$0x0 ss:$0x1] =	vst.idx.msk $0xffff, v6  }
0x6b: {  	s0 =	sor.u32 $0x800, s10;
	v5 =	vld.idx.msk [tilespmem:v1+s13+$0x0 ss:$0x1], $0xffff;
	[tilespmem:v0+s5+$0x0 ss:$0x1] =	vst.idx.msk $0xffff, v7  }
0x6c: {  	s14 =	sor.u32 $0x420, s17;
	v6 =	vld.idx.msk [tilespmem:v1+s0+$0x0 ss:$0x1], $0xffff;
	[tilespmem:v0+s7+$0x0 ss:$0x1] =	vst.idx.msk $0xffff, v8  }
0x6d: {  	s21 =	sor.u32 $0x470, s17;
	v7 =	vld.idx.msk [tilespmem:v1+s14+$0x0 ss:$0x1], $0xffff;
	[tilespmem:v0+s28+$0x0 ss:$0x1] =	vst.idx.msk $0xffff, v9  }
0x6e: {  	s15 =	sor.u32 $0x430, s17;
	v8 =	vld.idx.msk [tilespmem:v1+s21+$0x0 ss:$0x1], $0xffff;
	[tilespmem:v0+s8+$0x0 ss:$0x1] =	vst.idx.msk $0xffff, v2  }
0x6f: {  	s16 =	sor.u32 $0x440, s17;
	v2 =	vld.idx.msk [tilespmem:v1+s15+$0x0 ss:$0x1], $0xffff;
	[tilespmem:v0+s12+$0x0 ss:$0x1] =	vst.idx.msk $0xffff, v3  }
0x70: {  	s19 =	sor.u32 $0x450, s17;
	v3 =	vld.idx.msk [tilespmem:v1+s16+$0x0 ss:$0x1], $0xffff;
	[tilespmem:v0+s18+$0x0 ss:$0x1] =	vst.idx.msk $0xffff, v4  }
0x71: {  	s20 =	sor.u32 $0x460, s17;
	v4 =	vld.idx.msk [tilespmem:v1+s19+$0x0 ss:$0x1], $0xffff;
	[tilespmem:v0+s13+$0x0 ss:$0x1] =	vst.idx.msk $0xffff, v5  }
0x72: {  	s22 =	sor.u32 $0x810, s17;
	v5 =	vld.idx.msk [tilespmem:v1+s20+$0x0 ss:$0x1], $0xffff;
	[tilespmem:v0+s0+$0x0 ss:$0x1] =	vst.idx.msk $0xffff, v6  }
0x73: {  	s30 =	sor.u32 $0x860, s17;
	[tilespmem:v0+s14+$0x0 ss:$0x1] =	vst.idx.msk $0xffff, v7;
	v6 =	vld.idx.msk [tilespmem:v1+s22+$0x0 ss:$0x1], $0xffff  }
0x74: {  	s23 =	sor.u32 $0x820, s17;
	[tilespmem:v0+s21+$0x0 ss:$0x1] =	vst.idx.msk $0xffff, v8;
	v8 =	vld.idx.msk [tilespmem:v1+s30+$0x0 ss:$0x1], $0xffff  }
0x75: {  	s27 =	sor.u32 $0x830, s17;
	[tilespmem:v0+s15+$0x0 ss:$0x1] =	vst.idx.msk $0xffff, v2;
	v2 =	vld.idx.msk [tilespmem:v1+s23+$0x0 ss:$0x1], $0xffff  }
0x76: {  	s26 =	sor.u32 $0x870, s17;
	[tilespmem:v0+s16+$0x0 ss:$0x1] =	vst.idx.msk $0xffff, v3;
	v3 =	vld.idx.msk [tilespmem:v1+s27+$0x0 ss:$0x1], $0xffff  }
0x77: {  	s29 =	sor.u32 $0x850, s17;
	v7 =	vld.idx.msk [tilespmem:v1+s26+$0x0 ss:$0x1], $0xffff;
	[tilespmem:v0+s19+$0x0 ss:$0x1] =	vst.idx.msk $0xffff, v4  }
0x78: {  	s25 =	sor.u32 $0xC10, s17;
	[tilespmem:v0+s20+$0x0 ss:$0x1] =	vst.idx.msk $0xffff, v5;
	v5 =	vld.idx.msk [tilespmem:v1+s29+$0x0 ss:$0x1], $0xffff  }
0x79: {  	s24 =	sor.u32 $0xC20, s17;
	[tilespmem:v0+s22+$0x0 ss:$0x1] =	vst.idx.msk $0xffff, v6;
	v6 =	vld.idx.msk [tilespmem:v1+s25+$0x0 ss:$0x1], $0xffff  }
0x7a: {  	s22 =	sor.u32 $0xC30, s17;
	v4 =	vld.idx.msk [tilespmem:v1+s24+$0x0 ss:$0x1], $0xffff;
	[tilespmem:v0+s23+$0x0 ss:$0x1] =	vst.idx.msk $0xffff, v2  }
0x7b: {  	s31 =	simm.s32 $0x200;
	s21 =	sor.u32 $0xC50, s17;
	s23 =	sor.u32 $0xC40, s17;
	[tilespmem:v0+s27+$0x0 ss:$0x1] =	vst.idx.msk $0xffff, v3;
	v3 =	vld.idx.msk [tilespmem:v1+s22+$0x0 ss:$0x1], $0xffff  }
0x7c: {  	s18 =	sor.u32 $0xC70, s17;
	s20 =	sor.u32 $0xC60, s17;
	[tilespmem:v0+s30+$0x0 ss:$0x1] =	vst.idx.msk $0xffff, v8;
	s17 =	simm.s32 $0x80;
	v2 =	vld.idx.msk [tilespmem:v1+s23+$0x0 ss:$0x1], $0xffff  }
0x7d: {  	s0 =	sand.u32 $0x3000, s31;
	s19 =	simm.s32 $0x400;
	[tilespmem:v0+s29+$0x0 ss:$0x1] =	vst.idx.msk $0xffff, v5;
	s1 =	sand.u32 $0x380, s17;
	v5 =	vld.idx.msk [tilespmem:v1+s21+$0x0 ss:$0x1], $0xffff  }
.LBB1_3:
0x7e: {  	p0 =	sne.s32 s19, $0x3E00;
	s30 =	sor.u32 s1, s0;
	[tilespmem:v0+s26+$0x0 ss:$0x1] =	vst.idx.msk $0xffff, v7;
	v7 =	vld.idx.msk [tilespmem:v1+s20+$0x0 ss:$0x1], $0xffff  }
0x7f: {  	s0 =	sand.u32 $0x180, s17;
	s1 =	sand.u32 $0x3200, s30;
	s5 =	sor.u32 $0x410, s30;
	[tilespmem:v0+s25+$0x0 ss:$0x1] =	vst.idx.msk $0xffff, v6;
	v6 =	vld.idx.msk [tilespmem:v1+s18+$0x0 ss:$0x1], $0xffff  }
0x80: {  	s28 =	sor.u32 $0x420, s30;
	s27 =	sor.u32 $0x430, s30;
	s0 =	sor.u32 s0, s1;
	v8 =	vld.idx.msk [tilespmem:v1+s5+$0x0 ss:$0x1], $0xffff;
	[tilespmem:v0+s24+$0x0 ss:$0x1] =	vst.idx.msk $0xffff, v4  }
0x81: {  	v4 =	vld.idx.msk [tilespmem:v1+s0+$0x0 ss:$0x1], $0xffff;
	s16 =	sor.u32 $0x10, s0;
	s6 =	sor.u32 $0x20, s0;
	s24 =	sor.u32 $0xC00, s0;
	[tilespmem:v0+s22+$0x0 ss:$0x1] =	vst.idx.msk $0xffff, v3  }
0x82: {  	s13 =	sor.u32 $0x30, s0;
	s15 =	sor.u32 $0x40, s0;
	s14 =	sor.u32 $0x50, s0;
	v3 =	vld.idx.msk [tilespmem:v1+s24+$0x0 ss:$0x1], $0xffff;
	[tilespmem:v0+s23+$0x0 ss:$0x1] =	vst.idx.msk $0xffff, v2  }
0x83: {  	s10 =	sor.u32 $0x60, s0;
	s9 =	sor.u32 $0x70, s0;
	s11 =	sor.u32 $0x400, s0;
	v2 =	vld.idx.msk [tilespmem:v1+s16+$0x0 ss:$0x1], $0xffff;
	[tilespmem:v0+s21+$0x0 ss:$0x1] =	vst.idx.msk $0xffff, v5  }
0x84: {  	s7 =	sor.u32 $0x440, s30;
	s2 =	sor.u32 $0x450, s30;
	s12 =	sor.u32 $0x800, s0;
	v5 =	vld.idx.msk [tilespmem:v1+s6+$0x0 ss:$0x1], $0xffff;
	[tilespmem:v0+s20+$0x0 ss:$0x1] =	vst.idx.msk $0xffff, v7  }
0x85: {  	s3 =	sor.u32 $0x470, s30;
	s4 =	sor.u32 $0x810, s30;
	s1 =	sor.u32 $0x460, s30;
	v7 =	vld.idx.msk [tilespmem:v1+s13+$0x0 ss:$0x1], $0xffff;
	[tilespmem:v0+s18+$0x0 ss:$0x1] =	vst.idx.msk $0xffff, v6  }
0x86: {  	s8 =	sor.u32 $0x830, s30;
	s31 =	sor.u32 $0x840, s30;
	v6 =	vld.idx.msk [tilespmem:v1+s15+$0x0 ss:$0x1], $0xffff;
	[tilespmem:v0+s5+$0x0 ss:$0x1] =	vst.idx.msk $0xffff, v8;
	s5 =	sor.u32 $0x820, s30  }
0x87: {  	s29 =	sor.u32 $0x860, s30;
	s26 =	sor.u32 $0x870, s30;
	[tilespmem:v0+s0+$0x0 ss:$0x1] =	vst.idx.msk $0xffff, v4;
	v4 =	vld.idx.msk [tilespmem:v1+s14+$0x0 ss:$0x1], $0xffff;
	s0 =	sor.u32 $0x850, s30  }
0x88: {  	s25 =	sor.u32 $0xC10, s30;
	s22 =	sor.u32 $0xC30, s30;
	v8 =	vld.idx.msk [tilespmem:v1+s10+$0x0 ss:$0x1], $0xffff;
	[tilespmem:v0+s24+$0x0 ss:$0x1] =	vst.idx.msk $0xffff, v3;
	s24 =	sor.u32 $0xC20, s30  }
0x89: {  	s23 =	sor.u32 $0xC40, s30;
	s21 =	sor.u32 $0xC50, s30;
	s20 =	sor.u32 $0xC60, s30;
	[tilespmem:v0+s16+$0x0 ss:$0x1] =	vst.idx.msk $0xffff, v2;
	v2 =	vld.idx.msk [tilespmem:v1+s9+$0x0 ss:$0x1], $0xffff  }
0x8a: {  	s18 =	sor.u32 $0xC70, s30;
	[tilespmem:v0+s6+$0x0 ss:$0x1] =	vst.idx.msk $0xffff, v5;
	v3 =	vld.idx.msk [tilespmem:v1+s11+$0x0 ss:$0x1], $0xffff  }
0x8b: {  	[tilespmem:v0+s13+$0x0 ss:$0x1] =	vst.idx.msk $0xffff, v7;
	v5 =	vld.idx.msk [tilespmem:v1+s12+$0x0 ss:$0x1], $0xffff  }
0x8c: {  	[tilespmem:v0+s15+$0x0 ss:$0x1] =	vst.idx.msk $0xffff, v6;
	v6 =	vld.idx.msk [tilespmem:v1+s28+$0x0 ss:$0x1], $0xffff  }
0x8d: {  	[tilespmem:v0+s14+$0x0 ss:$0x1] =	vst.idx.msk $0xffff, v4;
	v4 =	vld.idx.msk [tilespmem:v1+s27+$0x0 ss:$0x1], $0xffff  }
0x8e: {  	[tilespmem:v0+s10+$0x0 ss:$0x1] =	vst.idx.msk $0xffff, v8;
	v7 =	vld.idx.msk [tilespmem:v1+s7+$0x0 ss:$0x1], $0xffff  }
0x8f: {  	[tilespmem:v0+s9+$0x0 ss:$0x1] =	vst.idx.msk $0xffff, v2;
	v2 =	vld.idx.msk [tilespmem:v1+s2+$0x0 ss:$0x1], $0xffff  }
0x90: {  	[tilespmem:v0+s11+$0x0 ss:$0x1] =	vst.idx.msk $0xffff, v3;
	v3 =	vld.idx.msk [tilespmem:v1+s1+$0x0 ss:$0x1], $0xffff  }
0x91: {  	v8 =	vld.idx.msk [tilespmem:v1+s3+$0x0 ss:$0x1], $0xffff;
	[tilespmem:v0+s12+$0x0 ss:$0x1] =	vst.idx.msk $0xffff, v5  }
0x92: {  	[tilespmem:v0+s28+$0x0 ss:$0x1] =	vst.idx.msk $0xffff, v6;
	v5 =	vld.idx.msk [tilespmem:v1+s4+$0x0 ss:$0x1], $0xffff  }
0x93: {  	[tilespmem:v0+s27+$0x0 ss:$0x1] =	vst.idx.msk $0xffff, v4;
	v4 =	vld.idx.msk [tilespmem:v1+s5+$0x0 ss:$0x1], $0xffff  }
0x94: {  	[tilespmem:v0+s7+$0x0 ss:$0x1] =	vst.idx.msk $0xffff, v7;
	v9 =	vld.idx.msk [tilespmem:v1+s8+$0x0 ss:$0x1], $0xffff  }
0x95: {  	[tilespmem:v0+s2+$0x0 ss:$0x1] =	vst.idx.msk $0xffff, v2;
	v2 =	vld.idx.msk [tilespmem:v1+s31+$0x0 ss:$0x1], $0xffff  }
0x96: {  	[tilespmem:v0+s1+$0x0 ss:$0x1] =	vst.idx.msk $0xffff, v3;
	v10 =	vld.idx.msk [tilespmem:v1+s0+$0x0 ss:$0x1], $0xffff  }
0x97: {  	[tilespmem:v0+s3+$0x0 ss:$0x1] =	vst.idx.msk $0xffff, v8;
	v8 =	vld.idx.msk [tilespmem:v1+s29+$0x0 ss:$0x1], $0xffff  }
0x98: {  	[tilespmem:v0+s4+$0x0 ss:$0x1] =	vst.idx.msk $0xffff, v5;
	v7 =	vld.idx.msk [tilespmem:v1+s26+$0x0 ss:$0x1], $0xffff  }
.Ltmp3:
0x99: {  	[tilespmem:v0+s5+$0x0 ss:$0x1] =	vst.idx.msk $0xffff, v4;
	v6 =	vld.idx.msk [tilespmem:v1+s25+$0x0 ss:$0x1], $0xffff;
	(pc) =	sbr.rel @p0 .LBB1_3-.Ltmp3, $4  }
0x9a: {  	[tilespmem:v0+s8+$0x0 ss:$0x1] =	vst.idx.msk $0xffff, v9;
	v4 =	vld.idx.msk [tilespmem:v1+s24+$0x0 ss:$0x1], $0xffff  }
0x9b: {  	[tilespmem:v0+s31+$0x0 ss:$0x1] =	vst.idx.msk $0xffff, v2;
	v3 =	vld.idx.msk [tilespmem:v1+s22+$0x0 ss:$0x1], $0xffff  }
0x9c: {  	s17 =	sadd.s32 $0x80, s17;
	[tilespmem:v0+s0+$0x0 ss:$0x1] =	vst.idx.msk $0xffff, v10;
	v2 =	vld.idx.msk [tilespmem:v1+s23+$0x0 ss:$0x1], $0xffff  }
0x9d: {  	s1 =	sand.u32 $0x380, s17;
	s0 =	sand.u32 $0x3000, s19;
	s19 =	sadd.s32 $0x200, s19;
	[tilespmem:v0+s29+$0x0 ss:$0x1] =	vst.idx.msk $0xffff, v8;
	v5 =	vld.idx.msk [tilespmem:v1+s21+$0x0 ss:$0x1], $0xffff  }
.Ltmp4:
0x9e: {  	_ = 	snop;
	(pc) =	sbr.rel .LBB1_4-.Ltmp4, $1  }
0x9f: {  	_ =	sdelay $0x3  }
.LBB1_6:
0xa0: {  	_ =	sfence.sel $0x180000  }
0xa1: {  	s0 =	simm.s32 $0x1;
	[bflag:$0x0] =	sbarrier.arrive $0xFFFF  }
0xa2: {  	s31 =	simm.s32 $0x2;
	[sflag:s0] =	ssyncpa.u1 $0x1  }
0xa3: {  	[sflag:s31] =	ssyncpa.u1 $0x1  }
0xa4: {  	_ =	strace $0x90000047  }
0xa5: {  	[bflag:$0x2] =	sbarrier.arrive $0xFFFF  }
0xa6: {  	p0 =	sne.s32 s7, $0x0;
	s0 =	rddreg [dreg:$0x2]  }
0xa7: {  	s0 =	sadd.s32 @!p0 $0x100000, s0  }
0xa8: {  	[sflag:s0] =	ssyncadd.tile.s32 @!p0 $0x1;
	_ =	shalt  }
.Lfunc_end1:
_tile_overlayer_lowered:
.L_overlay_start_2:
0xa9: {  	(tag) =	ssettag $0x2  }
0xaa: {  	s0 =	rddreg [dreg:$0x0];
	s2 =	stileid.u32  }
0xab: {  	s1 =	rddreg [dreg:$0x1];
	p0 =	sne.s32 s2, $0x0  }
0xac: {  	s3 =	rddreg [dreg:$0x2];
	[bflag:$0x3] =	sbarrier.arrive $0xFFFF;
	s2 =	simm.s32 @!p0 $0x1C01  }
0xad: {  	[timem:s3], [sflag:s2] =	dma.local @!p0 [hbm:s0], s1  }
0xae: {  	s0 =	simm.s32 @!p0 $0x1  }
0xaf: {  	_ =	swait.ge @!p0 [sflag:s0], s1  }
0xb0: {  	s1 =	ssub.s32 @!p0 $0x0, s1;
	[sflag:s0] =	ssyncset.done @!p0 $0x0  }
0xb1: {  	[sflag:s0] =	ssyncadd.s32 @!p0 s1  }
0xb2: {  	[bflag:$0x3] =	sbarrier.arrive $0xFFFF  }
0xb3: {  	_ =	shalt  }

// kernel: sparse-core-data-format-call.cloned.1.call-start
scs
called_computation_lowered:
.L_overlay_start_0:
0x0: {  	s2 =	sld [smem:$0x3FD9]  }
0x1: {  	s3 =	sld [smem:$0x3FFE];
	_ =	sdelay $0x1  }
0x2: {  	s1 =	srdreg.scid  }
0x3: {  	s0 =	sand.u32 $0x1, s1  }
0x4: {  	s18 =	sshll.u32 s0, $0xA;
	s2 =	sadd.s32 s3, s2  }
0x5: {  	s2 =	sadd.s32 s2, s18  }
0x6: {  	[smem:$0x3FC6] =	sst s2  }
0x7: {  	_ = 	snop  }
0x8: {  	(tm) =	ssettm $0x1  }
0x9: {  	s19 =	sld [smem:$0x3FFB];
	_ =	sdelay $0x3  }
0xa: {  	_ =	strace s19  }
0xb: {  	s2 =	sld [smem:$0x3FFC];
	_ =	sdelay $0x3  }
0xc: {  	_ =	strace s2  }
0xd: {  	s2 =	sld [smem:$0x3FFD];
	_ =	sdelay $0x3  }
0xe: {  	_ =	strace s2  }
0xf: {  	_ =	strace $0x8FFFFFFF  }
0x10: {  	s20 =	sld [smem:$0x3FDB];
	_ =	sdelay $0x1  }
0x11: {  	s21 =	simm.s32 $_scs_section_size  }
0x12: {  	s4 =	simm.s32 $_size__tile_overlayer_lowered;
	s5 =	simm.s32 $_tile_overlayer_lowered  }
0x13: {  	s6 =	simm.s32 $0x1BFF;
	s22 =	sshll.u32 s5, $0x1;
	s3 =	sadd.s32 s21, s20  }
0x14: {  	s23 =	simm.s32 $0x0;
	s4 =	sshll.u32 s4, $0x1;
	s5 =	sadd.s32 s22, s3  }
0x15: {  	[timem:s23], [sflag:s6] =	dma.local [hbm:s5], s4  }
0x16: {  	_ =	swait.ge [sflag:s6], s4  }
0x17: {  	s4 =	ssub.s32 $0x0, s4;
	[sflag:s6] =	ssyncset.done $0x0  }
0x18: {  	[sflag:s6] =	ssyncadd.s32 s4;
	_ =	sdelay $0x1  }
0x19: {  	s24 =	simm.s32 $0x1B8B  }
0x1a: {  	_ =	swait.ge [sflag:s24], $0x1  }
0x1b: {  	[sflag:s24] =	ssyncset.done $0x0  }
0x1c: {  	[sflag:s24] =	ssyncadd.s32 $0xFFFFFFFF  }
0x1d: {  	s4 =	sld [smem:$0x0]  }
0x1e: {  	s5 =	sand.u32 $0xFFFFFFFE, s1  }
0x1f: {  	p0 =	sne.s32 s1, s5  }
0x20: {  	s5 =	sshll.u32 @p0 s5, $0xE  }
0x21: {  	s5 =	sadd.s32 @p0 $0x11B8D, s5;
	s6 =	sshll.u32 @p0 s4, $0x11  }
0x22: {  	s5 =	sor.u32 @p0 s6, s5  }
0x23: {  	[sflag:s5] =	ssyncadd.remote.s32 @p0 $0x1;
	_ =	sdelay $0x1  }
0x24: {  	s5 =	simm.s32 @p0 $0x1B8D  }
0x25: {  	_ =	swait.eq @p0 [sflag:s5], $0x1  }
0x26: {  	[sflag:s5] =	ssyncadd.s32 @p0 $0xFFFFFFFF  }
0x27: {  	s6 =	sshll.u32 @!p0 s1, $0xE  }
0x28: {  	s6 =	sor.u32 @!p0 $0x4000, s6;
	s5 =	simm.s32 @!p0 $0x1B8D  }
0x29: {  	s4 =	sshll.u32 @!p0 s4, $0x11;
	s6 =	sadd.s32 @!p0 $0x11B8D, s6;
	_ =	swait.eq @!p0 [sflag:s5], $0x1  }
0x2a: {  	s4 =	sor.u32 @!p0 s4, s6;
	[sflag:s5] =	ssyncadd.s32 @!p0 $0xFFFFFFFF  }
0x2b: {  	s26 =	simm.s32 $0x1B8E;
	s25 =	sld [smem:$0x3FFE];
	[sflag:s4] =	ssyncadd.remote.s32 @!p0 $0x1  }
0x2c: {  	s27 =	simm.s32 $execute0_lowered;
	[smem:$0x3FD2] =	sst s26  }
0x2d: {  	s5 =	sshll.u32 s27, $0x1;
	_ =	strace $0x8000004C;
	[dreg:$0x1] =	wrdreg $0xFFFFFFFF  }
0x2e: {  	s28 =	simm.s32 $_size_execute0_lowered;
	s3 =	sadd.s32 s3, s5;
	[dreg:$0x0] =	wrdreg $0x0  }
0x2f: {  	s5 =	sshll.u32 s28, $0x1;
	[dreg:$0x2] =	wrdreg s3  }
0x30: {  	[dreg:$0x3] =	wrdreg s5  }
0x31: {  	[dreg:$0x4] =	wrdreg $0xC0  }
0x32: {  	_ =	task [dreg:s23], $0x5FFFF  }
0x33: {  	[dreg:$0x1] =	wrdreg $0xFFFFFFFF  }
0x34: {  	[dreg:$0x0] =	wrdreg $0x60  }
0x35: {  	[dreg:$0x2] =	wrdreg s25  }
0x36: {  	[dreg:$0x3] =	wrdreg $0x9  }
0x37: {  	_ =	task.clear_ibuf [dreg:s23], $0x4FFFF;
	_ =	strace $0x9000004C  }
0x38: {  	s29 =	simm.s32 $0x9;
	_ =	strace $0x8000004E  }
0x39: {  	_ =	swait.ge [sflag:s29], $0x1  }
0x3a: {  	[sflag:s29] =	ssyncadd.s32 $0xFFFFFFFF  }
0x3b: {  	_ =	strace $0x9000004E  }
0x3c: {  	_ =	sfence  }
0x3d: {  	s30 =	sld [smem:$0x0];
	_ =	sdelay $0x2  }
0x3e: {  	s31 =	sshll.u32 s1, $0xD;
	s1 =	sshrl.u32 s1, $0x2  }
0x3f: {  	s4 =	sand.u32 $0x4000, s31;
	s1 =	sadd.s32 s1, s30  }
0x40: {  	s0 =	sor.u32 s4, s0;
	s1 =	sshll.u32 s1, $0x11  }
0x41: {  	s0 =	sor.u32 s1, s0  }
0x42: {  	s0 =	sadd.s32 $0x8F2B, s0  }
0x43: {  	[sflag:s0] =	ssyncadd.remote.s32 $0x1  }
0x44: {  	_ =	sfence.sel $0xFFFF  }
0x45: {  	[dreg:$0x0] =	wrdreg $0xFFFFFFFF;
	(pc) =	sbr.abs _section_cstart, $3  }
0x46: {  	[dreg:$0x1] =	wrdreg $0xFFFFFFFF  }
0x47: {  	_ =	task.clear_ibuf [dreg:s23], $0x2FFFF;
	_ =	strace $0x9FFFFFFF  }
0x48: {  	(tm) =	ssettm $0x7FFFFFFF  }
0x49: {  	_ =	shalt  }
tec
execute0_lowered:
.L_overlay_start_1:
0x0: {  	(tag) =	ssettag $0x1  }
0x1: {  	s0 =	srdreg.scid;
	s4 =	rddreg [dreg:$0x0]  }
0x2: {  	s7 =	simm.s32 $0x2;
	s15 =	simm.s32 $0x0;
	s8 =	simm.s32 $0x1000  }
0x3: {  	s9 =	simm.s32 $0x0;
	s16 =	simm.s32 $0x0;
	s0 =	sshll.u32 s0, $0x7  }
0x4: {  	s18 =	simm.s32 $0x0;
	s17 =	simm.s32 $0x0;
	s1 =	sand.u32 $0x80, s0  }
0x5: {  	s10 =	simm.s32 $0x0;
	s11 =	simm.s32 $0x0;
	s2 =	ssub.s32 $0x200, s1  }
0x6: {  	s13 =	stileid.u32;
	s14 =	simm.s32 $0x0;
	s3 =	sshrl.u32 s2, $0x7  }
.Ltmp0:
0x7: {  	s2 =	sshrl.u32 s2, $0x8;
	s5 =	sand.u32 $0x1, s3;
	(pc) =	sbr.rel .LBB1_1-.Ltmp0, $4  }
0x8: {  	s0 =	rddreg [dreg:$0x1];
	_ =	strace $0x8000004D;
	s2 =	sadd.s32 s2, s5  }
0x9: {  	s12 =	smov.u32 s1;
	s5 =	simm.s32 $0x1;
	s6 =	smul.u32 $0xC, s2  }
0xa: {  	s3 =	sadd.s32 $0x202000, s4;
	s4 =	sadd.s32 $0x402000, s4;
	[sflag:s5] =	ssyncpa.u1 $0x0  }
0xb: {  	s2 =	stileid.u32;
	[sflag:s7] =	ssyncpa.u1 $0x0;
	s7 =	sor.u32 $0x1, s6  }
.LBB1_4:
0xc: {  	_ =	sdelay $0x3  }
0xd: {  	[tilespmem:v0+s21+$0xFFFFFFD0 ss:$0x1] =	vst.idx.msk $0xffff, v6  }
0xe: {  	v56 =	vld.idx.msk [tilespmem:v1+s20+$0x0 ss:$0x1], $0xffff;
	[tilespmem:v0+s21+$0xFFFFFFE0 ss:$0x1] =	vst.idx.msk $0xffff, v4  }
0xf: {  	v57 =	vld.idx.msk [tilespmem:v1+s20+$0xFFFFFF90 ss:$0x1], $0xffff;
	[tilespmem:v0+s21+$0xFFFFFFF0 ss:$0x1] =	vst.idx.msk $0xffff, v2  }
0x10: {  	v58 =	vld.idx.msk [tilespmem:v1+s20+$0xFFFFFFA0 ss:$0x1], $0xffff;
	[tilespmem:v0+s21+$0x0 ss:$0x1] =	vst.idx.msk $0xffff, v3  }
0x11: {  	v59 =	vld.idx.msk [tilespmem:v1+s20+$0xFFFFFFB0 ss:$0x1], $0xffff;
	[tilespmem:v0+s21+$0x10 ss:$0x1] =	vst.idx.msk $0xffff, v5  }
0x12: {  	v60 =	vld.idx.msk [tilespmem:v1+s20+$0xFFFFFFC0 ss:$0x1], $0xffff;
	[tilespmem:v0+s21+$0x20 ss:$0x1] =	vst.idx.msk $0xffff, v7  }
0x13: {  	s27 =	sshll.u32 s18, $0x9;
	s22 =	sshll.u32 s15, $0x3;
	v61 =	vld.idx.msk [tilespmem:v1+s20+$0xFFFFFFD0 ss:$0x1], $0xffff;
	s23 =	sand.u32 $0x78, s15;
	[tilespmem:v0+s20+$0x30 ss:$0x1] =	vst.idx.msk $0xffff, v56  }
0x14: {  	v62 =	vld.idx.msk [tilespmem:v1+s20+$0xFFFFFFE0 ss:$0x1], $0xffff;
	s28 =	sshll.u32 s18, $0x7;
	s17 =	smul.u32 $0x18000, s17;
	s16 =	sshll.u32 s16, $0xF;
	[tilespmem:v0+s20+$0xFFFFFFC0 ss:$0x1] =	vst.idx.msk $0xffff, v57  }
0x15: {  	v63 =	vld.idx.msk [tilespmem:v1+s20+$0xFFFFFFF0 ss:$0x1], $0xffff;
	s30 =	sand.u32 $0x7, s15;
	s21 =	sand.u32 $0x3F000, s27;
	s22 =	sand.u32 $0x3FC00, s22;
	[tilespmem:v0+s20+$0xFFFFFFD0 ss:$0x1] =	vst.idx.msk $0xffff, v58  }
0x16: {  	s29 =	sand.u32 $0x200, s28;
	s18 =	sand.u32 $0x180, s28;
	s21 =	sadd.s32 s21, s22;
	[tilespmem:v0+s20+$0xFFFFFFE0 ss:$0x1] =	vst.idx.msk $0xffff, v59  }
0x17: {  	s18 =	sor.u32 s18, s23;
	s17 =	sadd.s32 s4, s17;
	s21 =	sor.u32 s29, s21;
	[tilespmem:v0+s20+$0xFFFFFFF0 ss:$0x1] =	vst.idx.msk $0xffff, v60  }
0x18: {  	s18 =	sshrl.u32 s18, $0x3;
	s16 =	sadd.s32 s16, s17;
	s21 =	sshrl.u32 s21, $0x3;
	[tilespmem:v0+s20+$0x0 ss:$0x1] =	vst.idx.msk $0xffff, v61  }
0x19: {  	s15 =	sshll.u32 s30, $0x12;
	s16 =	sadd.s32 s18, s16;
	[tilespmem:v0+s20+$0x10 ss:$0x1] =	vst.idx.msk $0xffff, v62;
	s31 =	sand.u32 $0x7FC0, s21  }
0x1a: {  	s15 =	sor.u32 $0x400, s15;
	[tilespmem:v0+s20+$0x20 ss:$0x1] =	vst.idx.msk $0xffff, v63;
	s16 =	sadd.s32 s31, s16  }
0x1b: {  	[hbm4b:s16+s15] =	stream.strided.scatter [tilespmem:s19], [sflag:$0x2], $0x4000, s8, s15, $0x38;
	[tilespmem:$0x10000] =	vst v63  }
.LBB1_5:
0x1c: {  	s19 =	sadd.s32 $0x80, s10  }
0x1d: {  	s15 =	simm.s32 $0x1;
	p1 =	sgt.s32 s19, $0x1FF  }
0x1e: {  	s15 =	simm.s32 @!p1 $0x0  }
0x1f: {  	s20 =	sadd.s32 s15, s11  }
0x20: {  	s21 =	smov.u32 s12;
	s15 =	sadd.s32 $0x100, s12;
	p2 =	sgt.s32 s20, $0x2  }
0x21: {  	s21 =	smov.u32 @p2 s15  }
0x22: {  	s22 =	smov.u32 s13;
	s15 =	sadd.s32 $0x10, s13;
	p3 =	sgt.s32 s21, $0x1FF  }
0x23: {  	p0 =	slt.u32 s14, $0x2;
	s22 =	smov.u32 @p3 s15  }
0x24: {  	s16 =	smov.u32 s11;
	s19 =	simm.s32 @p1 $0x0;
	p1 =	sgt.s32 s22, $0xF  }
0x25: {  	s23 =	simm.s32 @!p0 $0x2;
	s22 =	smov.u32 @p1 s2;
	p1 =	sne.s32 s14, s7  }
.Ltmp1:
0x26: {  	s18 =	smov.u32 s12;
	_ =	swait.ge @!p0 [sflag:s23], $0x4000;
	(pc) =	sbr.rel @!p1 .LBB1_6-.Ltmp1, $4  }
0x27: {  	s17 =	smov.u32 s13;
	[sflag:s23] =	ssyncset.done @!p0 $0x0;
	s20 =	simm.s32 @p2 $0x0  }
0x28: {  	s9 =	sadd.s32 $0x4000, s9;
	[sflag:s23] =	ssyncadd.s32 @!p0 $0xFFFFC000;
	s11 =	smov.u32 s20  }
0x29: {  	s21 =	smov.u32 @p3 s1;
	s15 =	smov.u32 s10;
	s10 =	smov.u32 s19  }
0x2a: {  	s12 =	smov.u32 s21;
	s14 =	sadd.s32 $0x1, s14;
	s13 =	smov.u32 s22  }
.LBB1_1:
0x2b: {  	p0 =	sge.u32 s14, s6  }
0x2c: {  	s31 =	sadd.s32 $0xFFFFFFFF, s14;
	s19 =	sxor.u32 @!p0 $0xFFFFFFFF, s14;
	s20 =	sshll.u32 @!p0 s11, $0x7  }
0x2d: {  	s21 =	sand.u32 @!p0 $0x78, s10;
	s22 =	sshll.u32 @!p0 s12, $0x8;
	s20 =	sand.u32 @!p0 $0x180, s20  }
0x2e: {  	s23 =	sshrl.u32 @!p0 s10, $0x1;
	s20 =	sor.u32 @!p0 s21, s20;
	s21 =	sshll.u32 @!p0 s13, $0x11  }
0x2f: {  	s19 =	sshll.u32 @!p0 s19, $0xE;
	s23 =	sand.u32 @!p0 $0xC0, s23;
	s21 =	sadd.s32 @!p0 s3, s21  }
0x30: {  	s19 =	sand.u32 @!p0 $0x4000, s19;
	s21 =	sadd.s32 @!p0 s22, s21;
	s22 =	sand.u32 @!p0 $0x7, s10  }
0x31: {  	s20 =	sshrl.u32 @!p0 s20, $0x3;
	s21 =	sadd.s32 @!p0 s23, s21;
	s22 =	sshll.u32 @!p0 s22, $0x12  }
0x32: {  	s20 =	sadd.s32 @!p0 s20, s21;
	s21 =	sor.u32 @!p0 $0x80, s22;
	s22 =	simm.s32 @!p0 $0x800  }
0x33: {  	[tilespmem:s19], [sflag:$0x1] =	stream.strided.gather @!p0 [hbm4b:s20+s21], $0x4000, s22, s21, $0x38;
	[tilespmem:$0x10000] =	vst v63  }
0x34: {  	p0 =	sge.u32 s31, s6  }
.Ltmp2:
0x35: {  	_ = 	snop;
	(pc) =	sbr.rel @p0 .LBB1_5-.Ltmp2, $1  }
0x36: {  	_ =	sdelay $0x3  }
0x37: {  	s19 =	sand.u32 $0x4000, s9  }
0x38: {  	s20 =	sor.u32 $0x70, s19  }
0x39: {  	v1 =	vmov s20;
	_ =	sdelay $0x1  }
0x3a: {  	_ =	swait.ge [sflag:s5], $0x4000  }
0x3b: {  	[sflag:s5] =	ssyncset.done $0x0  }
0x3c: {  	s21 =	simm.s32 $0x0;
	[sflag:s5] =	ssyncadd.s32 $0xFFFFC000  }
0x3d: {  	s19 =	sor.u32 $0x8040, s19;
	v7 =	vld.idx.msk [tilespmem:v1+s21+$0x0 ss:$0x1], $0xffff  }
0x3e: {  	v0 =	vmov s19;
	v8 =	vld.idx.msk [tilespmem:v1+s21+$0xFFFFFF90 ss:$0x1], $0xffff  }
0x3f: {  	v6 =	vld.idx.msk [tilespmem:v1+s21+$0xFFFFFFA0 ss:$0x1], $0xffff  }
0x40: {  	v4 =	vld.idx.msk [tilespmem:v1+s21+$0xFFFFFFB0 ss:$0x1], $0xffff  }
0x41: {  	v2 =	vld.idx.msk [tilespmem:v1+s21+$0xFFFFFFC0 ss:$0x1], $0xffff  }
0x42: {  	s31 =	sshll.u32 s14, $0xE;
	v3 =	vld.idx.msk [tilespmem:v1+s21+$0xFFFFFFD0 ss:$0x1], $0xffff  }
0x43: {  	s19 =	sand.u32 $0x4000, s31;
	v5 =	vld.idx.msk [tilespmem:v1+s21+$0xFFFFFFE0 ss:$0x1], $0xffff;
	[tilespmem:v0+s21+$0x30 ss:$0x1] =	vst.idx.msk $0xffff, v7  }
0x44: {  	s22 =	simm.s32 $0x400;
	s20 =	simm.s32 $0x80;
	s19 =	sor.u32 $0x8000, s19;
	[tilespmem:v0+s21+$0xFFFFFFC0 ss:$0x1] =	vst.idx.msk $0xffff, v8;
	v7 =	vld.idx.msk [tilespmem:v1+s21+$0xFFFFFFF0 ss:$0x1], $0xffff  }
.LBB1_3:
0x45: {  	p0 =	sne.s32 s22, $0xFE00;
	v8 =	vld.idx.msk [tilespmem:v1+s20+$0x0 ss:$0x1], $0xffff;
	[tilespmem:v0+s21+$0xFFFFFFD0 ss:$0x1] =	vst.idx.msk $0xffff, v6  }
0x46: {  	v9 =	vld.idx.msk [tilespmem:v1+s20+$0xFFFFFF90 ss:$0x1], $0xffff;
	[tilespmem:v0+s21+$0xFFFFFFE0 ss:$0x1] =	vst.idx.msk $0xffff, v4  }
0x47: {  	v6 =	vld.idx.msk [tilespmem:v1+s20+$0xFFFFFFA0 ss:$0x1], $0xffff;
	[tilespmem:v0+s21+$0xFFFFFFF0 ss:$0x1] =	vst.idx.msk $0xffff, v2  }
.Ltmp3:
0x48: {  	v4 =	vld.idx.msk [tilespmem:v1+s20+$0xFFFFFFB0 ss:$0x1], $0xffff;
	[tilespmem:v0+s21+$0x0 ss:$0x1] =	vst.idx.msk $0xffff, v3;
	(pc) =	sbr.rel @p0 .LBB1_3-.Ltmp3, $4  }
0x49: {  	v2 =	vld.idx.msk [tilespmem:v1+s20+$0xFFFFFFC0 ss:$0x1], $0xffff;
	[tilespmem:v0+s21+$0x10 ss:$0x1] =	vst.idx.msk $0xffff, v5  }
0x4a: {  	v3 =	vld.idx.msk [tilespmem:v1+s20+$0xFFFFFFD0 ss:$0x1], $0xffff;
	[tilespmem:v0+s21+$0x20 ss:$0x1] =	vst.idx.msk $0xffff, v7;
	s21 =	smov.u32 s20  }
0x4b: {  	v5 =	vld.idx.msk [tilespmem:v1+s21+$0xFFFFFFE0 ss:$0x1], $0xffff;
	[tilespmem:v0+s21+$0x30 ss:$0x1] =	vst.idx.msk $0xffff, v8  }
0x4c: {  	s20 =	sshra.s32 s22, $0x2;
	s22 =	sadd.s32 $0x200, s22;
	[tilespmem:v0+s21+$0xFFFFFFC0 ss:$0x1] =	vst.idx.msk $0xffff, v9;
	v7 =	vld.idx.msk [tilespmem:v1+s21+$0xFFFFFFF0 ss:$0x1], $0xffff  }
.Ltmp4:
0x4d: {  	_ = 	snop;
	(pc) =	sbr.rel .LBB1_4-.Ltmp4, $1  }
0x4e: {  	_ =	sdelay $0x3  }
.LBB1_6:
0x4f: {  	_ =	sfence.sel $0x180000  }
0x50: {  	s1 =	simm.s32 $0x1;
	[bflag:$0x0] =	sbarrier.arrive $0xFFFF  }
0x51: {  	s31 =	simm.s32 $0x2;
	[sflag:s1] =	ssyncpa.u1 $0x1  }
0x52: {  	[sflag:s31] =	ssyncpa.u1 $0x1  }
0x53: {  	p0 =	sne.s32 s2, $0x0;
	_ =	strace $0x9000004D  }
0x54: {  	s0 =	sadd.s32 @!p0 $0x100000, s0;
	[bflag:$0x2] =	sbarrier.arrive $0xFFFF  }
0x55: {  	[sflag:s0] =	ssyncadd.tile.s32 @!p0 $0x1;
	_ =	shalt  }
.Lfunc_end1:
_tile_overlayer_lowered:
.L_overlay_start_2:
0x56: {  	(tag) =	ssettag $0x2  }
0x57: {  	s0 =	rddreg [dreg:$0x0];
	s2 =	stileid.u32  }
0x58: {  	s1 =	rddreg [dreg:$0x1];
	p0 =	sne.s32 s2, $0x0  }
0x59: {  	s3 =	rddreg [dreg:$0x2];
	[bflag:$0x3] =	sbarrier.arrive $0xFFFF;
	s2 =	simm.s32 @!p0 $0x1C01  }
0x5a: {  	[timem:s3], [sflag:s2] =	dma.local @!p0 [hbm:s0], s1  }
0x5b: {  	s0 =	simm.s32 @!p0 $0x1  }
0x5c: {  	_ =	swait.ge @!p0 [sflag:s0], s1  }
0x5d: {  	s1 =	ssub.s32 @!p0 $0x0, s1;
	[sflag:s0] =	ssyncset.done @!p0 $0x0  }
0x5e: {  	[sflag:s0] =	ssyncadd.s32 @!p0 s1  }
0x5f: {  	[bflag:$0x3] =	sbarrier.arrive $0xFFFF  }
0x60: {  	_ =	shalt  }

</sc_bundles>
